<compile_context>
chip_gen: v7x
topology: tpu7x:2x2x1
jax: 0.10.2.dev20260603
libtpu: 0.0.44.dev20260713+nightly
codegen_flags: <defaults>
</compile_context>

<pallas_src>
import functools

import jax
import jax.numpy as jnp
from jax import lax
from jax.experimental import pallas as pl
from jax.experimental.pallas import tpu as pltpu
from jax.experimental.pallas import tpu_sc as plsc

B = 4096
L = 200
D = 32
NC = 2
NS = 16
NW = NC * NS
BW = B // NW
LANES = 16
NBUF = 4
GROUPS = L // NBUF


def _body(seq_hbm, tok_hbm, pos_hbm, out_hbm, seq_v, pos_v, *bufs):
    rows = list(bufs[0:NBUF])
    trans = list(bufs[NBUF:2 * NBUF])
    gsem = list(bufs[2 * NBUF:3 * NBUF])
    osem = list(bufs[3 * NBUF:4 * NBUF])
    wid = lax.axis_index("s") * NC + lax.axis_index("c")

    pltpu.sync_copy(seq_hbm.at[:, wid], seq_v)
    pltpu.sync_copy(pos_hbm, pos_v)

    def gfire(l, b):
        pltpu.async_copy(tok_hbm.at[seq_v.at[l // 8, l % 8]], rows[b], gsem[b])

    def gwait(b):
        pltpu.make_async_copy(tok_hbm.at[seq_v.at[0, 0]], rows[b],
                              gsem[b]).wait()

    iota = lax.iota(jnp.int32, LANES)

    def transpose_add(l, b):
        rb = rows[b]
        tb = trans[b]

        @plsc.parallel_loop(0, D, 1, unroll=4)
        def _(f):
            fsplat = iota * 0 + f
            psplat = plsc.load_gather(pos_v, [iota * 0 + l, fsplat])
            for g in range(BW // LANES):
                bvec = iota + (g * LANES)
                v = plsc.load_gather(rb, [bvec, fsplat]) + psplat
                tb[f // 8, f % 8, pl.ds(g * LANES, LANES)] = v

    for b in range(NBUF):
        gfire(b, b)

    def group(g, carry):
        for b in range(NBUF):
            l = g * NBUF + b
            gwait(b)
            transpose_add(l, b)
            pltpu.async_copy(trans[b], out_hbm.at[l, :, wid], osem[b])
        for b in range(NBUF):
            pltpu.make_async_copy(
                trans[b], out_hbm.at[0, :, wid], osem[b]).wait()

            @pl.when(g < GROUPS - 1)
            def _fire_next():
                gfire((g + 1) * NBUF + b, b)

        return carry

    lax.fori_loop(0, GROUPS, group, 0)


TCOLS = 4096


def _tc_table(tt_ref, out_ref):
    x = tt_ref[...]
    xt = x.T.reshape(TCOLS // 4, 4, D)
    for q in range(4):
        out_ref[:, q * D:(q + 1) * D] = xt[:, q, :]


def kernel(seq, token_table, pos_table):
    mesh = plsc.VectorSubcoreMesh(
        core_axis_name="c", subcore_axis_name="s",
        num_cores=NC, num_subcores=NS)
    scratch = [
        pltpu.VMEM((L // 8, 8, BW), jnp.int32),
        pltpu.VMEM((L, D), jnp.float32),
    ]
    scratch += [pltpu.VMEM((BW, D), jnp.float32) for _ in range(NBUF)]
    scratch += [pltpu.VMEM((D // 8, 8, BW), jnp.float32) for _ in range(NBUF)]
    scratch += [pltpu.SemaphoreType.DMA for _ in range(2 * NBUF)]
    k = functools.partial(
        pl.kernel,
        out_type=jax.ShapeDtypeStruct((L, D // 8, NW, 8, BW), jnp.float32),
        mesh=mesh,
        scratch_types=scratch,
        compiler_params=pltpu.CompilerParams(
            use_tc_tiling_on_sc=False, needs_layout_passes=False),
    )(_body)
    V = token_table.shape[0]
    tc_table = pl.pallas_call(
        _tc_table,
        grid=((V + TCOLS - 1) // TCOLS,),
        in_specs=[pl.BlockSpec((D, TCOLS), lambda i: (0, i))],
        out_specs=pl.BlockSpec((TCOLS // 4, 128), lambda i: (i, 0)),
        out_shape=jax.ShapeDtypeStruct((V // 4, 128), jnp.float32),
    )
    tok_lin = tc_table(token_table.T).reshape(V, D)

    seq4 = seq.T.reshape(L // 8, 8, NW, BW).transpose(0, 2, 1, 3)
    out6 = k(seq4, tok_lin, pos_table)
    return out6.transpose(2, 4, 0, 1, 3).reshape(B, L, D)

# --- scband reference (transcript-rebuilt; emitter-appended) ---
"""Pipeline reference for scband-seq-embedding-39814346834239 (READ-ONLY COPY).

The authoritative reference and input builder live on the scoring server;
editing this copy changes nothing except your own understanding.
"""

import jax, jax.numpy as jnp
import numpy as np

VOCAB_SIZE = 1000000
MAX_LENGTH = 200
DEPTH = 32
BATCH = 4096
SEQ_LEN = 200


def setup_inputs(seed: int = 0) -> dict:
    key = jax.random.key(seed)
    k1, k2, k3 = jax.random.split(key, 3)
    seq = jax.random.randint(k1, (BATCH, SEQ_LEN), 0, VOCAB_SIZE, dtype=jnp.int64 if jax.config.jax_enable_x64 else jnp.int32)
    token_table = jax.random.normal(k2, (VOCAB_SIZE, DEPTH), dtype=jnp.float32) * 0.02
    pos_table = jax.random.normal(k3, (MAX_LENGTH, DEPTH), dtype=jnp.float32) * 0.02
    return {"seq": seq, "token_table": token_table, "pos_table": pos_table}


def reference(seq, token_table, pos_table):
    # token embedding lookup: gather rows of the token table
    tok = jnp.take(token_table, seq, axis=0)              # [B, L, D]
    # position embedding: lookup positions 0..L-1 (intended semantics of the layer)
    pos_idx = jnp.arange(seq.shape[1])                    # [L]
    pos = jnp.take(pos_table, pos_idx, axis=0)            # [L, D]
    pos = pos[jnp.newaxis, :, :]                          # [1, L, D]
    return tok + pos                                      # Add layer: broadcast sum

if __name__ == "__main__":
    import jax
    _d = setup_inputs()
    print(jax.jit(kernel)(*tuple(_d.values())))

</pallas_src>

<mosaic_0001>
#map = affine_map<(d0, d1) -> (0, 0, 0, 0)>
#map1 = affine_map<(d0, d1) -> (0, 0)>
#map2 = affine_map<(d0, d1) -> (0, 0, 0, 0, 0)>
module attributes {stable_mosaic.version = 14 : i64} {
  func.func @_body(%arg0: i32, %arg1: i32, %arg2: memref<25x32x8x128xi32, #tpu.memory_space<hbm>>, %arg3: memref<1000000x32xf32, #tpu.memory_space<hbm>>, %arg4: memref<200x32xf32, #tpu.memory_space<hbm>>, %arg5: memref<200x4x32x8x128xf32, #tpu.memory_space<hbm>>, %arg6: memref<25x8x128xi32, #tpu.memory_space<vmem>>, %arg7: memref<200x32xf32, #tpu.memory_space<vmem>>, %arg8: memref<128x32xf32, #tpu.memory_space<vmem>>, %arg9: memref<128x32xf32, #tpu.memory_space<vmem>>, %arg10: memref<128x32xf32, #tpu.memory_space<vmem>>, %arg11: memref<128x32xf32, #tpu.memory_space<vmem>>, %arg12: memref<4x8x128xf32, #tpu.memory_space<vmem>>, %arg13: memref<4x8x128xf32, #tpu.memory_space<vmem>>, %arg14: memref<4x8x128xf32, #tpu.memory_space<vmem>>, %arg15: memref<4x8x128xf32, #tpu.memory_space<vmem>>, %arg16: memref<!tpu.dma_semaphore, #tpu.memory_space<semaphore_mem>>, %arg17: memref<!tpu.dma_semaphore, #tpu.memory_space<semaphore_mem>>, %arg18: memref<!tpu.dma_semaphore, #tpu.memory_space<semaphore_mem>>, %arg19: memref<!tpu.dma_semaphore, #tpu.memory_space<semaphore_mem>>, %arg20: memref<!tpu.dma_semaphore, #tpu.memory_space<semaphore_mem>>, %arg21: memref<!tpu.dma_semaphore, #tpu.memory_space<semaphore_mem>>, %arg22: memref<!tpu.dma_semaphore, #tpu.memory_space<semaphore_mem>>, %arg23: memref<!tpu.dma_semaphore, #tpu.memory_space<semaphore_mem>>) attributes {dimension_semantics = [#tpu.dimension_semantics<core_parallel>, #tpu.dimension_semantics<subcore_parallel>], iteration_bounds = array<i64: 2, 16>, scalar_prefetch = 0 : i64, scratch_operands = 18 : i64, tpu.core_type = #tpu.core_type<sc_vector_subcore>, window_params = [{transform_indices = #map}, {transform_indices = #map1}, {transform_indices = #map1}, {transform_indices = #map2}]} {
    %mul3A = arith.constant 2 : i32
    %mul3A_0 = arith.muli %arg1, %mul3A : i32
    %add3A = arith.addi %mul3A_0, %arg0 : i32
    "tpu.region"() ({
      %run_scoped3A = tpu.sem_alloc : memref<!tpu.dma_semaphore, #tpu.memory_space<semaphore_mem>>
      %dma_start3A_37 = arith.constant 0 : i32
      %dma_start3A_38 = arith.constant 0 : i32
      %dma_start3A_39 = arith.constant 0 : i32
      %dma_start3A_40 = tpu.memref_slice %arg2[%dma_start3A_37, %add3A, %dma_start3A_38, %dma_start3A_39] : memref<25x32x8x128xi32, #tpu.memory_space<hbm>> -> memref<25x1x8x128xi32, #tpu.memory_space<hbm>>
      %dma_start3A_41 = tpu.memref_squeeze %dma_start3A_40 : memref<25x1x8x128xi32, #tpu.memory_space<hbm>> -> memref<25x8x128xi32, #tpu.memory_space<hbm>>
      %dma_start3A_42 = arith.constant 0 : i32
      %dma_start3A_43 = arith.constant 0 : i32
      %dma_start3A_44 = arith.constant 0 : i32
      %dma_start3A_45 = tpu.memref_slice %arg2[%dma_start3A_42, %add3A, %dma_start3A_43, %dma_start3A_44] : memref<25x32x8x128xi32, #tpu.memory_space<hbm>> -> memref<25x1x8x128xi32, #tpu.memory_space<hbm>>
      %dma_start3A_46 = tpu.memref_squeeze %dma_start3A_45 : memref<25x1x8x128xi32, #tpu.memory_space<hbm>> -> memref<25x8x128xi32, #tpu.memory_space<hbm>>
      tpu.enqueue_dma source(%dma_start3A_46 : memref<25x8x128xi32, #tpu.memory_space<hbm>>) target(%arg6 : memref<25x8x128xi32, #tpu.memory_space<vmem>>) target_semaphore(%run_scoped3A : memref<!tpu.dma_semaphore, #tpu.memory_space<semaphore_mem>>)
      %dma_wait3A = arith.constant 0 : i32
      %dma_wait3A_47 = arith.constant 0 : i32
      %dma_wait3A_48 = arith.constant 0 : i32
      %dma_wait3A_49 = tpu.memref_slice %arg2[%dma_wait3A, %add3A, %dma_wait3A_47, %dma_wait3A_48] : memref<25x32x8x128xi32, #tpu.memory_space<hbm>> -> memref<25x1x8x128xi32, #tpu.memory_space<hbm>>
      %dma_wait3A_50 = tpu.memref_squeeze %dma_wait3A_49 : memref<25x1x8x128xi32, #tpu.memory_space<hbm>> -> memref<25x8x128xi32, #tpu.memory_space<hbm>>
      %dma_wait3A_51 = arith.constant 0 : i32
      %dma_wait3A_52 = arith.constant 0 : i32
      %dma_wait3A_53 = arith.constant 0 : i32
      %dma_wait3A_54 = tpu.memref_slice %arg2[%dma_wait3A_51, %add3A, %dma_wait3A_52, %dma_wait3A_53] : memref<25x32x8x128xi32, #tpu.memory_space<hbm>> -> memref<25x1x8x128xi32, #tpu.memory_space<hbm>>
      %dma_wait3A_55 = tpu.memref_squeeze %dma_wait3A_54 : memref<25x1x8x128xi32, #tpu.memory_space<hbm>> -> memref<25x8x128xi32, #tpu.memory_space<hbm>>
      tpu.wait_dma2 semaphore(%run_scoped3A : memref<!tpu.dma_semaphore, #tpu.memory_space<semaphore_mem>>) src(%dma_wait3A_55 : memref<25x8x128xi32, #tpu.memory_space<hbm>>) dst(%arg6 : memref<25x8x128xi32, #tpu.memory_space<vmem>>)
      tpu.yield
    }) : () -> ()
    "tpu.region"() ({
      %run_scoped3A = tpu.sem_alloc : memref<!tpu.dma_semaphore, #tpu.memory_space<semaphore_mem>>
      tpu.enqueue_dma source(%arg4 : memref<200x32xf32, #tpu.memory_space<hbm>>) target(%arg7 : memref<200x32xf32, #tpu.memory_space<vmem>>) target_semaphore(%run_scoped3A : memref<!tpu.dma_semaphore, #tpu.memory_space<semaphore_mem>>)
      tpu.wait_dma2 semaphore(%run_scoped3A : memref<!tpu.dma_semaphore, #tpu.memory_space<semaphore_mem>>) src(%arg4 : memref<200x32xf32, #tpu.memory_space<hbm>>) dst(%arg7 : memref<200x32xf32, #tpu.memory_space<vmem>>)
      tpu.yield
    }) : () -> ()
    %iota3A = tpu.iota {dimensions = array<i32: 0>} : vector<16xi32>
    %dma_start3A = arith.constant 0 : i32
    %dma_start3A_1 = arith.constant 0 : i32
    %dma_start3A_2 = arith.constant 0 : i32
    %dma_start3A_3 = tpu.memref_slice %arg6[%dma_start3A, %dma_start3A_1, %dma_start3A_2] : memref<25x8x128xi32, #tpu.memory_space<vmem>> -> memref<1x1x128xi32, #tpu.memory_space<vmem>>
    %dma_start3A_4 = tpu.memref_squeeze %dma_start3A_3 : memref<1x1x128xi32, #tpu.memory_space<vmem>> -> memref<128xi32, #tpu.memory_space<vmem>>
    %dma_start3A_5 = arith.constant 0 : i32
    %dma_start3A_6 = arith.constant 0 : i32
    %dma_start3A_7 = tpu.memref_slice %arg3[%dma_start3A_5, %dma_start3A_6] : memref<1000000x32xf32, #tpu.memory_space<hbm>> -> memref<1000000x32xf32, #tpu.memory_space<hbm>>
    tpu.enqueue_indirect_dma source(%dma_start3A_7 : memref<1000000x32xf32, #tpu.memory_space<hbm>>) target(%arg8 : memref<128x32xf32, #tpu.memory_space<vmem>>) offsets(%dma_start3A_4 : memref<128xi32, #tpu.memory_space<vmem>>) semaphore(%arg16 : memref<!tpu.dma_semaphore, #tpu.memory_space<semaphore_mem>>)
    %dma_start3A_8 = arith.constant 0 : i32
    %dma_start3A_9 = arith.constant 1 : i32
    %dma_start3A_10 = arith.constant 0 : i32
    %dma_start3A_11 = tpu.memref_slice %arg6[%dma_start3A_8, %dma_start3A_9, %dma_start3A_10] : memref<25x8x128xi32, #tpu.memory_space<vmem>> -> memref<1x1x128xi32, #tpu.memory_space<vmem>>
    %dma_start3A_12 = tpu.memref_squeeze %dma_start3A_11 : memref<1x1x128xi32, #tpu.memory_space<vmem>> -> memref<128xi32, #tpu.memory_space<vmem>>
    %dma_start3A_13 = arith.constant 0 : i32
    %dma_start3A_14 = arith.constant 0 : i32
    %dma_start3A_15 = tpu.memref_slice %arg3[%dma_start3A_13, %dma_start3A_14] : memref<1000000x32xf32, #tpu.memory_space<hbm>> -> memref<1000000x32xf32, #tpu.memory_space<hbm>>
    tpu.enqueue_indirect_dma source(%dma_start3A_15 : memref<1000000x32xf32, #tpu.memory_space<hbm>>) target(%arg9 : memref<128x32xf32, #tpu.memory_space<vmem>>) offsets(%dma_start3A_12 : memref<128xi32, #tpu.memory_space<vmem>>) semaphore(%arg17 : memref<!tpu.dma_semaphore, #tpu.memory_space<semaphore_mem>>)
    %dma_start3A_16 = arith.constant 0 : i32
    %dma_start3A_17 = arith.constant 2 : i32
    %dma_start3A_18 = arith.constant 0 : i32
    %dma_start3A_19 = tpu.memref_slice %arg6[%dma_start3A_16, %dma_start3A_17, %dma_start3A_18] : memref<25x8x128xi32, #tpu.memory_space<vmem>> -> memref<1x1x128xi32, #tpu.memory_space<vmem>>
    %dma_start3A_20 = tpu.memref_squeeze %dma_start3A_19 : memref<1x1x128xi32, #tpu.memory_space<vmem>> -> memref<128xi32, #tpu.memory_space<vmem>>
    %dma_start3A_21 = arith.constant 0 : i32
    %dma_start3A_22 = arith.constant 0 : i32
    %dma_start3A_23 = tpu.memref_slice %arg3[%dma_start3A_21, %dma_start3A_22] : memref<1000000x32xf32, #tpu.memory_space<hbm>> -> memref<1000000x32xf32, #tpu.memory_space<hbm>>
    tpu.enqueue_indirect_dma source(%dma_start3A_23 : memref<1000000x32xf32, #tpu.memory_space<hbm>>) target(%arg10 : memref<128x32xf32, #tpu.memory_space<vmem>>) offsets(%dma_start3A_20 : memref<128xi32, #tpu.memory_space<vmem>>) semaphore(%arg18 : memref<!tpu.dma_semaphore, #tpu.memory_space<semaphore_mem>>)
    %dma_start3A_24 = arith.constant 0 : i32
    %dma_start3A_25 = arith.constant 3 : i32
    %dma_start3A_26 = arith.constant 0 : i32
    %dma_start3A_27 = tpu.memref_slice %arg6[%dma_start3A_24, %dma_start3A_25, %dma_start3A_26] : memref<25x8x128xi32, #tpu.memory_space<vmem>> -> memref<1x1x128xi32, #tpu.memory_space<vmem>>
    %dma_start3A_28 = tpu.memref_squeeze %dma_start3A_27 : memref<1x1x128xi32, #tpu.memory_space<vmem>> -> memref<128xi32, #tpu.memory_space<vmem>>
    %dma_start3A_29 = arith.constant 0 : i32
    %dma_start3A_30 = arith.constant 0 : i32
    %dma_start3A_31 = tpu.memref_slice %arg3[%dma_start3A_29, %dma_start3A_30] : memref<1000000x32xf32, #tpu.memory_space<hbm>> -> memref<1000000x32xf32, #tpu.memory_space<hbm>>
    tpu.enqueue_indirect_dma source(%dma_start3A_31 : memref<1000000x32xf32, #tpu.memory_space<hbm>>) target(%arg11 : memref<128x32xf32, #tpu.memory_space<vmem>>) offsets(%dma_start3A_28 : memref<128xi32, #tpu.memory_space<vmem>>) semaphore(%arg19 : memref<!tpu.dma_semaphore, #tpu.memory_space<semaphore_mem>>)
    %scan3A = arith.constant 0 : i32
    %scan3A_32 = arith.constant 0 : i32
    %scan3A_33 = arith.constant 50 : i32
    %scan3A_34 = arith.addi %scan3A_32, %scan3A_33 : i32
    %scan3A_35 = arith.constant 1 : i32
    scf.for %scan3A_37 = %scan3A_32 to %scan3A_34 step %scan3A_35  : i32 {
      %mul3A_38 = arith.constant 4 : i32
      %mul3A_39 = arith.muli %scan3A_37, %mul3A_38 : i32
      %add3A_40 = arith.constant 0 : i32
      %add3A_41 = arith.addi %mul3A_39, %add3A_40 : i32
      %dma_wait3A = arith.constant 0 : i32
      %dma_wait3A_42 = arith.constant 0 : i32
      %dma_wait3A_43 = arith.constant 0 : i32
      %dma_wait3A_44 = tpu.memref_slice %arg6[%dma_wait3A, %dma_wait3A_42, %dma_wait3A_43] : memref<25x8x128xi32, #tpu.memory_space<vmem>> -> memref<1x1x128xi32, #tpu.memory_space<vmem>>
      %dma_wait3A_45 = tpu.memref_squeeze %dma_wait3A_44 : memref<1x1x128xi32, #tpu.memory_space<vmem>> -> memref<128xi32, #tpu.memory_space<vmem>>
      %dma_wait3A_46 = arith.constant 0 : i32
      %dma_wait3A_47 = arith.constant 0 : i32
      %dma_wait3A_48 = tpu.memref_slice %arg3[%dma_wait3A_46, %dma_wait3A_47] : memref<1000000x32xf32, #tpu.memory_space<hbm>> -> memref<1000000x32xf32, #tpu.memory_space<hbm>>
      tpu.wait_indirect_dma semaphore(%arg16 : memref<!tpu.dma_semaphore, #tpu.memory_space<semaphore_mem>>) src(%dma_wait3A_48 : memref<1000000x32xf32, #tpu.memory_space<hbm>>) dst(%arg8 : memref<128x32xf32, #tpu.memory_space<vmem>>)
      %parallel_loop3A = arith.constant 0 : i32
      %parallel_loop3A_49 = arith.constant 32 : i32
      %parallel_loop3A_50 = arith.constant 1 : i32
      scf.for %parallel_loop3A_197 = %parallel_loop3A to %parallel_loop3A_49 step %parallel_loop3A_50  : i32 {
        %parallel_loop3A_198 = arith.constant 0 : i32
        %parallel_loop3A_199 = vector.broadcast %parallel_loop3A_198 : i32 to vector<16xi32>
        %parallel_loop3A_200 = arith.muli %iota3A, %parallel_loop3A_199 : vector<16xi32>
        %parallel_loop3A_201 = vector.broadcast %parallel_loop3A_197 : i32 to vector<16xi32>
        %parallel_loop3A_202 = arith.addi %parallel_loop3A_200, %parallel_loop3A_201 : vector<16xi32>
        %parallel_loop3A_203 = arith.constant 0 : i32
        %parallel_loop3A_204 = vector.broadcast %parallel_loop3A_203 : i32 to vector<16xi32>
        %parallel_loop3A_205 = arith.muli %iota3A, %parallel_loop3A_204 : vector<16xi32>
        %parallel_loop3A_206 = vector.broadcast %add3A_41 : i32 to vector<16xi32>
        %parallel_loop3A_207 = arith.addi %parallel_loop3A_205, %parallel_loop3A_206 : vector<16xi32>
        %parallel_loop3A_208 = tpu.vector_load_idx %arg7[%parallel_loop3A_207, %parallel_loop3A_202] : memref<200x32xf32, #tpu.memory_space<vmem>>[vector<16xi32>, vector<16xi32>], vector<16xf32>,
        %parallel_loop3A_209 = arith.constant 0 : i32
        %parallel_loop3A_210 = vector.broadcast %parallel_loop3A_209 : i32 to vector<16xi32>
        %parallel_loop3A_211 = arith.addi %iota3A, %parallel_loop3A_210 : vector<16xi32>
        %parallel_loop3A_212 = tpu.vector_load_idx %arg8[%parallel_loop3A_211, %parallel_loop3A_202] : memref<128x32xf32, #tpu.memory_space<vmem>>[vector<16xi32>, vector<16xi32>], vector<16xf32>,
        %parallel_loop3A_213 = arith.addf %parallel_loop3A_212, %parallel_loop3A_208 : vector<16xf32>
        %parallel_loop3A_214 = arith.constant 8 : i32
        %parallel_loop3A_215 = arith.divsi %parallel_loop3A_197, %parallel_loop3A_214 : i32
        %parallel_loop3A_216 = arith.constant 0 : i32
        %parallel_loop3A_217 = arith.cmpi sgt, %parallel_loop3A_197, %parallel_loop3A_216 : i32
        %parallel_loop3A_218 = arith.extui %parallel_loop3A_217 : i1 to i32
        %parallel_loop3A_219 = arith.constant 0 : i32
        %parallel_loop3A_220 = arith.cmpi slt, %parallel_loop3A_197, %parallel_loop3A_219 : i32
        %parallel_loop3A_221 = arith.extui %parallel_loop3A_220 : i1 to i32
        %parallel_loop3A_222 = arith.subi %parallel_loop3A_218, %parallel_loop3A_221 : i32
        %parallel_loop3A_223 = arith.constant 0 : i32
        %parallel_loop3A_224 = arith.cmpi sgt, %parallel_loop3A_214, %parallel_loop3A_223 : i32
        %parallel_loop3A_225 = arith.extui %parallel_loop3A_224 : i1 to i32
        %parallel_loop3A_226 = arith.constant 0 : i32
        %parallel_loop3A_227 = arith.cmpi slt, %parallel_loop3A_214, %parallel_loop3A_226 : i32
        %parallel_loop3A_228 = arith.extui %parallel_loop3A_227 : i1 to i32
        %parallel_loop3A_229 = arith.subi %parallel_loop3A_225, %parallel_loop3A_228 : i32
        %parallel_loop3A_230 = arith.cmpi ne, %parallel_loop3A_222, %parallel_loop3A_229 : i32
        %parallel_loop3A_231 = arith.remsi %parallel_loop3A_197, %parallel_loop3A_214 : i32
        %parallel_loop3A_232 = arith.constant 0 : i32
        %parallel_loop3A_233 = arith.cmpi ne, %parallel_loop3A_231, %parallel_loop3A_232 : i32
        %parallel_loop3A_234 = arith.andi %parallel_loop3A_230, %parallel_loop3A_233 : i1
        %parallel_loop3A_235 = arith.constant 1 : i32
        %parallel_loop3A_236 = arith.subi %parallel_loop3A_215, %parallel_loop3A_235 : i32
        %parallel_loop3A_237 = arith.select %parallel_loop3A_234, %parallel_loop3A_236, %parallel_loop3A_215 : i32
        %parallel_loop3A_238 = arith.constant 8 : i32
        %parallel_loop3A_239 = arith.constant 0 : i32
        %parallel_loop3A_240 = arith.cmpi eq, %parallel_loop3A_238, %parallel_loop3A_239 : i32
        %parallel_loop3A_241 = arith.constant 1 : i32
        %parallel_loop3A_242 = arith.select %parallel_loop3A_240, %parallel_loop3A_241, %parallel_loop3A_238 : i32
        %parallel_loop3A_243 = arith.remsi %parallel_loop3A_197, %parallel_loop3A_242 : i32
        %parallel_loop3A_244 = arith.constant 0 : i32
        %parallel_loop3A_245 = arith.cmpi ne, %parallel_loop3A_243, %parallel_loop3A_244 : i32
        %parallel_loop3A_246 = arith.constant 0 : i32
        %parallel_loop3A_247 = arith.cmpi slt, %parallel_loop3A_243, %parallel_loop3A_246 : i32
        %parallel_loop3A_248 = arith.constant 0 : i32
        %parallel_loop3A_249 = arith.cmpi slt, %parallel_loop3A_242, %parallel_loop3A_248 : i32
        %parallel_loop3A_250 = arith.xori %parallel_loop3A_247, %parallel_loop3A_249 : i1
        %parallel_loop3A_251 = arith.andi %parallel_loop3A_250, %parallel_loop3A_245 : i1
        %parallel_loop3A_252 = arith.addi %parallel_loop3A_243, %parallel_loop3A_242 : i32
        %parallel_loop3A_253 = arith.select %parallel_loop3A_251, %parallel_loop3A_252, %parallel_loop3A_243 : i32
        %parallel_loop3A_254 = arith.index_cast %parallel_loop3A_237 : i32 to index
        %parallel_loop3A_255 = arith.index_cast %parallel_loop3A_253 : i32 to index
        %parallel_loop3A_256 = arith.constant 0 : index
        %parallel_loop3A_257 = tpu.vector_load %arg12[%parallel_loop3A_254, %parallel_loop3A_255, %parallel_loop3A_256] {strides = array<i32>} : memref<4x8x128xf32, #tpu.memory_space<vmem>>, vector<16xf32>,
        tpu.vector_store %arg12[%parallel_loop3A_254, %parallel_loop3A_255, %parallel_loop3A_256], %parallel_loop3A_213 {strides = array<i32>} : memref<4x8x128xf32, #tpu.memory_space<vmem>>, vector<16xf32>,
        %parallel_loop3A_258 = arith.constant 16 : i32
        %parallel_loop3A_259 = vector.broadcast %parallel_loop3A_258 : i32 to vector<16xi32>
        %parallel_loop3A_260 = arith.addi %iota3A, %parallel_loop3A_259 : vector<16xi32>
        %parallel_loop3A_261 = tpu.vector_load_idx %arg8[%parallel_loop3A_260, %parallel_loop3A_202] : memref<128x32xf32, #tpu.memory_space<vmem>>[vector<16xi32>, vector<16xi32>], vector<16xf32>,
        %parallel_loop3A_262 = arith.addf %parallel_loop3A_261, %parallel_loop3A_208 : vector<16xf32>
        %parallel_loop3A_263 = arith.constant 8 : i32
        %parallel_loop3A_264 = arith.divsi %parallel_loop3A_197, %parallel_loop3A_263 : i32
        %parallel_loop3A_265 = arith.constant 0 : i32
        %parallel_loop3A_266 = arith.cmpi sgt, %parallel_loop3A_197, %parallel_loop3A_265 : i32
        %parallel_loop3A_267 = arith.extui %parallel_loop3A_266 : i1 to i32
        %parallel_loop3A_268 = arith.constant 0 : i32
        %parallel_loop3A_269 = arith.cmpi slt, %parallel_loop3A_197, %parallel_loop3A_268 : i32
        %parallel_loop3A_270 = arith.extui %parallel_loop3A_269 : i1 to i32
        %parallel_loop3A_271 = arith.subi %parallel_loop3A_267, %parallel_loop3A_270 : i32
        %parallel_loop3A_272 = arith.constant 0 : i32
        %parallel_loop3A_273 = arith.cmpi sgt, %parallel_loop3A_263, %parallel_loop3A_272 : i32
        %parallel_loop3A_274 = arith.extui %parallel_loop3A_273 : i1 to i32
        %parallel_loop3A_275 = arith.constant 0 : i32
        %parallel_loop3A_276 = arith.cmpi slt, %parallel_loop3A_263, %parallel_loop3A_275 : i32
        %parallel_loop3A_277 = arith.extui %parallel_loop3A_276 : i1 to i32
        %parallel_loop3A_278 = arith.subi %parallel_loop3A_274, %parallel_loop3A_277 : i32
        %parallel_loop3A_279 = arith.cmpi ne, %parallel_loop3A_271, %parallel_loop3A_278 : i32
        %parallel_loop3A_280 = arith.remsi %parallel_loop3A_197, %parallel_loop3A_263 : i32
        %parallel_loop3A_281 = arith.constant 0 : i32
        %parallel_loop3A_282 = arith.cmpi ne, %parallel_loop3A_280, %parallel_loop3A_281 : i32
        %parallel_loop3A_283 = arith.andi %parallel_loop3A_279, %parallel_loop3A_282 : i1
        %parallel_loop3A_284 = arith.constant 1 : i32
        %parallel_loop3A_285 = arith.subi %parallel_loop3A_264, %parallel_loop3A_284 : i32
        %parallel_loop3A_286 = arith.select %parallel_loop3A_283, %parallel_loop3A_285, %parallel_loop3A_264 : i32
        %parallel_loop3A_287 = arith.constant 8 : i32
        %parallel_loop3A_288 = arith.constant 0 : i32
        %parallel_loop3A_289 = arith.cmpi eq, %parallel_loop3A_287, %parallel_loop3A_288 : i32
        %parallel_loop3A_290 = arith.constant 1 : i32
        %parallel_loop3A_291 = arith.select %parallel_loop3A_289, %parallel_loop3A_290, %parallel_loop3A_287 : i32
        %parallel_loop3A_292 = arith.remsi %parallel_loop3A_197, %parallel_loop3A_291 : i32
        %parallel_loop3A_293 = arith.constant 0 : i32
        %parallel_loop3A_294 = arith.cmpi ne, %parallel_loop3A_292, %parallel_loop3A_293 : i32
        %parallel_loop3A_295 = arith.constant 0 : i32
        %parallel_loop3A_296 = arith.cmpi slt, %parallel_loop3A_292, %parallel_loop3A_295 : i32
        %parallel_loop3A_297 = arith.constant 0 : i32
        %parallel_loop3A_298 = arith.cmpi slt, %parallel_loop3A_291, %parallel_loop3A_297 : i32
        %parallel_loop3A_299 = arith.xori %parallel_loop3A_296, %parallel_loop3A_298 : i1
        %parallel_loop3A_300 = arith.andi %parallel_loop3A_299, %parallel_loop3A_294 : i1
        %parallel_loop3A_301 = arith.addi %parallel_loop3A_292, %parallel_loop3A_291 : i32
        %parallel_loop3A_302 = arith.select %parallel_loop3A_300, %parallel_loop3A_301, %parallel_loop3A_292 : i32
        %parallel_loop3A_303 = arith.index_cast %parallel_loop3A_286 : i32 to index
        %parallel_loop3A_304 = arith.index_cast %parallel_loop3A_302 : i32 to index
        %parallel_loop3A_305 = arith.constant 16 : index
        %parallel_loop3A_306 = tpu.vector_load %arg12[%parallel_loop3A_303, %parallel_loop3A_304, %parallel_loop3A_305] {strides = array<i32>} : memref<4x8x128xf32, #tpu.memory_space<vmem>>, vector<16xf32>,
        tpu.vector_store %arg12[%parallel_loop3A_303, %parallel_loop3A_304, %parallel_loop3A_305], %parallel_loop3A_262 {strides = array<i32>} : memref<4x8x128xf32, #tpu.memory_space<vmem>>, vector<16xf32>,
        %parallel_loop3A_307 = arith.constant 32 : i32
        %parallel_loop3A_308 = vector.broadcast %parallel_loop3A_307 : i32 to vector<16xi32>
        %parallel_loop3A_309 = arith.addi %iota3A, %parallel_loop3A_308 : vector<16xi32>
        %parallel_loop3A_310 = tpu.vector_load_idx %arg8[%parallel_loop3A_309, %parallel_loop3A_202] : memref<128x32xf32, #tpu.memory_space<vmem>>[vector<16xi32>, vector<16xi32>], vector<16xf32>,
        %parallel_loop3A_311 = arith.addf %parallel_loop3A_310, %parallel_loop3A_208 : vector<16xf32>
        %parallel_loop3A_312 = arith.constant 8 : i32
        %parallel_loop3A_313 = arith.divsi %parallel_loop3A_197, %parallel_loop3A_312 : i32
        %parallel_loop3A_314 = arith.constant 0 : i32
        %parallel_loop3A_315 = arith.cmpi sgt, %parallel_loop3A_197, %parallel_loop3A_314 : i32
        %parallel_loop3A_316 = arith.extui %parallel_loop3A_315 : i1 to i32
        %parallel_loop3A_317 = arith.constant 0 : i32
        %parallel_loop3A_318 = arith.cmpi slt, %parallel_loop3A_197, %parallel_loop3A_317 : i32
        %parallel_loop3A_319 = arith.extui %parallel_loop3A_318 : i1 to i32
        %parallel_loop3A_320 = arith.subi %parallel_loop3A_316, %parallel_loop3A_319 : i32
        %parallel_loop3A_321 = arith.constant 0 : i32
        %parallel_loop3A_322 = arith.cmpi sgt, %parallel_loop3A_312, %parallel_loop3A_321 : i32
        %parallel_loop3A_323 = arith.extui %parallel_loop3A_322 : i1 to i32
        %parallel_loop3A_324 = arith.constant 0 : i32
        %parallel_loop3A_325 = arith.cmpi slt, %parallel_loop3A_312, %parallel_loop3A_324 : i32
        %parallel_loop3A_326 = arith.extui %parallel_loop3A_325 : i1 to i32
        %parallel_loop3A_327 = arith.subi %parallel_loop3A_323, %parallel_loop3A_326 : i32
        %parallel_loop3A_328 = arith.cmpi ne, %parallel_loop3A_320, %parallel_loop3A_327 : i32
        %parallel_loop3A_329 = arith.remsi %parallel_loop3A_197, %parallel_loop3A_312 : i32
        %parallel_loop3A_330 = arith.constant 0 : i32
        %parallel_loop3A_331 = arith.cmpi ne, %parallel_loop3A_329, %parallel_loop3A_330 : i32
        %parallel_loop3A_332 = arith.andi %parallel_loop3A_328, %parallel_loop3A_331 : i1
        %parallel_loop3A_333 = arith.constant 1 : i32
        %parallel_loop3A_334 = arith.subi %parallel_loop3A_313, %parallel_loop3A_333 : i32
        %parallel_loop3A_335 = arith.select %parallel_loop3A_332, %parallel_loop3A_334, %parallel_loop3A_313 : i32
        %parallel_loop3A_336 = arith.constant 8 : i32
        %parallel_loop3A_337 = arith.constant 0 : i32
        %parallel_loop3A_338 = arith.cmpi eq, %parallel_loop3A_336, %parallel_loop3A_337 : i32
        %parallel_loop3A_339 = arith.constant 1 : i32
        %parallel_loop3A_340 = arith.select %parallel_loop3A_338, %parallel_loop3A_339, %parallel_loop3A_336 : i32
        %parallel_loop3A_341 = arith.remsi %parallel_loop3A_197, %parallel_loop3A_340 : i32
        %parallel_loop3A_342 = arith.constant 0 : i32
        %parallel_loop3A_343 = arith.cmpi ne, %parallel_loop3A_341, %parallel_loop3A_342 : i32
        %parallel_loop3A_344 = arith.constant 0 : i32
        %parallel_loop3A_345 = arith.cmpi slt, %parallel_loop3A_341, %parallel_loop3A_344 : i32
        %parallel_loop3A_346 = arith.constant 0 : i32
        %parallel_loop3A_347 = arith.cmpi slt, %parallel_loop3A_340, %parallel_loop3A_346 : i32
        %parallel_loop3A_348 = arith.xori %parallel_loop3A_345, %parallel_loop3A_347 : i1
        %parallel_loop3A_349 = arith.andi %parallel_loop3A_348, %parallel_loop3A_343 : i1
        %parallel_loop3A_350 = arith.addi %parallel_loop3A_341, %parallel_loop3A_340 : i32
        %parallel_loop3A_351 = arith.select %parallel_loop3A_349, %parallel_loop3A_350, %parallel_loop3A_341 : i32
        %parallel_loop3A_352 = arith.index_cast %parallel_loop3A_335 : i32 to index
        %parallel_loop3A_353 = arith.index_cast %parallel_loop3A_351 : i32 to index
        %parallel_loop3A_354 = arith.constant 32 : index
        %parallel_loop3A_355 = tpu.vector_load %arg12[%parallel_loop3A_352, %parallel_loop3A_353, %parallel_loop3A_354] {strides = array<i32>} : memref<4x8x128xf32, #tpu.memory_space<vmem>>, vector<16xf32>,
        tpu.vector_store %arg12[%parallel_loop3A_352, %parallel_loop3A_353, %parallel_loop3A_354], %parallel_loop3A_311 {strides = array<i32>} : memref<4x8x128xf32, #tpu.memory_space<vmem>>, vector<16xf32>,
        %parallel_loop3A_356 = arith.constant 48 : i32
        %parallel_loop3A_357 = vector.broadcast %parallel_loop3A_356 : i32 to vector<16xi32>
        %parallel_loop3A_358 = arith.addi %iota3A, %parallel_loop3A_357 : vector<16xi32>
        %parallel_loop3A_359 = tpu.vector_load_idx %arg8[%parallel_loop3A_358, %parallel_loop3A_202] : memref<128x32xf32, #tpu.memory_space<vmem>>[vector<16xi32>, vector<16xi32>], vector<16xf32>,
        %parallel_loop3A_360 = arith.addf %parallel_loop3A_359, %parallel_loop3A_208 : vector<16xf32>
        %parallel_loop3A_361 = arith.constant 8 : i32
        %parallel_loop3A_362 = arith.divsi %parallel_loop3A_197, %parallel_loop3A_361 : i32
        %parallel_loop3A_363 = arith.constant 0 : i32
        %parallel_loop3A_364 = arith.cmpi sgt, %parallel_loop3A_197, %parallel_loop3A_363 : i32
        %parallel_loop3A_365 = arith.extui %parallel_loop3A_364 : i1 to i32
        %parallel_loop3A_366 = arith.constant 0 : i32
        %parallel_loop3A_367 = arith.cmpi slt, %parallel_loop3A_197, %parallel_loop3A_366 : i32
        %parallel_loop3A_368 = arith.extui %parallel_loop3A_367 : i1 to i32
        %parallel_loop3A_369 = arith.subi %parallel_loop3A_365, %parallel_loop3A_368 : i32
        %parallel_loop3A_370 = arith.constant 0 : i32
        %parallel_loop3A_371 = arith.cmpi sgt, %parallel_loop3A_361, %parallel_loop3A_370 : i32
        %parallel_loop3A_372 = arith.extui %parallel_loop3A_371 : i1 to i32
        %parallel_loop3A_373 = arith.constant 0 : i32
        %parallel_loop3A_374 = arith.cmpi slt, %parallel_loop3A_361, %parallel_loop3A_373 : i32
        %parallel_loop3A_375 = arith.extui %parallel_loop3A_374 : i1 to i32
        %parallel_loop3A_376 = arith.subi %parallel_loop3A_372, %parallel_loop3A_375 : i32
        %parallel_loop3A_377 = arith.cmpi ne, %parallel_loop3A_369, %parallel_loop3A_376 : i32
        %parallel_loop3A_378 = arith.remsi %parallel_loop3A_197, %parallel_loop3A_361 : i32
        %parallel_loop3A_379 = arith.constant 0 : i32
        %parallel_loop3A_380 = arith.cmpi ne, %parallel_loop3A_378, %parallel_loop3A_379 : i32
        %parallel_loop3A_381 = arith.andi %parallel_loop3A_377, %parallel_loop3A_380 : i1
        %parallel_loop3A_382 = arith.constant 1 : i32
        %parallel_loop3A_383 = arith.subi %parallel_loop3A_362, %parallel_loop3A_382 : i32
        %parallel_loop3A_384 = arith.select %parallel_loop3A_381, %parallel_loop3A_383, %parallel_loop3A_362 : i32
        %parallel_loop3A_385 = arith.constant 8 : i32
        %parallel_loop3A_386 = arith.constant 0 : i32
        %parallel_loop3A_387 = arith.cmpi eq, %parallel_loop3A_385, %parallel_loop3A_386 : i32
        %parallel_loop3A_388 = arith.constant 1 : i32
        %parallel_loop3A_389 = arith.select %parallel_loop3A_387, %parallel_loop3A_388, %parallel_loop3A_385 : i32
        %parallel_loop3A_390 = arith.remsi %parallel_loop3A_197, %parallel_loop3A_389 : i32
        %parallel_loop3A_391 = arith.constant 0 : i32
        %parallel_loop3A_392 = arith.cmpi ne, %parallel_loop3A_390, %parallel_loop3A_391 : i32
        %parallel_loop3A_393 = arith.constant 0 : i32
        %parallel_loop3A_394 = arith.cmpi slt, %parallel_loop3A_390, %parallel_loop3A_393 : i32
        %parallel_loop3A_395 = arith.constant 0 : i32
        %parallel_loop3A_396 = arith.cmpi slt, %parallel_loop3A_389, %parallel_loop3A_395 : i32
        %parallel_loop3A_397 = arith.xori %parallel_loop3A_394, %parallel_loop3A_396 : i1
        %parallel_loop3A_398 = arith.andi %parallel_loop3A_397, %parallel_loop3A_392 : i1
        %parallel_loop3A_399 = arith.addi %parallel_loop3A_390, %parallel_loop3A_389 : i32
        %parallel_loop3A_400 = arith.select %parallel_loop3A_398, %parallel_loop3A_399, %parallel_loop3A_390 : i32
        %parallel_loop3A_401 = arith.index_cast %parallel_loop3A_384 : i32 to index
        %parallel_loop3A_402 = arith.index_cast %parallel_loop3A_400 : i32 to index
        %parallel_loop3A_403 = arith.constant 48 : index
        %parallel_loop3A_404 = tpu.vector_load %arg12[%parallel_loop3A_401, %parallel_loop3A_402, %parallel_loop3A_403] {strides = array<i32>} : memref<4x8x128xf32, #tpu.memory_space<vmem>>, vector<16xf32>,
        tpu.vector_store %arg12[%parallel_loop3A_401, %parallel_loop3A_402, %parallel_loop3A_403], %parallel_loop3A_360 {strides = array<i32>} : memref<4x8x128xf32, #tpu.memory_space<vmem>>, vector<16xf32>,
        %parallel_loop3A_405 = arith.constant 64 : i32
        %parallel_loop3A_406 = vector.broadcast %parallel_loop3A_405 : i32 to vector<16xi32>
        %parallel_loop3A_407 = arith.addi %iota3A, %parallel_loop3A_406 : vector<16xi32>
        %parallel_loop3A_408 = tpu.vector_load_idx %arg8[%parallel_loop3A_407, %parallel_loop3A_202] : memref<128x32xf32, #tpu.memory_space<vmem>>[vector<16xi32>, vector<16xi32>], vector<16xf32>,
        %parallel_loop3A_409 = arith.addf %parallel_loop3A_408, %parallel_loop3A_208 : vector<16xf32>
        %parallel_loop3A_410 = arith.constant 8 : i32
        %parallel_loop3A_411 = arith.divsi %parallel_loop3A_197, %parallel_loop3A_410 : i32
        %parallel_loop3A_412 = arith.constant 0 : i32
        %parallel_loop3A_413 = arith.cmpi sgt, %parallel_loop3A_197, %parallel_loop3A_412 : i32
        %parallel_loop3A_414 = arith.extui %parallel_loop3A_413 : i1 to i32
        %parallel_loop3A_415 = arith.constant 0 : i32
        %parallel_loop3A_416 = arith.cmpi slt, %parallel_loop3A_197, %parallel_loop3A_415 : i32
        %parallel_loop3A_417 = arith.extui %parallel_loop3A_416 : i1 to i32
        %parallel_loop3A_418 = arith.subi %parallel_loop3A_414, %parallel_loop3A_417 : i32
        %parallel_loop3A_419 = arith.constant 0 : i32
        %parallel_loop3A_420 = arith.cmpi sgt, %parallel_loop3A_410, %parallel_loop3A_419 : i32
        %parallel_loop3A_421 = arith.extui %parallel_loop3A_420 : i1 to i32
        %parallel_loop3A_422 = arith.constant 0 : i32
        %parallel_loop3A_423 = arith.cmpi slt, %parallel_loop3A_410, %parallel_loop3A_422 : i32
        %parallel_loop3A_424 = arith.extui %parallel_loop3A_423 : i1 to i32
        %parallel_loop3A_425 = arith.subi %parallel_loop3A_421, %parallel_loop3A_424 : i32
        %parallel_loop3A_426 = arith.cmpi ne, %parallel_loop3A_418, %parallel_loop3A_425 : i32
        %parallel_loop3A_427 = arith.remsi %parallel_loop3A_197, %parallel_loop3A_410 : i32
        %parallel_loop3A_428 = arith.constant 0 : i32
        %parallel_loop3A_429 = arith.cmpi ne, %parallel_loop3A_427, %parallel_loop3A_428 : i32
        %parallel_loop3A_430 = arith.andi %parallel_loop3A_426, %parallel_loop3A_429 : i1
        %parallel_loop3A_431 = arith.constant 1 : i32
        %parallel_loop3A_432 = arith.subi %parallel_loop3A_411, %parallel_loop3A_431 : i32
        %parallel_loop3A_433 = arith.select %parallel_loop3A_430, %parallel_loop3A_432, %parallel_loop3A_411 : i32
        %parallel_loop3A_434 = arith.constant 8 : i32
        %parallel_loop3A_435 = arith.constant 0 : i32
        %parallel_loop3A_436 = arith.cmpi eq, %parallel_loop3A_434, %parallel_loop3A_435 : i32
        %parallel_loop3A_437 = arith.constant 1 : i32
        %parallel_loop3A_438 = arith.select %parallel_loop3A_436, %parallel_loop3A_437, %parallel_loop3A_434 : i32
        %parallel_loop3A_439 = arith.remsi %parallel_loop3A_197, %parallel_loop3A_438 : i32
        %parallel_loop3A_440 = arith.constant 0 : i32
        %parallel_loop3A_441 = arith.cmpi ne, %parallel_loop3A_439, %parallel_loop3A_440 : i32
        %parallel_loop3A_442 = arith.constant 0 : i32
        %parallel_loop3A_443 = arith.cmpi slt, %parallel_loop3A_439, %parallel_loop3A_442 : i32
        %parallel_loop3A_444 = arith.constant 0 : i32
        %parallel_loop3A_445 = arith.cmpi slt, %parallel_loop3A_438, %parallel_loop3A_444 : i32
        %parallel_loop3A_446 = arith.xori %parallel_loop3A_443, %parallel_loop3A_445 : i1
        %parallel_loop3A_447 = arith.andi %parallel_loop3A_446, %parallel_loop3A_441 : i1
        %parallel_loop3A_448 = arith.addi %parallel_loop3A_439, %parallel_loop3A_438 : i32
        %parallel_loop3A_449 = arith.select %parallel_loop3A_447, %parallel_loop3A_448, %parallel_loop3A_439 : i32
        %parallel_loop3A_450 = arith.index_cast %parallel_loop3A_433 : i32 to index
        %parallel_loop3A_451 = arith.index_cast %parallel_loop3A_449 : i32 to index
        %parallel_loop3A_452 = arith.constant 64 : index
        %parallel_loop3A_453 = tpu.vector_load %arg12[%parallel_loop3A_450, %parallel_loop3A_451, %parallel_loop3A_452] {strides = array<i32>} : memref<4x8x128xf32, #tpu.memory_space<vmem>>, vector<16xf32>,
        tpu.vector_store %arg12[%parallel_loop3A_450, %parallel_loop3A_451, %parallel_loop3A_452], %parallel_loop3A_409 {strides = array<i32>} : memref<4x8x128xf32, #tpu.memory_space<vmem>>, vector<16xf32>,
        %parallel_loop3A_454 = arith.constant 80 : i32
        %parallel_loop3A_455 = vector.broadcast %parallel_loop3A_454 : i32 to vector<16xi32>
        %parallel_loop3A_456 = arith.addi %iota3A, %parallel_loop3A_455 : vector<16xi32>
        %parallel_loop3A_457 = tpu.vector_load_idx %arg8[%parallel_loop3A_456, %parallel_loop3A_202] : memref<128x32xf32, #tpu.memory_space<vmem>>[vector<16xi32>, vector<16xi32>], vector<16xf32>,
        %parallel_loop3A_458 = arith.addf %parallel_loop3A_457, %parallel_loop3A_208 : vector<16xf32>
        %parallel_loop3A_459 = arith.constant 8 : i32
        %parallel_loop3A_460 = arith.divsi %parallel_loop3A_197, %parallel_loop3A_459 : i32
        %parallel_loop3A_461 = arith.constant 0 : i32
        %parallel_loop3A_462 = arith.cmpi sgt, %parallel_loop3A_197, %parallel_loop3A_461 : i32
        %parallel_loop3A_463 = arith.extui %parallel_loop3A_462 : i1 to i32
        %parallel_loop3A_464 = arith.constant 0 : i32
        %parallel_loop3A_465 = arith.cmpi slt, %parallel_loop3A_197, %parallel_loop3A_464 : i32
        %parallel_loop3A_466 = arith.extui %parallel_loop3A_465 : i1 to i32
        %parallel_loop3A_467 = arith.subi %parallel_loop3A_463, %parallel_loop3A_466 : i32
        %parallel_loop3A_468 = arith.constant 0 : i32
        %parallel_loop3A_469 = arith.cmpi sgt, %parallel_loop3A_459, %parallel_loop3A_468 : i32
        %parallel_loop3A_470 = arith.extui %parallel_loop3A_469 : i1 to i32
        %parallel_loop3A_471 = arith.constant 0 : i32
        %parallel_loop3A_472 = arith.cmpi slt, %parallel_loop3A_459, %parallel_loop3A_471 : i32
        %parallel_loop3A_473 = arith.extui %parallel_loop3A_472 : i1 to i32
        %parallel_loop3A_474 = arith.subi %parallel_loop3A_470, %parallel_loop3A_473 : i32
        %parallel_loop3A_475 = arith.cmpi ne, %parallel_loop3A_467, %parallel_loop3A_474 : i32
        %parallel_loop3A_476 = arith.remsi %parallel_loop3A_197, %parallel_loop3A_459 : i32
        %parallel_loop3A_477 = arith.constant 0 : i32
        %parallel_loop3A_478 = arith.cmpi ne, %parallel_loop3A_476, %parallel_loop3A_477 : i32
        %parallel_loop3A_479 = arith.andi %parallel_loop3A_475, %parallel_loop3A_478 : i1
        %parallel_loop3A_480 = arith.constant 1 : i32
        %parallel_loop3A_481 = arith.subi %parallel_loop3A_460, %parallel_loop3A_480 : i32
        %parallel_loop3A_482 = arith.select %parallel_loop3A_479, %parallel_loop3A_481, %parallel_loop3A_460 : i32
        %parallel_loop3A_483 = arith.constant 8 : i32
        %parallel_loop3A_484 = arith.constant 0 : i32
        %parallel_loop3A_485 = arith.cmpi eq, %parallel_loop3A_483, %parallel_loop3A_484 : i32
        %parallel_loop3A_486 = arith.constant 1 : i32
        %parallel_loop3A_487 = arith.select %parallel_loop3A_485, %parallel_loop3A_486, %parallel_loop3A_483 : i32
        %parallel_loop3A_488 = arith.remsi %parallel_loop3A_197, %parallel_loop3A_487 : i32
        %parallel_loop3A_489 = arith.constant 0 : i32
        %parallel_loop3A_490 = arith.cmpi ne, %parallel_loop3A_488, %parallel_loop3A_489 : i32
        %parallel_loop3A_491 = arith.constant 0 : i32
        %parallel_loop3A_492 = arith.cmpi slt, %parallel_loop3A_488, %parallel_loop3A_491 : i32
        %parallel_loop3A_493 = arith.constant 0 : i32
        %parallel_loop3A_494 = arith.cmpi slt, %parallel_loop3A_487, %parallel_loop3A_493 : i32
        %parallel_loop3A_495 = arith.xori %parallel_loop3A_492, %parallel_loop3A_494 : i1
        %parallel_loop3A_496 = arith.andi %parallel_loop3A_495, %parallel_loop3A_490 : i1
        %parallel_loop3A_497 = arith.addi %parallel_loop3A_488, %parallel_loop3A_487 : i32
        %parallel_loop3A_498 = arith.select %parallel_loop3A_496, %parallel_loop3A_497, %parallel_loop3A_488 : i32
        %parallel_loop3A_499 = arith.index_cast %parallel_loop3A_482 : i32 to index
        %parallel_loop3A_500 = arith.index_cast %parallel_loop3A_498 : i32 to index
        %parallel_loop3A_501 = arith.constant 80 : index
        %parallel_loop3A_502 = tpu.vector_load %arg12[%parallel_loop3A_499, %parallel_loop3A_500, %parallel_loop3A_501] {strides = array<i32>} : memref<4x8x128xf32, #tpu.memory_space<vmem>>, vector<16xf32>,
        tpu.vector_store %arg12[%parallel_loop3A_499, %parallel_loop3A_500, %parallel_loop3A_501], %parallel_loop3A_458 {strides = array<i32>} : memref<4x8x128xf32, #tpu.memory_space<vmem>>, vector<16xf32>,
        %parallel_loop3A_503 = arith.constant 96 : i32
        %parallel_loop3A_504 = vector.broadcast %parallel_loop3A_503 : i32 to vector<16xi32>
        %parallel_loop3A_505 = arith.addi %iota3A, %parallel_loop3A_504 : vector<16xi32>
        %parallel_loop3A_506 = tpu.vector_load_idx %arg8[%parallel_loop3A_505, %parallel_loop3A_202] : memref<128x32xf32, #tpu.memory_space<vmem>>[vector<16xi32>, vector<16xi32>], vector<16xf32>,
        %parallel_loop3A_507 = arith.addf %parallel_loop3A_506, %parallel_loop3A_208 : vector<16xf32>
        %parallel_loop3A_508 = arith.constant 8 : i32
        %parallel_loop3A_509 = arith.divsi %parallel_loop3A_197, %parallel_loop3A_508 : i32
        %parallel_loop3A_510 = arith.constant 0 : i32
        %parallel_loop3A_511 = arith.cmpi sgt, %parallel_loop3A_197, %parallel_loop3A_510 : i32
        %parallel_loop3A_512 = arith.extui %parallel_loop3A_511 : i1 to i32
        %parallel_loop3A_513 = arith.constant 0 : i32
        %parallel_loop3A_514 = arith.cmpi slt, %parallel_loop3A_197, %parallel_loop3A_513 : i32
        %parallel_loop3A_515 = arith.extui %parallel_loop3A_514 : i1 to i32
        %parallel_loop3A_516 = arith.subi %parallel_loop3A_512, %parallel_loop3A_515 : i32
        %parallel_loop3A_517 = arith.constant 0 : i32
        %parallel_loop3A_518 = arith.cmpi sgt, %parallel_loop3A_508, %parallel_loop3A_517 : i32
        %parallel_loop3A_519 = arith.extui %parallel_loop3A_518 : i1 to i32
        %parallel_loop3A_520 = arith.constant 0 : i32
        %parallel_loop3A_521 = arith.cmpi slt, %parallel_loop3A_508, %parallel_loop3A_520 : i32
        %parallel_loop3A_522 = arith.extui %parallel_loop3A_521 : i1 to i32
        %parallel_loop3A_523 = arith.subi %parallel_loop3A_519, %parallel_loop3A_522 : i32
        %parallel_loop3A_524 = arith.cmpi ne, %parallel_loop3A_516, %parallel_loop3A_523 : i32
        %parallel_loop3A_525 = arith.remsi %parallel_loop3A_197, %parallel_loop3A_508 : i32
        %parallel_loop3A_526 = arith.constant 0 : i32
        %parallel_loop3A_527 = arith.cmpi ne, %parallel_loop3A_525, %parallel_loop3A_526 : i32
        %parallel_loop3A_528 = arith.andi %parallel_loop3A_524, %parallel_loop3A_527 : i1
        %parallel_loop3A_529 = arith.constant 1 : i32
        %parallel_loop3A_530 = arith.subi %parallel_loop3A_509, %parallel_loop3A_529 : i32
        %parallel_loop3A_531 = arith.select %parallel_loop3A_528, %parallel_loop3A_530, %parallel_loop3A_509 : i32
        %parallel_loop3A_532 = arith.constant 8 : i32
        %parallel_loop3A_533 = arith.constant 0 : i32
        %parallel_loop3A_534 = arith.cmpi eq, %parallel_loop3A_532, %parallel_loop3A_533 : i32
        %parallel_loop3A_535 = arith.constant 1 : i32
        %parallel_loop3A_536 = arith.select %parallel_loop3A_534, %parallel_loop3A_535, %parallel_loop3A_532 : i32
        %parallel_loop3A_537 = arith.remsi %parallel_loop3A_197, %parallel_loop3A_536 : i32
        %parallel_loop3A_538 = arith.constant 0 : i32
        %parallel_loop3A_539 = arith.cmpi ne, %parallel_loop3A_537, %parallel_loop3A_538 : i32
        %parallel_loop3A_540 = arith.constant 0 : i32
        %parallel_loop3A_541 = arith.cmpi slt, %parallel_loop3A_537, %parallel_loop3A_540 : i32
        %parallel_loop3A_542 = arith.constant 0 : i32
        %parallel_loop3A_543 = arith.cmpi slt, %parallel_loop3A_536, %parallel_loop3A_542 : i32
        %parallel_loop3A_544 = arith.xori %parallel_loop3A_541, %parallel_loop3A_543 : i1
        %parallel_loop3A_545 = arith.andi %parallel_loop3A_544, %parallel_loop3A_539 : i1
        %parallel_loop3A_546 = arith.addi %parallel_loop3A_537, %parallel_loop3A_536 : i32
        %parallel_loop3A_547 = arith.select %parallel_loop3A_545, %parallel_loop3A_546, %parallel_loop3A_537 : i32
        %parallel_loop3A_548 = arith.index_cast %parallel_loop3A_531 : i32 to index
        %parallel_loop3A_549 = arith.index_cast %parallel_loop3A_547 : i32 to index
        %parallel_loop3A_550 = arith.constant 96 : index
        %parallel_loop3A_551 = tpu.vector_load %arg12[%parallel_loop3A_548, %parallel_loop3A_549, %parallel_loop3A_550] {strides = array<i32>} : memref<4x8x128xf32, #tpu.memory_space<vmem>>, vector<16xf32>,
        tpu.vector_store %arg12[%parallel_loop3A_548, %parallel_loop3A_549, %parallel_loop3A_550], %parallel_loop3A_507 {strides = array<i32>} : memref<4x8x128xf32, #tpu.memory_space<vmem>>, vector<16xf32>,
        %parallel_loop3A_552 = arith.constant 112 : i32
        %parallel_loop3A_553 = vector.broadcast %parallel_loop3A_552 : i32 to vector<16xi32>
        %parallel_loop3A_554 = arith.addi %iota3A, %parallel_loop3A_553 : vector<16xi32>
        %parallel_loop3A_555 = tpu.vector_load_idx %arg8[%parallel_loop3A_554, %parallel_loop3A_202] : memref<128x32xf32, #tpu.memory_space<vmem>>[vector<16xi32>, vector<16xi32>], vector<16xf32>,
        %parallel_loop3A_556 = arith.addf %parallel_loop3A_555, %parallel_loop3A_208 : vector<16xf32>
        %parallel_loop3A_557 = arith.constant 8 : i32
        %parallel_loop3A_558 = arith.divsi %parallel_loop3A_197, %parallel_loop3A_557 : i32
        %parallel_loop3A_559 = arith.constant 0 : i32
        %parallel_loop3A_560 = arith.cmpi sgt, %parallel_loop3A_197, %parallel_loop3A_559 : i32
        %parallel_loop3A_561 = arith.extui %parallel_loop3A_560 : i1 to i32
        %parallel_loop3A_562 = arith.constant 0 : i32
        %parallel_loop3A_563 = arith.cmpi slt, %parallel_loop3A_197, %parallel_loop3A_562 : i32
        %parallel_loop3A_564 = arith.extui %parallel_loop3A_563 : i1 to i32
        %parallel_loop3A_565 = arith.subi %parallel_loop3A_561, %parallel_loop3A_564 : i32
        %parallel_loop3A_566 = arith.constant 0 : i32
        %parallel_loop3A_567 = arith.cmpi sgt, %parallel_loop3A_557, %parallel_loop3A_566 : i32
        %parallel_loop3A_568 = arith.extui %parallel_loop3A_567 : i1 to i32
        %parallel_loop3A_569 = arith.constant 0 : i32
        %parallel_loop3A_570 = arith.cmpi slt, %parallel_loop3A_557, %parallel_loop3A_569 : i32
        %parallel_loop3A_571 = arith.extui %parallel_loop3A_570 : i1 to i32
        %parallel_loop3A_572 = arith.subi %parallel_loop3A_568, %parallel_loop3A_571 : i32
        %parallel_loop3A_573 = arith.cmpi ne, %parallel_loop3A_565, %parallel_loop3A_572 : i32
        %parallel_loop3A_574 = arith.remsi %parallel_loop3A_197, %parallel_loop3A_557 : i32
        %parallel_loop3A_575 = arith.constant 0 : i32
        %parallel_loop3A_576 = arith.cmpi ne, %parallel_loop3A_574, %parallel_loop3A_575 : i32
        %parallel_loop3A_577 = arith.andi %parallel_loop3A_573, %parallel_loop3A_576 : i1
        %parallel_loop3A_578 = arith.constant 1 : i32
        %parallel_loop3A_579 = arith.subi %parallel_loop3A_558, %parallel_loop3A_578 : i32
        %parallel_loop3A_580 = arith.select %parallel_loop3A_577, %parallel_loop3A_579, %parallel_loop3A_558 : i32
        %parallel_loop3A_581 = arith.constant 8 : i32
        %parallel_loop3A_582 = arith.constant 0 : i32
        %parallel_loop3A_583 = arith.cmpi eq, %parallel_loop3A_581, %parallel_loop3A_582 : i32
        %parallel_loop3A_584 = arith.constant 1 : i32
        %parallel_loop3A_585 = arith.select %parallel_loop3A_583, %parallel_loop3A_584, %parallel_loop3A_581 : i32
        %parallel_loop3A_586 = arith.remsi %parallel_loop3A_197, %parallel_loop3A_585 : i32
        %parallel_loop3A_587 = arith.constant 0 : i32
        %parallel_loop3A_588 = arith.cmpi ne, %parallel_loop3A_586, %parallel_loop3A_587 : i32
        %parallel_loop3A_589 = arith.constant 0 : i32
        %parallel_loop3A_590 = arith.cmpi slt, %parallel_loop3A_586, %parallel_loop3A_589 : i32
        %parallel_loop3A_591 = arith.constant 0 : i32
        %parallel_loop3A_592 = arith.cmpi slt, %parallel_loop3A_585, %parallel_loop3A_591 : i32
        %parallel_loop3A_593 = arith.xori %parallel_loop3A_590, %parallel_loop3A_592 : i1
        %parallel_loop3A_594 = arith.andi %parallel_loop3A_593, %parallel_loop3A_588 : i1
        %parallel_loop3A_595 = arith.addi %parallel_loop3A_586, %parallel_loop3A_585 : i32
        %parallel_loop3A_596 = arith.select %parallel_loop3A_594, %parallel_loop3A_595, %parallel_loop3A_586 : i32
        %parallel_loop3A_597 = arith.index_cast %parallel_loop3A_580 : i32 to index
        %parallel_loop3A_598 = arith.index_cast %parallel_loop3A_596 : i32 to index
        %parallel_loop3A_599 = arith.constant 112 : index
        %parallel_loop3A_600 = tpu.vector_load %arg12[%parallel_loop3A_597, %parallel_loop3A_598, %parallel_loop3A_599] {strides = array<i32>} : memref<4x8x128xf32, #tpu.memory_space<vmem>>, vector<16xf32>,
        tpu.vector_store %arg12[%parallel_loop3A_597, %parallel_loop3A_598, %parallel_loop3A_599], %parallel_loop3A_556 {strides = array<i32>} : memref<4x8x128xf32, #tpu.memory_space<vmem>>, vector<16xf32>,
      } {sc.loop_unroll_factor = 4 : i64, sc.parallel_access}
      %dma_start3A_51 = arith.constant 0 : i32
      %dma_start3A_52 = arith.constant 0 : i32
      %dma_start3A_53 = arith.constant 0 : i32
      %dma_start3A_54 = tpu.memref_slice %arg5[%add3A_41, %dma_start3A_51, %add3A, %dma_start3A_52, %dma_start3A_53] : memref<200x4x32x8x128xf32, #tpu.memory_space<hbm>> -> memref<1x4x1x8x128xf32, #tpu.memory_space<hbm>>
      %dma_start3A_55 = tpu.memref_squeeze %dma_start3A_54 : memref<1x4x1x8x128xf32, #tpu.memory_space<hbm>> -> memref<4x8x128xf32, #tpu.memory_space<hbm>>
      %dma_start3A_56 = arith.constant 0 : i32
      %dma_start3A_57 = arith.constant 0 : i32
      %dma_start3A_58 = arith.constant 0 : i32
      %dma_start3A_59 = tpu.memref_slice %arg5[%add3A_41, %dma_start3A_56, %add3A, %dma_start3A_57, %dma_start3A_58] : memref<200x4x32x8x128xf32, #tpu.memory_space<hbm>> -> memref<1x4x1x8x128xf32, #tpu.memory_space<hbm>>
      %dma_start3A_60 = tpu.memref_squeeze %dma_start3A_59 : memref<1x4x1x8x128xf32, #tpu.memory_space<hbm>> -> memref<4x8x128xf32, #tpu.memory_space<hbm>>
      tpu.enqueue_dma source(%arg12 : memref<4x8x128xf32, #tpu.memory_space<vmem>>) target(%dma_start3A_60 : memref<4x8x128xf32, #tpu.memory_space<hbm>>) target_semaphore(%arg20 : memref<!tpu.dma_semaphore, #tpu.memory_space<semaphore_mem>>)
      %mul3A_61 = arith.constant 4 : i32
      %mul3A_62 = arith.muli %scan3A_37, %mul3A_61 : i32
      %add3A_63 = arith.constant 1 : i32
      %add3A_64 = arith.addi %mul3A_62, %add3A_63 : i32
      %dma_wait3A_65 = arith.constant 0 : i32
      %dma_wait3A_66 = arith.constant 0 : i32
      %dma_wait3A_67 = arith.constant 0 : i32
      %dma_wait3A_68 = tpu.memref_slice %arg6[%dma_wait3A_65, %dma_wait3A_66, %dma_wait3A_67] : memref<25x8x128xi32, #tpu.memory_space<vmem>> -> memref<1x1x128xi32, #tpu.memory_space<vmem>>
      %dma_wait3A_69 = tpu.memref_squeeze %dma_wait3A_68 : memref<1x1x128xi32, #tpu.memory_space<vmem>> -> memref<128xi32, #tpu.memory_space<vmem>>
      %dma_wait3A_70 = arith.constant 0 : i32
      %dma_wait3A_71 = arith.constant 0 : i32
      %dma_wait3A_72 = tpu.memref_slice %arg3[%dma_wait3A_70, %dma_wait3A_71] : memref<1000000x32xf32, #tpu.memory_space<hbm>> -> memref<1000000x32xf32, #tpu.memory_space<hbm>>
      tpu.wait_indirect_dma semaphore(%arg17 : memref<!tpu.dma_semaphore, #tpu.memory_space<semaphore_mem>>) src(%dma_wait3A_72 : memref<1000000x32xf32, #tpu.memory_space<hbm>>) dst(%arg9 : memref<128x32xf32, #tpu.memory_space<vmem>>)
      %parallel_loop3A_73 = arith.constant 0 : i32
      %parallel_loop3A_74 = arith.constant 32 : i32
      %parallel_loop3A_75 = arith.constant 1 : i32
      scf.for %parallel_loop3A_197 = %parallel_loop3A_73 to %parallel_loop3A_74 step %parallel_loop3A_75  : i32 {
        %parallel_loop3A_198 = arith.constant 0 : i32
        %parallel_loop3A_199 = vector.broadcast %parallel_loop3A_198 : i32 to vector<16xi32>
        %parallel_loop3A_200 = arith.muli %iota3A, %parallel_loop3A_199 : vector<16xi32>
        %parallel_loop3A_201 = vector.broadcast %parallel_loop3A_197 : i32 to vector<16xi32>
        %parallel_loop3A_202 = arith.addi %parallel_loop3A_200, %parallel_loop3A_201 : vector<16xi32>
        %parallel_loop3A_203 = arith.constant 0 : i32
        %parallel_loop3A_204 = vector.broadcast %parallel_loop3A_203 : i32 to vector<16xi32>
        %parallel_loop3A_205 = arith.muli %iota3A, %parallel_loop3A_204 : vector<16xi32>
        %parallel_loop3A_206 = vector.broadcast %add3A_64 : i32 to vector<16xi32>
        %parallel_loop3A_207 = arith.addi %parallel_loop3A_205, %parallel_loop3A_206 : vector<16xi32>
        %parallel_loop3A_208 = tpu.vector_load_idx %arg7[%parallel_loop3A_207, %parallel_loop3A_202] : memref<200x32xf32, #tpu.memory_space<vmem>>[vector<16xi32>, vector<16xi32>], vector<16xf32>,
        %parallel_loop3A_209 = arith.constant 0 : i32
        %parallel_loop3A_210 = vector.broadcast %parallel_loop3A_209 : i32 to vector<16xi32>
        %parallel_loop3A_211 = arith.addi %iota3A, %parallel_loop3A_210 : vector<16xi32>
        %parallel_loop3A_212 = tpu.vector_load_idx %arg9[%parallel_loop3A_211, %parallel_loop3A_202] : memref<128x32xf32, #tpu.memory_space<vmem>>[vector<16xi32>, vector<16xi32>], vector<16xf32>,
        %parallel_loop3A_213 = arith.addf %parallel_loop3A_212, %parallel_loop3A_208 : vector<16xf32>
        %parallel_loop3A_214 = arith.constant 8 : i32
        %parallel_loop3A_215 = arith.divsi %parallel_loop3A_197, %parallel_loop3A_214 : i32
        %parallel_loop3A_216 = arith.constant 0 : i32
        %parallel_loop3A_217 = arith.cmpi sgt, %parallel_loop3A_197, %parallel_loop3A_216 : i32
        %parallel_loop3A_218 = arith.extui %parallel_loop3A_217 : i1 to i32
        %parallel_loop3A_219 = arith.constant 0 : i32
        %parallel_loop3A_220 = arith.cmpi slt, %parallel_loop3A_197, %parallel_loop3A_219 : i32
        %parallel_loop3A_221 = arith.extui %parallel_loop3A_220 : i1 to i32
        %parallel_loop3A_222 = arith.subi %parallel_loop3A_218, %parallel_loop3A_221 : i32
        %parallel_loop3A_223 = arith.constant 0 : i32
        %parallel_loop3A_224 = arith.cmpi sgt, %parallel_loop3A_214, %parallel_loop3A_223 : i32
        %parallel_loop3A_225 = arith.extui %parallel_loop3A_224 : i1 to i32
        %parallel_loop3A_226 = arith.constant 0 : i32
        %parallel_loop3A_227 = arith.cmpi slt, %parallel_loop3A_214, %parallel_loop3A_226 : i32
        %parallel_loop3A_228 = arith.extui %parallel_loop3A_227 : i1 to i32
        %parallel_loop3A_229 = arith.subi %parallel_loop3A_225, %parallel_loop3A_228 : i32
        %parallel_loop3A_230 = arith.cmpi ne, %parallel_loop3A_222, %parallel_loop3A_229 : i32
        %parallel_loop3A_231 = arith.remsi %parallel_loop3A_197, %parallel_loop3A_214 : i32
        %parallel_loop3A_232 = arith.constant 0 : i32
        %parallel_loop3A_233 = arith.cmpi ne, %parallel_loop3A_231, %parallel_loop3A_232 : i32
        %parallel_loop3A_234 = arith.andi %parallel_loop3A_230, %parallel_loop3A_233 : i1
        %parallel_loop3A_235 = arith.constant 1 : i32
        %parallel_loop3A_236 = arith.subi %parallel_loop3A_215, %parallel_loop3A_235 : i32
        %parallel_loop3A_237 = arith.select %parallel_loop3A_234, %parallel_loop3A_236, %parallel_loop3A_215 : i32
        %parallel_loop3A_238 = arith.constant 8 : i32
        %parallel_loop3A_239 = arith.constant 0 : i32
        %parallel_loop3A_240 = arith.cmpi eq, %parallel_loop3A_238, %parallel_loop3A_239 : i32
        %parallel_loop3A_241 = arith.constant 1 : i32
        %parallel_loop3A_242 = arith.select %parallel_loop3A_240, %parallel_loop3A_241, %parallel_loop3A_238 : i32
        %parallel_loop3A_243 = arith.remsi %parallel_loop3A_197, %parallel_loop3A_242 : i32
        %parallel_loop3A_244 = arith.constant 0 : i32
        %parallel_loop3A_245 = arith.cmpi ne, %parallel_loop3A_243, %parallel_loop3A_244 : i32
        %parallel_loop3A_246 = arith.constant 0 : i32
        %parallel_loop3A_247 = arith.cmpi slt, %parallel_loop3A_243, %parallel_loop3A_246 : i32
        %parallel_loop3A_248 = arith.constant 0 : i32
        %parallel_loop3A_249 = arith.cmpi slt, %parallel_loop3A_242, %parallel_loop3A_248 : i32
        %parallel_loop3A_250 = arith.xori %parallel_loop3A_247, %parallel_loop3A_249 : i1
        %parallel_loop3A_251 = arith.andi %parallel_loop3A_250, %parallel_loop3A_245 : i1
        %parallel_loop3A_252 = arith.addi %parallel_loop3A_243, %parallel_loop3A_242 : i32
        %parallel_loop3A_253 = arith.select %parallel_loop3A_251, %parallel_loop3A_252, %parallel_loop3A_243 : i32
        %parallel_loop3A_254 = arith.index_cast %parallel_loop3A_237 : i32 to index
        %parallel_loop3A_255 = arith.index_cast %parallel_loop3A_253 : i32 to index
        %parallel_loop3A_256 = arith.constant 0 : index
        %parallel_loop3A_257 = tpu.vector_load %arg13[%parallel_loop3A_254, %parallel_loop3A_255, %parallel_loop3A_256] {strides = array<i32>} : memref<4x8x128xf32, #tpu.memory_space<vmem>>, vector<16xf32>,
        tpu.vector_store %arg13[%parallel_loop3A_254, %parallel_loop3A_255, %parallel_loop3A_256], %parallel_loop3A_213 {strides = array<i32>} : memref<4x8x128xf32, #tpu.memory_space<vmem>>, vector<16xf32>,
        %parallel_loop3A_258 = arith.constant 16 : i32
        %parallel_loop3A_259 = vector.broadcast %parallel_loop3A_258 : i32 to vector<16xi32>
        %parallel_loop3A_260 = arith.addi %iota3A, %parallel_loop3A_259 : vector<16xi32>
        %parallel_loop3A_261 = tpu.vector_load_idx %arg9[%parallel_loop3A_260, %parallel_loop3A_202] : memref<128x32xf32, #tpu.memory_space<vmem>>[vector<16xi32>, vector<16xi32>], vector<16xf32>,
        %parallel_loop3A_262 = arith.addf %parallel_loop3A_261, %parallel_loop3A_208 : vector<16xf32>
        %parallel_loop3A_263 = arith.constant 8 : i32
        %parallel_loop3A_264 = arith.divsi %parallel_loop3A_197, %parallel_loop3A_263 : i32
        %parallel_loop3A_265 = arith.constant 0 : i32
        %parallel_loop3A_266 = arith.cmpi sgt, %parallel_loop3A_197, %parallel_loop3A_265 : i32
        %parallel_loop3A_267 = arith.extui %parallel_loop3A_266 : i1 to i32
        %parallel_loop3A_268 = arith.constant 0 : i32
        %parallel_loop3A_269 = arith.cmpi slt, %parallel_loop3A_197, %parallel_loop3A_268 : i32
        %parallel_loop3A_270 = arith.extui %parallel_loop3A_269 : i1 to i32
        %parallel_loop3A_271 = arith.subi %parallel_loop3A_267, %parallel_loop3A_270 : i32
        %parallel_loop3A_272 = arith.constant 0 : i32
        %parallel_loop3A_273 = arith.cmpi sgt, %parallel_loop3A_263, %parallel_loop3A_272 : i32
        %parallel_loop3A_274 = arith.extui %parallel_loop3A_273 : i1 to i32
        %parallel_loop3A_275 = arith.constant 0 : i32
        %parallel_loop3A_276 = arith.cmpi slt, %parallel_loop3A_263, %parallel_loop3A_275 : i32
        %parallel_loop3A_277 = arith.extui %parallel_loop3A_276 : i1 to i32
        %parallel_loop3A_278 = arith.subi %parallel_loop3A_274, %parallel_loop3A_277 : i32
        %parallel_loop3A_279 = arith.cmpi ne, %parallel_loop3A_271, %parallel_loop3A_278 : i32
        %parallel_loop3A_280 = arith.remsi %parallel_loop3A_197, %parallel_loop3A_263 : i32
        %parallel_loop3A_281 = arith.constant 0 : i32
        %parallel_loop3A_282 = arith.cmpi ne, %parallel_loop3A_280, %parallel_loop3A_281 : i32
        %parallel_loop3A_283 = arith.andi %parallel_loop3A_279, %parallel_loop3A_282 : i1
        %parallel_loop3A_284 = arith.constant 1 : i32
        %parallel_loop3A_285 = arith.subi %parallel_loop3A_264, %parallel_loop3A_284 : i32
        %parallel_loop3A_286 = arith.select %parallel_loop3A_283, %parallel_loop3A_285, %parallel_loop3A_264 : i32
        %parallel_loop3A_287 = arith.constant 8 : i32
        %parallel_loop3A_288 = arith.constant 0 : i32
        %parallel_loop3A_289 = arith.cmpi eq, %parallel_loop3A_287, %parallel_loop3A_288 : i32
        %parallel_loop3A_290 = arith.constant 1 : i32
        %parallel_loop3A_291 = arith.select %parallel_loop3A_289, %parallel_loop3A_290, %parallel_loop3A_287 : i32
        %parallel_loop3A_292 = arith.remsi %parallel_loop3A_197, %parallel_loop3A_291 : i32
        %parallel_loop3A_293 = arith.constant 0 : i32
        %parallel_loop3A_294 = arith.cmpi ne, %parallel_loop3A_292, %parallel_loop3A_293 : i32
        %parallel_loop3A_295 = arith.constant 0 : i32
        %parallel_loop3A_296 = arith.cmpi slt, %parallel_loop3A_292, %parallel_loop3A_295 : i32
        %parallel_loop3A_297 = arith.constant 0 : i32
        %parallel_loop3A_298 = arith.cmpi slt, %parallel_loop3A_291, %parallel_loop3A_297 : i32
        %parallel_loop3A_299 = arith.xori %parallel_loop3A_296, %parallel_loop3A_298 : i1
        %parallel_loop3A_300 = arith.andi %parallel_loop3A_299, %parallel_loop3A_294 : i1
        %parallel_loop3A_301 = arith.addi %parallel_loop3A_292, %parallel_loop3A_291 : i32
        %parallel_loop3A_302 = arith.select %parallel_loop3A_300, %parallel_loop3A_301, %parallel_loop3A_292 : i32
        %parallel_loop3A_303 = arith.index_cast %parallel_loop3A_286 : i32 to index
        %parallel_loop3A_304 = arith.index_cast %parallel_loop3A_302 : i32 to index
        %parallel_loop3A_305 = arith.constant 16 : index
        %parallel_loop3A_306 = tpu.vector_load %arg13[%parallel_loop3A_303, %parallel_loop3A_304, %parallel_loop3A_305] {strides = array<i32>} : memref<4x8x128xf32, #tpu.memory_space<vmem>>, vector<16xf32>,
        tpu.vector_store %arg13[%parallel_loop3A_303, %parallel_loop3A_304, %parallel_loop3A_305], %parallel_loop3A_262 {strides = array<i32>} : memref<4x8x128xf32, #tpu.memory_space<vmem>>, vector<16xf32>,
        %parallel_loop3A_307 = arith.constant 32 : i32
        %parallel_loop3A_308 = vector.broadcast %parallel_loop3A_307 : i32 to vector<16xi32>
        %parallel_loop3A_309 = arith.addi %iota3A, %parallel_loop3A_308 : vector<16xi32>
        %parallel_loop3A_310 = tpu.vector_load_idx %arg9[%parallel_loop3A_309, %parallel_loop3A_202] : memref<128x32xf32, #tpu.memory_space<vmem>>[vector<16xi32>, vector<16xi32>], vector<16xf32>,
        %parallel_loop3A_311 = arith.addf %parallel_loop3A_310, %parallel_loop3A_208 : vector<16xf32>
        %parallel_loop3A_312 = arith.constant 8 : i32
        %parallel_loop3A_313 = arith.divsi %parallel_loop3A_197, %parallel_loop3A_312 : i32
        %parallel_loop3A_314 = arith.constant 0 : i32
        %parallel_loop3A_315 = arith.cmpi sgt, %parallel_loop3A_197, %parallel_loop3A_314 : i32
        %parallel_loop3A_316 = arith.extui %parallel_loop3A_315 : i1 to i32
        %parallel_loop3A_317 = arith.constant 0 : i32
        %parallel_loop3A_318 = arith.cmpi slt, %parallel_loop3A_197, %parallel_loop3A_317 : i32
        %parallel_loop3A_319 = arith.extui %parallel_loop3A_318 : i1 to i32
        %parallel_loop3A_320 = arith.subi %parallel_loop3A_316, %parallel_loop3A_319 : i32
        %parallel_loop3A_321 = arith.constant 0 : i32
        %parallel_loop3A_322 = arith.cmpi sgt, %parallel_loop3A_312, %parallel_loop3A_321 : i32
        %parallel_loop3A_323 = arith.extui %parallel_loop3A_322 : i1 to i32
        %parallel_loop3A_324 = arith.constant 0 : i32
        %parallel_loop3A_325 = arith.cmpi slt, %parallel_loop3A_312, %parallel_loop3A_324 : i32
        %parallel_loop3A_326 = arith.extui %parallel_loop3A_325 : i1 to i32
        %parallel_loop3A_327 = arith.subi %parallel_loop3A_323, %parallel_loop3A_326 : i32
        %parallel_loop3A_328 = arith.cmpi ne, %parallel_loop3A_320, %parallel_loop3A_327 : i32
        %parallel_loop3A_329 = arith.remsi %parallel_loop3A_197, %parallel_loop3A_312 : i32
        %parallel_loop3A_330 = arith.constant 0 : i32
        %parallel_loop3A_331 = arith.cmpi ne, %parallel_loop3A_329, %parallel_loop3A_330 : i32
        %parallel_loop3A_332 = arith.andi %parallel_loop3A_328, %parallel_loop3A_331 : i1
        %parallel_loop3A_333 = arith.constant 1 : i32
        %parallel_loop3A_334 = arith.subi %parallel_loop3A_313, %parallel_loop3A_333 : i32
        %parallel_loop3A_335 = arith.select %parallel_loop3A_332, %parallel_loop3A_334, %parallel_loop3A_313 : i32
        %parallel_loop3A_336 = arith.constant 8 : i32
        %parallel_loop3A_337 = arith.constant 0 : i32
        %parallel_loop3A_338 = arith.cmpi eq, %parallel_loop3A_336, %parallel_loop3A_337 : i32
        %parallel_loop3A_339 = arith.constant 1 : i32
        %parallel_loop3A_340 = arith.select %parallel_loop3A_338, %parallel_loop3A_339, %parallel_loop3A_336 : i32
        %parallel_loop3A_341 = arith.remsi %parallel_loop3A_197, %parallel_loop3A_340 : i32
        %parallel_loop3A_342 = arith.constant 0 : i32
        %parallel_loop3A_343 = arith.cmpi ne, %parallel_loop3A_341, %parallel_loop3A_342 : i32
        %parallel_loop3A_344 = arith.constant 0 : i32
        %parallel_loop3A_345 = arith.cmpi slt, %parallel_loop3A_341, %parallel_loop3A_344 : i32
        %parallel_loop3A_346 = arith.constant 0 : i32
        %parallel_loop3A_347 = arith.cmpi slt, %parallel_loop3A_340, %parallel_loop3A_346 : i32
        %parallel_loop3A_348 = arith.xori %parallel_loop3A_345, %parallel_loop3A_347 : i1
        %parallel_loop3A_349 = arith.andi %parallel_loop3A_348, %parallel_loop3A_343 : i1
        %parallel_loop3A_350 = arith.addi %parallel_loop3A_341, %parallel_loop3A_340 : i32
        %parallel_loop3A_351 = arith.select %parallel_loop3A_349, %parallel_loop3A_350, %parallel_loop3A_341 : i32
        %parallel_loop3A_352 = arith.index_cast %parallel_loop3A_335 : i32 to index
        %parallel_loop3A_353 = arith.index_cast %parallel_loop3A_351 : i32 to index
        %parallel_loop3A_354 = arith.constant 32 : index
        %parallel_loop3A_355 = tpu.vector_load %arg13[%parallel_loop3A_352, %parallel_loop3A_353, %parallel_loop3A_354] {strides = array<i32>} : memref<4x8x128xf32, #tpu.memory_space<vmem>>, vector<16xf32>,
        tpu.vector_store %arg13[%parallel_loop3A_352, %parallel_loop3A_353, %parallel_loop3A_354], %parallel_loop3A_311 {strides = array<i32>} : memref<4x8x128xf32, #tpu.memory_space<vmem>>, vector<16xf32>,
        %parallel_loop3A_356 = arith.constant 48 : i32
        %parallel_loop3A_357 = vector.broadcast %parallel_loop3A_356 : i32 to vector<16xi32>
        %parallel_loop3A_358 = arith.addi %iota3A, %parallel_loop3A_357 : vector<16xi32>
        %parallel_loop3A_359 = tpu.vector_load_idx %arg9[%parallel_loop3A_358, %parallel_loop3A_202] : memref<128x32xf32, #tpu.memory_space<vmem>>[vector<16xi32>, vector<16xi32>], vector<16xf32>,
        %parallel_loop3A_360 = arith.addf %parallel_loop3A_359, %parallel_loop3A_208 : vector<16xf32>
        %parallel_loop3A_361 = arith.constant 8 : i32
        %parallel_loop3A_362 = arith.divsi %parallel_loop3A_197, %parallel_loop3A_361 : i32
        %parallel_loop3A_363 = arith.constant 0 : i32
        %parallel_loop3A_364 = arith.cmpi sgt, %parallel_loop3A_197, %parallel_loop3A_363 : i32
        %parallel_loop3A_365 = arith.extui %parallel_loop3A_364 : i1 to i32
        %parallel_loop3A_366 = arith.constant 0 : i32
        %parallel_loop3A_367 = arith.cmpi slt, %parallel_loop3A_197, %parallel_loop3A_366 : i32
        %parallel_loop3A_368 = arith.extui %parallel_loop3A_367 : i1 to i32
        %parallel_loop3A_369 = arith.subi %parallel_loop3A_365, %parallel_loop3A_368 : i32
        %parallel_loop3A_370 = arith.constant 0 : i32
        %parallel_loop3A_371 = arith.cmpi sgt, %parallel_loop3A_361, %parallel_loop3A_370 : i32
        %parallel_loop3A_372 = arith.extui %parallel_loop3A_371 : i1 to i32
        %parallel_loop3A_373 = arith.constant 0 : i32
        %parallel_loop3A_374 = arith.cmpi slt, %parallel_loop3A_361, %parallel_loop3A_373 : i32
        %parallel_loop3A_375 = arith.extui %parallel_loop3A_374 : i1 to i32
        %parallel_loop3A_376 = arith.subi %parallel_loop3A_372, %parallel_loop3A_375 : i32
        %parallel_loop3A_377 = arith.cmpi ne, %parallel_loop3A_369, %parallel_loop3A_376 : i32
        %parallel_loop3A_378 = arith.remsi %parallel_loop3A_197, %parallel_loop3A_361 : i32
        %parallel_loop3A_379 = arith.constant 0 : i32
        %parallel_loop3A_380 = arith.cmpi ne, %parallel_loop3A_378, %parallel_loop3A_379 : i32
        %parallel_loop3A_381 = arith.andi %parallel_loop3A_377, %parallel_loop3A_380 : i1
        %parallel_loop3A_382 = arith.constant 1 : i32
        %parallel_loop3A_383 = arith.subi %parallel_loop3A_362, %parallel_loop3A_382 : i32
        %parallel_loop3A_384 = arith.select %parallel_loop3A_381, %parallel_loop3A_383, %parallel_loop3A_362 : i32
        %parallel_loop3A_385 = arith.constant 8 : i32
        %parallel_loop3A_386 = arith.constant 0 : i32
        %parallel_loop3A_387 = arith.cmpi eq, %parallel_loop3A_385, %parallel_loop3A_386 : i32
        %parallel_loop3A_388 = arith.constant 1 : i32
        %parallel_loop3A_389 = arith.select %parallel_loop3A_387, %parallel_loop3A_388, %parallel_loop3A_385 : i32
        %parallel_loop3A_390 = arith.remsi %parallel_loop3A_197, %parallel_loop3A_389 : i32
        %parallel_loop3A_391 = arith.constant 0 : i32
        %parallel_loop3A_392 = arith.cmpi ne, %parallel_loop3A_390, %parallel_loop3A_391 : i32
        %parallel_loop3A_393 = arith.constant 0 : i32
        %parallel_loop3A_394 = arith.cmpi slt, %parallel_loop3A_390, %parallel_loop3A_393 : i32
        %parallel_loop3A_395 = arith.constant 0 : i32
        %parallel_loop3A_396 = arith.cmpi slt, %parallel_loop3A_389, %parallel_loop3A_395 : i32
        %parallel_loop3A_397 = arith.xori %parallel_loop3A_394, %parallel_loop3A_396 : i1
        %parallel_loop3A_398 = arith.andi %parallel_loop3A_397, %parallel_loop3A_392 : i1
        %parallel_loop3A_399 = arith.addi %parallel_loop3A_390, %parallel_loop3A_389 : i32
        %parallel_loop3A_400 = arith.select %parallel_loop3A_398, %parallel_loop3A_399, %parallel_loop3A_390 : i32
        %parallel_loop3A_401 = arith.index_cast %parallel_loop3A_384 : i32 to index
        %parallel_loop3A_402 = arith.index_cast %parallel_loop3A_400 : i32 to index
        %parallel_loop3A_403 = arith.constant 48 : index
        %parallel_loop3A_404 = tpu.vector_load %arg13[%parallel_loop3A_401, %parallel_loop3A_402, %parallel_loop3A_403] {strides = array<i32>} : memref<4x8x128xf32, #tpu.memory_space<vmem>>, vector<16xf32>,
        tpu.vector_store %arg13[%parallel_loop3A_401, %parallel_loop3A_402, %parallel_loop3A_403], %parallel_loop3A_360 {strides = array<i32>} : memref<4x8x128xf32, #tpu.memory_space<vmem>>, vector<16xf32>,
        %parallel_loop3A_405 = arith.constant 64 : i32
        %parallel_loop3A_406 = vector.broadcast %parallel_loop3A_405 : i32 to vector<16xi32>
        %parallel_loop3A_407 = arith.addi %iota3A, %parallel_loop3A_406 : vector<16xi32>
        %parallel_loop3A_408 = tpu.vector_load_idx %arg9[%parallel_loop3A_407, %parallel_loop3A_202] : memref<128x32xf32, #tpu.memory_space<vmem>>[vector<16xi32>, vector<16xi32>], vector<16xf32>,
        %parallel_loop3A_409 = arith.addf %parallel_loop3A_408, %parallel_loop3A_208 : vector<16xf32>
        %parallel_loop3A_410 = arith.constant 8 : i32
        %parallel_loop3A_411 = arith.divsi %parallel_loop3A_197, %parallel_loop3A_410 : i32
        %parallel_loop3A_412 = arith.constant 0 : i32
        %parallel_loop3A_413 = arith.cmpi sgt, %parallel_loop3A_197, %parallel_loop3A_412 : i32
        %parallel_loop3A_414 = arith.extui %parallel_loop3A_413 : i1 to i32
        %parallel_loop3A_415 = arith.constant 0 : i32
        %parallel_loop3A_416 = arith.cmpi slt, %parallel_loop3A_197, %parallel_loop3A_415 : i32
        %parallel_loop3A_417 = arith.extui %parallel_loop3A_416 : i1 to i32
        %parallel_loop3A_418 = arith.subi %parallel_loop3A_414, %parallel_loop3A_417 : i32
        %parallel_loop3A_419 = arith.constant 0 : i32
        %parallel_loop3A_420 = arith.cmpi sgt, %parallel_loop3A_410, %parallel_loop3A_419 : i32
        %parallel_loop3A_421 = arith.extui %parallel_loop3A_420 : i1 to i32
        %parallel_loop3A_422 = arith.constant 0 : i32
        %parallel_loop3A_423 = arith.cmpi slt, %parallel_loop3A_410, %parallel_loop3A_422 : i32
        %parallel_loop3A_424 = arith.extui %parallel_loop3A_423 : i1 to i32
        %parallel_loop3A_425 = arith.subi %parallel_loop3A_421, %parallel_loop3A_424 : i32
        %parallel_loop3A_426 = arith.cmpi ne, %parallel_loop3A_418, %parallel_loop3A_425 : i32
        %parallel_loop3A_427 = arith.remsi %parallel_loop3A_197, %parallel_loop3A_410 : i32
        %parallel_loop3A_428 = arith.constant 0 : i32
        %parallel_loop3A_429 = arith.cmpi ne, %parallel_loop3A_427, %parallel_loop3A_428 : i32
        %parallel_loop3A_430 = arith.andi %parallel_loop3A_426, %parallel_loop3A_429 : i1
        %parallel_loop3A_431 = arith.constant 1 : i32
        %parallel_loop3A_432 = arith.subi %parallel_loop3A_411, %parallel_loop3A_431 : i32
        %parallel_loop3A_433 = arith.select %parallel_loop3A_430, %parallel_loop3A_432, %parallel_loop3A_411 : i32
        %parallel_loop3A_434 = arith.constant 8 : i32
        %parallel_loop3A_435 = arith.constant 0 : i32
        %parallel_loop3A_436 = arith.cmpi eq, %parallel_loop3A_434, %parallel_loop3A_435 : i32
        %parallel_loop3A_437 = arith.constant 1 : i32
        %parallel_loop3A_438 = arith.select %parallel_loop3A_436, %parallel_loop3A_437, %parallel_loop3A_434 : i32
        %parallel_loop3A_439 = arith.remsi %parallel_loop3A_197, %parallel_loop3A_438 : i32
        %parallel_loop3A_440 = arith.constant 0 : i32
        %parallel_loop3A_441 = arith.cmpi ne, %parallel_loop3A_439, %parallel_loop3A_440 : i32
        %parallel_loop3A_442 = arith.constant 0 : i32
        %parallel_loop3A_443 = arith.cmpi slt, %parallel_loop3A_439, %parallel_loop3A_442 : i32
        %parallel_loop3A_444 = arith.constant 0 : i32
        %parallel_loop3A_445 = arith.cmpi slt, %parallel_loop3A_438, %parallel_loop3A_444 : i32
        %parallel_loop3A_446 = arith.xori %parallel_loop3A_443, %parallel_loop3A_445 : i1
        %parallel_loop3A_447 = arith.andi %parallel_loop3A_446, %parallel_loop3A_441 : i1
        %parallel_loop3A_448 = arith.addi %parallel_loop3A_439, %parallel_loop3A_438 : i32
        %parallel_loop3A_449 = arith.select %parallel_loop3A_447, %parallel_loop3A_448, %parallel_loop3A_439 : i32
        %parallel_loop3A_450 = arith.index_cast %parallel_loop3A_433 : i32 to index
        %parallel_loop3A_451 = arith.index_cast %parallel_loop3A_449 : i32 to index
        %parallel_loop3A_452 = arith.constant 64 : index
        %parallel_loop3A_453 = tpu.vector_load %arg13[%parallel_loop3A_450, %parallel_loop3A_451, %parallel_loop3A_452] {strides = array<i32>} : memref<4x8x128xf32, #tpu.memory_space<vmem>>, vector<16xf32>,
        tpu.vector_store %arg13[%parallel_loop3A_450, %parallel_loop3A_451, %parallel_loop3A_452], %parallel_loop3A_409 {strides = array<i32>} : memref<4x8x128xf32, #tpu.memory_space<vmem>>, vector<16xf32>,
        %parallel_loop3A_454 = arith.constant 80 : i32
        %parallel_loop3A_455 = vector.broadcast %parallel_loop3A_454 : i32 to vector<16xi32>
        %parallel_loop3A_456 = arith.addi %iota3A, %parallel_loop3A_455 : vector<16xi32>
        %parallel_loop3A_457 = tpu.vector_load_idx %arg9[%parallel_loop3A_456, %parallel_loop3A_202] : memref<128x32xf32, #tpu.memory_space<vmem>>[vector<16xi32>, vector<16xi32>], vector<16xf32>,
        %parallel_loop3A_458 = arith.addf %parallel_loop3A_457, %parallel_loop3A_208 : vector<16xf32>
        %parallel_loop3A_459 = arith.constant 8 : i32
        %parallel_loop3A_460 = arith.divsi %parallel_loop3A_197, %parallel_loop3A_459 : i32
        %parallel_loop3A_461 = arith.constant 0 : i32
        %parallel_loop3A_462 = arith.cmpi sgt, %parallel_loop3A_197, %parallel_loop3A_461 : i32
        %parallel_loop3A_463 = arith.extui %parallel_loop3A_462 : i1 to i32
        %parallel_loop3A_464 = arith.constant 0 : i32
        %parallel_loop3A_465 = arith.cmpi slt, %parallel_loop3A_197, %parallel_loop3A_464 : i32
        %parallel_loop3A_466 = arith.extui %parallel_loop3A_465 : i1 to i32
        %parallel_loop3A_467 = arith.subi %parallel_loop3A_463, %parallel_loop3A_466 : i32
        %parallel_loop3A_468 = arith.constant 0 : i32
        %parallel_loop3A_469 = arith.cmpi sgt, %parallel_loop3A_459, %parallel_loop3A_468 : i32
        %parallel_loop3A_470 = arith.extui %parallel_loop3A_469 : i1 to i32
        %parallel_loop3A_471 = arith.constant 0 : i32
        %parallel_loop3A_472 = arith.cmpi slt, %parallel_loop3A_459, %parallel_loop3A_471 : i32
        %parallel_loop3A_473 = arith.extui %parallel_loop3A_472 : i1 to i32
        %parallel_loop3A_474 = arith.subi %parallel_loop3A_470, %parallel_loop3A_473 : i32
        %parallel_loop3A_475 = arith.cmpi ne, %parallel_loop3A_467, %parallel_loop3A_474 : i32
        %parallel_loop3A_476 = arith.remsi %parallel_loop3A_197, %parallel_loop3A_459 : i32
        %parallel_loop3A_477 = arith.constant 0 : i32
        %parallel_loop3A_478 = arith.cmpi ne, %parallel_loop3A_476, %parallel_loop3A_477 : i32
        %parallel_loop3A_479 = arith.andi %parallel_loop3A_475, %parallel_loop3A_478 : i1
        %parallel_loop3A_480 = arith.constant 1 : i32
        %parallel_loop3A_481 = arith.subi %parallel_loop3A_460, %parallel_loop3A_480 : i32
        %parallel_loop3A_482 = arith.select %parallel_loop3A_479, %parallel_loop3A_481, %parallel_loop3A_460 : i32
        %parallel_loop3A_483 = arith.constant 8 : i32
        %parallel_loop3A_484 = arith.constant 0 : i32
        %parallel_loop3A_485 = arith.cmpi eq, %parallel_loop3A_483, %parallel_loop3A_484 : i32
        %parallel_loop3A_486 = arith.constant 1 : i32
        %parallel_loop3A_487 = arith.select %parallel_loop3A_485, %parallel_loop3A_486, %parallel_loop3A_483 : i32
        %parallel_loop3A_488 = arith.remsi %parallel_loop3A_197, %parallel_loop3A_487 : i32
        %parallel_loop3A_489 = arith.constant 0 : i32
        %parallel_loop3A_490 = arith.cmpi ne, %parallel_loop3A_488, %parallel_loop3A_489 : i32
        %parallel_loop3A_491 = arith.constant 0 : i32
        %parallel_loop3A_492 = arith.cmpi slt, %parallel_loop3A_488, %parallel_loop3A_491 : i32
        %parallel_loop3A_493 = arith.constant 0 : i32
        %parallel_loop3A_494 = arith.cmpi slt, %parallel_loop3A_487, %parallel_loop3A_493 : i32
        %parallel_loop3A_495 = arith.xori %parallel_loop3A_492, %parallel_loop3A_494 : i1
        %parallel_loop3A_496 = arith.andi %parallel_loop3A_495, %parallel_loop3A_490 : i1
        %parallel_loop3A_497 = arith.addi %parallel_loop3A_488, %parallel_loop3A_487 : i32
        %parallel_loop3A_498 = arith.select %parallel_loop3A_496, %parallel_loop3A_497, %parallel_loop3A_488 : i32
        %parallel_loop3A_499 = arith.index_cast %parallel_loop3A_482 : i32 to index
        %parallel_loop3A_500 = arith.index_cast %parallel_loop3A_498 : i32 to index
        %parallel_loop3A_501 = arith.constant 80 : index
        %parallel_loop3A_502 = tpu.vector_load %arg13[%parallel_loop3A_499, %parallel_loop3A_500, %parallel_loop3A_501] {strides = array<i32>} : memref<4x8x128xf32, #tpu.memory_space<vmem>>, vector<16xf32>,
        tpu.vector_store %arg13[%parallel_loop3A_499, %parallel_loop3A_500, %parallel_loop3A_501], %parallel_loop3A_458 {strides = array<i32>} : memref<4x8x128xf32, #tpu.memory_space<vmem>>, vector<16xf32>,
        %parallel_loop3A_503 = arith.constant 96 : i32
        %parallel_loop3A_504 = vector.broadcast %parallel_loop3A_503 : i32 to vector<16xi32>
        %parallel_loop3A_505 = arith.addi %iota3A, %parallel_loop3A_504 : vector<16xi32>
        %parallel_loop3A_506 = tpu.vector_load_idx %arg9[%parallel_loop3A_505, %parallel_loop3A_202] : memref<128x32xf32, #tpu.memory_space<vmem>>[vector<16xi32>, vector<16xi32>], vector<16xf32>,
        %parallel_loop3A_507 = arith.addf %parallel_loop3A_506, %parallel_loop3A_208 : vector<16xf32>
        %parallel_loop3A_508 = arith.constant 8 : i32
        %parallel_loop3A_509 = arith.divsi %parallel_loop3A_197, %parallel_loop3A_508 : i32
        %parallel_loop3A_510 = arith.constant 0 : i32
        %parallel_loop3A_511 = arith.cmpi sgt, %parallel_loop3A_197, %parallel_loop3A_510 : i32
        %parallel_loop3A_512 = arith.extui %parallel_loop3A_511 : i1 to i32
        %parallel_loop3A_513 = arith.constant 0 : i32
        %parallel_loop3A_514 = arith.cmpi slt, %parallel_loop3A_197, %parallel_loop3A_513 : i32
        %parallel_loop3A_515 = arith.extui %parallel_loop3A_514 : i1 to i32
        %parallel_loop3A_516 = arith.subi %parallel_loop3A_512, %parallel_loop3A_515 : i32
        %parallel_loop3A_517 = arith.constant 0 : i32
        %parallel_loop3A_518 = arith.cmpi sgt, %parallel_loop3A_508, %parallel_loop3A_517 : i32
        %parallel_loop3A_519 = arith.extui %parallel_loop3A_518 : i1 to i32
        %parallel_loop3A_520 = arith.constant 0 : i32
        %parallel_loop3A_521 = arith.cmpi slt, %parallel_loop3A_508, %parallel_loop3A_520 : i32
        %parallel_loop3A_522 = arith.extui %parallel_loop3A_521 : i1 to i32
        %parallel_loop3A_523 = arith.subi %parallel_loop3A_519, %parallel_loop3A_522 : i32
        %parallel_loop3A_524 = arith.cmpi ne, %parallel_loop3A_516, %parallel_loop3A_523 : i32
        %parallel_loop3A_525 = arith.remsi %parallel_loop3A_197, %parallel_loop3A_508 : i32
        %parallel_loop3A_526 = arith.constant 0 : i32
        %parallel_loop3A_527 = arith.cmpi ne, %parallel_loop3A_525, %parallel_loop3A_526 : i32
        %parallel_loop3A_528 = arith.andi %parallel_loop3A_524, %parallel_loop3A_527 : i1
        %parallel_loop3A_529 = arith.constant 1 : i32
        %parallel_loop3A_530 = arith.subi %parallel_loop3A_509, %parallel_loop3A_529 : i32
        %parallel_loop3A_531 = arith.select %parallel_loop3A_528, %parallel_loop3A_530, %parallel_loop3A_509 : i32
        %parallel_loop3A_532 = arith.constant 8 : i32
        %parallel_loop3A_533 = arith.constant 0 : i32
        %parallel_loop3A_534 = arith.cmpi eq, %parallel_loop3A_532, %parallel_loop3A_533 : i32
        %parallel_loop3A_535 = arith.constant 1 : i32
        %parallel_loop3A_536 = arith.select %parallel_loop3A_534, %parallel_loop3A_535, %parallel_loop3A_532 : i32
        %parallel_loop3A_537 = arith.remsi %parallel_loop3A_197, %parallel_loop3A_536 : i32
        %parallel_loop3A_538 = arith.constant 0 : i32
        %parallel_loop3A_539 = arith.cmpi ne, %parallel_loop3A_537, %parallel_loop3A_538 : i32
        %parallel_loop3A_540 = arith.constant 0 : i32
        %parallel_loop3A_541 = arith.cmpi slt, %parallel_loop3A_537, %parallel_loop3A_540 : i32
        %parallel_loop3A_542 = arith.constant 0 : i32
        %parallel_loop3A_543 = arith.cmpi slt, %parallel_loop3A_536, %parallel_loop3A_542 : i32
        %parallel_loop3A_544 = arith.xori %parallel_loop3A_541, %parallel_loop3A_543 : i1
        %parallel_loop3A_545 = arith.andi %parallel_loop3A_544, %parallel_loop3A_539 : i1
        %parallel_loop3A_546 = arith.addi %parallel_loop3A_537, %parallel_loop3A_536 : i32
        %parallel_loop3A_547 = arith.select %parallel_loop3A_545, %parallel_loop3A_546, %parallel_loop3A_537 : i32
        %parallel_loop3A_548 = arith.index_cast %parallel_loop3A_531 : i32 to index
        %parallel_loop3A_549 = arith.index_cast %parallel_loop3A_547 : i32 to index
        %parallel_loop3A_550 = arith.constant 96 : index
        %parallel_loop3A_551 = tpu.vector_load %arg13[%parallel_loop3A_548, %parallel_loop3A_549, %parallel_loop3A_550] {strides = array<i32>} : memref<4x8x128xf32, #tpu.memory_space<vmem>>, vector<16xf32>,
        tpu.vector_store %arg13[%parallel_loop3A_548, %parallel_loop3A_549, %parallel_loop3A_550], %parallel_loop3A_507 {strides = array<i32>} : memref<4x8x128xf32, #tpu.memory_space<vmem>>, vector<16xf32>,
        %parallel_loop3A_552 = arith.constant 112 : i32
        %parallel_loop3A_553 = vector.broadcast %parallel_loop3A_552 : i32 to vector<16xi32>
        %parallel_loop3A_554 = arith.addi %iota3A, %parallel_loop3A_553 : vector<16xi32>
        %parallel_loop3A_555 = tpu.vector_load_idx %arg9[%parallel_loop3A_554, %parallel_loop3A_202] : memref<128x32xf32, #tpu.memory_space<vmem>>[vector<16xi32>, vector<16xi32>], vector<16xf32>,
        %parallel_loop3A_556 = arith.addf %parallel_loop3A_555, %parallel_loop3A_208 : vector<16xf32>
        %parallel_loop3A_557 = arith.constant 8 : i32
        %parallel_loop3A_558 = arith.divsi %parallel_loop3A_197, %parallel_loop3A_557 : i32
        %parallel_loop3A_559 = arith.constant 0 : i32
        %parallel_loop3A_560 = arith.cmpi sgt, %parallel_loop3A_197, %parallel_loop3A_559 : i32
        %parallel_loop3A_561 = arith.extui %parallel_loop3A_560 : i1 to i32
        %parallel_loop3A_562 = arith.constant 0 : i32
        %parallel_loop3A_563 = arith.cmpi slt, %parallel_loop3A_197, %parallel_loop3A_562 : i32
        %parallel_loop3A_564 = arith.extui %parallel_loop3A_563 : i1 to i32
        %parallel_loop3A_565 = arith.subi %parallel_loop3A_561, %parallel_loop3A_564 : i32
        %parallel_loop3A_566 = arith.constant 0 : i32
        %parallel_loop3A_567 = arith.cmpi sgt, %parallel_loop3A_557, %parallel_loop3A_566 : i32
        %parallel_loop3A_568 = arith.extui %parallel_loop3A_567 : i1 to i32
        %parallel_loop3A_569 = arith.constant 0 : i32
        %parallel_loop3A_570 = arith.cmpi slt, %parallel_loop3A_557, %parallel_loop3A_569 : i32
        %parallel_loop3A_571 = arith.extui %parallel_loop3A_570 : i1 to i32
        %parallel_loop3A_572 = arith.subi %parallel_loop3A_568, %parallel_loop3A_571 : i32
        %parallel_loop3A_573 = arith.cmpi ne, %parallel_loop3A_565, %parallel_loop3A_572 : i32
        %parallel_loop3A_574 = arith.remsi %parallel_loop3A_197, %parallel_loop3A_557 : i32
        %parallel_loop3A_575 = arith.constant 0 : i32
        %parallel_loop3A_576 = arith.cmpi ne, %parallel_loop3A_574, %parallel_loop3A_575 : i32
        %parallel_loop3A_577 = arith.andi %parallel_loop3A_573, %parallel_loop3A_576 : i1
        %parallel_loop3A_578 = arith.constant 1 : i32
        %parallel_loop3A_579 = arith.subi %parallel_loop3A_558, %parallel_loop3A_578 : i32
        %parallel_loop3A_580 = arith.select %parallel_loop3A_577, %parallel_loop3A_579, %parallel_loop3A_558 : i32
        %parallel_loop3A_581 = arith.constant 8 : i32
        %parallel_loop3A_582 = arith.constant 0 : i32
        %parallel_loop3A_583 = arith.cmpi eq, %parallel_loop3A_581, %parallel_loop3A_582 : i32
        %parallel_loop3A_584 = arith.constant 1 : i32
        %parallel_loop3A_585 = arith.select %parallel_loop3A_583, %parallel_loop3A_584, %parallel_loop3A_581 : i32
        %parallel_loop3A_586 = arith.remsi %parallel_loop3A_197, %parallel_loop3A_585 : i32
        %parallel_loop3A_587 = arith.constant 0 : i32
        %parallel_loop3A_588 = arith.cmpi ne, %parallel_loop3A_586, %parallel_loop3A_587 : i32
        %parallel_loop3A_589 = arith.constant 0 : i32
        %parallel_loop3A_590 = arith.cmpi slt, %parallel_loop3A_586, %parallel_loop3A_589 : i32
        %parallel_loop3A_591 = arith.constant 0 : i32
        %parallel_loop3A_592 = arith.cmpi slt, %parallel_loop3A_585, %parallel_loop3A_591 : i32
        %parallel_loop3A_593 = arith.xori %parallel_loop3A_590, %parallel_loop3A_592 : i1
        %parallel_loop3A_594 = arith.andi %parallel_loop3A_593, %parallel_loop3A_588 : i1
        %parallel_loop3A_595 = arith.addi %parallel_loop3A_586, %parallel_loop3A_585 : i32
        %parallel_loop3A_596 = arith.select %parallel_loop3A_594, %parallel_loop3A_595, %parallel_loop3A_586 : i32
        %parallel_loop3A_597 = arith.index_cast %parallel_loop3A_580 : i32 to index
        %parallel_loop3A_598 = arith.index_cast %parallel_loop3A_596 : i32 to index
        %parallel_loop3A_599 = arith.constant 112 : index
        %parallel_loop3A_600 = tpu.vector_load %arg13[%parallel_loop3A_597, %parallel_loop3A_598, %parallel_loop3A_599] {strides = array<i32>} : memref<4x8x128xf32, #tpu.memory_space<vmem>>, vector<16xf32>,
        tpu.vector_store %arg13[%parallel_loop3A_597, %parallel_loop3A_598, %parallel_loop3A_599], %parallel_loop3A_556 {strides = array<i32>} : memref<4x8x128xf32, #tpu.memory_space<vmem>>, vector<16xf32>,
      } {sc.loop_unroll_factor = 4 : i64, sc.parallel_access}
      %dma_start3A_76 = arith.constant 0 : i32
      %dma_start3A_77 = arith.constant 0 : i32
      %dma_start3A_78 = arith.constant 0 : i32
      %dma_start3A_79 = tpu.memref_slice %arg5[%add3A_64, %dma_start3A_76, %add3A, %dma_start3A_77, %dma_start3A_78] : memref<200x4x32x8x128xf32, #tpu.memory_space<hbm>> -> memref<1x4x1x8x128xf32, #tpu.memory_space<hbm>>
      %dma_start3A_80 = tpu.memref_squeeze %dma_start3A_79 : memref<1x4x1x8x128xf32, #tpu.memory_space<hbm>> -> memref<4x8x128xf32, #tpu.memory_space<hbm>>
      %dma_start3A_81 = arith.constant 0 : i32
      %dma_start3A_82 = arith.constant 0 : i32
      %dma_start3A_83 = arith.constant 0 : i32
      %dma_start3A_84 = tpu.memref_slice %arg5[%add3A_64, %dma_start3A_81, %add3A, %dma_start3A_82, %dma_start3A_83] : memref<200x4x32x8x128xf32, #tpu.memory_space<hbm>> -> memref<1x4x1x8x128xf32, #tpu.memory_space<hbm>>
      %dma_start3A_85 = tpu.memref_squeeze %dma_start3A_84 : memref<1x4x1x8x128xf32, #tpu.memory_space<hbm>> -> memref<4x8x128xf32, #tpu.memory_space<hbm>>
      tpu.enqueue_dma source(%arg13 : memref<4x8x128xf32, #tpu.memory_space<vmem>>) target(%dma_start3A_85 : memref<4x8x128xf32, #tpu.memory_space<hbm>>) target_semaphore(%arg21 : memref<!tpu.dma_semaphore, #tpu.memory_space<semaphore_mem>>)
      %mul3A_86 = arith.constant 4 : i32
      %mul3A_87 = arith.muli %scan3A_37, %mul3A_86 : i32
      %add3A_88 = arith.constant 2 : i32
      %add3A_89 = arith.addi %mul3A_87, %add3A_88 : i32
      %dma_wait3A_90 = arith.constant 0 : i32
      %dma_wait3A_91 = arith.constant 0 : i32
      %dma_wait3A_92 = arith.constant 0 : i32
      %dma_wait3A_93 = tpu.memref_slice %arg6[%dma_wait3A_90, %dma_wait3A_91, %dma_wait3A_92] : memref<25x8x128xi32, #tpu.memory_space<vmem>> -> memref<1x1x128xi32, #tpu.memory_space<vmem>>
      %dma_wait3A_94 = tpu.memref_squeeze %dma_wait3A_93 : memref<1x1x128xi32, #tpu.memory_space<vmem>> -> memref<128xi32, #tpu.memory_space<vmem>>
      %dma_wait3A_95 = arith.constant 0 : i32
      %dma_wait3A_96 = arith.constant 0 : i32
      %dma_wait3A_97 = tpu.memref_slice %arg3[%dma_wait3A_95, %dma_wait3A_96] : memref<1000000x32xf32, #tpu.memory_space<hbm>> -> memref<1000000x32xf32, #tpu.memory_space<hbm>>
      tpu.wait_indirect_dma semaphore(%arg18 : memref<!tpu.dma_semaphore, #tpu.memory_space<semaphore_mem>>) src(%dma_wait3A_97 : memref<1000000x32xf32, #tpu.memory_space<hbm>>) dst(%arg10 : memref<128x32xf32, #tpu.memory_space<vmem>>)
      %parallel_loop3A_98 = arith.constant 0 : i32
      %parallel_loop3A_99 = arith.constant 32 : i32
      %parallel_loop3A_100 = arith.constant 1 : i32
      scf.for %parallel_loop3A_197 = %parallel_loop3A_98 to %parallel_loop3A_99 step %parallel_loop3A_100  : i32 {
        %parallel_loop3A_198 = arith.constant 0 : i32
        %parallel_loop3A_199 = vector.broadcast %parallel_loop3A_198 : i32 to vector<16xi32>
        %parallel_loop3A_200 = arith.muli %iota3A, %parallel_loop3A_199 : vector<16xi32>
        %parallel_loop3A_201 = vector.broadcast %parallel_loop3A_197 : i32 to vector<16xi32>
        %parallel_loop3A_202 = arith.addi %parallel_loop3A_200, %parallel_loop3A_201 : vector<16xi32>
        %parallel_loop3A_203 = arith.constant 0 : i32
        %parallel_loop3A_204 = vector.broadcast %parallel_loop3A_203 : i32 to vector<16xi32>
        %parallel_loop3A_205 = arith.muli %iota3A, %parallel_loop3A_204 : vector<16xi32>
        %parallel_loop3A_206 = vector.broadcast %add3A_89 : i32 to vector<16xi32>
        %parallel_loop3A_207 = arith.addi %parallel_loop3A_205, %parallel_loop3A_206 : vector<16xi32>
        %parallel_loop3A_208 = tpu.vector_load_idx %arg7[%parallel_loop3A_207, %parallel_loop3A_202] : memref<200x32xf32, #tpu.memory_space<vmem>>[vector<16xi32>, vector<16xi32>], vector<16xf32>,
        %parallel_loop3A_209 = arith.constant 0 : i32
        %parallel_loop3A_210 = vector.broadcast %parallel_loop3A_209 : i32 to vector<16xi32>
        %parallel_loop3A_211 = arith.addi %iota3A, %parallel_loop3A_210 : vector<16xi32>
        %parallel_loop3A_212 = tpu.vector_load_idx %arg10[%parallel_loop3A_211, %parallel_loop3A_202] : memref<128x32xf32, #tpu.memory_space<vmem>>[vector<16xi32>, vector<16xi32>], vector<16xf32>,
        %parallel_loop3A_213 = arith.addf %parallel_loop3A_212, %parallel_loop3A_208 : vector<16xf32>
        %parallel_loop3A_214 = arith.constant 8 : i32
        %parallel_loop3A_215 = arith.divsi %parallel_loop3A_197, %parallel_loop3A_214 : i32
        %parallel_loop3A_216 = arith.constant 0 : i32
        %parallel_loop3A_217 = arith.cmpi sgt, %parallel_loop3A_197, %parallel_loop3A_216 : i32
        %parallel_loop3A_218 = arith.extui %parallel_loop3A_217 : i1 to i32
        %parallel_loop3A_219 = arith.constant 0 : i32
        %parallel_loop3A_220 = arith.cmpi slt, %parallel_loop3A_197, %parallel_loop3A_219 : i32
        %parallel_loop3A_221 = arith.extui %parallel_loop3A_220 : i1 to i32
        %parallel_loop3A_222 = arith.subi %parallel_loop3A_218, %parallel_loop3A_221 : i32
        %parallel_loop3A_223 = arith.constant 0 : i32
        %parallel_loop3A_224 = arith.cmpi sgt, %parallel_loop3A_214, %parallel_loop3A_223 : i32
        %parallel_loop3A_225 = arith.extui %parallel_loop3A_224 : i1 to i32
        %parallel_loop3A_226 = arith.constant 0 : i32
        %parallel_loop3A_227 = arith.cmpi slt, %parallel_loop3A_214, %parallel_loop3A_226 : i32
        %parallel_loop3A_228 = arith.extui %parallel_loop3A_227 : i1 to i32
        %parallel_loop3A_229 = arith.subi %parallel_loop3A_225, %parallel_loop3A_228 : i32
        %parallel_loop3A_230 = arith.cmpi ne, %parallel_loop3A_222, %parallel_loop3A_229 : i32
        %parallel_loop3A_231 = arith.remsi %parallel_loop3A_197, %parallel_loop3A_214 : i32
        %parallel_loop3A_232 = arith.constant 0 : i32
        %parallel_loop3A_233 = arith.cmpi ne, %parallel_loop3A_231, %parallel_loop3A_232 : i32
        %parallel_loop3A_234 = arith.andi %parallel_loop3A_230, %parallel_loop3A_233 : i1
        %parallel_loop3A_235 = arith.constant 1 : i32
        %parallel_loop3A_236 = arith.subi %parallel_loop3A_215, %parallel_loop3A_235 : i32
        %parallel_loop3A_237 = arith.select %parallel_loop3A_234, %parallel_loop3A_236, %parallel_loop3A_215 : i32
        %parallel_loop3A_238 = arith.constant 8 : i32
        %parallel_loop3A_239 = arith.constant 0 : i32
        %parallel_loop3A_240 = arith.cmpi eq, %parallel_loop3A_238, %parallel_loop3A_239 : i32
        %parallel_loop3A_241 = arith.constant 1 : i32
        %parallel_loop3A_242 = arith.select %parallel_loop3A_240, %parallel_loop3A_241, %parallel_loop3A_238 : i32
        %parallel_loop3A_243 = arith.remsi %parallel_loop3A_197, %parallel_loop3A_242 : i32
        %parallel_loop3A_244 = arith.constant 0 : i32
        %parallel_loop3A_245 = arith.cmpi ne, %parallel_loop3A_243, %parallel_loop3A_244 : i32
        %parallel_loop3A_246 = arith.constant 0 : i32
        %parallel_loop3A_247 = arith.cmpi slt, %parallel_loop3A_243, %parallel_loop3A_246 : i32
        %parallel_loop3A_248 = arith.constant 0 : i32
        %parallel_loop3A_249 = arith.cmpi slt, %parallel_loop3A_242, %parallel_loop3A_248 : i32
        %parallel_loop3A_250 = arith.xori %parallel_loop3A_247, %parallel_loop3A_249 : i1
        %parallel_loop3A_251 = arith.andi %parallel_loop3A_250, %parallel_loop3A_245 : i1
        %parallel_loop3A_252 = arith.addi %parallel_loop3A_243, %parallel_loop3A_242 : i32
        %parallel_loop3A_253 = arith.select %parallel_loop3A_251, %parallel_loop3A_252, %parallel_loop3A_243 : i32
        %parallel_loop3A_254 = arith.index_cast %parallel_loop3A_237 : i32 to index
        %parallel_loop3A_255 = arith.index_cast %parallel_loop3A_253 : i32 to index
        %parallel_loop3A_256 = arith.constant 0 : index
        %parallel_loop3A_257 = tpu.vector_load %arg14[%parallel_loop3A_254, %parallel_loop3A_255, %parallel_loop3A_256] {strides = array<i32>} : memref<4x8x128xf32, #tpu.memory_space<vmem>>, vector<16xf32>,
        tpu.vector_store %arg14[%parallel_loop3A_254, %parallel_loop3A_255, %parallel_loop3A_256], %parallel_loop3A_213 {strides = array<i32>} : memref<4x8x128xf32, #tpu.memory_space<vmem>>, vector<16xf32>,
        %parallel_loop3A_258 = arith.constant 16 : i32
        %parallel_loop3A_259 = vector.broadcast %parallel_loop3A_258 : i32 to vector<16xi32>
        %parallel_loop3A_260 = arith.addi %iota3A, %parallel_loop3A_259 : vector<16xi32>
        %parallel_loop3A_261 = tpu.vector_load_idx %arg10[%parallel_loop3A_260, %parallel_loop3A_202] : memref<128x32xf32, #tpu.memory_space<vmem>>[vector<16xi32>, vector<16xi32>], vector<16xf32>,
        %parallel_loop3A_262 = arith.addf %parallel_loop3A_261, %parallel_loop3A_208 : vector<16xf32>
        %parallel_loop3A_263 = arith.constant 8 : i32
        %parallel_loop3A_264 = arith.divsi %parallel_loop3A_197, %parallel_loop3A_263 : i32
        %parallel_loop3A_265 = arith.constant 0 : i32
        %parallel_loop3A_266 = arith.cmpi sgt, %parallel_loop3A_197, %parallel_loop3A_265 : i32
        %parallel_loop3A_267 = arith.extui %parallel_loop3A_266 : i1 to i32
        %parallel_loop3A_268 = arith.constant 0 : i32
        %parallel_loop3A_269 = arith.cmpi slt, %parallel_loop3A_197, %parallel_loop3A_268 : i32
        %parallel_loop3A_270 = arith.extui %parallel_loop3A_269 : i1 to i32
        %parallel_loop3A_271 = arith.subi %parallel_loop3A_267, %parallel_loop3A_270 : i32
        %parallel_loop3A_272 = arith.constant 0 : i32
        %parallel_loop3A_273 = arith.cmpi sgt, %parallel_loop3A_263, %parallel_loop3A_272 : i32
        %parallel_loop3A_274 = arith.extui %parallel_loop3A_273 : i1 to i32
        %parallel_loop3A_275 = arith.constant 0 : i32
        %parallel_loop3A_276 = arith.cmpi slt, %parallel_loop3A_263, %parallel_loop3A_275 : i32
        %parallel_loop3A_277 = arith.extui %parallel_loop3A_276 : i1 to i32
        %parallel_loop3A_278 = arith.subi %parallel_loop3A_274, %parallel_loop3A_277 : i32
        %parallel_loop3A_279 = arith.cmpi ne, %parallel_loop3A_271, %parallel_loop3A_278 : i32
        %parallel_loop3A_280 = arith.remsi %parallel_loop3A_197, %parallel_loop3A_263 : i32
        %parallel_loop3A_281 = arith.constant 0 : i32
        %parallel_loop3A_282 = arith.cmpi ne, %parallel_loop3A_280, %parallel_loop3A_281 : i32
        %parallel_loop3A_283 = arith.andi %parallel_loop3A_279, %parallel_loop3A_282 : i1
        %parallel_loop3A_284 = arith.constant 1 : i32
        %parallel_loop3A_285 = arith.subi %parallel_loop3A_264, %parallel_loop3A_284 : i32
        %parallel_loop3A_286 = arith.select %parallel_loop3A_283, %parallel_loop3A_285, %parallel_loop3A_264 : i32
        %parallel_loop3A_287 = arith.constant 8 : i32
        %parallel_loop3A_288 = arith.constant 0 : i32
        %parallel_loop3A_289 = arith.cmpi eq, %parallel_loop3A_287, %parallel_loop3A_288 : i32
        %parallel_loop3A_290 = arith.constant 1 : i32
        %parallel_loop3A_291 = arith.select %parallel_loop3A_289, %parallel_loop3A_290, %parallel_loop3A_287 : i32
        %parallel_loop3A_292 = arith.remsi %parallel_loop3A_197, %parallel_loop3A_291 : i32
        %parallel_loop3A_293 = arith.constant 0 : i32
        %parallel_loop3A_294 = arith.cmpi ne, %parallel_loop3A_292, %parallel_loop3A_293 : i32
        %parallel_loop3A_295 = arith.constant 0 : i32
        %parallel_loop3A_296 = arith.cmpi slt, %parallel_loop3A_292, %parallel_loop3A_295 : i32
        %parallel_loop3A_297 = arith.constant 0 : i32
        %parallel_loop3A_298 = arith.cmpi slt, %parallel_loop3A_291, %parallel_loop3A_297 : i32
        %parallel_loop3A_299 = arith.xori %parallel_loop3A_296, %parallel_loop3A_298 : i1
        %parallel_loop3A_300 = arith.andi %parallel_loop3A_299, %parallel_loop3A_294 : i1
        %parallel_loop3A_301 = arith.addi %parallel_loop3A_292, %parallel_loop3A_291 : i32
        %parallel_loop3A_302 = arith.select %parallel_loop3A_300, %parallel_loop3A_301, %parallel_loop3A_292 : i32
        %parallel_loop3A_303 = arith.index_cast %parallel_loop3A_286 : i32 to index
        %parallel_loop3A_304 = arith.index_cast %parallel_loop3A_302 : i32 to index
        %parallel_loop3A_305 = arith.constant 16 : index
        %parallel_loop3A_306 = tpu.vector_load %arg14[%parallel_loop3A_303, %parallel_loop3A_304, %parallel_loop3A_305] {strides = array<i32>} : memref<4x8x128xf32, #tpu.memory_space<vmem>>, vector<16xf32>,
        tpu.vector_store %arg14[%parallel_loop3A_303, %parallel_loop3A_304, %parallel_loop3A_305], %parallel_loop3A_262 {strides = array<i32>} : memref<4x8x128xf32, #tpu.memory_space<vmem>>, vector<16xf32>,
        %parallel_loop3A_307 = arith.constant 32 : i32
        %parallel_loop3A_308 = vector.broadcast %parallel_loop3A_307 : i32 to vector<16xi32>
        %parallel_loop3A_309 = arith.addi %iota3A, %parallel_loop3A_308 : vector<16xi32>
        %parallel_loop3A_310 = tpu.vector_load_idx %arg10[%parallel_loop3A_309, %parallel_loop3A_202] : memref<128x32xf32, #tpu.memory_space<vmem>>[vector<16xi32>, vector<16xi32>], vector<16xf32>,
        %parallel_loop3A_311 = arith.addf %parallel_loop3A_310, %parallel_loop3A_208 : vector<16xf32>
        %parallel_loop3A_312 = arith.constant 8 : i32
        %parallel_loop3A_313 = arith.divsi %parallel_loop3A_197, %parallel_loop3A_312 : i32
        %parallel_loop3A_314 = arith.constant 0 : i32
        %parallel_loop3A_315 = arith.cmpi sgt, %parallel_loop3A_197, %parallel_loop3A_314 : i32
        %parallel_loop3A_316 = arith.extui %parallel_loop3A_315 : i1 to i32
        %parallel_loop3A_317 = arith.constant 0 : i32
        %parallel_loop3A_318 = arith.cmpi slt, %parallel_loop3A_197, %parallel_loop3A_317 : i32
        %parallel_loop3A_319 = arith.extui %parallel_loop3A_318 : i1 to i32
        %parallel_loop3A_320 = arith.subi %parallel_loop3A_316, %parallel_loop3A_319 : i32
        %parallel_loop3A_321 = arith.constant 0 : i32
        %parallel_loop3A_322 = arith.cmpi sgt, %parallel_loop3A_312, %parallel_loop3A_321 : i32
        %parallel_loop3A_323 = arith.extui %parallel_loop3A_322 : i1 to i32
        %parallel_loop3A_324 = arith.constant 0 : i32
        %parallel_loop3A_325 = arith.cmpi slt, %parallel_loop3A_312, %parallel_loop3A_324 : i32
        %parallel_loop3A_326 = arith.extui %parallel_loop3A_325 : i1 to i32
        %parallel_loop3A_327 = arith.subi %parallel_loop3A_323, %parallel_loop3A_326 : i32
        %parallel_loop3A_328 = arith.cmpi ne, %parallel_loop3A_320, %parallel_loop3A_327 : i32
        %parallel_loop3A_329 = arith.remsi %parallel_loop3A_197, %parallel_loop3A_312 : i32
        %parallel_loop3A_330 = arith.constant 0 : i32
        %parallel_loop3A_331 = arith.cmpi ne, %parallel_loop3A_329, %parallel_loop3A_330 : i32
        %parallel_loop3A_332 = arith.andi %parallel_loop3A_328, %parallel_loop3A_331 : i1
        %parallel_loop3A_333 = arith.constant 1 : i32
        %parallel_loop3A_334 = arith.subi %parallel_loop3A_313, %parallel_loop3A_333 : i32
        %parallel_loop3A_335 = arith.select %parallel_loop3A_332, %parallel_loop3A_334, %parallel_loop3A_313 : i32
        %parallel_loop3A_336 = arith.constant 8 : i32
        %parallel_loop3A_337 = arith.constant 0 : i32
        %parallel_loop3A_338 = arith.cmpi eq, %parallel_loop3A_336, %parallel_loop3A_337 : i32
        %parallel_loop3A_339 = arith.constant 1 : i32
        %parallel_loop3A_340 = arith.select %parallel_loop3A_338, %parallel_loop3A_339, %parallel_loop3A_336 : i32
        %parallel_loop3A_341 = arith.remsi %parallel_loop3A_197, %parallel_loop3A_340 : i32
        %parallel_loop3A_342 = arith.constant 0 : i32
        %parallel_loop3A_343 = arith.cmpi ne, %parallel_loop3A_341, %parallel_loop3A_342 : i32
        %parallel_loop3A_344 = arith.constant 0 : i32
        %parallel_loop3A_345 = arith.cmpi slt, %parallel_loop3A_341, %parallel_loop3A_344 : i32
        %parallel_loop3A_346 = arith.constant 0 : i32
        %parallel_loop3A_347 = arith.cmpi slt, %parallel_loop3A_340, %parallel_loop3A_346 : i32
        %parallel_loop3A_348 = arith.xori %parallel_loop3A_345, %parallel_loop3A_347 : i1
        %parallel_loop3A_349 = arith.andi %parallel_loop3A_348, %parallel_loop3A_343 : i1
        %parallel_loop3A_350 = arith.addi %parallel_loop3A_341, %parallel_loop3A_340 : i32
        %parallel_loop3A_351 = arith.select %parallel_loop3A_349, %parallel_loop3A_350, %parallel_loop3A_341 : i32
        %parallel_loop3A_352 = arith.index_cast %parallel_loop3A_335 : i32 to index
        %parallel_loop3A_353 = arith.index_cast %parallel_loop3A_351 : i32 to index
        %parallel_loop3A_354 = arith.constant 32 : index
        %parallel_loop3A_355 = tpu.vector_load %arg14[%parallel_loop3A_352, %parallel_loop3A_353, %parallel_loop3A_354] {strides = array<i32>} : memref<4x8x128xf32, #tpu.memory_space<vmem>>, vector<16xf32>,
        tpu.vector_store %arg14[%parallel_loop3A_352, %parallel_loop3A_353, %parallel_loop3A_354], %parallel_loop3A_311 {strides = array<i32>} : memref<4x8x128xf32, #tpu.memory_space<vmem>>, vector<16xf32>,
        %parallel_loop3A_356 = arith.constant 48 : i32
        %parallel_loop3A_357 = vector.broadcast %parallel_loop3A_356 : i32 to vector<16xi32>
        %parallel_loop3A_358 = arith.addi %iota3A, %parallel_loop3A_357 : vector<16xi32>
        %parallel_loop3A_359 = tpu.vector_load_idx %arg10[%parallel_loop3A_358, %parallel_loop3A_202] : memref<128x32xf32, #tpu.memory_space<vmem>>[vector<16xi32>, vector<16xi32>], vector<16xf32>,
        %parallel_loop3A_360 = arith.addf %parallel_loop3A_359, %parallel_loop3A_208 : vector<16xf32>
        %parallel_loop3A_361 = arith.constant 8 : i32
        %parallel_loop3A_362 = arith.divsi %parallel_loop3A_197, %parallel_loop3A_361 : i32
        %parallel_loop3A_363 = arith.constant 0 : i32
        %parallel_loop3A_364 = arith.cmpi sgt, %parallel_loop3A_197, %parallel_loop3A_363 : i32
        %parallel_loop3A_365 = arith.extui %parallel_loop3A_364 : i1 to i32
        %parallel_loop3A_366 = arith.constant 0 : i32
        %parallel_loop3A_367 = arith.cmpi slt, %parallel_loop3A_197, %parallel_loop3A_366 : i32
        %parallel_loop3A_368 = arith.extui %parallel_loop3A_367 : i1 to i32
        %parallel_loop3A_369 = arith.subi %parallel_loop3A_365, %parallel_loop3A_368 : i32
        %parallel_loop3A_370 = arith.constant 0 : i32
        %parallel_loop3A_371 = arith.cmpi sgt, %parallel_loop3A_361, %parallel_loop3A_370 : i32
        %parallel_loop3A_372 = arith.extui %parallel_loop3A_371 : i1 to i32
        %parallel_loop3A_373 = arith.constant 0 : i32
        %parallel_loop3A_374 = arith.cmpi slt, %parallel_loop3A_361, %parallel_loop3A_373 : i32
        %parallel_loop3A_375 = arith.extui %parallel_loop3A_374 : i1 to i32
        %parallel_loop3A_376 = arith.subi %parallel_loop3A_372, %parallel_loop3A_375 : i32
        %parallel_loop3A_377 = arith.cmpi ne, %parallel_loop3A_369, %parallel_loop3A_376 : i32
        %parallel_loop3A_378 = arith.remsi %parallel_loop3A_197, %parallel_loop3A_361 : i32
        %parallel_loop3A_379 = arith.constant 0 : i32
        %parallel_loop3A_380 = arith.cmpi ne, %parallel_loop3A_378, %parallel_loop3A_379 : i32
        %parallel_loop3A_381 = arith.andi %parallel_loop3A_377, %parallel_loop3A_380 : i1
        %parallel_loop3A_382 = arith.constant 1 : i32
        %parallel_loop3A_383 = arith.subi %parallel_loop3A_362, %parallel_loop3A_382 : i32
        %parallel_loop3A_384 = arith.select %parallel_loop3A_381, %parallel_loop3A_383, %parallel_loop3A_362 : i32
        %parallel_loop3A_385 = arith.constant 8 : i32
        %parallel_loop3A_386 = arith.constant 0 : i32
        %parallel_loop3A_387 = arith.cmpi eq, %parallel_loop3A_385, %parallel_loop3A_386 : i32
        %parallel_loop3A_388 = arith.constant 1 : i32
        %parallel_loop3A_389 = arith.select %parallel_loop3A_387, %parallel_loop3A_388, %parallel_loop3A_385 : i32
        %parallel_loop3A_390 = arith.remsi %parallel_loop3A_197, %parallel_loop3A_389 : i32
        %parallel_loop3A_391 = arith.constant 0 : i32
        %parallel_loop3A_392 = arith.cmpi ne, %parallel_loop3A_390, %parallel_loop3A_391 : i32
        %parallel_loop3A_393 = arith.constant 0 : i32
        %parallel_loop3A_394 = arith.cmpi slt, %parallel_loop3A_390, %parallel_loop3A_393 : i32
        %parallel_loop3A_395 = arith.constant 0 : i32
        %parallel_loop3A_396 = arith.cmpi slt, %parallel_loop3A_389, %parallel_loop3A_395 : i32
        %parallel_loop3A_397 = arith.xori %parallel_loop3A_394, %parallel_loop3A_396 : i1
        %parallel_loop3A_398 = arith.andi %parallel_loop3A_397, %parallel_loop3A_392 : i1
        %parallel_loop3A_399 = arith.addi %parallel_loop3A_390, %parallel_loop3A_389 : i32
        %parallel_loop3A_400 = arith.select %parallel_loop3A_398, %parallel_loop3A_399, %parallel_loop3A_390 : i32
        %parallel_loop3A_401 = arith.index_cast %parallel_loop3A_384 : i32 to index
        %parallel_loop3A_402 = arith.index_cast %parallel_loop3A_400 : i32 to index
        %parallel_loop3A_403 = arith.constant 48 : index
        %parallel_loop3A_404 = tpu.vector_load %arg14[%parallel_loop3A_401, %parallel_loop3A_402, %parallel_loop3A_403] {strides = array<i32>} : memref<4x8x128xf32, #tpu.memory_space<vmem>>, vector<16xf32>,
        tpu.vector_store %arg14[%parallel_loop3A_401, %parallel_loop3A_402, %parallel_loop3A_403], %parallel_loop3A_360 {strides = array<i32>} : memref<4x8x128xf32, #tpu.memory_space<vmem>>, vector<16xf32>,
        %parallel_loop3A_405 = arith.constant 64 : i32
        %parallel_loop3A_406 = vector.broadcast %parallel_loop3A_405 : i32 to vector<16xi32>
        %parallel_loop3A_407 = arith.addi %iota3A, %parallel_loop3A_406 : vector<16xi32>
        %parallel_loop3A_408 = tpu.vector_load_idx %arg10[%parallel_loop3A_407, %parallel_loop3A_202] : memref<128x32xf32, #tpu.memory_space<vmem>>[vector<16xi32>, vector<16xi32>], vector<16xf32>,
        %parallel_loop3A_409 = arith.addf %parallel_loop3A_408, %parallel_loop3A_208 : vector<16xf32>
        %parallel_loop3A_410 = arith.constant 8 : i32
        %parallel_loop3A_411 = arith.divsi %parallel_loop3A_197, %parallel_loop3A_410 : i32
        %parallel_loop3A_412 = arith.constant 0 : i32
        %parallel_loop3A_413 = arith.cmpi sgt, %parallel_loop3A_197, %parallel_loop3A_412 : i32
        %parallel_loop3A_414 = arith.extui %parallel_loop3A_413 : i1 to i32
        %parallel_loop3A_415 = arith.constant 0 : i32
        %parallel_loop3A_416 = arith.cmpi slt, %parallel_loop3A_197, %parallel_loop3A_415 : i32
        %parallel_loop3A_417 = arith.extui %parallel_loop3A_416 : i1 to i32
        %parallel_loop3A_418 = arith.subi %parallel_loop3A_414, %parallel_loop3A_417 : i32
        %parallel_loop3A_419 = arith.constant 0 : i32
        %parallel_loop3A_420 = arith.cmpi sgt, %parallel_loop3A_410, %parallel_loop3A_419 : i32
        %parallel_loop3A_421 = arith.extui %parallel_loop3A_420 : i1 to i32
        %parallel_loop3A_422 = arith.constant 0 : i32
        %parallel_loop3A_423 = arith.cmpi slt, %parallel_loop3A_410, %parallel_loop3A_422 : i32
        %parallel_loop3A_424 = arith.extui %parallel_loop3A_423 : i1 to i32
        %parallel_loop3A_425 = arith.subi %parallel_loop3A_421, %parallel_loop3A_424 : i32
        %parallel_loop3A_426 = arith.cmpi ne, %parallel_loop3A_418, %parallel_loop3A_425 : i32
        %parallel_loop3A_427 = arith.remsi %parallel_loop3A_197, %parallel_loop3A_410 : i32
        %parallel_loop3A_428 = arith.constant 0 : i32
        %parallel_loop3A_429 = arith.cmpi ne, %parallel_loop3A_427, %parallel_loop3A_428 : i32
        %parallel_loop3A_430 = arith.andi %parallel_loop3A_426, %parallel_loop3A_429 : i1
        %parallel_loop3A_431 = arith.constant 1 : i32
        %parallel_loop3A_432 = arith.subi %parallel_loop3A_411, %parallel_loop3A_431 : i32
        %parallel_loop3A_433 = arith.select %parallel_loop3A_430, %parallel_loop3A_432, %parallel_loop3A_411 : i32
        %parallel_loop3A_434 = arith.constant 8 : i32
        %parallel_loop3A_435 = arith.constant 0 : i32
        %parallel_loop3A_436 = arith.cmpi eq, %parallel_loop3A_434, %parallel_loop3A_435 : i32
        %parallel_loop3A_437 = arith.constant 1 : i32
        %parallel_loop3A_438 = arith.select %parallel_loop3A_436, %parallel_loop3A_437, %parallel_loop3A_434 : i32
        %parallel_loop3A_439 = arith.remsi %parallel_loop3A_197, %parallel_loop3A_438 : i32
        %parallel_loop3A_440 = arith.constant 0 : i32
        %parallel_loop3A_441 = arith.cmpi ne, %parallel_loop3A_439, %parallel_loop3A_440 : i32
        %parallel_loop3A_442 = arith.constant 0 : i32
        %parallel_loop3A_443 = arith.cmpi slt, %parallel_loop3A_439, %parallel_loop3A_442 : i32
        %parallel_loop3A_444 = arith.constant 0 : i32
        %parallel_loop3A_445 = arith.cmpi slt, %parallel_loop3A_438, %parallel_loop3A_444 : i32
        %parallel_loop3A_446 = arith.xori %parallel_loop3A_443, %parallel_loop3A_445 : i1
        %parallel_loop3A_447 = arith.andi %parallel_loop3A_446, %parallel_loop3A_441 : i1
        %parallel_loop3A_448 = arith.addi %parallel_loop3A_439, %parallel_loop3A_438 : i32
        %parallel_loop3A_449 = arith.select %parallel_loop3A_447, %parallel_loop3A_448, %parallel_loop3A_439 : i32
        %parallel_loop3A_450 = arith.index_cast %parallel_loop3A_433 : i32 to index
        %parallel_loop3A_451 = arith.index_cast %parallel_loop3A_449 : i32 to index
        %parallel_loop3A_452 = arith.constant 64 : index
        %parallel_loop3A_453 = tpu.vector_load %arg14[%parallel_loop3A_450, %parallel_loop3A_451, %parallel_loop3A_452] {strides = array<i32>} : memref<4x8x128xf32, #tpu.memory_space<vmem>>, vector<16xf32>,
        tpu.vector_store %arg14[%parallel_loop3A_450, %parallel_loop3A_451, %parallel_loop3A_452], %parallel_loop3A_409 {strides = array<i32>} : memref<4x8x128xf32, #tpu.memory_space<vmem>>, vector<16xf32>,
        %parallel_loop3A_454 = arith.constant 80 : i32
        %parallel_loop3A_455 = vector.broadcast %parallel_loop3A_454 : i32 to vector<16xi32>
        %parallel_loop3A_456 = arith.addi %iota3A, %parallel_loop3A_455 : vector<16xi32>
        %parallel_loop3A_457 = tpu.vector_load_idx %arg10[%parallel_loop3A_456, %parallel_loop3A_202] : memref<128x32xf32, #tpu.memory_space<vmem>>[vector<16xi32>, vector<16xi32>], vector<16xf32>,
        %parallel_loop3A_458 = arith.addf %parallel_loop3A_457, %parallel_loop3A_208 : vector<16xf32>
        %parallel_loop3A_459 = arith.constant 8 : i32
        %parallel_loop3A_460 = arith.divsi %parallel_loop3A_197, %parallel_loop3A_459 : i32
        %parallel_loop3A_461 = arith.constant 0 : i32
        %parallel_loop3A_462 = arith.cmpi sgt, %parallel_loop3A_197, %parallel_loop3A_461 : i32
        %parallel_loop3A_463 = arith.extui %parallel_loop3A_462 : i1 to i32
        %parallel_loop3A_464 = arith.constant 0 : i32
        %parallel_loop3A_465 = arith.cmpi slt, %parallel_loop3A_197, %parallel_loop3A_464 : i32
        %parallel_loop3A_466 = arith.extui %parallel_loop3A_465 : i1 to i32
        %parallel_loop3A_467 = arith.subi %parallel_loop3A_463, %parallel_loop3A_466 : i32
        %parallel_loop3A_468 = arith.constant 0 : i32
        %parallel_loop3A_469 = arith.cmpi sgt, %parallel_loop3A_459, %parallel_loop3A_468 : i32
        %parallel_loop3A_470 = arith.extui %parallel_loop3A_469 : i1 to i32
        %parallel_loop3A_471 = arith.constant 0 : i32
        %parallel_loop3A_472 = arith.cmpi slt, %parallel_loop3A_459, %parallel_loop3A_471 : i32
        %parallel_loop3A_473 = arith.extui %parallel_loop3A_472 : i1 to i32
        %parallel_loop3A_474 = arith.subi %parallel_loop3A_470, %parallel_loop3A_473 : i32
        %parallel_loop3A_475 = arith.cmpi ne, %parallel_loop3A_467, %parallel_loop3A_474 : i32
        %parallel_loop3A_476 = arith.remsi %parallel_loop3A_197, %parallel_loop3A_459 : i32
        %parallel_loop3A_477 = arith.constant 0 : i32
        %parallel_loop3A_478 = arith.cmpi ne, %parallel_loop3A_476, %parallel_loop3A_477 : i32
        %parallel_loop3A_479 = arith.andi %parallel_loop3A_475, %parallel_loop3A_478 : i1
        %parallel_loop3A_480 = arith.constant 1 : i32
        %parallel_loop3A_481 = arith.subi %parallel_loop3A_460, %parallel_loop3A_480 : i32
        %parallel_loop3A_482 = arith.select %parallel_loop3A_479, %parallel_loop3A_481, %parallel_loop3A_460 : i32
        %parallel_loop3A_483 = arith.constant 8 : i32
        %parallel_loop3A_484 = arith.constant 0 : i32
        %parallel_loop3A_485 = arith.cmpi eq, %parallel_loop3A_483, %parallel_loop3A_484 : i32
        %parallel_loop3A_486 = arith.constant 1 : i32
        %parallel_loop3A_487 = arith.select %parallel_loop3A_485, %parallel_loop3A_486, %parallel_loop3A_483 : i32
        %parallel_loop3A_488 = arith.remsi %parallel_loop3A_197, %parallel_loop3A_487 : i32
        %parallel_loop3A_489 = arith.constant 0 : i32
        %parallel_loop3A_490 = arith.cmpi ne, %parallel_loop3A_488, %parallel_loop3A_489 : i32
        %parallel_loop3A_491 = arith.constant 0 : i32
        %parallel_loop3A_492 = arith.cmpi slt, %parallel_loop3A_488, %parallel_loop3A_491 : i32
        %parallel_loop3A_493 = arith.constant 0 : i32
        %parallel_loop3A_494 = arith.cmpi slt, %parallel_loop3A_487, %parallel_loop3A_493 : i32
        %parallel_loop3A_495 = arith.xori %parallel_loop3A_492, %parallel_loop3A_494 : i1
        %parallel_loop3A_496 = arith.andi %parallel_loop3A_495, %parallel_loop3A_490 : i1
        %parallel_loop3A_497 = arith.addi %parallel_loop3A_488, %parallel_loop3A_487 : i32
        %parallel_loop3A_498 = arith.select %parallel_loop3A_496, %parallel_loop3A_497, %parallel_loop3A_488 : i32
        %parallel_loop3A_499 = arith.index_cast %parallel_loop3A_482 : i32 to index
        %parallel_loop3A_500 = arith.index_cast %parallel_loop3A_498 : i32 to index
        %parallel_loop3A_501 = arith.constant 80 : index
        %parallel_loop3A_502 = tpu.vector_load %arg14[%parallel_loop3A_499, %parallel_loop3A_500, %parallel_loop3A_501] {strides = array<i32>} : memref<4x8x128xf32, #tpu.memory_space<vmem>>, vector<16xf32>,
        tpu.vector_store %arg14[%parallel_loop3A_499, %parallel_loop3A_500, %parallel_loop3A_501], %parallel_loop3A_458 {strides = array<i32>} : memref<4x8x128xf32, #tpu.memory_space<vmem>>, vector<16xf32>,
        %parallel_loop3A_503 = arith.constant 96 : i32
        %parallel_loop3A_504 = vector.broadcast %parallel_loop3A_503 : i32 to vector<16xi32>
        %parallel_loop3A_505 = arith.addi %iota3A, %parallel_loop3A_504 : vector<16xi32>
        %parallel_loop3A_506 = tpu.vector_load_idx %arg10[%parallel_loop3A_505, %parallel_loop3A_202] : memref<128x32xf32, #tpu.memory_space<vmem>>[vector<16xi32>, vector<16xi32>], vector<16xf32>,
        %parallel_loop3A_507 = arith.addf %parallel_loop3A_506, %parallel_loop3A_208 : vector<16xf32>
        %parallel_loop3A_508 = arith.constant 8 : i32
        %parallel_loop3A_509 = arith.divsi %parallel_loop3A_197, %parallel_loop3A_508 : i32
        %parallel_loop3A_510 = arith.constant 0 : i32
        %parallel_loop3A_511 = arith.cmpi sgt, %parallel_loop3A_197, %parallel_loop3A_510 : i32
        %parallel_loop3A_512 = arith.extui %parallel_loop3A_511 : i1 to i32
        %parallel_loop3A_513 = arith.constant 0 : i32
        %parallel_loop3A_514 = arith.cmpi slt, %parallel_loop3A_197, %parallel_loop3A_513 : i32
        %parallel_loop3A_515 = arith.extui %parallel_loop3A_514 : i1 to i32
        %parallel_loop3A_516 = arith.subi %parallel_loop3A_512, %parallel_loop3A_515 : i32
        %parallel_loop3A_517 = arith.constant 0 : i32
        %parallel_loop3A_518 = arith.cmpi sgt, %parallel_loop3A_508, %parallel_loop3A_517 : i32
        %parallel_loop3A_519 = arith.extui %parallel_loop3A_518 : i1 to i32
        %parallel_loop3A_520 = arith.constant 0 : i32
        %parallel_loop3A_521 = arith.cmpi slt, %parallel_loop3A_508, %parallel_loop3A_520 : i32
        %parallel_loop3A_522 = arith.extui %parallel_loop3A_521 : i1 to i32
        %parallel_loop3A_523 = arith.subi %parallel_loop3A_519, %parallel_loop3A_522 : i32
        %parallel_loop3A_524 = arith.cmpi ne, %parallel_loop3A_516, %parallel_loop3A_523 : i32
        %parallel_loop3A_525 = arith.remsi %parallel_loop3A_197, %parallel_loop3A_508 : i32
        %parallel_loop3A_526 = arith.constant 0 : i32
        %parallel_loop3A_527 = arith.cmpi ne, %parallel_loop3A_525, %parallel_loop3A_526 : i32
        %parallel_loop3A_528 = arith.andi %parallel_loop3A_524, %parallel_loop3A_527 : i1
        %parallel_loop3A_529 = arith.constant 1 : i32
        %parallel_loop3A_530 = arith.subi %parallel_loop3A_509, %parallel_loop3A_529 : i32
        %parallel_loop3A_531 = arith.select %parallel_loop3A_528, %parallel_loop3A_530, %parallel_loop3A_509 : i32
        %parallel_loop3A_532 = arith.constant 8 : i32
        %parallel_loop3A_533 = arith.constant 0 : i32
        %parallel_loop3A_534 = arith.cmpi eq, %parallel_loop3A_532, %parallel_loop3A_533 : i32
        %parallel_loop3A_535 = arith.constant 1 : i32
        %parallel_loop3A_536 = arith.select %parallel_loop3A_534, %parallel_loop3A_535, %parallel_loop3A_532 : i32
        %parallel_loop3A_537 = arith.remsi %parallel_loop3A_197, %parallel_loop3A_536 : i32
        %parallel_loop3A_538 = arith.constant 0 : i32
        %parallel_loop3A_539 = arith.cmpi ne, %parallel_loop3A_537, %parallel_loop3A_538 : i32
        %parallel_loop3A_540 = arith.constant 0 : i32
        %parallel_loop3A_541 = arith.cmpi slt, %parallel_loop3A_537, %parallel_loop3A_540 : i32
        %parallel_loop3A_542 = arith.constant 0 : i32
        %parallel_loop3A_543 = arith.cmpi slt, %parallel_loop3A_536, %parallel_loop3A_542 : i32
        %parallel_loop3A_544 = arith.xori %parallel_loop3A_541, %parallel_loop3A_543 : i1
        %parallel_loop3A_545 = arith.andi %parallel_loop3A_544, %parallel_loop3A_539 : i1
        %parallel_loop3A_546 = arith.addi %parallel_loop3A_537, %parallel_loop3A_536 : i32
        %parallel_loop3A_547 = arith.select %parallel_loop3A_545, %parallel_loop3A_546, %parallel_loop3A_537 : i32
        %parallel_loop3A_548 = arith.index_cast %parallel_loop3A_531 : i32 to index
        %parallel_loop3A_549 = arith.index_cast %parallel_loop3A_547 : i32 to index
        %parallel_loop3A_550 = arith.constant 96 : index
        %parallel_loop3A_551 = tpu.vector_load %arg14[%parallel_loop3A_548, %parallel_loop3A_549, %parallel_loop3A_550] {strides = array<i32>} : memref<4x8x128xf32, #tpu.memory_space<vmem>>, vector<16xf32>,
        tpu.vector_store %arg14[%parallel_loop3A_548, %parallel_loop3A_549, %parallel_loop3A_550], %parallel_loop3A_507 {strides = array<i32>} : memref<4x8x128xf32, #tpu.memory_space<vmem>>, vector<16xf32>,
        %parallel_loop3A_552 = arith.constant 112 : i32
        %parallel_loop3A_553 = vector.broadcast %parallel_loop3A_552 : i32 to vector<16xi32>
        %parallel_loop3A_554 = arith.addi %iota3A, %parallel_loop3A_553 : vector<16xi32>
        %parallel_loop3A_555 = tpu.vector_load_idx %arg10[%parallel_loop3A_554, %parallel_loop3A_202] : memref<128x32xf32, #tpu.memory_space<vmem>>[vector<16xi32>, vector<16xi32>], vector<16xf32>,
        %parallel_loop3A_556 = arith.addf %parallel_loop3A_555, %parallel_loop3A_208 : vector<16xf32>
        %parallel_loop3A_557 = arith.constant 8 : i32
        %parallel_loop3A_558 = arith.divsi %parallel_loop3A_197, %parallel_loop3A_557 : i32
        %parallel_loop3A_559 = arith.constant 0 : i32
        %parallel_loop3A_560 = arith.cmpi sgt, %parallel_loop3A_197, %parallel_loop3A_559 : i32
        %parallel_loop3A_561 = arith.extui %parallel_loop3A_560 : i1 to i32
        %parallel_loop3A_562 = arith.constant 0 : i32
        %parallel_loop3A_563 = arith.cmpi slt, %parallel_loop3A_197, %parallel_loop3A_562 : i32
        %parallel_loop3A_564 = arith.extui %parallel_loop3A_563 : i1 to i32
        %parallel_loop3A_565 = arith.subi %parallel_loop3A_561, %parallel_loop3A_564 : i32
        %parallel_loop3A_566 = arith.constant 0 : i32
        %parallel_loop3A_567 = arith.cmpi sgt, %parallel_loop3A_557, %parallel_loop3A_566 : i32
        %parallel_loop3A_568 = arith.extui %parallel_loop3A_567 : i1 to i32
        %parallel_loop3A_569 = arith.constant 0 : i32
        %parallel_loop3A_570 = arith.cmpi slt, %parallel_loop3A_557, %parallel_loop3A_569 : i32
        %parallel_loop3A_571 = arith.extui %parallel_loop3A_570 : i1 to i32
        %parallel_loop3A_572 = arith.subi %parallel_loop3A_568, %parallel_loop3A_571 : i32
        %parallel_loop3A_573 = arith.cmpi ne, %parallel_loop3A_565, %parallel_loop3A_572 : i32
        %parallel_loop3A_574 = arith.remsi %parallel_loop3A_197, %parallel_loop3A_557 : i32
        %parallel_loop3A_575 = arith.constant 0 : i32
        %parallel_loop3A_576 = arith.cmpi ne, %parallel_loop3A_574, %parallel_loop3A_575 : i32
        %parallel_loop3A_577 = arith.andi %parallel_loop3A_573, %parallel_loop3A_576 : i1
        %parallel_loop3A_578 = arith.constant 1 : i32
        %parallel_loop3A_579 = arith.subi %parallel_loop3A_558, %parallel_loop3A_578 : i32
        %parallel_loop3A_580 = arith.select %parallel_loop3A_577, %parallel_loop3A_579, %parallel_loop3A_558 : i32
        %parallel_loop3A_581 = arith.constant 8 : i32
        %parallel_loop3A_582 = arith.constant 0 : i32
        %parallel_loop3A_583 = arith.cmpi eq, %parallel_loop3A_581, %parallel_loop3A_582 : i32
        %parallel_loop3A_584 = arith.constant 1 : i32
        %parallel_loop3A_585 = arith.select %parallel_loop3A_583, %parallel_loop3A_584, %parallel_loop3A_581 : i32
        %parallel_loop3A_586 = arith.remsi %parallel_loop3A_197, %parallel_loop3A_585 : i32
        %parallel_loop3A_587 = arith.constant 0 : i32
        %parallel_loop3A_588 = arith.cmpi ne, %parallel_loop3A_586, %parallel_loop3A_587 : i32
        %parallel_loop3A_589 = arith.constant 0 : i32
        %parallel_loop3A_590 = arith.cmpi slt, %parallel_loop3A_586, %parallel_loop3A_589 : i32
        %parallel_loop3A_591 = arith.constant 0 : i32
        %parallel_loop3A_592 = arith.cmpi slt, %parallel_loop3A_585, %parallel_loop3A_591 : i32
        %parallel_loop3A_593 = arith.xori %parallel_loop3A_590, %parallel_loop3A_592 : i1
        %parallel_loop3A_594 = arith.andi %parallel_loop3A_593, %parallel_loop3A_588 : i1
        %parallel_loop3A_595 = arith.addi %parallel_loop3A_586, %parallel_loop3A_585 : i32
        %parallel_loop3A_596 = arith.select %parallel_loop3A_594, %parallel_loop3A_595, %parallel_loop3A_586 : i32
        %parallel_loop3A_597 = arith.index_cast %parallel_loop3A_580 : i32 to index
        %parallel_loop3A_598 = arith.index_cast %parallel_loop3A_596 : i32 to index
        %parallel_loop3A_599 = arith.constant 112 : index
        %parallel_loop3A_600 = tpu.vector_load %arg14[%parallel_loop3A_597, %parallel_loop3A_598, %parallel_loop3A_599] {strides = array<i32>} : memref<4x8x128xf32, #tpu.memory_space<vmem>>, vector<16xf32>,
        tpu.vector_store %arg14[%parallel_loop3A_597, %parallel_loop3A_598, %parallel_loop3A_599], %parallel_loop3A_556 {strides = array<i32>} : memref<4x8x128xf32, #tpu.memory_space<vmem>>, vector<16xf32>,
      } {sc.loop_unroll_factor = 4 : i64, sc.parallel_access}
      %dma_start3A_101 = arith.constant 0 : i32
      %dma_start3A_102 = arith.constant 0 : i32
      %dma_start3A_103 = arith.constant 0 : i32
      %dma_start3A_104 = tpu.memref_slice %arg5[%add3A_89, %dma_start3A_101, %add3A, %dma_start3A_102, %dma_start3A_103] : memref<200x4x32x8x128xf32, #tpu.memory_space<hbm>> -> memref<1x4x1x8x128xf32, #tpu.memory_space<hbm>>
      %dma_start3A_105 = tpu.memref_squeeze %dma_start3A_104 : memref<1x4x1x8x128xf32, #tpu.memory_space<hbm>> -> memref<4x8x128xf32, #tpu.memory_space<hbm>>
      %dma_start3A_106 = arith.constant 0 : i32
      %dma_start3A_107 = arith.constant 0 : i32
      %dma_start3A_108 = arith.constant 0 : i32
      %dma_start3A_109 = tpu.memref_slice %arg5[%add3A_89, %dma_start3A_106, %add3A, %dma_start3A_107, %dma_start3A_108] : memref<200x4x32x8x128xf32, #tpu.memory_space<hbm>> -> memref<1x4x1x8x128xf32, #tpu.memory_space<hbm>>
      %dma_start3A_110 = tpu.memref_squeeze %dma_start3A_109 : memref<1x4x1x8x128xf32, #tpu.memory_space<hbm>> -> memref<4x8x128xf32, #tpu.memory_space<hbm>>
      tpu.enqueue_dma source(%arg14 : memref<4x8x128xf32, #tpu.memory_space<vmem>>) target(%dma_start3A_110 : memref<4x8x128xf32, #tpu.memory_space<hbm>>) target_semaphore(%arg22 : memref<!tpu.dma_semaphore, #tpu.memory_space<semaphore_mem>>)
      %mul3A_111 = arith.constant 4 : i32
      %mul3A_112 = arith.muli %scan3A_37, %mul3A_111 : i32
      %add3A_113 = arith.constant 3 : i32
      %add3A_114 = arith.addi %mul3A_112, %add3A_113 : i32
      %dma_wait3A_115 = arith.constant 0 : i32
      %dma_wait3A_116 = arith.constant 0 : i32
      %dma_wait3A_117 = arith.constant 0 : i32
      %dma_wait3A_118 = tpu.memref_slice %arg6[%dma_wait3A_115, %dma_wait3A_116, %dma_wait3A_117] : memref<25x8x128xi32, #tpu.memory_space<vmem>> -> memref<1x1x128xi32, #tpu.memory_space<vmem>>
      %dma_wait3A_119 = tpu.memref_squeeze %dma_wait3A_118 : memref<1x1x128xi32, #tpu.memory_space<vmem>> -> memref<128xi32, #tpu.memory_space<vmem>>
      %dma_wait3A_120 = arith.constant 0 : i32
      %dma_wait3A_121 = arith.constant 0 : i32
      %dma_wait3A_122 = tpu.memref_slice %arg3[%dma_wait3A_120, %dma_wait3A_121] : memref<1000000x32xf32, #tpu.memory_space<hbm>> -> memref<1000000x32xf32, #tpu.memory_space<hbm>>
      tpu.wait_indirect_dma semaphore(%arg19 : memref<!tpu.dma_semaphore, #tpu.memory_space<semaphore_mem>>) src(%dma_wait3A_122 : memref<1000000x32xf32, #tpu.memory_space<hbm>>) dst(%arg11 : memref<128x32xf32, #tpu.memory_space<vmem>>)
      %parallel_loop3A_123 = arith.constant 0 : i32
      %parallel_loop3A_124 = arith.constant 32 : i32
      %parallel_loop3A_125 = arith.constant 1 : i32
      scf.for %parallel_loop3A_197 = %parallel_loop3A_123 to %parallel_loop3A_124 step %parallel_loop3A_125  : i32 {
        %parallel_loop3A_198 = arith.constant 0 : i32
        %parallel_loop3A_199 = vector.broadcast %parallel_loop3A_198 : i32 to vector<16xi32>
        %parallel_loop3A_200 = arith.muli %iota3A, %parallel_loop3A_199 : vector<16xi32>
        %parallel_loop3A_201 = vector.broadcast %parallel_loop3A_197 : i32 to vector<16xi32>
        %parallel_loop3A_202 = arith.addi %parallel_loop3A_200, %parallel_loop3A_201 : vector<16xi32>
        %parallel_loop3A_203 = arith.constant 0 : i32
        %parallel_loop3A_204 = vector.broadcast %parallel_loop3A_203 : i32 to vector<16xi32>
        %parallel_loop3A_205 = arith.muli %iota3A, %parallel_loop3A_204 : vector<16xi32>
        %parallel_loop3A_206 = vector.broadcast %add3A_114 : i32 to vector<16xi32>
        %parallel_loop3A_207 = arith.addi %parallel_loop3A_205, %parallel_loop3A_206 : vector<16xi32>
        %parallel_loop3A_208 = tpu.vector_load_idx %arg7[%parallel_loop3A_207, %parallel_loop3A_202] : memref<200x32xf32, #tpu.memory_space<vmem>>[vector<16xi32>, vector<16xi32>], vector<16xf32>,
        %parallel_loop3A_209 = arith.constant 0 : i32
        %parallel_loop3A_210 = vector.broadcast %parallel_loop3A_209 : i32 to vector<16xi32>
        %parallel_loop3A_211 = arith.addi %iota3A, %parallel_loop3A_210 : vector<16xi32>
        %parallel_loop3A_212 = tpu.vector_load_idx %arg11[%parallel_loop3A_211, %parallel_loop3A_202] : memref<128x32xf32, #tpu.memory_space<vmem>>[vector<16xi32>, vector<16xi32>], vector<16xf32>,
        %parallel_loop3A_213 = arith.addf %parallel_loop3A_212, %parallel_loop3A_208 : vector<16xf32>
        %parallel_loop3A_214 = arith.constant 8 : i32
        %parallel_loop3A_215 = arith.divsi %parallel_loop3A_197, %parallel_loop3A_214 : i32
        %parallel_loop3A_216 = arith.constant 0 : i32
        %parallel_loop3A_217 = arith.cmpi sgt, %parallel_loop3A_197, %parallel_loop3A_216 : i32
        %parallel_loop3A_218 = arith.extui %parallel_loop3A_217 : i1 to i32
        %parallel_loop3A_219 = arith.constant 0 : i32
        %parallel_loop3A_220 = arith.cmpi slt, %parallel_loop3A_197, %parallel_loop3A_219 : i32
        %parallel_loop3A_221 = arith.extui %parallel_loop3A_220 : i1 to i32
        %parallel_loop3A_222 = arith.subi %parallel_loop3A_218, %parallel_loop3A_221 : i32
        %parallel_loop3A_223 = arith.constant 0 : i32
        %parallel_loop3A_224 = arith.cmpi sgt, %parallel_loop3A_214, %parallel_loop3A_223 : i32
        %parallel_loop3A_225 = arith.extui %parallel_loop3A_224 : i1 to i32
        %parallel_loop3A_226 = arith.constant 0 : i32
        %parallel_loop3A_227 = arith.cmpi slt, %parallel_loop3A_214, %parallel_loop3A_226 : i32
        %parallel_loop3A_228 = arith.extui %parallel_loop3A_227 : i1 to i32
        %parallel_loop3A_229 = arith.subi %parallel_loop3A_225, %parallel_loop3A_228 : i32
        %parallel_loop3A_230 = arith.cmpi ne, %parallel_loop3A_222, %parallel_loop3A_229 : i32
        %parallel_loop3A_231 = arith.remsi %parallel_loop3A_197, %parallel_loop3A_214 : i32
        %parallel_loop3A_232 = arith.constant 0 : i32
        %parallel_loop3A_233 = arith.cmpi ne, %parallel_loop3A_231, %parallel_loop3A_232 : i32
        %parallel_loop3A_234 = arith.andi %parallel_loop3A_230, %parallel_loop3A_233 : i1
        %parallel_loop3A_235 = arith.constant 1 : i32
        %parallel_loop3A_236 = arith.subi %parallel_loop3A_215, %parallel_loop3A_235 : i32
        %parallel_loop3A_237 = arith.select %parallel_loop3A_234, %parallel_loop3A_236, %parallel_loop3A_215 : i32
        %parallel_loop3A_238 = arith.constant 8 : i32
        %parallel_loop3A_239 = arith.constant 0 : i32
        %parallel_loop3A_240 = arith.cmpi eq, %parallel_loop3A_238, %parallel_loop3A_239 : i32
        %parallel_loop3A_241 = arith.constant 1 : i32
        %parallel_loop3A_242 = arith.select %parallel_loop3A_240, %parallel_loop3A_241, %parallel_loop3A_238 : i32
        %parallel_loop3A_243 = arith.remsi %parallel_loop3A_197, %parallel_loop3A_242 : i32
        %parallel_loop3A_244 = arith.constant 0 : i32
        %parallel_loop3A_245 = arith.cmpi ne, %parallel_loop3A_243, %parallel_loop3A_244 : i32
        %parallel_loop3A_246 = arith.constant 0 : i32
        %parallel_loop3A_247 = arith.cmpi slt, %parallel_loop3A_243, %parallel_loop3A_246 : i32
        %parallel_loop3A_248 = arith.constant 0 : i32
        %parallel_loop3A_249 = arith.cmpi slt, %parallel_loop3A_242, %parallel_loop3A_248 : i32
        %parallel_loop3A_250 = arith.xori %parallel_loop3A_247, %parallel_loop3A_249 : i1
        %parallel_loop3A_251 = arith.andi %parallel_loop3A_250, %parallel_loop3A_245 : i1
        %parallel_loop3A_252 = arith.addi %parallel_loop3A_243, %parallel_loop3A_242 : i32
        %parallel_loop3A_253 = arith.select %parallel_loop3A_251, %parallel_loop3A_252, %parallel_loop3A_243 : i32
        %parallel_loop3A_254 = arith.index_cast %parallel_loop3A_237 : i32 to index
        %parallel_loop3A_255 = arith.index_cast %parallel_loop3A_253 : i32 to index
        %parallel_loop3A_256 = arith.constant 0 : index
        %parallel_loop3A_257 = tpu.vector_load %arg15[%parallel_loop3A_254, %parallel_loop3A_255, %parallel_loop3A_256] {strides = array<i32>} : memref<4x8x128xf32, #tpu.memory_space<vmem>>, vector<16xf32>,
        tpu.vector_store %arg15[%parallel_loop3A_254, %parallel_loop3A_255, %parallel_loop3A_256], %parallel_loop3A_213 {strides = array<i32>} : memref<4x8x128xf32, #tpu.memory_space<vmem>>, vector<16xf32>,
        %parallel_loop3A_258 = arith.constant 16 : i32
        %parallel_loop3A_259 = vector.broadcast %parallel_loop3A_258 : i32 to vector<16xi32>
        %parallel_loop3A_260 = arith.addi %iota3A, %parallel_loop3A_259 : vector<16xi32>
        %parallel_loop3A_261 = tpu.vector_load_idx %arg11[%parallel_loop3A_260, %parallel_loop3A_202] : memref<128x32xf32, #tpu.memory_space<vmem>>[vector<16xi32>, vector<16xi32>], vector<16xf32>,
        %parallel_loop3A_262 = arith.addf %parallel_loop3A_261, %parallel_loop3A_208 : vector<16xf32>
        %parallel_loop3A_263 = arith.constant 8 : i32
        %parallel_loop3A_264 = arith.divsi %parallel_loop3A_197, %parallel_loop3A_263 : i32
        %parallel_loop3A_265 = arith.constant 0 : i32
        %parallel_loop3A_266 = arith.cmpi sgt, %parallel_loop3A_197, %parallel_loop3A_265 : i32
        %parallel_loop3A_267 = arith.extui %parallel_loop3A_266 : i1 to i32
        %parallel_loop3A_268 = arith.constant 0 : i32
        %parallel_loop3A_269 = arith.cmpi slt, %parallel_loop3A_197, %parallel_loop3A_268 : i32
        %parallel_loop3A_270 = arith.extui %parallel_loop3A_269 : i1 to i32
        %parallel_loop3A_271 = arith.subi %parallel_loop3A_267, %parallel_loop3A_270 : i32
        %parallel_loop3A_272 = arith.constant 0 : i32
        %parallel_loop3A_273 = arith.cmpi sgt, %parallel_loop3A_263, %parallel_loop3A_272 : i32
        %parallel_loop3A_274 = arith.extui %parallel_loop3A_273 : i1 to i32
        %parallel_loop3A_275 = arith.constant 0 : i32
        %parallel_loop3A_276 = arith.cmpi slt, %parallel_loop3A_263, %parallel_loop3A_275 : i32
        %parallel_loop3A_277 = arith.extui %parallel_loop3A_276 : i1 to i32
        %parallel_loop3A_278 = arith.subi %parallel_loop3A_274, %parallel_loop3A_277 : i32
        %parallel_loop3A_279 = arith.cmpi ne, %parallel_loop3A_271, %parallel_loop3A_278 : i32
        %parallel_loop3A_280 = arith.remsi %parallel_loop3A_197, %parallel_loop3A_263 : i32
        %parallel_loop3A_281 = arith.constant 0 : i32
        %parallel_loop3A_282 = arith.cmpi ne, %parallel_loop3A_280, %parallel_loop3A_281 : i32
        %parallel_loop3A_283 = arith.andi %parallel_loop3A_279, %parallel_loop3A_282 : i1
        %parallel_loop3A_284 = arith.constant 1 : i32
        %parallel_loop3A_285 = arith.subi %parallel_loop3A_264, %parallel_loop3A_284 : i32
        %parallel_loop3A_286 = arith.select %parallel_loop3A_283, %parallel_loop3A_285, %parallel_loop3A_264 : i32
        %parallel_loop3A_287 = arith.constant 8 : i32
        %parallel_loop3A_288 = arith.constant 0 : i32
        %parallel_loop3A_289 = arith.cmpi eq, %parallel_loop3A_287, %parallel_loop3A_288 : i32
        %parallel_loop3A_290 = arith.constant 1 : i32
        %parallel_loop3A_291 = arith.select %parallel_loop3A_289, %parallel_loop3A_290, %parallel_loop3A_287 : i32
        %parallel_loop3A_292 = arith.remsi %parallel_loop3A_197, %parallel_loop3A_291 : i32
        %parallel_loop3A_293 = arith.constant 0 : i32
        %parallel_loop3A_294 = arith.cmpi ne, %parallel_loop3A_292, %parallel_loop3A_293 : i32
        %parallel_loop3A_295 = arith.constant 0 : i32
        %parallel_loop3A_296 = arith.cmpi slt, %parallel_loop3A_292, %parallel_loop3A_295 : i32
        %parallel_loop3A_297 = arith.constant 0 : i32
        %parallel_loop3A_298 = arith.cmpi slt, %parallel_loop3A_291, %parallel_loop3A_297 : i32
        %parallel_loop3A_299 = arith.xori %parallel_loop3A_296, %parallel_loop3A_298 : i1
        %parallel_loop3A_300 = arith.andi %parallel_loop3A_299, %parallel_loop3A_294 : i1
        %parallel_loop3A_301 = arith.addi %parallel_loop3A_292, %parallel_loop3A_291 : i32
        %parallel_loop3A_302 = arith.select %parallel_loop3A_300, %parallel_loop3A_301, %parallel_loop3A_292 : i32
        %parallel_loop3A_303 = arith.index_cast %parallel_loop3A_286 : i32 to index
        %parallel_loop3A_304 = arith.index_cast %parallel_loop3A_302 : i32 to index
        %parallel_loop3A_305 = arith.constant 16 : index
        %parallel_loop3A_306 = tpu.vector_load %arg15[%parallel_loop3A_303, %parallel_loop3A_304, %parallel_loop3A_305] {strides = array<i32>} : memref<4x8x128xf32, #tpu.memory_space<vmem>>, vector<16xf32>,
        tpu.vector_store %arg15[%parallel_loop3A_303, %parallel_loop3A_304, %parallel_loop3A_305], %parallel_loop3A_262 {strides = array<i32>} : memref<4x8x128xf32, #tpu.memory_space<vmem>>, vector<16xf32>,
        %parallel_loop3A_307 = arith.constant 32 : i32
        %parallel_loop3A_308 = vector.broadcast %parallel_loop3A_307 : i32 to vector<16xi32>
        %parallel_loop3A_309 = arith.addi %iota3A, %parallel_loop3A_308 : vector<16xi32>
        %parallel_loop3A_310 = tpu.vector_load_idx %arg11[%parallel_loop3A_309, %parallel_loop3A_202] : memref<128x32xf32, #tpu.memory_space<vmem>>[vector<16xi32>, vector<16xi32>], vector<16xf32>,
        %parallel_loop3A_311 = arith.addf %parallel_loop3A_310, %parallel_loop3A_208 : vector<16xf32>
        %parallel_loop3A_312 = arith.constant 8 : i32
        %parallel_loop3A_313 = arith.divsi %parallel_loop3A_197, %parallel_loop3A_312 : i32
        %parallel_loop3A_314 = arith.constant 0 : i32
        %parallel_loop3A_315 = arith.cmpi sgt, %parallel_loop3A_197, %parallel_loop3A_314 : i32
        %parallel_loop3A_316 = arith.extui %parallel_loop3A_315 : i1 to i32
        %parallel_loop3A_317 = arith.constant 0 : i32
        %parallel_loop3A_318 = arith.cmpi slt, %parallel_loop3A_197, %parallel_loop3A_317 : i32
        %parallel_loop3A_319 = arith.extui %parallel_loop3A_318 : i1 to i32
        %parallel_loop3A_320 = arith.subi %parallel_loop3A_316, %parallel_loop3A_319 : i32
        %parallel_loop3A_321 = arith.constant 0 : i32
        %parallel_loop3A_322 = arith.cmpi sgt, %parallel_loop3A_312, %parallel_loop3A_321 : i32
        %parallel_loop3A_323 = arith.extui %parallel_loop3A_322 : i1 to i32
        %parallel_loop3A_324 = arith.constant 0 : i32
        %parallel_loop3A_325 = arith.cmpi slt, %parallel_loop3A_312, %parallel_loop3A_324 : i32
        %parallel_loop3A_326 = arith.extui %parallel_loop3A_325 : i1 to i32
        %parallel_loop3A_327 = arith.subi %parallel_loop3A_323, %parallel_loop3A_326 : i32
        %parallel_loop3A_328 = arith.cmpi ne, %parallel_loop3A_320, %parallel_loop3A_327 : i32
        %parallel_loop3A_329 = arith.remsi %parallel_loop3A_197, %parallel_loop3A_312 : i32
        %parallel_loop3A_330 = arith.constant 0 : i32
        %parallel_loop3A_331 = arith.cmpi ne, %parallel_loop3A_329, %parallel_loop3A_330 : i32
        %parallel_loop3A_332 = arith.andi %parallel_loop3A_328, %parallel_loop3A_331 : i1
        %parallel_loop3A_333 = arith.constant 1 : i32
        %parallel_loop3A_334 = arith.subi %parallel_loop3A_313, %parallel_loop3A_333 : i32
        %parallel_loop3A_335 = arith.select %parallel_loop3A_332, %parallel_loop3A_334, %parallel_loop3A_313 : i32
        %parallel_loop3A_336 = arith.constant 8 : i32
        %parallel_loop3A_337 = arith.constant 0 : i32
        %parallel_loop3A_338 = arith.cmpi eq, %parallel_loop3A_336, %parallel_loop3A_337 : i32
        %parallel_loop3A_339 = arith.constant 1 : i32
        %parallel_loop3A_340 = arith.select %parallel_loop3A_338, %parallel_loop3A_339, %parallel_loop3A_336 : i32
        %parallel_loop3A_341 = arith.remsi %parallel_loop3A_197, %parallel_loop3A_340 : i32
        %parallel_loop3A_342 = arith.constant 0 : i32
        %parallel_loop3A_343 = arith.cmpi ne, %parallel_loop3A_341, %parallel_loop3A_342 : i32
        %parallel_loop3A_344 = arith.constant 0 : i32
        %parallel_loop3A_345 = arith.cmpi slt, %parallel_loop3A_341, %parallel_loop3A_344 : i32
        %parallel_loop3A_346 = arith.constant 0 : i32
        %parallel_loop3A_347 = arith.cmpi slt, %parallel_loop3A_340, %parallel_loop3A_346 : i32
        %parallel_loop3A_348 = arith.xori %parallel_loop3A_345, %parallel_loop3A_347 : i1
        %parallel_loop3A_349 = arith.andi %parallel_loop3A_348, %parallel_loop3A_343 : i1
        %parallel_loop3A_350 = arith.addi %parallel_loop3A_341, %parallel_loop3A_340 : i32
        %parallel_loop3A_351 = arith.select %parallel_loop3A_349, %parallel_loop3A_350, %parallel_loop3A_341 : i32
        %parallel_loop3A_352 = arith.index_cast %parallel_loop3A_335 : i32 to index
        %parallel_loop3A_353 = arith.index_cast %parallel_loop3A_351 : i32 to index
        %parallel_loop3A_354 = arith.constant 32 : index
        %parallel_loop3A_355 = tpu.vector_load %arg15[%parallel_loop3A_352, %parallel_loop3A_353, %parallel_loop3A_354] {strides = array<i32>} : memref<4x8x128xf32, #tpu.memory_space<vmem>>, vector<16xf32>,
        tpu.vector_store %arg15[%parallel_loop3A_352, %parallel_loop3A_353, %parallel_loop3A_354], %parallel_loop3A_311 {strides = array<i32>} : memref<4x8x128xf32, #tpu.memory_space<vmem>>, vector<16xf32>,
        %parallel_loop3A_356 = arith.constant 48 : i32
        %parallel_loop3A_357 = vector.broadcast %parallel_loop3A_356 : i32 to vector<16xi32>
        %parallel_loop3A_358 = arith.addi %iota3A, %parallel_loop3A_357 : vector<16xi32>
        %parallel_loop3A_359 = tpu.vector_load_idx %arg11[%parallel_loop3A_358, %parallel_loop3A_202] : memref<128x32xf32, #tpu.memory_space<vmem>>[vector<16xi32>, vector<16xi32>], vector<16xf32>,
        %parallel_loop3A_360 = arith.addf %parallel_loop3A_359, %parallel_loop3A_208 : vector<16xf32>
        %parallel_loop3A_361 = arith.constant 8 : i32
        %parallel_loop3A_362 = arith.divsi %parallel_loop3A_197, %parallel_loop3A_361 : i32
        %parallel_loop3A_363 = arith.constant 0 : i32
        %parallel_loop3A_364 = arith.cmpi sgt, %parallel_loop3A_197, %parallel_loop3A_363 : i32
        %parallel_loop3A_365 = arith.extui %parallel_loop3A_364 : i1 to i32
        %parallel_loop3A_366 = arith.constant 0 : i32
        %parallel_loop3A_367 = arith.cmpi slt, %parallel_loop3A_197, %parallel_loop3A_366 : i32
        %parallel_loop3A_368 = arith.extui %parallel_loop3A_367 : i1 to i32
        %parallel_loop3A_369 = arith.subi %parallel_loop3A_365, %parallel_loop3A_368 : i32
        %parallel_loop3A_370 = arith.constant 0 : i32
        %parallel_loop3A_371 = arith.cmpi sgt, %parallel_loop3A_361, %parallel_loop3A_370 : i32
        %parallel_loop3A_372 = arith.extui %parallel_loop3A_371 : i1 to i32
        %parallel_loop3A_373 = arith.constant 0 : i32
        %parallel_loop3A_374 = arith.cmpi slt, %parallel_loop3A_361, %parallel_loop3A_373 : i32
        %parallel_loop3A_375 = arith.extui %parallel_loop3A_374 : i1 to i32
        %parallel_loop3A_376 = arith.subi %parallel_loop3A_372, %parallel_loop3A_375 : i32
        %parallel_loop3A_377 = arith.cmpi ne, %parallel_loop3A_369, %parallel_loop3A_376 : i32
        %parallel_loop3A_378 = arith.remsi %parallel_loop3A_197, %parallel_loop3A_361 : i32
        %parallel_loop3A_379 = arith.constant 0 : i32
        %parallel_loop3A_380 = arith.cmpi ne, %parallel_loop3A_378, %parallel_loop3A_379 : i32
        %parallel_loop3A_381 = arith.andi %parallel_loop3A_377, %parallel_loop3A_380 : i1
        %parallel_loop3A_382 = arith.constant 1 : i32
        %parallel_loop3A_383 = arith.subi %parallel_loop3A_362, %parallel_loop3A_382 : i32
        %parallel_loop3A_384 = arith.select %parallel_loop3A_381, %parallel_loop3A_383, %parallel_loop3A_362 : i32
        %parallel_loop3A_385 = arith.constant 8 : i32
        %parallel_loop3A_386 = arith.constant 0 : i32
        %parallel_loop3A_387 = arith.cmpi eq, %parallel_loop3A_385, %parallel_loop3A_386 : i32
        %parallel_loop3A_388 = arith.constant 1 : i32
        %parallel_loop3A_389 = arith.select %parallel_loop3A_387, %parallel_loop3A_388, %parallel_loop3A_385 : i32
        %parallel_loop3A_390 = arith.remsi %parallel_loop3A_197, %parallel_loop3A_389 : i32
        %parallel_loop3A_391 = arith.constant 0 : i32
        %parallel_loop3A_392 = arith.cmpi ne, %parallel_loop3A_390, %parallel_loop3A_391 : i32
        %parallel_loop3A_393 = arith.constant 0 : i32
        %parallel_loop3A_394 = arith.cmpi slt, %parallel_loop3A_390, %parallel_loop3A_393 : i32
        %parallel_loop3A_395 = arith.constant 0 : i32
        %parallel_loop3A_396 = arith.cmpi slt, %parallel_loop3A_389, %parallel_loop3A_395 : i32
        %parallel_loop3A_397 = arith.xori %parallel_loop3A_394, %parallel_loop3A_396 : i1
        %parallel_loop3A_398 = arith.andi %parallel_loop3A_397, %parallel_loop3A_392 : i1
        %parallel_loop3A_399 = arith.addi %parallel_loop3A_390, %parallel_loop3A_389 : i32
        %parallel_loop3A_400 = arith.select %parallel_loop3A_398, %parallel_loop3A_399, %parallel_loop3A_390 : i32
        %parallel_loop3A_401 = arith.index_cast %parallel_loop3A_384 : i32 to index
        %parallel_loop3A_402 = arith.index_cast %parallel_loop3A_400 : i32 to index
        %parallel_loop3A_403 = arith.constant 48 : index
        %parallel_loop3A_404 = tpu.vector_load %arg15[%parallel_loop3A_401, %parallel_loop3A_402, %parallel_loop3A_403] {strides = array<i32>} : memref<4x8x128xf32, #tpu.memory_space<vmem>>, vector<16xf32>,
        tpu.vector_store %arg15[%parallel_loop3A_401, %parallel_loop3A_402, %parallel_loop3A_403], %parallel_loop3A_360 {strides = array<i32>} : memref<4x8x128xf32, #tpu.memory_space<vmem>>, vector<16xf32>,
        %parallel_loop3A_405 = arith.constant 64 : i32
        %parallel_loop3A_406 = vector.broadcast %parallel_loop3A_405 : i32 to vector<16xi32>
        %parallel_loop3A_407 = arith.addi %iota3A, %parallel_loop3A_406 : vector<16xi32>
        %parallel_loop3A_408 = tpu.vector_load_idx %arg11[%parallel_loop3A_407, %parallel_loop3A_202] : memref<128x32xf32, #tpu.memory_space<vmem>>[vector<16xi32>, vector<16xi32>], vector<16xf32>,
        %parallel_loop3A_409 = arith.addf %parallel_loop3A_408, %parallel_loop3A_208 : vector<16xf32>
        %parallel_loop3A_410 = arith.constant 8 : i32
        %parallel_loop3A_411 = arith.divsi %parallel_loop3A_197, %parallel_loop3A_410 : i32
        %parallel_loop3A_412 = arith.constant 0 : i32
        %parallel_loop3A_413 = arith.cmpi sgt, %parallel_loop3A_197, %parallel_loop3A_412 : i32
        %parallel_loop3A_414 = arith.extui %parallel_loop3A_413 : i1 to i32
        %parallel_loop3A_415 = arith.constant 0 : i32
        %parallel_loop3A_416 = arith.cmpi slt, %parallel_loop3A_197, %parallel_loop3A_415 : i32
        %parallel_loop3A_417 = arith.extui %parallel_loop3A_416 : i1 to i32
        %parallel_loop3A_418 = arith.subi %parallel_loop3A_414, %parallel_loop3A_417 : i32
        %parallel_loop3A_419 = arith.constant 0 : i32
        %parallel_loop3A_420 = arith.cmpi sgt, %parallel_loop3A_410, %parallel_loop3A_419 : i32
        %parallel_loop3A_421 = arith.extui %parallel_loop3A_420 : i1 to i32
        %parallel_loop3A_422 = arith.constant 0 : i32
        %parallel_loop3A_423 = arith.cmpi slt, %parallel_loop3A_410, %parallel_loop3A_422 : i32
        %parallel_loop3A_424 = arith.extui %parallel_loop3A_423 : i1 to i32
        %parallel_loop3A_425 = arith.subi %parallel_loop3A_421, %parallel_loop3A_424 : i32
        %parallel_loop3A_426 = arith.cmpi ne, %parallel_loop3A_418, %parallel_loop3A_425 : i32
        %parallel_loop3A_427 = arith.remsi %parallel_loop3A_197, %parallel_loop3A_410 : i32
        %parallel_loop3A_428 = arith.constant 0 : i32
        %parallel_loop3A_429 = arith.cmpi ne, %parallel_loop3A_427, %parallel_loop3A_428 : i32
        %parallel_loop3A_430 = arith.andi %parallel_loop3A_426, %parallel_loop3A_429 : i1
        %parallel_loop3A_431 = arith.constant 1 : i32
        %parallel_loop3A_432 = arith.subi %parallel_loop3A_411, %parallel_loop3A_431 : i32
        %parallel_loop3A_433 = arith.select %parallel_loop3A_430, %parallel_loop3A_432, %parallel_loop3A_411 : i32
        %parallel_loop3A_434 = arith.constant 8 : i32
        %parallel_loop3A_435 = arith.constant 0 : i32
        %parallel_loop3A_436 = arith.cmpi eq, %parallel_loop3A_434, %parallel_loop3A_435 : i32
        %parallel_loop3A_437 = arith.constant 1 : i32
        %parallel_loop3A_438 = arith.select %parallel_loop3A_436, %parallel_loop3A_437, %parallel_loop3A_434 : i32
        %parallel_loop3A_439 = arith.remsi %parallel_loop3A_197, %parallel_loop3A_438 : i32
        %parallel_loop3A_440 = arith.constant 0 : i32
        %parallel_loop3A_441 = arith.cmpi ne, %parallel_loop3A_439, %parallel_loop3A_440 : i32
        %parallel_loop3A_442 = arith.constant 0 : i32
        %parallel_loop3A_443 = arith.cmpi slt, %parallel_loop3A_439, %parallel_loop3A_442 : i32
        %parallel_loop3A_444 = arith.constant 0 : i32
        %parallel_loop3A_445 = arith.cmpi slt, %parallel_loop3A_438, %parallel_loop3A_444 : i32
        %parallel_loop3A_446 = arith.xori %parallel_loop3A_443, %parallel_loop3A_445 : i1
        %parallel_loop3A_447 = arith.andi %parallel_loop3A_446, %parallel_loop3A_441 : i1
        %parallel_loop3A_448 = arith.addi %parallel_loop3A_439, %parallel_loop3A_438 : i32
        %parallel_loop3A_449 = arith.select %parallel_loop3A_447, %parallel_loop3A_448, %parallel_loop3A_439 : i32
        %parallel_loop3A_450 = arith.index_cast %parallel_loop3A_433 : i32 to index
        %parallel_loop3A_451 = arith.index_cast %parallel_loop3A_449 : i32 to index
        %parallel_loop3A_452 = arith.constant 64 : index
        %parallel_loop3A_453 = tpu.vector_load %arg15[%parallel_loop3A_450, %parallel_loop3A_451, %parallel_loop3A_452] {strides = array<i32>} : memref<4x8x128xf32, #tpu.memory_space<vmem>>, vector<16xf32>,
        tpu.vector_store %arg15[%parallel_loop3A_450, %parallel_loop3A_451, %parallel_loop3A_452], %parallel_loop3A_409 {strides = array<i32>} : memref<4x8x128xf32, #tpu.memory_space<vmem>>, vector<16xf32>,
        %parallel_loop3A_454 = arith.constant 80 : i32
        %parallel_loop3A_455 = vector.broadcast %parallel_loop3A_454 : i32 to vector<16xi32>
        %parallel_loop3A_456 = arith.addi %iota3A, %parallel_loop3A_455 : vector<16xi32>
        %parallel_loop3A_457 = tpu.vector_load_idx %arg11[%parallel_loop3A_456, %parallel_loop3A_202] : memref<128x32xf32, #tpu.memory_space<vmem>>[vector<16xi32>, vector<16xi32>], vector<16xf32>,
        %parallel_loop3A_458 = arith.addf %parallel_loop3A_457, %parallel_loop3A_208 : vector<16xf32>
        %parallel_loop3A_459 = arith.constant 8 : i32
        %parallel_loop3A_460 = arith.divsi %parallel_loop3A_197, %parallel_loop3A_459 : i32
        %parallel_loop3A_461 = arith.constant 0 : i32
        %parallel_loop3A_462 = arith.cmpi sgt, %parallel_loop3A_197, %parallel_loop3A_461 : i32
        %parallel_loop3A_463 = arith.extui %parallel_loop3A_462 : i1 to i32
        %parallel_loop3A_464 = arith.constant 0 : i32
        %parallel_loop3A_465 = arith.cmpi slt, %parallel_loop3A_197, %parallel_loop3A_464 : i32
        %parallel_loop3A_466 = arith.extui %parallel_loop3A_465 : i1 to i32
        %parallel_loop3A_467 = arith.subi %parallel_loop3A_463, %parallel_loop3A_466 : i32
        %parallel_loop3A_468 = arith.constant 0 : i32
        %parallel_loop3A_469 = arith.cmpi sgt, %parallel_loop3A_459, %parallel_loop3A_468 : i32
        %parallel_loop3A_470 = arith.extui %parallel_loop3A_469 : i1 to i32
        %parallel_loop3A_471 = arith.constant 0 : i32
        %parallel_loop3A_472 = arith.cmpi slt, %parallel_loop3A_459, %parallel_loop3A_471 : i32
        %parallel_loop3A_473 = arith.extui %parallel_loop3A_472 : i1 to i32
        %parallel_loop3A_474 = arith.subi %parallel_loop3A_470, %parallel_loop3A_473 : i32
        %parallel_loop3A_475 = arith.cmpi ne, %parallel_loop3A_467, %parallel_loop3A_474 : i32
        %parallel_loop3A_476 = arith.remsi %parallel_loop3A_197, %parallel_loop3A_459 : i32
        %parallel_loop3A_477 = arith.constant 0 : i32
        %parallel_loop3A_478 = arith.cmpi ne, %parallel_loop3A_476, %parallel_loop3A_477 : i32
        %parallel_loop3A_479 = arith.andi %parallel_loop3A_475, %parallel_loop3A_478 : i1
        %parallel_loop3A_480 = arith.constant 1 : i32
        %parallel_loop3A_481 = arith.subi %parallel_loop3A_460, %parallel_loop3A_480 : i32
        %parallel_loop3A_482 = arith.select %parallel_loop3A_479, %parallel_loop3A_481, %parallel_loop3A_460 : i32
        %parallel_loop3A_483 = arith.constant 8 : i32
        %parallel_loop3A_484 = arith.constant 0 : i32
        %parallel_loop3A_485 = arith.cmpi eq, %parallel_loop3A_483, %parallel_loop3A_484 : i32
        %parallel_loop3A_486 = arith.constant 1 : i32
        %parallel_loop3A_487 = arith.select %parallel_loop3A_485, %parallel_loop3A_486, %parallel_loop3A_483 : i32
        %parallel_loop3A_488 = arith.remsi %parallel_loop3A_197, %parallel_loop3A_487 : i32
        %parallel_loop3A_489 = arith.constant 0 : i32
        %parallel_loop3A_490 = arith.cmpi ne, %parallel_loop3A_488, %parallel_loop3A_489 : i32
        %parallel_loop3A_491 = arith.constant 0 : i32
        %parallel_loop3A_492 = arith.cmpi slt, %parallel_loop3A_488, %parallel_loop3A_491 : i32
        %parallel_loop3A_493 = arith.constant 0 : i32
        %parallel_loop3A_494 = arith.cmpi slt, %parallel_loop3A_487, %parallel_loop3A_493 : i32
        %parallel_loop3A_495 = arith.xori %parallel_loop3A_492, %parallel_loop3A_494 : i1
        %parallel_loop3A_496 = arith.andi %parallel_loop3A_495, %parallel_loop3A_490 : i1
        %parallel_loop3A_497 = arith.addi %parallel_loop3A_488, %parallel_loop3A_487 : i32
        %parallel_loop3A_498 = arith.select %parallel_loop3A_496, %parallel_loop3A_497, %parallel_loop3A_488 : i32
        %parallel_loop3A_499 = arith.index_cast %parallel_loop3A_482 : i32 to index
        %parallel_loop3A_500 = arith.index_cast %parallel_loop3A_498 : i32 to index
        %parallel_loop3A_501 = arith.constant 80 : index
        %parallel_loop3A_502 = tpu.vector_load %arg15[%parallel_loop3A_499, %parallel_loop3A_500, %parallel_loop3A_501] {strides = array<i32>} : memref<4x8x128xf32, #tpu.memory_space<vmem>>, vector<16xf32>,
        tpu.vector_store %arg15[%parallel_loop3A_499, %parallel_loop3A_500, %parallel_loop3A_501], %parallel_loop3A_458 {strides = array<i32>} : memref<4x8x128xf32, #tpu.memory_space<vmem>>, vector<16xf32>,
        %parallel_loop3A_503 = arith.constant 96 : i32
        %parallel_loop3A_504 = vector.broadcast %parallel_loop3A_503 : i32 to vector<16xi32>
        %parallel_loop3A_505 = arith.addi %iota3A, %parallel_loop3A_504 : vector<16xi32>
        %parallel_loop3A_506 = tpu.vector_load_idx %arg11[%parallel_loop3A_505, %parallel_loop3A_202] : memref<128x32xf32, #tpu.memory_space<vmem>>[vector<16xi32>, vector<16xi32>], vector<16xf32>,
        %parallel_loop3A_507 = arith.addf %parallel_loop3A_506, %parallel_loop3A_208 : vector<16xf32>
        %parallel_loop3A_508 = arith.constant 8 : i32
        %parallel_loop3A_509 = arith.divsi %parallel_loop3A_197, %parallel_loop3A_508 : i32
        %parallel_loop3A_510 = arith.constant 0 : i32
        %parallel_loop3A_511 = arith.cmpi sgt, %parallel_loop3A_197, %parallel_loop3A_510 : i32
        %parallel_loop3A_512 = arith.extui %parallel_loop3A_511 : i1 to i32
        %parallel_loop3A_513 = arith.constant 0 : i32
        %parallel_loop3A_514 = arith.cmpi slt, %parallel_loop3A_197, %parallel_loop3A_513 : i32
        %parallel_loop3A_515 = arith.extui %parallel_loop3A_514 : i1 to i32
        %parallel_loop3A_516 = arith.subi %parallel_loop3A_512, %parallel_loop3A_515 : i32
        %parallel_loop3A_517 = arith.constant 0 : i32
        %parallel_loop3A_518 = arith.cmpi sgt, %parallel_loop3A_508, %parallel_loop3A_517 : i32
        %parallel_loop3A_519 = arith.extui %parallel_loop3A_518 : i1 to i32
        %parallel_loop3A_520 = arith.constant 0 : i32
        %parallel_loop3A_521 = arith.cmpi slt, %parallel_loop3A_508, %parallel_loop3A_520 : i32
        %parallel_loop3A_522 = arith.extui %parallel_loop3A_521 : i1 to i32
        %parallel_loop3A_523 = arith.subi %parallel_loop3A_519, %parallel_loop3A_522 : i32
        %parallel_loop3A_524 = arith.cmpi ne, %parallel_loop3A_516, %parallel_loop3A_523 : i32
        %parallel_loop3A_525 = arith.remsi %parallel_loop3A_197, %parallel_loop3A_508 : i32
        %parallel_loop3A_526 = arith.constant 0 : i32
        %parallel_loop3A_527 = arith.cmpi ne, %parallel_loop3A_525, %parallel_loop3A_526 : i32
        %parallel_loop3A_528 = arith.andi %parallel_loop3A_524, %parallel_loop3A_527 : i1
        %parallel_loop3A_529 = arith.constant 1 : i32
        %parallel_loop3A_530 = arith.subi %parallel_loop3A_509, %parallel_loop3A_529 : i32
        %parallel_loop3A_531 = arith.select %parallel_loop3A_528, %parallel_loop3A_530, %parallel_loop3A_509 : i32
        %parallel_loop3A_532 = arith.constant 8 : i32
        %parallel_loop3A_533 = arith.constant 0 : i32
        %parallel_loop3A_534 = arith.cmpi eq, %parallel_loop3A_532, %parallel_loop3A_533 : i32
        %parallel_loop3A_535 = arith.constant 1 : i32
        %parallel_loop3A_536 = arith.select %parallel_loop3A_534, %parallel_loop3A_535, %parallel_loop3A_532 : i32
        %parallel_loop3A_537 = arith.remsi %parallel_loop3A_197, %parallel_loop3A_536 : i32
        %parallel_loop3A_538 = arith.constant 0 : i32
        %parallel_loop3A_539 = arith.cmpi ne, %parallel_loop3A_537, %parallel_loop3A_538 : i32
        %parallel_loop3A_540 = arith.constant 0 : i32
        %parallel_loop3A_541 = arith.cmpi slt, %parallel_loop3A_537, %parallel_loop3A_540 : i32
        %parallel_loop3A_542 = arith.constant 0 : i32
        %parallel_loop3A_543 = arith.cmpi slt, %parallel_loop3A_536, %parallel_loop3A_542 : i32
        %parallel_loop3A_544 = arith.xori %parallel_loop3A_541, %parallel_loop3A_543 : i1
        %parallel_loop3A_545 = arith.andi %parallel_loop3A_544, %parallel_loop3A_539 : i1
        %parallel_loop3A_546 = arith.addi %parallel_loop3A_537, %parallel_loop3A_536 : i32
        %parallel_loop3A_547 = arith.select %parallel_loop3A_545, %parallel_loop3A_546, %parallel_loop3A_537 : i32
        %parallel_loop3A_548 = arith.index_cast %parallel_loop3A_531 : i32 to index
        %parallel_loop3A_549 = arith.index_cast %parallel_loop3A_547 : i32 to index
        %parallel_loop3A_550 = arith.constant 96 : index
        %parallel_loop3A_551 = tpu.vector_load %arg15[%parallel_loop3A_548, %parallel_loop3A_549, %parallel_loop3A_550] {strides = array<i32>} : memref<4x8x128xf32, #tpu.memory_space<vmem>>, vector<16xf32>,
        tpu.vector_store %arg15[%parallel_loop3A_548, %parallel_loop3A_549, %parallel_loop3A_550], %parallel_loop3A_507 {strides = array<i32>} : memref<4x8x128xf32, #tpu.memory_space<vmem>>, vector<16xf32>,
        %parallel_loop3A_552 = arith.constant 112 : i32
        %parallel_loop3A_553 = vector.broadcast %parallel_loop3A_552 : i32 to vector<16xi32>
        %parallel_loop3A_554 = arith.addi %iota3A, %parallel_loop3A_553 : vector<16xi32>
        %parallel_loop3A_555 = tpu.vector_load_idx %arg11[%parallel_loop3A_554, %parallel_loop3A_202] : memref<128x32xf32, #tpu.memory_space<vmem>>[vector<16xi32>, vector<16xi32>], vector<16xf32>,
        %parallel_loop3A_556 = arith.addf %parallel_loop3A_555, %parallel_loop3A_208 : vector<16xf32>
        %parallel_loop3A_557 = arith.constant 8 : i32
        %parallel_loop3A_558 = arith.divsi %parallel_loop3A_197, %parallel_loop3A_557 : i32
        %parallel_loop3A_559 = arith.constant 0 : i32
        %parallel_loop3A_560 = arith.cmpi sgt, %parallel_loop3A_197, %parallel_loop3A_559 : i32
        %parallel_loop3A_561 = arith.extui %parallel_loop3A_560 : i1 to i32
        %parallel_loop3A_562 = arith.constant 0 : i32
        %parallel_loop3A_563 = arith.cmpi slt, %parallel_loop3A_197, %parallel_loop3A_562 : i32
        %parallel_loop3A_564 = arith.extui %parallel_loop3A_563 : i1 to i32
        %parallel_loop3A_565 = arith.subi %parallel_loop3A_561, %parallel_loop3A_564 : i32
        %parallel_loop3A_566 = arith.constant 0 : i32
        %parallel_loop3A_567 = arith.cmpi sgt, %parallel_loop3A_557, %parallel_loop3A_566 : i32
        %parallel_loop3A_568 = arith.extui %parallel_loop3A_567 : i1 to i32
        %parallel_loop3A_569 = arith.constant 0 : i32
        %parallel_loop3A_570 = arith.cmpi slt, %parallel_loop3A_557, %parallel_loop3A_569 : i32
        %parallel_loop3A_571 = arith.extui %parallel_loop3A_570 : i1 to i32
        %parallel_loop3A_572 = arith.subi %parallel_loop3A_568, %parallel_loop3A_571 : i32
        %parallel_loop3A_573 = arith.cmpi ne, %parallel_loop3A_565, %parallel_loop3A_572 : i32
        %parallel_loop3A_574 = arith.remsi %parallel_loop3A_197, %parallel_loop3A_557 : i32
        %parallel_loop3A_575 = arith.constant 0 : i32
        %parallel_loop3A_576 = arith.cmpi ne, %parallel_loop3A_574, %parallel_loop3A_575 : i32
        %parallel_loop3A_577 = arith.andi %parallel_loop3A_573, %parallel_loop3A_576 : i1
        %parallel_loop3A_578 = arith.constant 1 : i32
        %parallel_loop3A_579 = arith.subi %parallel_loop3A_558, %parallel_loop3A_578 : i32
        %parallel_loop3A_580 = arith.select %parallel_loop3A_577, %parallel_loop3A_579, %parallel_loop3A_558 : i32
        %parallel_loop3A_581 = arith.constant 8 : i32
        %parallel_loop3A_582 = arith.constant 0 : i32
        %parallel_loop3A_583 = arith.cmpi eq, %parallel_loop3A_581, %parallel_loop3A_582 : i32
        %parallel_loop3A_584 = arith.constant 1 : i32
        %parallel_loop3A_585 = arith.select %parallel_loop3A_583, %parallel_loop3A_584, %parallel_loop3A_581 : i32
        %parallel_loop3A_586 = arith.remsi %parallel_loop3A_197, %parallel_loop3A_585 : i32
        %parallel_loop3A_587 = arith.constant 0 : i32
        %parallel_loop3A_588 = arith.cmpi ne, %parallel_loop3A_586, %parallel_loop3A_587 : i32
        %parallel_loop3A_589 = arith.constant 0 : i32
        %parallel_loop3A_590 = arith.cmpi slt, %parallel_loop3A_586, %parallel_loop3A_589 : i32
        %parallel_loop3A_591 = arith.constant 0 : i32
        %parallel_loop3A_592 = arith.cmpi slt, %parallel_loop3A_585, %parallel_loop3A_591 : i32
        %parallel_loop3A_593 = arith.xori %parallel_loop3A_590, %parallel_loop3A_592 : i1
        %parallel_loop3A_594 = arith.andi %parallel_loop3A_593, %parallel_loop3A_588 : i1
        %parallel_loop3A_595 = arith.addi %parallel_loop3A_586, %parallel_loop3A_585 : i32
        %parallel_loop3A_596 = arith.select %parallel_loop3A_594, %parallel_loop3A_595, %parallel_loop3A_586 : i32
        %parallel_loop3A_597 = arith.index_cast %parallel_loop3A_580 : i32 to index
        %parallel_loop3A_598 = arith.index_cast %parallel_loop3A_596 : i32 to index
        %parallel_loop3A_599 = arith.constant 112 : index
        %parallel_loop3A_600 = tpu.vector_load %arg15[%parallel_loop3A_597, %parallel_loop3A_598, %parallel_loop3A_599] {strides = array<i32>} : memref<4x8x128xf32, #tpu.memory_space<vmem>>, vector<16xf32>,
        tpu.vector_store %arg15[%parallel_loop3A_597, %parallel_loop3A_598, %parallel_loop3A_599], %parallel_loop3A_556 {strides = array<i32>} : memref<4x8x128xf32, #tpu.memory_space<vmem>>, vector<16xf32>,
      } {sc.loop_unroll_factor = 4 : i64, sc.parallel_access}
      %dma_start3A_126 = arith.constant 0 : i32
      %dma_start3A_127 = arith.constant 0 : i32
      %dma_start3A_128 = arith.constant 0 : i32
      %dma_start3A_129 = tpu.memref_slice %arg5[%add3A_114, %dma_start3A_126, %add3A, %dma_start3A_127, %dma_start3A_128] : memref<200x4x32x8x128xf32, #tpu.memory_space<hbm>> -> memref<1x4x1x8x128xf32, #tpu.memory_space<hbm>>
      %dma_start3A_130 = tpu.memref_squeeze %dma_start3A_129 : memref<1x4x1x8x128xf32, #tpu.memory_space<hbm>> -> memref<4x8x128xf32, #tpu.memory_space<hbm>>
      %dma_start3A_131 = arith.constant 0 : i32
      %dma_start3A_132 = arith.constant 0 : i32
      %dma_start3A_133 = arith.constant 0 : i32
      %dma_start3A_134 = tpu.memref_slice %arg5[%add3A_114, %dma_start3A_131, %add3A, %dma_start3A_132, %dma_start3A_133] : memref<200x4x32x8x128xf32, #tpu.memory_space<hbm>> -> memref<1x4x1x8x128xf32, #tpu.memory_space<hbm>>
      %dma_start3A_135 = tpu.memref_squeeze %dma_start3A_134 : memref<1x4x1x8x128xf32, #tpu.memory_space<hbm>> -> memref<4x8x128xf32, #tpu.memory_space<hbm>>
      tpu.enqueue_dma source(%arg15 : memref<4x8x128xf32, #tpu.memory_space<vmem>>) target(%dma_start3A_135 : memref<4x8x128xf32, #tpu.memory_space<hbm>>) target_semaphore(%arg23 : memref<!tpu.dma_semaphore, #tpu.memory_space<semaphore_mem>>)
      %dma_wait3A_136 = arith.constant 0 : i32
      %dma_wait3A_137 = arith.constant 0 : i32
      %dma_wait3A_138 = arith.constant 0 : i32
      %dma_wait3A_139 = arith.constant 0 : i32
      %dma_wait3A_140 = tpu.memref_slice %arg5[%dma_wait3A_136, %dma_wait3A_137, %add3A, %dma_wait3A_138, %dma_wait3A_139] : memref<200x4x32x8x128xf32, #tpu.memory_space<hbm>> -> memref<1x4x1x8x128xf32, #tpu.memory_space<hbm>>
      %dma_wait3A_141 = tpu.memref_squeeze %dma_wait3A_140 : memref<1x4x1x8x128xf32, #tpu.memory_space<hbm>> -> memref<4x8x128xf32, #tpu.memory_space<hbm>>
      %dma_wait3A_142 = arith.constant 0 : i32
      %dma_wait3A_143 = arith.constant 0 : i32
      %dma_wait3A_144 = arith.constant 0 : i32
      %dma_wait3A_145 = tpu.memref_slice %arg5[%dma_wait3A_136, %dma_wait3A_142, %add3A, %dma_wait3A_143, %dma_wait3A_144] : memref<200x4x32x8x128xf32, #tpu.memory_space<hbm>> -> memref<1x4x1x8x128xf32, #tpu.memory_space<hbm>>
      %dma_wait3A_146 = tpu.memref_squeeze %dma_wait3A_145 : memref<1x4x1x8x128xf32, #tpu.memory_space<hbm>> -> memref<4x8x128xf32, #tpu.memory_space<hbm>>
      tpu.wait_dma2 semaphore(%arg20 : memref<!tpu.dma_semaphore, #tpu.memory_space<semaphore_mem>>) src(%arg12 : memref<4x8x128xf32, #tpu.memory_space<vmem>>) dst(%dma_wait3A_146 : memref<4x8x128xf32, #tpu.memory_space<hbm>>)
      %lt3A = arith.constant 49 : i32
      %lt3A_147 = arith.cmpi slt, %scan3A_37, %lt3A : i32
      %convert_element_type3A = arith.extui %lt3A_147 : i1 to i32
      %cond3A = arith.constant 0 : i32
      %cond3A_148 = arith.cmpi ne, %convert_element_type3A, %cond3A : i32
      scf.if %cond3A_148 {
        %add3A_197 = arith.constant 1 : i32
        %add3A_198 = arith.addi %scan3A_37, %add3A_197 : i32
        %mul3A_199 = arith.constant 4 : i32
        %mul3A_200 = arith.muli %add3A_198, %mul3A_199 : i32
        %add3A_201 = arith.constant 0 : i32
        %add3A_202 = arith.addi %mul3A_200, %add3A_201 : i32
        %jit3A = arith.constant 8 : i32
        %div3A = arith.divsi %add3A_202, %jit3A : i32
        %sign3A = arith.constant 0 : i32
        %sign3A_203 = arith.cmpi sgt, %add3A_202, %sign3A : i32
        %sign3A_204 = arith.extui %sign3A_203 : i1 to i32
        %sign3A_205 = arith.constant 0 : i32
        %sign3A_206 = arith.cmpi slt, %add3A_202, %sign3A_205 : i32
        %sign3A_207 = arith.extui %sign3A_206 : i1 to i32
        %sign3A_208 = arith.subi %sign3A_204, %sign3A_207 : i32
        %sign3A_209 = arith.constant 0 : i32
        %sign3A_210 = arith.cmpi sgt, %jit3A, %sign3A_209 : i32
        %sign3A_211 = arith.extui %sign3A_210 : i1 to i32
        %sign3A_212 = arith.constant 0 : i32
        %sign3A_213 = arith.cmpi slt, %jit3A, %sign3A_212 : i32
        %sign3A_214 = arith.extui %sign3A_213 : i1 to i32
        %sign3A_215 = arith.subi %sign3A_211, %sign3A_214 : i32
        %ne3A = arith.cmpi ne, %sign3A_208, %sign3A_215 : i32
        %rem3A = arith.remsi %add3A_202, %jit3A : i32
        %ne3A_216 = arith.constant 0 : i32
        %ne3A_217 = arith.cmpi ne, %rem3A, %ne3A_216 : i32
        %and3A = arith.andi %ne3A, %ne3A_217 : i1
        %sub3A = arith.constant 1 : i32
        %sub3A_218 = arith.subi %div3A, %sub3A : i32
        %select_n3A = arith.select %and3A, %sub3A_218, %div3A : i32
        %jit3A_219 = arith.constant 8 : i32
        %eq3A = arith.constant 0 : i32
        %eq3A_220 = arith.cmpi eq, %jit3A_219, %eq3A : i32
        %jit3A_221 = arith.constant 1 : i32
        %select_n3A_222 = arith.select %eq3A_220, %jit3A_221, %jit3A_219 : i32
        %rem3A_223 = arith.remsi %add3A_202, %select_n3A_222 : i32
        %ne3A_224 = arith.constant 0 : i32
        %ne3A_225 = arith.cmpi ne, %rem3A_223, %ne3A_224 : i32
        %lt3A_226 = arith.constant 0 : i32
        %lt3A_227 = arith.cmpi slt, %rem3A_223, %lt3A_226 : i32
        %lt3A_228 = arith.constant 0 : i32
        %lt3A_229 = arith.cmpi slt, %select_n3A_222, %lt3A_228 : i32
        %ne3A_230 = arith.xori %lt3A_227, %lt3A_229 : i1
        %and3A_231 = arith.andi %ne3A_230, %ne3A_225 : i1
        %add3A_232 = arith.addi %rem3A_223, %select_n3A_222 : i32
        %select_n3A_233 = arith.select %and3A_231, %add3A_232, %rem3A_223 : i32
        %dma_start3A_234 = arith.constant 0 : i32
        %dma_start3A_235 = tpu.memref_slice %arg6[%select_n3A, %select_n3A_233, %dma_start3A_234] : memref<25x8x128xi32, #tpu.memory_space<vmem>> -> memref<1x1x128xi32, #tpu.memory_space<vmem>>
        %dma_start3A_236 = tpu.memref_squeeze %dma_start3A_235 : memref<1x1x128xi32, #tpu.memory_space<vmem>> -> memref<128xi32, #tpu.memory_space<vmem>>
        %dma_start3A_237 = arith.constant 0 : i32
        %dma_start3A_238 = arith.constant 0 : i32
        %dma_start3A_239 = tpu.memref_slice %arg3[%dma_start3A_237, %dma_start3A_238] : memref<1000000x32xf32, #tpu.memory_space<hbm>> -> memref<1000000x32xf32, #tpu.memory_space<hbm>>
        tpu.enqueue_indirect_dma source(%dma_start3A_239 : memref<1000000x32xf32, #tpu.memory_space<hbm>>) target(%arg8 : memref<128x32xf32, #tpu.memory_space<vmem>>) offsets(%dma_start3A_236 : memref<128xi32, #tpu.memory_space<vmem>>) semaphore(%arg16 : memref<!tpu.dma_semaphore, #tpu.memory_space<semaphore_mem>>)
      } else {
      }
      %dma_wait3A_149 = arith.constant 0 : i32
      %dma_wait3A_150 = arith.constant 0 : i32
      %dma_wait3A_151 = arith.constant 0 : i32
      %dma_wait3A_152 = arith.constant 0 : i32
      %dma_wait3A_153 = tpu.memref_slice %arg5[%dma_wait3A_149, %dma_wait3A_150, %add3A, %dma_wait3A_151, %dma_wait3A_152] : memref<200x4x32x8x128xf32, #tpu.memory_space<hbm>> -> memref<1x4x1x8x128xf32, #tpu.memory_space<hbm>>
      %dma_wait3A_154 = tpu.memref_squeeze %dma_wait3A_153 : memref<1x4x1x8x128xf32, #tpu.memory_space<hbm>> -> memref<4x8x128xf32, #tpu.memory_space<hbm>>
      %dma_wait3A_155 = arith.constant 0 : i32
      %dma_wait3A_156 = arith.constant 0 : i32
      %dma_wait3A_157 = arith.constant 0 : i32
      %dma_wait3A_158 = tpu.memref_slice %arg5[%dma_wait3A_149, %dma_wait3A_155, %add3A, %dma_wait3A_156, %dma_wait3A_157] : memref<200x4x32x8x128xf32, #tpu.memory_space<hbm>> -> memref<1x4x1x8x128xf32, #tpu.memory_space<hbm>>
      %dma_wait3A_159 = tpu.memref_squeeze %dma_wait3A_158 : memref<1x4x1x8x128xf32, #tpu.memory_space<hbm>> -> memref<4x8x128xf32, #tpu.memory_space<hbm>>
      tpu.wait_dma2 semaphore(%arg21 : memref<!tpu.dma_semaphore, #tpu.memory_space<semaphore_mem>>) src(%arg13 : memref<4x8x128xf32, #tpu.memory_space<vmem>>) dst(%dma_wait3A_159 : memref<4x8x128xf32, #tpu.memory_space<hbm>>)
      %lt3A_160 = arith.constant 49 : i32
      %lt3A_161 = arith.cmpi slt, %scan3A_37, %lt3A_160 : i32
      %convert_element_type3A_162 = arith.extui %lt3A_161 : i1 to i32
      %cond3A_163 = arith.constant 0 : i32
      %cond3A_164 = arith.cmpi ne, %convert_element_type3A_162, %cond3A_163 : i32
      scf.if %cond3A_164 {
        %add3A_197 = arith.constant 1 : i32
        %add3A_198 = arith.addi %scan3A_37, %add3A_197 : i32
        %mul3A_199 = arith.constant 4 : i32
        %mul3A_200 = arith.muli %add3A_198, %mul3A_199 : i32
        %add3A_201 = arith.constant 1 : i32
        %add3A_202 = arith.addi %mul3A_200, %add3A_201 : i32
        %jit3A = arith.constant 8 : i32
        %div3A = arith.divsi %add3A_202, %jit3A : i32
        %sign3A = arith.constant 0 : i32
        %sign3A_203 = arith.cmpi sgt, %add3A_202, %sign3A : i32
        %sign3A_204 = arith.extui %sign3A_203 : i1 to i32
        %sign3A_205 = arith.constant 0 : i32
        %sign3A_206 = arith.cmpi slt, %add3A_202, %sign3A_205 : i32
        %sign3A_207 = arith.extui %sign3A_206 : i1 to i32
        %sign3A_208 = arith.subi %sign3A_204, %sign3A_207 : i32
        %sign3A_209 = arith.constant 0 : i32
        %sign3A_210 = arith.cmpi sgt, %jit3A, %sign3A_209 : i32
        %sign3A_211 = arith.extui %sign3A_210 : i1 to i32
        %sign3A_212 = arith.constant 0 : i32
        %sign3A_213 = arith.cmpi slt, %jit3A, %sign3A_212 : i32
        %sign3A_214 = arith.extui %sign3A_213 : i1 to i32
        %sign3A_215 = arith.subi %sign3A_211, %sign3A_214 : i32
        %ne3A = arith.cmpi ne, %sign3A_208, %sign3A_215 : i32
        %rem3A = arith.remsi %add3A_202, %jit3A : i32
        %ne3A_216 = arith.constant 0 : i32
        %ne3A_217 = arith.cmpi ne, %rem3A, %ne3A_216 : i32
        %and3A = arith.andi %ne3A, %ne3A_217 : i1
        %sub3A = arith.constant 1 : i32
        %sub3A_218 = arith.subi %div3A, %sub3A : i32
        %select_n3A = arith.select %and3A, %sub3A_218, %div3A : i32
        %jit3A_219 = arith.constant 8 : i32
        %eq3A = arith.constant 0 : i32
        %eq3A_220 = arith.cmpi eq, %jit3A_219, %eq3A : i32
        %jit3A_221 = arith.constant 1 : i32
        %select_n3A_222 = arith.select %eq3A_220, %jit3A_221, %jit3A_219 : i32
        %rem3A_223 = arith.remsi %add3A_202, %select_n3A_222 : i32
        %ne3A_224 = arith.constant 0 : i32
        %ne3A_225 = arith.cmpi ne, %rem3A_223, %ne3A_224 : i32
        %lt3A_226 = arith.constant 0 : i32
        %lt3A_227 = arith.cmpi slt, %rem3A_223, %lt3A_226 : i32
        %lt3A_228 = arith.constant 0 : i32
        %lt3A_229 = arith.cmpi slt, %select_n3A_222, %lt3A_228 : i32
        %ne3A_230 = arith.xori %lt3A_227, %lt3A_229 : i1
        %and3A_231 = arith.andi %ne3A_230, %ne3A_225 : i1
        %add3A_232 = arith.addi %rem3A_223, %select_n3A_222 : i32
        %select_n3A_233 = arith.select %and3A_231, %add3A_232, %rem3A_223 : i32
        %dma_start3A_234 = arith.constant 0 : i32
        %dma_start3A_235 = tpu.memref_slice %arg6[%select_n3A, %select_n3A_233, %dma_start3A_234] : memref<25x8x128xi32, #tpu.memory_space<vmem>> -> memref<1x1x128xi32, #tpu.memory_space<vmem>>
        %dma_start3A_236 = tpu.memref_squeeze %dma_start3A_235 : memref<1x1x128xi32, #tpu.memory_space<vmem>> -> memref<128xi32, #tpu.memory_space<vmem>>
        %dma_start3A_237 = arith.constant 0 : i32
        %dma_start3A_238 = arith.constant 0 : i32
        %dma_start3A_239 = tpu.memref_slice %arg3[%dma_start3A_237, %dma_start3A_238] : memref<1000000x32xf32, #tpu.memory_space<hbm>> -> memref<1000000x32xf32, #tpu.memory_space<hbm>>
        tpu.enqueue_indirect_dma source(%dma_start3A_239 : memref<1000000x32xf32, #tpu.memory_space<hbm>>) target(%arg9 : memref<128x32xf32, #tpu.memory_space<vmem>>) offsets(%dma_start3A_236 : memref<128xi32, #tpu.memory_space<vmem>>) semaphore(%arg17 : memref<!tpu.dma_semaphore, #tpu.memory_space<semaphore_mem>>)
      } else {
      }
      %dma_wait3A_165 = arith.constant 0 : i32
      %dma_wait3A_166 = arith.constant 0 : i32
      %dma_wait3A_167 = arith.constant 0 : i32
      %dma_wait3A_168 = arith.constant 0 : i32
      %dma_wait3A_169 = tpu.memref_slice %arg5[%dma_wait3A_165, %dma_wait3A_166, %add3A, %dma_wait3A_167, %dma_wait3A_168] : memref<200x4x32x8x128xf32, #tpu.memory_space<hbm>> -> memref<1x4x1x8x128xf32, #tpu.memory_space<hbm>>
      %dma_wait3A_170 = tpu.memref_squeeze %dma_wait3A_169 : memref<1x4x1x8x128xf32, #tpu.memory_space<hbm>> -> memref<4x8x128xf32, #tpu.memory_space<hbm>>
      %dma_wait3A_171 = arith.constant 0 : i32
      %dma_wait3A_172 = arith.constant 0 : i32
      %dma_wait3A_173 = arith.constant 0 : i32
      %dma_wait3A_174 = tpu.memref_slice %arg5[%dma_wait3A_165, %dma_wait3A_171, %add3A, %dma_wait3A_172, %dma_wait3A_173] : memref<200x4x32x8x128xf32, #tpu.memory_space<hbm>> -> memref<1x4x1x8x128xf32, #tpu.memory_space<hbm>>
      %dma_wait3A_175 = tpu.memref_squeeze %dma_wait3A_174 : memref<1x4x1x8x128xf32, #tpu.memory_space<hbm>> -> memref<4x8x128xf32, #tpu.memory_space<hbm>>
      tpu.wait_dma2 semaphore(%arg22 : memref<!tpu.dma_semaphore, #tpu.memory_space<semaphore_mem>>) src(%arg14 : memref<4x8x128xf32, #tpu.memory_space<vmem>>) dst(%dma_wait3A_175 : memref<4x8x128xf32, #tpu.memory_space<hbm>>)
      %lt3A_176 = arith.constant 49 : i32
      %lt3A_177 = arith.cmpi slt, %scan3A_37, %lt3A_176 : i32
      %convert_element_type3A_178 = arith.extui %lt3A_177 : i1 to i32
      %cond3A_179 = arith.constant 0 : i32
      %cond3A_180 = arith.cmpi ne, %convert_element_type3A_178, %cond3A_179 : i32
      scf.if %cond3A_180 {
        %add3A_197 = arith.constant 1 : i32
        %add3A_198 = arith.addi %scan3A_37, %add3A_197 : i32
        %mul3A_199 = arith.constant 4 : i32
        %mul3A_200 = arith.muli %add3A_198, %mul3A_199 : i32
        %add3A_201 = arith.constant 2 : i32
        %add3A_202 = arith.addi %mul3A_200, %add3A_201 : i32
        %jit3A = arith.constant 8 : i32
        %div3A = arith.divsi %add3A_202, %jit3A : i32
        %sign3A = arith.constant 0 : i32
        %sign3A_203 = arith.cmpi sgt, %add3A_202, %sign3A : i32
        %sign3A_204 = arith.extui %sign3A_203 : i1 to i32
        %sign3A_205 = arith.constant 0 : i32
        %sign3A_206 = arith.cmpi slt, %add3A_202, %sign3A_205 : i32
        %sign3A_207 = arith.extui %sign3A_206 : i1 to i32
        %sign3A_208 = arith.subi %sign3A_204, %sign3A_207 : i32
        %sign3A_209 = arith.constant 0 : i32
        %sign3A_210 = arith.cmpi sgt, %jit3A, %sign3A_209 : i32
        %sign3A_211 = arith.extui %sign3A_210 : i1 to i32
        %sign3A_212 = arith.constant 0 : i32
        %sign3A_213 = arith.cmpi slt, %jit3A, %sign3A_212 : i32
        %sign3A_214 = arith.extui %sign3A_213 : i1 to i32
        %sign3A_215 = arith.subi %sign3A_211, %sign3A_214 : i32
        %ne3A = arith.cmpi ne, %sign3A_208, %sign3A_215 : i32
        %rem3A = arith.remsi %add3A_202, %jit3A : i32
        %ne3A_216 = arith.constant 0 : i32
        %ne3A_217 = arith.cmpi ne, %rem3A, %ne3A_216 : i32
        %and3A = arith.andi %ne3A, %ne3A_217 : i1
        %sub3A = arith.constant 1 : i32
        %sub3A_218 = arith.subi %div3A, %sub3A : i32
        %select_n3A = arith.select %and3A, %sub3A_218, %div3A : i32
        %jit3A_219 = arith.constant 8 : i32
        %eq3A = arith.constant 0 : i32
        %eq3A_220 = arith.cmpi eq, %jit3A_219, %eq3A : i32
        %jit3A_221 = arith.constant 1 : i32
        %select_n3A_222 = arith.select %eq3A_220, %jit3A_221, %jit3A_219 : i32
        %rem3A_223 = arith.remsi %add3A_202, %select_n3A_222 : i32
        %ne3A_224 = arith.constant 0 : i32
        %ne3A_225 = arith.cmpi ne, %rem3A_223, %ne3A_224 : i32
        %lt3A_226 = arith.constant 0 : i32
        %lt3A_227 = arith.cmpi slt, %rem3A_223, %lt3A_226 : i32
        %lt3A_228 = arith.constant 0 : i32
        %lt3A_229 = arith.cmpi slt, %select_n3A_222, %lt3A_228 : i32
        %ne3A_230 = arith.xori %lt3A_227, %lt3A_229 : i1
        %and3A_231 = arith.andi %ne3A_230, %ne3A_225 : i1
        %add3A_232 = arith.addi %rem3A_223, %select_n3A_222 : i32
        %select_n3A_233 = arith.select %and3A_231, %add3A_232, %rem3A_223 : i32
        %dma_start3A_234 = arith.constant 0 : i32
        %dma_start3A_235 = tpu.memref_slice %arg6[%select_n3A, %select_n3A_233, %dma_start3A_234] : memref<25x8x128xi32, #tpu.memory_space<vmem>> -> memref<1x1x128xi32, #tpu.memory_space<vmem>>
        %dma_start3A_236 = tpu.memref_squeeze %dma_start3A_235 : memref<1x1x128xi32, #tpu.memory_space<vmem>> -> memref<128xi32, #tpu.memory_space<vmem>>
        %dma_start3A_237 = arith.constant 0 : i32
        %dma_start3A_238 = arith.constant 0 : i32
        %dma_start3A_239 = tpu.memref_slice %arg3[%dma_start3A_237, %dma_start3A_238] : memref<1000000x32xf32, #tpu.memory_space<hbm>> -> memref<1000000x32xf32, #tpu.memory_space<hbm>>
        tpu.enqueue_indirect_dma source(%dma_start3A_239 : memref<1000000x32xf32, #tpu.memory_space<hbm>>) target(%arg10 : memref<128x32xf32, #tpu.memory_space<vmem>>) offsets(%dma_start3A_236 : memref<128xi32, #tpu.memory_space<vmem>>) semaphore(%arg18 : memref<!tpu.dma_semaphore, #tpu.memory_space<semaphore_mem>>)
      } else {
      }
      %dma_wait3A_181 = arith.constant 0 : i32
      %dma_wait3A_182 = arith.constant 0 : i32
      %dma_wait3A_183 = arith.constant 0 : i32
      %dma_wait3A_184 = arith.constant 0 : i32
      %dma_wait3A_185 = tpu.memref_slice %arg5[%dma_wait3A_181, %dma_wait3A_182, %add3A, %dma_wait3A_183, %dma_wait3A_184] : memref<200x4x32x8x128xf32, #tpu.memory_space<hbm>> -> memref<1x4x1x8x128xf32, #tpu.memory_space<hbm>>
      %dma_wait3A_186 = tpu.memref_squeeze %dma_wait3A_185 : memref<1x4x1x8x128xf32, #tpu.memory_space<hbm>> -> memref<4x8x128xf32, #tpu.memory_space<hbm>>
      %dma_wait3A_187 = arith.constant 0 : i32
      %dma_wait3A_188 = arith.constant 0 : i32
      %dma_wait3A_189 = arith.constant 0 : i32
      %dma_wait3A_190 = tpu.memref_slice %arg5[%dma_wait3A_181, %dma_wait3A_187, %add3A, %dma_wait3A_188, %dma_wait3A_189] : memref<200x4x32x8x128xf32, #tpu.memory_space<hbm>> -> memref<1x4x1x8x128xf32, #tpu.memory_space<hbm>>
      %dma_wait3A_191 = tpu.memref_squeeze %dma_wait3A_190 : memref<1x4x1x8x128xf32, #tpu.memory_space<hbm>> -> memref<4x8x128xf32, #tpu.memory_space<hbm>>
      tpu.wait_dma2 semaphore(%arg23 : memref<!tpu.dma_semaphore, #tpu.memory_space<semaphore_mem>>) src(%arg15 : memref<4x8x128xf32, #tpu.memory_space<vmem>>) dst(%dma_wait3A_191 : memref<4x8x128xf32, #tpu.memory_space<hbm>>)
      %lt3A_192 = arith.constant 49 : i32
      %lt3A_193 = arith.cmpi slt, %scan3A_37, %lt3A_192 : i32
      %convert_element_type3A_194 = arith.extui %lt3A_193 : i1 to i32
      %cond3A_195 = arith.constant 0 : i32
      %cond3A_196 = arith.cmpi ne, %convert_element_type3A_194, %cond3A_195 : i32
      scf.if %cond3A_196 {
        %add3A_197 = arith.constant 1 : i32
        %add3A_198 = arith.addi %scan3A_37, %add3A_197 : i32
        %mul3A_199 = arith.constant 4 : i32
        %mul3A_200 = arith.muli %add3A_198, %mul3A_199 : i32
        %add3A_201 = arith.constant 3 : i32
        %add3A_202 = arith.addi %mul3A_200, %add3A_201 : i32
        %jit3A = arith.constant 8 : i32
        %div3A = arith.divsi %add3A_202, %jit3A : i32
        %sign3A = arith.constant 0 : i32
        %sign3A_203 = arith.cmpi sgt, %add3A_202, %sign3A : i32
        %sign3A_204 = arith.extui %sign3A_203 : i1 to i32
        %sign3A_205 = arith.constant 0 : i32
        %sign3A_206 = arith.cmpi slt, %add3A_202, %sign3A_205 : i32
        %sign3A_207 = arith.extui %sign3A_206 : i1 to i32
        %sign3A_208 = arith.subi %sign3A_204, %sign3A_207 : i32
        %sign3A_209 = arith.constant 0 : i32
        %sign3A_210 = arith.cmpi sgt, %jit3A, %sign3A_209 : i32
        %sign3A_211 = arith.extui %sign3A_210 : i1 to i32
        %sign3A_212 = arith.constant 0 : i32
        %sign3A_213 = arith.cmpi slt, %jit3A, %sign3A_212 : i32
        %sign3A_214 = arith.extui %sign3A_213 : i1 to i32
        %sign3A_215 = arith.subi %sign3A_211, %sign3A_214 : i32
        %ne3A = arith.cmpi ne, %sign3A_208, %sign3A_215 : i32
        %rem3A = arith.remsi %add3A_202, %jit3A : i32
        %ne3A_216 = arith.constant 0 : i32
        %ne3A_217 = arith.cmpi ne, %rem3A, %ne3A_216 : i32
        %and3A = arith.andi %ne3A, %ne3A_217 : i1
        %sub3A = arith.constant 1 : i32
        %sub3A_218 = arith.subi %div3A, %sub3A : i32
        %select_n3A = arith.select %and3A, %sub3A_218, %div3A : i32
        %jit3A_219 = arith.constant 8 : i32
        %eq3A = arith.constant 0 : i32
        %eq3A_220 = arith.cmpi eq, %jit3A_219, %eq3A : i32
        %jit3A_221 = arith.constant 1 : i32
        %select_n3A_222 = arith.select %eq3A_220, %jit3A_221, %jit3A_219 : i32
        %rem3A_223 = arith.remsi %add3A_202, %select_n3A_222 : i32
        %ne3A_224 = arith.constant 0 : i32
        %ne3A_225 = arith.cmpi ne, %rem3A_223, %ne3A_224 : i32
        %lt3A_226 = arith.constant 0 : i32
        %lt3A_227 = arith.cmpi slt, %rem3A_223, %lt3A_226 : i32
        %lt3A_228 = arith.constant 0 : i32
        %lt3A_229 = arith.cmpi slt, %select_n3A_222, %lt3A_228 : i32
        %ne3A_230 = arith.xori %lt3A_227, %lt3A_229 : i1
        %and3A_231 = arith.andi %ne3A_230, %ne3A_225 : i1
        %add3A_232 = arith.addi %rem3A_223, %select_n3A_222 : i32
        %select_n3A_233 = arith.select %and3A_231, %add3A_232, %rem3A_223 : i32
        %dma_start3A_234 = arith.constant 0 : i32
        %dma_start3A_235 = tpu.memref_slice %arg6[%select_n3A, %select_n3A_233, %dma_start3A_234] : memref<25x8x128xi32, #tpu.memory_space<vmem>> -> memref<1x1x128xi32, #tpu.memory_space<vmem>>
        %dma_start3A_236 = tpu.memref_squeeze %dma_start3A_235 : memref<1x1x128xi32, #tpu.memory_space<vmem>> -> memref<128xi32, #tpu.memory_space<vmem>>
        %dma_start3A_237 = arith.constant 0 : i32
        %dma_start3A_238 = arith.constant 0 : i32
        %dma_start3A_239 = tpu.memref_slice %arg3[%dma_start3A_237, %dma_start3A_238] : memref<1000000x32xf32, #tpu.memory_space<hbm>> -> memref<1000000x32xf32, #tpu.memory_space<hbm>>
        tpu.enqueue_indirect_dma source(%dma_start3A_239 : memref<1000000x32xf32, #tpu.memory_space<hbm>>) target(%arg11 : memref<128x32xf32, #tpu.memory_space<vmem>>) offsets(%dma_start3A_236 : memref<128xi32, #tpu.memory_space<vmem>>) semaphore(%arg19 : memref<!tpu.dma_semaphore, #tpu.memory_space<semaphore_mem>>)
      } else {
      }
    }
    %scan3A_36 = arith.constant 50 : i32
    return
  }
}

module attributes {stable_mosaic.version = 14 : i64} {
  func.func @_tc_table(%arg0: i32, %arg1: memref<32x4096xf32, #tpu.memory_space<vmem>>, %arg2: memref<1024x128xf32, #tpu.memory_space<vmem>>) attributes {dimension_semantics = [#tpu.dimension_semantics<arbitrary>], iteration_bounds = array<i64: 245>, scalar_prefetch = 0 : i64, scratch_operands = 0 : i64, tpu.core_type = #tpu.core_type<tc>, window_params = [{transform_indices = @transform_0, window_bounds = array<i64: 32, 4096>}, {transform_indices = @transform_1, window_bounds = array<i64: 1024, 128>}]} {
    %get3A = arith.constant 0 : index
    %get3A_0 = arith.constant 0 : index
    %get3A_1 = vector.load %arg1[%get3A, %get3A_0] : memref<32x4096xf32, #tpu.memory_space<vmem>>, vector<32x4096xf32>
    %transpose3A = tpu.transpose %get3A_1, [1, 0] : vector<32x4096xf32> -> vector<4096x32xf32>
    %reshape3A = vector.shape_cast %transpose3A : vector<4096x32xf32> to vector<1024x4x32xf32>
    %slice3A = vector.extract_strided_slice %reshape3A {offsets = [0, 0, 0], sizes = [1024, 1, 32], strides = [1, 1, 1]} : vector<1024x4x32xf32> to vector<1024x1x32xf32>
    %squeeze3A = vector.shape_cast %slice3A : vector<1024x1x32xf32> to vector<1024x32xf32>
    %swap3A = arith.constant 0 : index
    %swap3A_2 = arith.constant 0 : index
    %swap3A_3 = vector.load %arg2[%swap3A, %swap3A_2] : memref<1024x128xf32, #tpu.memory_space<vmem>>, vector<1024x32xf32>
    tpu.vector_store %arg2[%swap3A, %swap3A_2], %squeeze3A {strides = array<i32>} : memref<1024x128xf32, #tpu.memory_space<vmem>>, vector<1024x32xf32>,
    %slice3A_4 = vector.extract_strided_slice %reshape3A {offsets = [0, 1, 0], sizes = [1024, 1, 32], strides = [1, 1, 1]} : vector<1024x4x32xf32> to vector<1024x1x32xf32>
    %squeeze3A_5 = vector.shape_cast %slice3A_4 : vector<1024x1x32xf32> to vector<1024x32xf32>
    %swap3A_6 = arith.constant 0 : index
    %swap3A_7 = arith.constant 32 : index
    %swap3A_8 = vector.load %arg2[%swap3A_6, %swap3A_7] : memref<1024x128xf32, #tpu.memory_space<vmem>>, vector<1024x32xf32>
    tpu.vector_store %arg2[%swap3A_6, %swap3A_7], %squeeze3A_5 {strides = array<i32>} : memref<1024x128xf32, #tpu.memory_space<vmem>>, vector<1024x32xf32>,
    %slice3A_9 = vector.extract_strided_slice %reshape3A {offsets = [0, 2, 0], sizes = [1024, 1, 32], strides = [1, 1, 1]} : vector<1024x4x32xf32> to vector<1024x1x32xf32>
    %squeeze3A_10 = vector.shape_cast %slice3A_9 : vector<1024x1x32xf32> to vector<1024x32xf32>
    %swap3A_11 = arith.constant 0 : index
    %swap3A_12 = arith.constant 64 : index
    %swap3A_13 = vector.load %arg2[%swap3A_11, %swap3A_12] : memref<1024x128xf32, #tpu.memory_space<vmem>>, vector<1024x32xf32>
    tpu.vector_store %arg2[%swap3A_11, %swap3A_12], %squeeze3A_10 {strides = array<i32>} : memref<1024x128xf32, #tpu.memory_space<vmem>>, vector<1024x32xf32>,
    %slice3A_14 = vector.extract_strided_slice %reshape3A {offsets = [0, 3, 0], sizes = [1024, 1, 32], strides = [1, 1, 1]} : vector<1024x4x32xf32> to vector<1024x1x32xf32>
    %squeeze3A_15 = vector.shape_cast %slice3A_14 : vector<1024x1x32xf32> to vector<1024x32xf32>
    %swap3A_16 = arith.constant 0 : index
    %swap3A_17 = arith.constant 96 : index
    %swap3A_18 = vector.load %arg2[%swap3A_16, %swap3A_17] : memref<1024x128xf32, #tpu.memory_space<vmem>>, vector<1024x32xf32>
    tpu.vector_store %arg2[%swap3A_16, %swap3A_17], %squeeze3A_15 {strides = array<i32>} : memref<1024x128xf32, #tpu.memory_space<vmem>>, vector<1024x32xf32>,
    return
  }
  func.func @transform_0(%arg0: i32) -> (i32, i32) {
    %c0_i32 = arith.constant 0 : i32
    %c0_i32_0 = arith.constant 0 : i32
    return %c0_i32, %arg0 : i32, i32
  }
  func.func @transform_1(%arg0: i32) -> (i32, i32) {
    %c0_i32 = arith.constant 0 : i32
    %c0_i32_0 = arith.constant 0 : i32
    return %arg0, %c0_i32 : i32, i32
  }
}

</mosaic_0001>

<sc_bundles>
// kernel: kernel.4.cloned.1.call-start
scs
__scs_entry_jumppad:
0x0: {  	(pc) =	sbr.rel $0x88, $3  }
0x1: {  	(tag) =	ssettag $0x0;
	lr =	simm.s32 $0x1  }
0x2: {  	[smem:$0x3F9E] =	sst lr;
	_ =	strace $0xD0000000  }
0x3: {  	_ = 	snop  }
0x4: {  	_ = 	snop  }
0x5: {  	_ = 	snop  }
0x6: {  	_ = 	snop  }
0x7: {  	_ = 	snop  }
__scs_overlays_trampoline_lowered:
0x8: {  	[smem:$0x3FAD] =	sst s0  }
0x9: {  	[smem:$0x3FAE] =	sst s1  }
0xa: {  	[smem:$0x3FAF] =	sst s2  }
0xb: {  	[smem:$0x3FB0] =	sst s3  }
0xc: {  	[smem:$0x3FB1] =	sst s4  }
0xd: {  	[smem:$0x3FB2] =	sst s5  }
0xe: {  	[smem:$0x3FB3] =	sst s6  }
0xf: {  	[smem:$0x3FB4] =	sst s7  }
0x10: {  	[smem:$0x3FB5] =	sst s8  }
0x11: {  	[smem:$0x3FB6] =	sst s9;
	s0 =	simm.s32 @!p0 $0x0  }
0x12: {  	s1 =	sld [smem:$0x3F9C];
	s0 =	simm.s32 @p0 $0x1  }
0x13: {  	[smem:$0x3FB7] =	sst s0;
	s0 =	simm.s32 @!p1 $0x0  }
0x14: {  	s2 =	sld [smem:$0x3F9B];
	s0 =	simm.s32 @p1 $0x1  }
0x15: {  	[smem:$0x3FB8] =	sst s0;
	s0 =	simm.s32 @!p2 $0x0  }
0x16: {  	s3 =	sld [smem:$0x3FDB];
	s0 =	simm.s32 @p2 $0x1  }
0x17: {  	s4 =	simm.s32 $0x1BF5;
	[smem:$0x3FBA] =	sst s0  }
0x18: {  	s0 =	sld [smem:$0x3F9D];
	_ =	swait.ge [sflag:s4], $0x0  }
0x19: {  	s7 =	sld [smem:$0x3F9E]  }
0x1a: {  	s8 =	sadd.s32 $0xFFFFE003, lr  }
0x1b: {  	s9 =	sadd.s32 $0xFFFFFEF7, lr;
	s5 =	simm.s32 $0xFFFFFFFF;
	p2 =	slt.u32 s8, $0xFFFFF086  }
0x1c: {  	p1 =	slt.u32 s9, $0xF7A;
	s5 =	simm.s32 @!p2 $0x0  }
0x1d: {  	s5 =	simm.s32 @p1 $0x1;
	p0 =	seq.s32 s7, s2  }
0x1e: {  	s7 =	smul.u32 @!p0 $0xF7A, s2;
	p2 =	seq.s32 @!p0 s5, $0x0  }
0x1f: {  	s9 =	smul.u32 $0xF7A, s1;
	s8 =	simm.s32 @!p0 $0x1BF5;
	p2 =	por !p2, p0  }
0x20: {  	[sflag:s8] =	ssyncset.s32 @!p0 $0xFFFFF086;
	s6 =	sadd.s32 @!p0 s3, s7;
	s7 =	simm.s32 @!p0 $0x108  }
0x21: {  	s3 =	sadd.s32 s3, s9;
	s6 =	sadd.s32 @!p0 $0x88, s6;
	s7 =	simm.s32 @p2 $0x1082  }
0x22: {  	[simem:s7], [sflag:s8] =	dma.local @!p0 [hbm:s6], $0xF7A  }
0x23: {  	s9 =	sor.u32 $0xD0000000, s2;
	s6 =	simm.s32 $0x108;
	_ =	swait.ge @!p0 [sflag:s8], $0x0  }
0x24: {  	s3 =	sadd.s32 $0x88, s3;
	s6 =	simm.s32 @!p1 $0x1082;
	[sflag:s4] =	ssyncset.s32 $0xFFFFF086  }
0x25: {  	[simem:s6], [sflag:s4] =	dma.local [hbm:s3], $0xF7A  }
0x26: {  	[smem:$0x3F9E] =	sst s1;
	(tag) =	ssettag s2;
	_ =	strace s9  }
0x27: {  	s1 =	sld [smem:$0x3FAE]  }
0x28: {  	s2 =	sld [smem:$0x3FAF]  }
0x29: {  	s4 =	sld [smem:$0x3FB1]  }
0x2a: {  	p0 =	seq.s32 s5, $0x0;
	s5 =	sld [smem:$0x3FB2]  }
0x2b: {  	s6 =	sld [smem:$0x3FB3]  }
0x2c: {  	s7 =	sld [smem:$0x3FB4]  }
0x2d: {  	s3 =	simm.s32 $0x108;
	s8 =	sld [smem:$0x3FB5]  }
0x2e: {  	s3 =	simm.s32 @!p0 $0x1082;
	s9 =	sld [smem:$0x3FB6]  }
0x2f: {  	lr =	sadd.s32 s0, s3;
	s0 =	sld [smem:$0x3FAD]  }
0x30: {  	s3 =	sld [smem:$0x3FB0]  }
0x31: {  	[smem:$0x3FB9] =	sst s10  }
0x32: {  	s10 =	sld [smem:$0x3FB7];
	_ =	sdelay $0x3  }
0x33: {  	p0 =	seq.s32 s10, $0x1;
	s10 =	sld [smem:$0x3FB9];
	_ =	sdelay $0x3  }
0x34: {  	[smem:$0x3FB9] =	sst s10  }
0x35: {  	s10 =	sld [smem:$0x3FB8];
	_ =	sdelay $0x3  }
0x36: {  	p1 =	seq.s32 s10, $0x1;
	s10 =	sld [smem:$0x3FB9];
	_ =	sdelay $0x3  }
0x37: {  	[smem:$0x3FB9] =	sst s10  }
0x38: {  	s10 =	sld [smem:$0x3FBA]  }
0x39: {  	_ = 	snop;
	(pc) =	sbr.ind lr, $3  }
0x3a: {  	_ = 	snop  }
0x3b: {  	_ = 	snop  }
0x3c: {  	p2 =	seq.s32 s10, $0x1;
	s10 =	sld [smem:$0x3FB9]  }
0x3d: {  	_ =	shalt  }
0x3e: {  	_ =	shalt  }
0x3f: {  	_ =	shalt  }
0x40: {  	_ =	shalt  }
0x41: {  	_ =	shalt  }
0x42: {  	_ =	shalt  }
0x43: {  	_ =	shalt  }
0x44: {  	_ =	shalt  }
0x45: {  	_ =	shalt  }
0x46: {  	_ =	shalt  }
0x47: {  	_ =	shalt  }
0x48: {  	_ =	shalt  }
0x49: {  	_ =	shalt  }
0x4a: {  	_ =	shalt  }
0x4b: {  	_ =	shalt  }
0x4c: {  	_ =	shalt  }
0x4d: {  	_ =	shalt  }
0x4e: {  	_ =	shalt  }
0x4f: {  	_ =	shalt  }
0x50: {  	_ =	shalt  }
0x51: {  	_ =	shalt  }
0x52: {  	_ =	shalt  }
0x53: {  	_ =	shalt  }
0x54: {  	_ =	shalt  }
0x55: {  	_ =	shalt  }
0x56: {  	_ =	shalt  }
0x57: {  	_ =	shalt  }
0x58: {  	_ =	shalt  }
0x59: {  	_ =	shalt  }
0x5a: {  	_ =	shalt  }
0x5b: {  	_ =	shalt  }
0x5c: {  	_ =	shalt  }
0x5d: {  	_ =	shalt  }
0x5e: {  	_ =	shalt  }
0x5f: {  	_ =	shalt  }
0x60: {  	_ =	shalt  }
0x61: {  	_ =	shalt  }
0x62: {  	_ =	shalt  }
0x63: {  	_ =	shalt  }
0x64: {  	_ =	shalt  }
0x65: {  	_ =	shalt  }
0x66: {  	_ =	shalt  }
0x67: {  	_ =	shalt  }
0x68: {  	_ =	shalt  }
0x69: {  	_ =	shalt  }
0x6a: {  	_ =	shalt  }
0x6b: {  	_ =	shalt  }
0x6c: {  	_ =	shalt  }
0x6d: {  	_ =	shalt  }
0x6e: {  	_ =	shalt  }
0x6f: {  	_ =	shalt  }
0x70: {  	_ =	shalt  }
0x71: {  	_ =	shalt  }
0x72: {  	_ =	shalt  }
0x73: {  	_ =	shalt  }
0x74: {  	_ =	shalt  }
0x75: {  	_ =	shalt  }
0x76: {  	_ =	shalt  }
0x77: {  	_ =	shalt  }
0x78: {  	_ =	shalt  }
0x79: {  	_ =	shalt  }
0x7a: {  	_ =	shalt  }
0x7b: {  	_ =	shalt  }
0x7c: {  	_ =	shalt  }
0x7d: {  	_ =	shalt  }
0x7e: {  	_ =	shalt  }
0x7f: {  	_ =	shalt  }
0x80: {  	_ =	shalt  }
0x81: {  	_ =	shalt  }
0x82: {  	_ =	shalt  }
0x83: {  	_ =	shalt  }
0x84: {  	_ =	shalt  }
0x85: {  	_ =	shalt  }
0x86: {  	_ =	shalt  }
0x87: {  	_ =	shalt  }
.Lfunc_end0:
.L_simem_size_0:
called_computation_lowered:
.L_overlay_start_0:
0x88: {  	s2 =	sld [smem:$0x3FD9]  }
0x89: {  	s3 =	sld [smem:$0x3FFE];
	_ =	sdelay $0x1  }
0x8a: {  	s1 =	srdreg.scid  }
0x8b: {  	s0 =	sand.u32 $0x1, s1  }
0x8c: {  	s17 =	sshll.u32 s0, $0xA;
	s2 =	sadd.s32 s3, s2  }
0x8d: {  	s2 =	sadd.s32 s2, s17  }
0x8e: {  	[smem:$0x3FC5] =	sst s2  }
0x8f: {  	_ = 	snop  }
0x90: {  	s2 =	sld [smem:$0x3FC9]  }
0x91: {  	s18 =	sld [smem:$0x3FD0];
	(tm) =	ssettm $0x1  }
0x92: {  	s4 =	sld [smem:$0x3FFB];
	_ =	sdelay $0x3  }
0x93: {  	_ =	strace s4  }
0x94: {  	s4 =	sld [smem:$0x3FFC];
	_ =	sdelay $0x3  }
0x95: {  	_ =	strace s4  }
0x96: {  	s4 =	sld [smem:$0x3FFD];
	_ =	sdelay $0x3  }
0x97: {  	_ =	strace s4  }
0x98: {  	_ =	strace $0x8FFFFFFF  }
0x99: {  	s19 =	sld [smem:$0x3FDB];
	_ =	sdelay $0x1  }
0x9a: {  	s5 =	simm.s32 $_scs_section_size  }
0x9b: {  	s6 =	simm.s32 $_size__tile_overlayer_lowered;
	s7 =	simm.s32 $_tile_overlayer_lowered  }
0x9c: {  	s22 =	simm.s32 $0x1BFF;
	s21 =	sshll.u32 s7, $0x1;
	s4 =	sadd.s32 s5, s19  }
0x9d: {  	s8 =	simm.s32 $0x0;
	s20 =	sshll.u32 s6, $0x1;
	s6 =	sadd.s32 s21, s4  }
0x9e: {  	[timem:s8], [sflag:s22] =	dma.local [hbm:s6], s20  }
0x9f: {  	_ =	swait.ge [sflag:s22], s20  }
0xa0: {  	s5 =	ssub.s32 $0x0, s20;
	[sflag:s22] =	ssyncset.done $0x0  }
0xa1: {  	[sflag:s22] =	ssyncadd.s32 s5;
	_ =	sdelay $0x1  }
0xa2: {  	s23 =	simm.s32 $0x1B8B  }
0xa3: {  	_ =	swait.ge [sflag:s23], $0x1  }
0xa4: {  	[sflag:s23] =	ssyncset.done $0x0  }
0xa5: {  	s25 =	simm.s32 $0x1B8E;
	s24 =	sld [smem:$0x3FFE];
	[sflag:s23] =	ssyncadd.s32 $0xFFFFFFFF  }
0xa6: {  	s26 =	simm.s32 $execute0_lowered;
	[smem:$0x3FD2] =	sst s25  }
0xa7: {  	s6 =	sshll.u32 s26, $0x1;
	_ =	strace $0x80000046;
	[dreg:$0x1] =	wrdreg $0xFFFFFFFF  }
0xa8: {  	s28 =	simm.s32 $_size_execute0_lowered;
	s4 =	sadd.s32 s4, s6;
	[dreg:$0x0] =	wrdreg $0x0  }
0xa9: {  	s6 =	sshll.u32 s28, $0x1;
	[dreg:$0x2] =	wrdreg s4  }
0xaa: {  	[dreg:$0x3] =	wrdreg s6  }
0xab: {  	[dreg:$0x4] =	wrdreg $0xC0  }
0xac: {  	_ =	task [dreg:s8], $0x5FFFF  }
0xad: {  	[dreg:$0x1] =	wrdreg $0xFFFFFFFF  }
0xae: {  	[dreg:$0x0] =	wrdreg $0x60  }
0xaf: {  	[dreg:$0x2] =	wrdreg s2  }
0xb0: {  	[dreg:$0x3] =	wrdreg s24  }
0xb1: {  	[dreg:$0x4] =	wrdreg s18  }
0xb2: {  	[dreg:$0x5] =	wrdreg $0x9  }
0xb3: {  	_ =	task.clear_ibuf [dreg:s8], $0x6FFFF;
	_ =	strace $0x90000046  }
0xb4: {  	s29 =	simm.s32 $0x9;
	_ =	strace $0x80000048  }
0xb5: {  	_ =	swait.ge [sflag:s29], $0x1  }
0xb6: {  	[sflag:s29] =	ssyncadd.s32 $0xFFFFFFFF  }
0xb7: {  	_ =	strace $0x90000048  }
0xb8: {  	_ =	sfence  }
0xb9: {  	s30 =	sld [smem:$0x0];
	_ =	sdelay $0x2  }
0xba: {  	s31 =	sshll.u32 s1, $0xD;
	s1 =	sshrl.u32 s1, $0x2  }
0xbb: {  	s3 =	sand.u32 $0x4000, s31;
	s1 =	sadd.s32 s1, s30  }
0xbc: {  	s0 =	sor.u32 s3, s0;
	s1 =	sshll.u32 s1, $0x11  }
0xbd: {  	s0 =	sor.u32 s1, s0  }
0xbe: {  	s0 =	sadd.s32 $0x8F2B, s0  }
0xbf: {  	[sflag:s0] =	ssyncadd.remote.s32 $0x1  }
0xc0: {  	_ =	sfence.sel $0xFFFF  }
0xc1: {  	[dreg:$0x0] =	wrdreg $0xFFFFFFFF;
	(pc) =	sbr.abs _section_cstart, $3  }
0xc2: {  	[dreg:$0x1] =	wrdreg $0xFFFFFFFF  }
0xc3: {  	_ =	task.clear_ibuf [dreg:s8], $0x2FFFF;
	_ =	strace $0x9FFFFFFF  }
0xc4: {  	(tm) =	ssettm $0x7FFFFFFF  }
0xc5: {  	_ =	shalt  }
tec
execute0_lowered:
.L_overlay_start_1:
0x0: {  	(tag) =	ssettag $0x1  }
0x1: {  	s0 =	rddreg [dreg:$0x0]  }
0x2: {  	s2 =	rddreg [dreg:$0x1]  }
0x3: {  	s1 =	rddreg [dreg:$0x2]  }
0x4: {  	s4 =	simm.s32 $0x0;
	s3 =	srdreg.scid;
	s28 =	stileid.u32  }
0x5: {  	s9 =	simm.s32 $0x400;
	s10 =	simm.s32 $0x8000;
	s12 =	simm.s32 $0x6400  }
0x6: {  	s13 =	simm.s32 $0x80;
	s14 =	simm.s32 $0x7D00;
	s15 =	simm.s32 $0x8D00  }
0x7: {  	[smem:$0x7FF] =	sst s4;
	s3 =	sand.u32 $0x1, s3;
	s4 =	sshll.u32 s28, $0xB  }
0x8: {  	v0 =	vlaneseq.u32;
	s5 =	sadd.s32 $0x800, s2;
	s6 =	ssub.s32 $0x2, s3;
	s3 =	sshll.u32 s3, $0xA  }
.Ltmp0:
0x9: {  	s2 =	sadd.s32 $0x400, s2;
	v0 =	vmul.u32 $0x20, v0;
	s4 =	sor.u32 s3, s4;
	(pc) =	sbr.rel .LBB2_1-.Ltmp0, $4  }
0xa: {  	_ =	strace $0x80000047;
	s7 =	sshrl.u32 s6, $0x1;
	s30 =	sshrl.u32 s4, $0x3  }
0xb: {  	[dreg:$0x4] =	wrdreg s2;
	v1 =	vor.u32 $0x200, v0;
	s29 =	ssub.s32 s6, s7;
	s0 =	sadd.s32 s0, s30  }
0xc: {  	s17 =	simm.s32 $0x9D00;
	v2 =	vor.u32 $0x400, v0;
	v3 =	vor.u32 $0x600, v0;
	v4 =	vor.u32 $0x800, v0;
	s31 =	smax.u32 s29, $0x1;
	[dreg:$0x5] =	wrdreg s0  }
0xd: {  	s19 =	simm.s32 $0xAD00;
	v5 =	vor.u32 $0xA00, v0;
	v6 =	vor.u32 $0xC00, v0;
	v7 =	vor.u32 $0xE00, v0;
	s3 =	simm.s32 $0x0;
	[dreg:$0x6] =	wrdreg s31  }
.LBB2_12:
0xe: {  	s0 =	simm.s32 $0x6  }
0xf: {  	_ =	swait.ge [sflag:s0], $0x1000  }
0x10: {  	[sflag:s0] =	ssyncset.done $0x0  }
0x11: {  	s30 =	simm.s32 $0x7;
	[sflag:s0] =	ssyncadd.s32 $0xFFFFF000  }
0x12: {  	_ =	swait.ge [sflag:s30], $0x1000  }
0x13: {  	[sflag:s30] =	ssyncset.done $0x0  }
0x14: {  	s2 =	simm.s32 $0x8;
	[sflag:s30] =	ssyncadd.s32 $0xFFFFF000  }
0x15: {  	_ =	swait.ge [sflag:s2], $0x1000  }
0x16: {  	s3 =	rddreg [dreg:$0x7]  }
0x17: {  	s31 =	rddreg [dreg:$0x6];
	s3 =	sadd.s32 $0x1, s3  }
0x18: {  	p0 =	sne.s32 s3, s31  }
.Ltmp1:
0x19: {  	_ = 	snop;
	(pc) =	sbr.rel @!p0 .LBB2_13-.Ltmp1, $3  }
0x1a: {  	_ =	sdelay $0x1  }
0x1b: {  	[sflag:s2] =	ssyncset.done $0x0  }
0x1c: {  	[sflag:s2] =	ssyncadd.s32 $0xFFFFF000  }
.LBB2_1:
0x1d: {  	[dreg:$0x7] =	wrdreg s3  }
0x1e: {  	s0 =	simm.s32 $0x0;
	s2 =	rddreg [dreg:$0x5];
	s28 =	simm.s32 $0x9  }
0x1f: {  	[tilespmem:s0], [sflag:$0x9] =	stream.strided.gather [hbm4b:s2+s9], $0x6400, s10, s9, $0x38;
	[tilespmem:$0xFD00] =	vst v63  }
0x20: {  	_ =	swait.ge [sflag:s28], $0x6400  }
0x21: {  	[sflag:s28] =	ssyncset.done $0x0  }
0x22: {  	s29 =	rddreg [dreg:$0x4];
	[sflag:s28] =	ssyncadd.s32 $0xFFFF9C00  }
0x23: {  	[tilespmem:s12], [sflag:$0x9] =	stream.linear.gather [hbm4b:s29+s0], $0x1900, $0x38;
	[tilespmem:$0xFD00] =	vst v63  }
0x24: {  	_ =	swait.ge [sflag:s28], $0x1900  }
0x25: {  	[sflag:s28] =	ssyncset.done $0x0  }
0x26: {  	[sflag:s28] =	ssyncadd.s32 $0xFFFFE700  }
0x27: {  	[tilespmem:s14], [sflag:$0x1] =	stream.indirect.gather [hbm4b:s5+s13], $0x20, s0, s13, $0xb8;
	[tilespmem:$0xFD00] =	vst v63  }
0x28: {  	_ = 	snop  }
0x29: {  	[tilespmem:s15], [sflag:$0x2] =	stream.indirect.gather [hbm4b:s5+s13], $0x20, s13, s13, $0xb8;
	[tilespmem:$0xFD00] =	vst v63  }
0x2a: {  	s30 =	simm.s32 $0x100  }
0x2b: {  	[tilespmem:s17], [sflag:$0x3] =	stream.indirect.gather [hbm4b:s5+s13], $0x20, s30, s13, $0xb8;
	[tilespmem:$0xFD00] =	vst v63  }
0x2c: {  	s31 =	simm.s32 $0x180;
	s16 =	simm.s32 $0x0  }
0x2d: {  	[tilespmem:s19], [sflag:$0x4] =	stream.indirect.gather [hbm4b:s5+s13], $0x20, s31, s13, $0xb8;
	[tilespmem:$0xFD00] =	vst v63  }
.LBB2_2:
0x2e: {  	s2 =	simm.s32 $0x0  }
0x2f: {  	s20 =	simm.s32 $0x2;
	v8 =	vmov s2  }
0x30: {  	v9 =	vmov s20;
	v8 =	vand.u32 $0x1C, v8  }
0x31: {  	v9 =	vand.u32 $0x1E, v9;
	v29 =	vbroadcast v8, $0x0  }
0x32: {  	s21 =	sshll.u32 s16, $0x7;
	v32 =	vbroadcast v9, $0x0  }
0x33: {  	s22 =	simm.s32 $0x3;
	v19 =	vmov s21;
	v8 =	vor.u32 v0, v29  }
0x34: {  	s0 =	simm.s32 $0x1;
	v9 =	vmov s22;
	v10 =	vor.u32 v19, v32  }
0x35: {  	_ =	swait.ge [sflag:s0], $0x1000;
	v9 =	vand.u32 $0x1F, v9;
	v11 =	vor.u32 v0, v32  }
0x36: {  	[sflag:s0] =	ssyncset.done $0x0;
	v35 =	vbroadcast v9, $0x0;
	v9 =	vor.u32 v19, v29  }
0x37: {  	[sflag:s0] =	ssyncadd.s32 $0xFFFFF000  }
0x38: {  	v12 =	vor.u32 v19, v35;
	v8 =	vld.idx.msk [tilespmem:v8+s14+$0x0], $0xffff  }
0x39: {  	v13 =	vor.u32 v0, v35;
	v10 =	vld.idx.msk [tilespmem:v10+s12+$0x0], $0xffff  }
0x3a: {  	s23 =	simm.s32 $0x1;
	v11 =	vld.idx.msk [tilespmem:v11+s14+$0x0], $0xffff  }
0x3b: {  	v14 =	vmov s23;
	v16 =	vld.idx.msk [tilespmem:v9+s12+$0x0], $0xffff  }
0x3c: {  	v9 =	vand.u32 $0x1D, v14  }
0x3d: {  	s24 =	simm.s32 $0x0;
	v36 =	vbroadcast v9, $0x0;
	v9 =	vor.u32 v1, v32;
	v15 =	vld.idx.msk [tilespmem:v12+s12+$0x0], $0xffff  }
0x3e: {  	s3 =	simm.s32 $0x100;
	s2 =	sand.u32 $0xC00, s24;
	v12 =	vld.idx.msk [tilespmem:v13+s14+$0x0], $0xffff;
	v13 =	vor.u32 v1, v29  }
0x3f: {  	s25 =	sand.u32 $0x300, s3;
	s6 =	sadd.s32 $0xBD00, s2;
	v14 =	vor.u32 v19, v36;
	v11 =	vadd.f32 v11, v10  }
0x40: {  	s7 =	sadd.s32 s25, s6;
	v17 =	vor.u32 v0, v36;
	v8 =	vadd.f32 v8, v16  }
0x41: {  	s2 =	simm.s32 $0xBD40;
	v20 =	vor.u32 v1, v35;
	[tilespmem:s7+$0x0] =	vst v11  }
0x42: {  	s26 =	simm.s32 $0x180;
	[tilespmem:s2+$0xFFFFFFC0] =	vst v8;
	v9 =	vld.idx.msk [tilespmem:v9+s14+$0x0], $0xffff  }
0x43: {  	s3 =	sand.u32 $0x380, s26;
	v8 =	vadd.f32 v12, v15;
	v11 =	vld.idx.msk [tilespmem:v13+s14+$0x0], $0xffff  }
0x44: {  	s11 =	sadd.s32 s3, s6;
	v18 =	vld.idx.msk [tilespmem:v14+s12+$0x0], $0xffff  }
0x45: {  	s29 =	simm.s32 $0x4;
	v12 =	vld.idx.msk [tilespmem:v17+s14+$0x0], $0xffff;
	v14 =	vor.u32 v2, v32;
	[tilespmem:s11+$0x0] =	vst v8  }
0x46: {  	s30 =	simm.s32 $0x6;
	v17 =	vor.u32 v2, v29;
	v13 =	vmov s29;
	v8 =	vor.u32 v1, v36;
	v21 =	vld.idx.msk [tilespmem:v20+s14+$0x0], $0xffff  }
0x47: {  	v13 =	vand.u32 $0x1C, v13;
	v20 =	vmov s30;
	v9 =	vadd.f32 v9, v10  }
0x48: {  	v22 =	vand.u32 $0x1E, v20;
	v20 =	vbroadcast v13, $0x0;
	v11 =	vadd.f32 v11, v16  }
0x49: {  	s31 =	simm.s32 $0x80;
	v13 =	vbroadcast v22, $0x0;
	[tilespmem:s7+$0x10] =	vst v9;
	v9 =	vor.u32 v2, v35  }
0x4a: {  	s8 =	simm.s32 $0x7;
	s3 =	sand.u32 $0x280, s31;
	v12 =	vadd.f32 v12, v18;
	v22 =	vor.u32 v0, v20;
	[tilespmem:s2+$0xFFFFFFD0] =	vst v11;
	v14 =	vld.idx.msk [tilespmem:v14+s14+$0x0], $0xffff  }
0x4b: {  	s23 =	sor.u32 s3, s6;
	v23 =	vor.u32 v19, v13;
	v11 =	vmov s8;
	v21 =	vadd.f32 v21, v15;
	v17 =	vld.idx.msk [tilespmem:v17+s14+$0x0], $0xffff  }
0x4c: {  	[tilespmem:s23+$0x0] =	vst v12;
	v12 =	vor.u32 v0, v13;
	v11 =	vand.u32 $0x1F, v11  }
0x4d: {  	v28 =	vor.u32 v19, v20;
	v25 =	vld.idx.msk [tilespmem:v8+s14+$0x0], $0xffff;
	v11 =	vbroadcast v11, $0x0;
	[tilespmem:s11+$0x10] =	vst v21  }
0x4e: {  	s0 =	simm.s32 $0x5;
	v21 =	vld.idx.msk [tilespmem:v9+s14+$0x0], $0xffff;
	v9 =	vor.u32 v3, v29  }
0x4f: {  	v8 =	vmov s0;
	v22 =	vld.idx.msk [tilespmem:v22+s14+$0x0], $0xffff;
	v26 =	vor.u32 v19, v11;
	v27 =	vadd.f32 v14, v10  }
0x50: {  	v14 =	vand.u32 $0x1D, v8;
	v8 =	vld.idx.msk [tilespmem:v23+s12+$0x0], $0xffff;
	v17 =	vadd.f32 v17, v16;
	v23 =	vor.u32 v0, v11  }
0x51: {  	v24 =	vor.u32 v3, v32;
	v14 =	vbroadcast v14, $0x0;
	[tilespmem:s7+$0x20] =	vst v27;
	v27 =	vld.idx.msk [tilespmem:v12+s14+$0x0], $0xffff  }
0x52: {  	v30 =	vor.u32 v2, v36;
	[tilespmem:s2+$0xFFFFFFE0] =	vst v17;
	v12 =	vld.idx.msk [tilespmem:v28+s12+$0x0], $0xffff  }
0x53: {  	v17 =	vor.u32 v19, v14;
	v31 =	vld.idx.msk [tilespmem:v9+s14+$0x0], $0xffff  }
0x54: {  	s6 =	simm.s32 $0x200;
	v25 =	vadd.f32 v25, v18;
	v9 =	vld.idx.msk [tilespmem:v26+s12+$0x0], $0xffff;
	v26 =	vor.u32 v1, v13  }
0x55: {  	s3 =	sand.u32 $0xC00, s6;
	s8 =	simm.s32 $0x300;
	v33 =	vor.u32 v0, v14;
	v23 =	vld.idx.msk [tilespmem:v23+s14+$0x0], $0xffff  }
0x56: {  	s18 =	sadd.s32 $0xBD00, s3;
	s20 =	sand.u32 $0x300, s8;
	[tilespmem:s23+$0x10] =	vst v25;
	v24 =	vld.idx.msk [tilespmem:v24+s14+$0x0], $0xffff;
	v25 =	vadd.f32 v27, v8;
	v27 =	vor.u32 v4, v29  }
0x57: {  	v34 =	vor.u32 v3, v35;
	s6 =	sadd.s32 s20, s18;
	v30 =	vld.idx.msk [tilespmem:v30+s14+$0x0], $0xffff;
	v21 =	vadd.f32 v21, v15  }
0x58: {  	v37 =	vor.u32 v1, v11;
	v17 =	vld.idx.msk [tilespmem:v17+s12+$0x0], $0xffff;
	[tilespmem:s6+$0x0] =	vst v25;
	v25 =	vadd.f32 v31, v16  }
0x59: {  	s21 =	simm.s32 $0x380;
	[tilespmem:s11+$0x20] =	vst v21;
	v22 =	vadd.f32 v22, v12;
	v31 =	vor.u32 v1, v20;
	v26 =	vld.idx.msk [tilespmem:v26+s14+$0x0], $0xffff  }
0x5a: {  	s22 =	sand.u32 $0x380, s21;
	s3 =	simm.s32 $0xBF40;
	v21 =	vor.u32 v3, v36;
	v33 =	vld.idx.msk [tilespmem:v33+s14+$0x0], $0xffff;
	v23 =	vadd.f32 v23, v9;
	[tilespmem:s2+$0xFFFFFFF0] =	vst v25  }
0x5b: {  	v38 =	vor.u32 v4, v32;
	s8 =	sadd.s32 s22, s18;
	v24 =	vadd.f32 v24, v10;
	[tilespmem:s3+$0xFFFFFFC0] =	vst v22;
	v25 =	vld.idx.msk [tilespmem:v27+s14+$0x0], $0xffff  }
0x5c: {  	s21 =	simm.s32 $0xB;
	v58 =	vor.u32 v2, v13;
	v27 =	vadd.f32 v30, v18;
	v30 =	vld.idx.msk [tilespmem:v34+s14+$0x0], $0xffff;
	[tilespmem:s8+$0x0] =	vst v23  }
0x5d: {  	v40 =	vmov s21;
	v39 =	vor.u32 v4, v36;
	s20 =	simm.s32 $0x8;
	v28 =	vor.u32 v1, v14;
	[tilespmem:s7+$0x30] =	vst v24;
	v37 =	vld.idx.msk [tilespmem:v37+s14+$0x0], $0xffff  }
0x5e: {  	s24 =	simm.s32 $0x280;
	v22 =	vor.u32 v5, v29;
	v24 =	vmov s20;
	v23 =	vld.idx.msk [tilespmem:v31+s14+$0x0], $0xffff;
	[tilespmem:s23+$0x20] =	vst v27;
	v26 =	vadd.f32 v26, v8  }
0x5f: {  	s20 =	sand.u32 $0x280, s24;
	v24 =	vand.u32 $0x1C, v24;
	v33 =	vadd.f32 v33, v17;
	v31 =	vor.u32 v4, v35;
	v21 =	vld.idx.msk [tilespmem:v21+s14+$0x0], $0xffff  }
0x60: {  	v60 =	vor.u32 v2, v11;
	v38 =	vld.idx.msk [tilespmem:v38+s14+$0x0], $0xffff;
	s21 =	sor.u32 s20, s18;
	[tilespmem:s6+$0x10] =	vst v26;
	v25 =	vadd.f32 v25, v16;
	v26 =	vbroadcast v24, $0x0  }
0x61: {  	v40 =	vand.u32 $0x1F, v40;
	s22 =	simm.s32 $0xA;
	v27 =	vor.u32 v2, v20;
	[tilespmem:s21+$0x0] =	vst v33;
	v30 =	vadd.f32 v30, v15;
	v59 =	vld.idx.msk [tilespmem:v58+s14+$0x0], $0xffff  }
0x62: {  	v41 =	vld.idx.msk [tilespmem:v28+s14+$0x0], $0xffff;
	v24 =	vmov s22;
	v37 =	vadd.f32 v37, v9;
	[tilespmem:s2+$0x0] =	vst v25;
	v28 =	vor.u32 v0, v26  }
0x63: {  	v23 =	vadd.f32 v23, v12;
	v25 =	vand.u32 $0x1E, v24;
	v24 =	vbroadcast v40, $0x0;
	[tilespmem:s11+$0x30] =	vst v30;
	v40 =	vld.idx.msk [tilespmem:v22+s14+$0x0], $0xffff  }
0x64: {  	v30 =	vor.u32 v3, v13;
	v42 =	vld.idx.msk [tilespmem:v31+s14+$0x0], $0xffff;
	v21 =	vadd.f32 v21, v18;
	[tilespmem:s8+$0x10] =	vst v37  }
0x65: {  	v22 =	vbroadcast v25, $0x0;
	[tilespmem:s3+$0xFFFFFFD0] =	vst v23;
	v43 =	vor.u32 v19, v24;
	v34 =	vld.idx.msk [tilespmem:v60+s14+$0x0], $0xffff  }
0x66: {  	v45 =	vor.u32 v0, v24;
	v44 =	vld.idx.msk [tilespmem:v27+s14+$0x0], $0xffff;
	[tilespmem:s23+$0x30] =	vst v21;
	v33 =	vadd.f32 v59, v8  }
0x67: {  	s25 =	simm.s32 $0x9;
	v57 =	vor.u32 v5, v32;
	v55 =	vor.u32 v6, v29;
	v61 =	vor.u32 v19, v22;
	v39 =	vld.idx.msk [tilespmem:v39+s14+$0x0], $0xffff  }
0x68: {  	v38 =	vadd.f32 v38, v10;
	v23 =	vmov s25;
	v50 =	vor.u32 v0, v22;
	v46 =	vld.idx.msk [tilespmem:v28+s14+$0x0], $0xffff;
	[tilespmem:s6+$0x20] =	vst v33  }
0x69: {  	v47 =	vor.u32 v5, v35;
	v56 =	vor.u32 v5, v36;
	v23 =	vand.u32 $0x1D, v23;
	v51 =	vld.idx.msk [tilespmem:v30+s14+$0x0], $0xffff  }
0x6a: {  	[tilespmem:s7+$0x40] =	vst v38;
	v38 =	vor.u32 v7, v36;
	v62 =	vor.u32 v19, v26;
	v25 =	vbroadcast v23, $0x0;
	v23 =	vld.idx.msk [tilespmem:v43+s12+$0x0], $0xffff  }
0x6b: {  	v31 =	vor.u32 v7, v29;
	v41 =	vadd.f32 v41, v17;
	v30 =	vor.u32 v2, v14;
	v53 =	vld.idx.msk [tilespmem:v45+s14+$0x0], $0xffff  }
0x6c: {  	v37 =	vor.u32 v7, v35;
	v27 =	vor.u32 v7, v20;
	v42 =	vadd.f32 v42, v15;
	v21 =	vld.idx.msk [tilespmem:v61+s12+$0x0], $0xffff  }
0x6d: {  	v59 =	vor.u32 v3, v20;
	[tilespmem:s21+$0x10] =	vst v41;
	v28 =	vor.u32 v7, v26;
	v50 =	vld.idx.msk [tilespmem:v50+s14+$0x0], $0xffff  }
0x6e: {  	v48 =	vor.u32 v19, v25;
	v40 =	vadd.f32 v40, v16;
	[tilespmem:s11+$0x40] =	vst v42;
	v42 =	vld.idx.msk [tilespmem:v57+s14+$0x0], $0xffff  }
0x6f: {  	v49 =	vor.u32 v0, v25;
	v33 =	vor.u32 v1, v25;
	v58 =	vld.idx.msk [tilespmem:v47+s14+$0x0], $0xffff;
	v60 =	vadd.f32 v39, v18  }
0x70: {  	v52 =	vadd.f32 v34, v9;
	v34 =	vor.u32 v7, v32;
	[tilespmem:s2+$0x10] =	vst v40;
	v41 =	vld.idx.msk [tilespmem:v30+s14+$0x0], $0xffff  }
0x71: {  	v63 =	vadd.f32 v44, v12;
	v61 =	vor.u32 v4, v13;
	[tilespmem:s23+$0x40] =	vst v60;
	v30 =	vld.idx.msk [tilespmem:v62+s12+$0x0], $0xffff  }
0x72: {  	s26 =	simm.s32 $0x400;
	v57 =	vor.u32 v4, v20;
	[tilespmem:s8+$0x20] =	vst v52;
	v40 =	vld.idx.msk [tilespmem:v56+s14+$0x0], $0xffff;
	v62 =	vor.u32 v1, v22  }
0x73: {  	s29 =	simm.s32 $0x500;
	s18 =	sand.u32 $0xC00, s26;
	v44 =	vor.u32 v3, v14;
	v52 =	vld.idx.msk [tilespmem:v55+s14+$0x0], $0xffff;
	[tilespmem:s3+$0xFFFFFFE0] =	vst v63;
	v51 =	vadd.f32 v51, v8  }
0x74: {  	s30 =	sand.u32 $0x300, s29;
	s26 =	sadd.s32 $0xBD00, s18;
	v47 =	vor.u32 v6, v32;
	v54 =	vld.idx.msk [tilespmem:v59+s14+$0x0], $0xffff;
	v56 =	vor.u32 v6, v35;
	v50 =	vadd.f32 v50, v21  }
0x75: {  	s28 =	sadd.s32 s30, s26;
	v29 =	vld.idx.msk [tilespmem:v48+s12+$0x0], $0xffff;
	v60 =	vor.u32 v6, v36;
	v45 =	vadd.f32 v58, v15;
	[tilespmem:s6+$0x30] =	vst v51  }
0x76: {  	v32 =	vld.idx.msk [tilespmem:v61+s14+$0x0], $0xffff;
	[tilespmem:s28+$0x0] =	vst v50;
	v61 =	vor.u32 v3, v11;
	v63 =	vadd.f32 v41, v17  }
0x77: {  	[tilespmem:s11+$0x50] =	vst v45;
	v48 =	vadd.f32 v46, v30;
	v46 =	vld.idx.msk [tilespmem:v62+s14+$0x0], $0xffff;
	v62 =	vadd.f32 v40, v18  }
0x78: {  	v39 =	vor.u32 v1, v24;
	v42 =	vadd.f32 v42, v10;
	v51 =	vld.idx.msk [tilespmem:v49+s14+$0x0], $0xffff;
	[tilespmem:s21+$0x20] =	vst v63  }
0x79: {  	v36 =	vor.u32 v5, v20;
	v45 =	vld.idx.msk [tilespmem:v56+s14+$0x0], $0xffff;
	v63 =	vadd.f32 v54, v12;
	[tilespmem:s23+$0x50] =	vst v62  }
0x7a: {  	s22 =	simm.s32 $0x580;
	v35 =	vor.u32 v4, v14;
	v55 =	vadd.f32 v53, v23;
	[tilespmem:s7+$0x50] =	vst v42;
	v43 =	vld.idx.msk [tilespmem:v60+s14+$0x0], $0xffff  }
0x7b: {  	s24 =	simm.s32 $0xC;
	s31 =	sand.u32 $0x380, s22;
	v49 =	vor.u32 v2, v26;
	v54 =	vor.u32 v1, v26;
	v50 =	vld.idx.msk [tilespmem:v61+s14+$0x0], $0xffff;
	[tilespmem:s3+$0xFFFFFFF0] =	vst v63  }
0x7c: {  	s18 =	sshll.u32 s16, $0x2;
	s20 =	sadd.s32 s31, s26;
	s25 =	simm.s32 $0xC140;
	v42 =	vor.u32 v3, v22;
	v40 =	vor.u32 v4, v11;
	v41 =	vor.u32 v2, v22;
	v53 =	vld.idx.msk [tilespmem:v57+s14+$0x0], $0xffff  }
.LBB2_3:
0x7d: {  	v56 =	vmov s24;
	s29 =	sadd.s32 $0x1, s24;
	s30 =	sadd.s32 $0x2, s24;
	s31 =	sadd.s32 $0x3, s24;
	[tilespmem:s25+$0xFFFFFFC0] =	vst v48;
	v48 =	vadd.f32 v51, v29;
	v46 =	vadd.f32 v46, v21;
	v47 =	vld.idx.msk [tilespmem:v47+s14+$0x0], $0xffff  }
0x7e: {  	p0 =	slt.u32 s24, $0x1C;
	s24 =	sadd.s32 $0x4, s24;
	v52 =	vadd.f32 v52, v16;
	v51 =	vmov s29;
	v57 =	vmov s31;
	s29 =	sadd.s32 $0xFFFFFF00, s22;
	[tilespmem:s20+$0x0] =	vst v55;
	v55 =	vld.idx.msk [tilespmem:v44+s14+$0x0], $0xffff  }
0x7f: {  	v44 =	vand.u32 $0x1D, v51;
	v51 =	vmov s30;
	s29 =	sand.u32 $0x280, s29;
	[tilespmem:s28+$0x10] =	vst v46;
	v39 =	vld.idx.msk [tilespmem:v39+s14+$0x0], $0xffff;
	v46 =	vadd.f32 v45, v15  }
0x80: {  	v45 =	vand.u32 $0x1F, v57;
	v44 =	vbroadcast v44, $0x0;
	v54 =	vld.idx.msk [tilespmem:v54+s14+$0x0], $0xffff;
	s26 =	sor.u32 s29, s26;
	[tilespmem:s2+$0x20] =	vst v52;
	v52 =	vadd.f32 v43, v18  }
0x81: {  	v56 =	vand.u32 $0x1C, v56;
	v43 =	vand.u32 $0x1E, v51;
	v45 =	vbroadcast v45, $0x0;
	[tilespmem:s26+$0x0] =	vst v48;
	v51 =	vld.idx.msk [tilespmem:v41+s14+$0x0], $0xffff  }
0x82: {  	v43 =	vbroadcast v43, $0x0;
	v53 =	vadd.f32 v53, v12;
	v48 =	vor.u32 v19, v44;
	v57 =	vld.idx.msk [tilespmem:v31+s14+$0x0], $0xffff;
	[tilespmem:s11+$0x60] =	vst v46  }
0x83: {  	v41 =	vbroadcast v56, $0x0;
	v46 =	vor.u32 v0, v44;
	v56 =	vld.idx.msk [tilespmem:v33+s14+$0x0], $0xffff;
	[tilespmem:s23+$0x60] =	vst v52;
	v33 =	vadd.f32 v47, v10  }
0x84: {  	v50 =	vadd.f32 v50, v9;
	v31 =	vmov v27;
	v47 =	vadd.f32 v55, v17;
	[tilespmem:s3+$0x0] =	vst v53;
	v38 =	vld.idx.msk [tilespmem:v38+s14+$0x0], $0xffff  }
0x85: {  	v27 =	vmov v28;
	v52 =	vor.u32 v19, v43;
	v53 =	vor.u32 v2, v24;
	[tilespmem:s7+$0x60] =	vst v33;
	v33 =	vld.idx.msk [tilespmem:v37+s14+$0x0], $0xffff  }
0x86: {  	v55 =	vor.u32 v19, v45;
	v37 =	vor.u32 v0, v41;
	v28 =	vadd.f32 v54, v30;
	v36 =	vld.idx.msk [tilespmem:v36+s14+$0x0], $0xffff  }
0x87: {  	v39 =	vadd.f32 v39, v23;
	v54 =	vor.u32 v0, v45;
	[tilespmem:s8+$0x30] =	vst v50;
	v34 =	vld.idx.msk [tilespmem:v34+s14+$0x0], $0xffff  }
0x88: {  	v50 =	vadd.f32 v51, v21;
	v51 =	vadd.f32 v57, v16;
	v16 =	vmov v12;
	[tilespmem:s25+$0xFFFFFFD0] =	vst v28;
	v40 =	vld.idx.msk [tilespmem:v40+s14+$0x0], $0xffff  }
0x89: {  	v57 =	vor.u32 v0, v43;
	v12 =	vmov v30;
	v28 =	vor.u32 v7, v41;
	v49 =	vld.idx.msk [tilespmem:v49+s14+$0x0], $0xffff;
	[tilespmem:s20+$0x10] =	vst v39  }
0x8a: {  	v38 =	vadd.f32 v38, v18;
	v18 =	vmov v17;
	v30 =	vld.idx.msk [tilespmem:v53+s14+$0x0], $0xffff;
	v53 =	vor.u32 v5, v11;
	[tilespmem:s2+$0x30] =	vst v51;
	s2 =	smov.u32 s3;
	s3 =	smov.u32 s25  }
0x8b: {  	s22 =	sadd.s32 $0x200, s22;
	v17 =	vadd.f32 v33, v15;
	v15 =	vmov v9;
	v51 =	vld.idx.msk [tilespmem:v37+s14+$0x0], $0xffff;
	v37 =	vor.u32 v2, v25;
	[tilespmem:s21+$0x30] =	vst v47  }
0x8c: {  	v32 =	vadd.f32 v32, v8;
	v33 =	vor.u32 v1, v44;
	v9 =	vmov v23;
	[tilespmem:s28+$0x20] =	vst v50;
	v35 =	vld.idx.msk [tilespmem:v35+s14+$0x0], $0xffff  }
0x8d: {  	v47 =	vadd.f32 v56, v29;
	v34 =	vadd.f32 v34, v10;
	v10 =	vmov v8;
	v42 =	vld.idx.msk [tilespmem:v42+s14+$0x0], $0xffff;
	[tilespmem:s23+$0x70] =	vst v38;
	s23 =	smov.u32 s21;
	s21 =	smov.u32 s26  }
0x8e: {  	v8 =	vmov v21;
	v38 =	vor.u32 v19, v41;
	v40 =	vadd.f32 v40, v15;
	v23 =	vld.idx.msk [tilespmem:v55+s12+$0x0], $0xffff;
	[tilespmem:s11+$0x70] =	vst v17;
	s11 =	smov.u32 s8;
	s8 =	smov.u32 s20  }
0x8f: {  	v50 =	vor.u32 v5, v14;
	v49 =	vadd.f32 v49, v12;
	v17 =	vmov v29;
	v21 =	vld.idx.msk [tilespmem:v52+s12+$0x0], $0xffff;
	[tilespmem:s7+$0x70] =	vst v34;
	s7 =	smov.u32 s6;
	s6 =	smov.u32 s28  }
0x90: {  	v39 =	vor.u32 v1, v45;
	v52 =	vadd.f32 v30, v9;
	v55 =	vld.idx.msk [tilespmem:v54+s14+$0x0], $0xffff;
	[tilespmem:s11+$0x40] =	vst v40  }
0x91: {  	v29 =	vor.u32 v5, v13;
	[tilespmem:s25+$0xFFFFFFE0] =	vst v49;
	v40 =	vld.idx.msk [tilespmem:v53+s14+$0x0], $0xffff  }
0x92: {  	v53 =	vor.u32 v3, v26;
	v34 =	vadd.f32 v35, v18;
	v49 =	vld.idx.msk [tilespmem:v57+s14+$0x0], $0xffff;
	[tilespmem:s21+$0x10] =	vst v47  }
0x93: {  	v36 =	vadd.f32 v36, v16;
	v35 =	vld.idx.msk [tilespmem:v37+s14+$0x0], $0xffff;
	[tilespmem:s7+$0x40] =	vst v32  }
0x94: {  	v32 =	vor.u32 v4, v22;
	v30 =	vld.idx.msk [tilespmem:v38+s12+$0x0], $0xffff;
	[tilespmem:s23+$0x40] =	vst v34  }
0x95: {  	v37 =	vor.u32 v7, v11;
	v34 =	vor.u32 v7, v13;
	[tilespmem:s2+$0x10] =	vst v36;
	v36 =	vld.idx.msk [tilespmem:v50+s14+$0x0], $0xffff  }
0x96: {  	s20 =	sadd.s32 $0xFFFFFE80, s22;
	v42 =	vadd.f32 v42, v8;
	v38 =	vor.u32 v7, v14;
	v50 =	vor.u32 v1, v43;
	v54 =	vld.idx.msk [tilespmem:v29+s14+$0x0], $0xffff  }
0x97: {  	v20 =	vor.u32 v6, v20;
	s20 =	sand.u32 $0xC00, s20;
	s28 =	sadd.s32 $0xFFFFFF80, s22;
	v47 =	vor.u32 v6, v13;
	v13 =	vadd.f32 v40, v15;
	v53 =	vld.idx.msk [tilespmem:v53+s14+$0x0], $0xffff  }
0x98: {  	s29 =	sand.u32 $0x380, s22;
	s26 =	sadd.s32 $0xBD00, s20;
	s20 =	sand.u32 $0x300, s28;
	v40 =	vadd.f32 v49, v21;
	v29 =	vld.idx.msk [tilespmem:v48+s12+$0x0], $0xffff;
	[tilespmem:s6+$0x30] =	vst v42;
	v42 =	vor.u32 v6, v11;
	v11 =	vmov v24  }
0x99: {  	s28 =	sadd.s32 s20, s26;
	s20 =	sadd.s32 s29, s26;
	v49 =	vor.u32 v6, v14;
	v14 =	vmov v25;
	v35 =	vadd.f32 v35, v17;
	v32 =	vld.idx.msk [tilespmem:v32+s14+$0x0], $0xffff;
	[tilespmem:s8+$0x20] =	vst v52  }
0x9a: {  	s25 =	sadd.s32 $0x200, s25;
	v25 =	vmov v44;
	v48 =	vadd.f32 v51, v30;
	v56 =	vor.u32 v3, v11;
	v51 =	vld.idx.msk [tilespmem:v46+s14+$0x0], $0xffff;
	[tilespmem:s28+$0x0] =	vst v40  }
0x9b: {  	v57 =	vor.u32 v4, v26;
	v24 =	vmov v45;
	v36 =	vadd.f32 v36, v18;
	v46 =	vld.idx.msk [tilespmem:v50+s14+$0x0], $0xffff;
	[tilespmem:s21+$0x20] =	vst v35  }
.Ltmp2:
0x9c: {  	v35 =	vor.u32 v4, v14;
	v54 =	vadd.f32 v54, v10;
	v52 =	vld.idx.msk [tilespmem:v20+s14+$0x0], $0xffff;
	[tilespmem:s11+$0x50] =	vst v13;
	v13 =	vmov v22;
	(pc) =	sbr.rel @p0 .LBB2_3-.Ltmp2, $4  }
0x9d: {  	v44 =	vor.u32 v3, v14;
	v50 =	vadd.f32 v53, v12;
	v22 =	vmov v43;
	[tilespmem:s23+$0x50] =	vst v36;
	v45 =	vld.idx.msk [tilespmem:v42+s14+$0x0], $0xffff  }
0x9e: {  	v40 =	vor.u32 v4, v11;
	v20 =	vmov v26;
	v36 =	vor.u32 v5, v26;
	v43 =	vld.idx.msk [tilespmem:v49+s14+$0x0], $0xffff;
	[tilespmem:s7+$0x50] =	vst v54  }
0x9f: {  	v55 =	vadd.f32 v55, v23;
	v26 =	vmov v41;
	v54 =	vor.u32 v1, v41;
	[tilespmem:s3+$0xFFFFFFF0] =	vst v50;
	v50 =	vld.idx.msk [tilespmem:v56+s14+$0x0], $0xffff  }
0xa0: {  	v42 =	vor.u32 v3, v22;
	v49 =	vor.u32 v2, v26;
	v41 =	vor.u32 v2, v22;
	v53 =	vld.idx.msk [tilespmem:v57+s14+$0x0], $0xffff  }
0xa1: {  	_ = 	snop  }
0xa2: {  	s22 =	sadd.s32 $0xFFFFFF00, s22  }
0xa3: {  	v19 =	vadd.f32 v51, v29;
	s22 =	sand.u32 $0x280, s22  }
0xa4: {  	[tilespmem:s25+$0xFFFFFFC0] =	vst v48;
	s22 =	sor.u32 s22, s26  }
0xa5: {  	v48 =	vld.idx.msk [tilespmem:v54+s14+$0x0], $0xffff;
	[tilespmem:s22+$0x0] =	vst v19  }
0xa6: {  	[tilespmem:s20+$0x0] =	vst v55;
	v19 =	vld.idx.msk [tilespmem:v33+s14+$0x0], $0xffff  }
0xa7: {  	v57 =	vld.idx.msk [tilespmem:v39+s14+$0x0], $0xffff  }
0xa8: {  	v58 =	vadd.f32 v46, v21  }
0xa9: {  	v59 =	vadd.f32 v52, v16;
	v60 =	vor.u32 v2, v25  }
0xaa: {  	v61 =	vor.u32 v2, v24;
	[tilespmem:s28+$0x10] =	vst v58;
	v48 =	vadd.f32 v48, v30  }
0xab: {  	v47 =	vld.idx.msk [tilespmem:v47+s14+$0x0], $0xffff;
	[tilespmem:s2+$0x20] =	vst v59;
	v19 =	vadd.f32 v19, v29  }
0xac: {  	v44 =	vld.idx.msk [tilespmem:v44+s14+$0x0], $0xffff;
	v33 =	vadd.f32 v57, v23;
	[tilespmem:s25+$0xFFFFFFD0] =	vst v48  }
0xad: {  	v45 =	vadd.f32 v45, v15;
	v62 =	vld.idx.msk [tilespmem:v49+s14+$0x0], $0xffff;
	[tilespmem:s22+$0x10] =	vst v19  }
0xae: {  	[tilespmem:s20+$0x10] =	vst v33;
	v19 =	vadd.f32 v43, v18;
	v63 =	vld.idx.msk [tilespmem:v60+s14+$0x0], $0xffff  }
0xaf: {  	[tilespmem:s11+$0x60] =	vst v45;
	v51 =	vadd.f32 v50, v9;
	v39 =	vld.idx.msk [tilespmem:v61+s14+$0x0], $0xffff  }
0xb0: {  	v41 =	vld.idx.msk [tilespmem:v41+s14+$0x0], $0xffff;
	v49 =	vor.u32 v3, v26;
	[tilespmem:s23+$0x60] =	vst v19;
	v19 =	vadd.f32 v47, v10  }
0xb1: {  	v52 =	vor.u32 v3, v25;
	v31 =	vld.idx.msk [tilespmem:v31+s14+$0x0], $0xffff;
	[tilespmem:s8+$0x30] =	vst v51;
	v55 =	vadd.f32 v44, v17  }
0xb2: {  	v48 =	vadd.f32 v53, v12;
	v53 =	vor.u32 v3, v24;
	[tilespmem:s7+$0x60] =	vst v19;
	v19 =	vadd.f32 v62, v30  }
0xb3: {  	[tilespmem:s21+$0x30] =	vst v55;
	v38 =	vld.idx.msk [tilespmem:v38+s14+$0x0], $0xffff;
	v33 =	vadd.f32 v63, v29  }
0xb4: {  	v37 =	vld.idx.msk [tilespmem:v37+s14+$0x0], $0xffff;
	v39 =	vadd.f32 v39, v23;
	[tilespmem:s25+$0xFFFFFFE0] =	vst v19  }
0xb5: {  	v19 =	vadd.f32 v41, v21;
	v54 =	vld.idx.msk [tilespmem:v49+s14+$0x0], $0xffff;
	[tilespmem:s22+$0x20] =	vst v33  }
0xb6: {  	v16 =	vadd.f32 v31, v16;
	[tilespmem:s20+$0x20] =	vst v39;
	v31 =	vld.idx.msk [tilespmem:v52+s14+$0x0], $0xffff  }
0xb7: {  	[tilespmem:s28+$0x20] =	vst v19;
	v19 =	vld.idx.msk [tilespmem:v53+s14+$0x0], $0xffff  }
0xb8: {  	v56 =	vor.u32 v4, v26;
	[tilespmem:s2+$0x30] =	vst v16;
	v16 =	vadd.f32 v38, v18;
	v18 =	vld.idx.msk [tilespmem:v42+s14+$0x0], $0xffff  }
0xb9: {  	v57 =	vor.u32 v4, v25;
	v15 =	vadd.f32 v37, v15;
	[tilespmem:s3+$0x0] =	vst v48;
	v34 =	vld.idx.msk [tilespmem:v34+s14+$0x0], $0xffff  }
0xba: {  	v58 =	vor.u32 v4, v24;
	v35 =	vld.idx.msk [tilespmem:v35+s14+$0x0], $0xffff;
	[tilespmem:s23+$0x70] =	vst v16;
	v16 =	vadd.f32 v54, v30  }
0xbb: {  	v59 =	vld.idx.msk [tilespmem:v40+s14+$0x0], $0xffff;
	[tilespmem:s11+$0x70] =	vst v15;
	v15 =	vor.u32 v4, v22;
	v31 =	vadd.f32 v31, v29  }
0xbc: {  	[tilespmem:s25+$0xFFFFFFF0] =	vst v16;
	v16 =	vadd.f32 v19, v23  }
0xbd: {  	v19 =	vor.u32 v5, v14;
	v18 =	vadd.f32 v18, v21;
	v38 =	vld.idx.msk [tilespmem:v56+s14+$0x0], $0xffff;
	[tilespmem:s22+$0x30] =	vst v31  }
0xbe: {  	v10 =	vadd.f32 v34, v10;
	v31 =	vor.u32 v5, v11;
	[tilespmem:s20+$0x30] =	vst v16;
	v16 =	vld.idx.msk [tilespmem:v57+s14+$0x0], $0xffff  }
0xbf: {  	v60 =	vor.u32 v5, v13;
	v61 =	vadd.f32 v35, v17;
	[tilespmem:s28+$0x30] =	vst v18;
	v18 =	vld.idx.msk [tilespmem:v58+s14+$0x0], $0xffff  }
0xc0: {  	v62 =	vadd.f32 v59, v9;
	[tilespmem:s7+$0x70] =	vst v10;
	v10 =	vld.idx.msk [tilespmem:v15+s14+$0x0], $0xffff;
	v15 =	vor.u32 v5, v26  }
0xc1: {  	v32 =	vadd.f32 v32, v8;
	v36 =	vld.idx.msk [tilespmem:v36+s14+$0x0], $0xffff;
	[tilespmem:s21+$0x40] =	vst v61;
	v63 =	vor.u32 v5, v25  }
0xc2: {  	[tilespmem:s8+$0x40] =	vst v62;
	v41 =	vor.u32 v5, v24;
	v19 =	vld.idx.msk [tilespmem:v19+s14+$0x0], $0xffff;
	v40 =	vadd.f32 v38, v30  }
0xc3: {  	[tilespmem:s6+$0x40] =	vst v32;
	v42 =	vor.u32 v5, v22;
	v31 =	vld.idx.msk [tilespmem:v31+s14+$0x0], $0xffff;
	v16 =	vadd.f32 v16, v29  }
0xc4: {  	v20 =	vor.u32 v6, v20;
	v33 =	vld.idx.msk [tilespmem:v60+s14+$0x0], $0xffff;
	[tilespmem:s25+$0x0] =	vst v40;
	v18 =	vadd.f32 v18, v23  }
0xc5: {  	v43 =	vor.u32 v6, v14;
	v10 =	vadd.f32 v10, v21;
	v15 =	vld.idx.msk [tilespmem:v15+s14+$0x0], $0xffff;
	[tilespmem:s22+$0x40] =	vst v16  }
0xc6: {  	v44 =	vor.u32 v6, v11;
	v16 =	vadd.f32 v36, v12;
	[tilespmem:s20+$0x40] =	vst v18;
	v18 =	vld.idx.msk [tilespmem:v63+s14+$0x0], $0xffff  }
0xc7: {  	v45 =	vor.u32 v6, v13;
	v19 =	vadd.f32 v19, v17;
	[tilespmem:s28+$0x40] =	vst v10;
	v37 =	vld.idx.msk [tilespmem:v41+s14+$0x0], $0xffff  }
0xc8: {  	v26 =	vor.u32 v6, v26;
	[tilespmem:s3+$0x10] =	vst v16;
	v10 =	vadd.f32 v31, v9;
	v16 =	vld.idx.msk [tilespmem:v42+s14+$0x0], $0xffff  }
0xc9: {  	v31 =	vadd.f32 v33, v8;
	[tilespmem:s21+$0x50] =	vst v19;
	v19 =	vor.u32 v6, v25;
	v20 =	vld.idx.msk [tilespmem:v20+s14+$0x0], $0xffff  }
0xca: {  	v46 =	vor.u32 v6, v24;
	[tilespmem:s8+$0x50] =	vst v10;
	v10 =	vld.idx.msk [tilespmem:v43+s14+$0x0], $0xffff;
	v15 =	vadd.f32 v15, v30  }
0xcb: {  	[tilespmem:s6+$0x50] =	vst v31;
	v31 =	vor.u32 v6, v22;
	v47 =	vld.idx.msk [tilespmem:v44+s14+$0x0], $0xffff;
	v18 =	vadd.f32 v18, v29  }
0xcc: {  	v34 =	vld.idx.msk [tilespmem:v45+s14+$0x0], $0xffff;
	[tilespmem:s25+$0x10] =	vst v15;
	v15 =	vadd.f32 v37, v23  }
0xcd: {  	v14 =	vor.u32 v7, v14;
	v26 =	vld.idx.msk [tilespmem:v26+s14+$0x0], $0xffff;
	v16 =	vadd.f32 v16, v21;
	[tilespmem:s22+$0x50] =	vst v18  }
0xce: {  	v11 =	vor.u32 v7, v11;
	v18 =	vadd.f32 v20, v12;
	[tilespmem:s20+$0x50] =	vst v15;
	v15 =	vld.idx.msk [tilespmem:v19+s14+$0x0], $0xffff  }
0xcf: {  	v13 =	vor.u32 v7, v13;
	v10 =	vadd.f32 v10, v17;
	v19 =	vld.idx.msk [tilespmem:v46+s14+$0x0], $0xffff;
	[tilespmem:s28+$0x50] =	vst v16  }
0xd0: {  	v16 =	vadd.f32 v47, v9;
	[tilespmem:s3+$0x20] =	vst v18;
	v18 =	vld.idx.msk [tilespmem:v31+s14+$0x0], $0xffff  }
0xd1: {  	v25 =	vor.u32 v7, v25;
	v20 =	vld.idx.msk [tilespmem:v27+s14+$0x0], $0xffff;
	[tilespmem:s21+$0x60] =	vst v10;
	v10 =	vadd.f32 v34, v8  }
0xd2: {  	[tilespmem:s8+$0x60] =	vst v16;
	v14 =	vld.idx.msk [tilespmem:v14+s14+$0x0], $0xffff;
	v16 =	vor.u32 v7, v24;
	v24 =	vadd.f32 v26, v30  }
0xd3: {  	[tilespmem:s6+$0x60] =	vst v10;
	v10 =	vld.idx.msk [tilespmem:v11+s14+$0x0], $0xffff;
	v11 =	vor.u32 v7, v22;
	v15 =	vadd.f32 v15, v29  }
0xd4: {  	v13 =	vld.idx.msk [tilespmem:v13+s14+$0x0], $0xffff;
	v19 =	vadd.f32 v19, v23;
	[tilespmem:s25+$0x20] =	vst v24  }
0xd5: {  	v22 =	vld.idx.msk [tilespmem:v28+s14+$0x0], $0xffff;
	[tilespmem:s22+$0x60] =	vst v15;
	v15 =	vadd.f32 v18, v21  }
0xd6: {  	v12 =	vadd.f32 v20, v12;
	[tilespmem:s20+$0x60] =	vst v19;
	v18 =	vld.idx.msk [tilespmem:v25+s14+$0x0], $0xffff  }
0xd7: {  	v14 =	vadd.f32 v14, v17;
	[tilespmem:s28+$0x60] =	vst v15;
	v15 =	vld.idx.msk [tilespmem:v16+s14+$0x0], $0xffff  }
0xd8: {  	[tilespmem:s3+$0x30] =	vst v12;
	v9 =	vadd.f32 v10, v9;
	v10 =	vld.idx.msk [tilespmem:v11+s14+$0x0], $0xffff  }
0xd9: {  	[tilespmem:s21+$0x70] =	vst v14;
	v8 =	vadd.f32 v13, v8  }
0xda: {  	s30 =	simm.s32 $0x0;
	[tilespmem:s8+$0x70] =	vst v9;
	v9 =	vadd.f32 v22, v30  }
0xdb: {  	s31 =	simm.s32 $0x2;
	v11 =	vmov s30;
	[tilespmem:s6+$0x70] =	vst v8;
	v8 =	vadd.f32 v18, v29  }
0xdc: {  	s0 =	sshll.u32 s16, $0x13;
	v12 =	vmov s31;
	v11 =	vand.u32 $0x1C, v11;
	[tilespmem:s25+$0x30] =	vst v9;
	v9 =	vadd.f32 v15, v23  }
0xdd: {  	s3 =	sor.u32 s4, s0;
	s6 =	sor.u32 $0x1, s18;
	v29 =	vbroadcast v11, $0x0;
	[tilespmem:s22+$0x70] =	vst v8;
	v8 =	vadd.f32 v10, v21;
	v10 =	vand.u32 $0x1E, v12  }
0xde: {  	s11 =	simm.s32 $0x2;
	s2 =	sshrl.u32 s3, $0x3;
	s7 =	sshll.u32 s6, $0x5;
	[tilespmem:s20+$0x70] =	vst v9;
	v32 =	vbroadcast v10, $0x0  }
0xdf: {  	s0 =	simm.s32 $0xBD00;
	s2 =	sadd.s32 s1, s2;
	s8 =	simm.s32 $0x3;
	v19 =	vmov s7;
	[tilespmem:s28+$0x70] =	vst v8;
	v8 =	vor.u32 v0, v29  }
0xe0: {  	v9 =	vmov s8;
	[hbm4b:s2+s9] =	stream.strided.scatter [tilespmem:s0], [sflag:$0x5], $0x1000, s10, s9, $0x38;
	v10 =	vor.u32 v19, v32;
	[tilespmem:$0xFD00] =	vst v63  }
0xe1: {  	v9 =	vand.u32 $0x1F, v9;
	v11 =	vor.u32 v0, v32;
	_ =	swait.ge [sflag:s11], $0x1000  }
0xe2: {  	v35 =	vbroadcast v9, $0x0;
	v9 =	vor.u32 v19, v29;
	[sflag:s11] =	ssyncset.done $0x0  }
0xe3: {  	[sflag:s11] =	ssyncadd.s32 $0xFFFFF000  }
0xe4: {  	v12 =	vor.u32 v19, v35;
	v8 =	vld.idx.msk [tilespmem:v8+s15+$0x0], $0xffff  }
0xe5: {  	v13 =	vor.u32 v0, v35;
	v10 =	vld.idx.msk [tilespmem:v10+s12+$0x0], $0xffff  }
0xe6: {  	s20 =	simm.s32 $0x1;
	v11 =	vld.idx.msk [tilespmem:v11+s15+$0x0], $0xffff  }
0xe7: {  	v14 =	vmov s20;
	v16 =	vld.idx.msk [tilespmem:v9+s12+$0x0], $0xffff  }
0xe8: {  	v9 =	vand.u32 $0x1D, v14  }
0xe9: {  	s21 =	simm.s32 $0x0;
	v36 =	vbroadcast v9, $0x0;
	v9 =	vor.u32 v1, v32;
	v15 =	vld.idx.msk [tilespmem:v12+s12+$0x0], $0xffff  }
0xea: {  	s22 =	simm.s32 $0x100;
	s2 =	sand.u32 $0xC00, s21;
	v12 =	vld.idx.msk [tilespmem:v13+s15+$0x0], $0xffff;
	v13 =	vor.u32 v1, v29  }
0xeb: {  	s24 =	sand.u32 $0x300, s22;
	s23 =	sadd.s32 $0xCD00, s2;
	v14 =	vor.u32 v19, v36;
	v11 =	vadd.f32 v11, v10  }
0xec: {  	s8 =	sadd.s32 s24, s23;
	v17 =	vor.u32 v0, v36;
	v8 =	vadd.f32 v8, v16  }
0xed: {  	s21 =	simm.s32 $0xCD40;
	v20 =	vor.u32 v1, v35;
	[tilespmem:s8+$0x0] =	vst v11  }
0xee: {  	s25 =	simm.s32 $0x180;
	[tilespmem:s21+$0xFFFFFFC0] =	vst v8;
	v9 =	vld.idx.msk [tilespmem:v9+s15+$0x0], $0xffff  }
0xef: {  	s2 =	sand.u32 $0x380, s25;
	v8 =	vadd.f32 v12, v15;
	v11 =	vld.idx.msk [tilespmem:v13+s15+$0x0], $0xffff  }
0xf0: {  	s2 =	sadd.s32 s2, s23;
	v18 =	vld.idx.msk [tilespmem:v14+s12+$0x0], $0xffff  }
0xf1: {  	s26 =	simm.s32 $0x4;
	v12 =	vld.idx.msk [tilespmem:v17+s15+$0x0], $0xffff;
	v14 =	vor.u32 v2, v32;
	[tilespmem:s2+$0x0] =	vst v8  }
0xf2: {  	s30 =	simm.s32 $0x6;
	v17 =	vor.u32 v2, v29;
	v13 =	vmov s26;
	v8 =	vor.u32 v1, v36;
	v21 =	vld.idx.msk [tilespmem:v20+s15+$0x0], $0xffff  }
0xf3: {  	v13 =	vand.u32 $0x1C, v13;
	v20 =	vmov s30;
	v9 =	vadd.f32 v9, v10  }
0xf4: {  	v22 =	vand.u32 $0x1E, v20;
	v20 =	vbroadcast v13, $0x0;
	v11 =	vadd.f32 v11, v16  }
0xf5: {  	s31 =	simm.s32 $0x80;
	v13 =	vbroadcast v22, $0x0;
	[tilespmem:s8+$0x10] =	vst v9;
	v9 =	vor.u32 v2, v35  }
0xf6: {  	s3 =	sand.u32 $0x280, s31;
	s0 =	simm.s32 $0x7;
	v12 =	vadd.f32 v12, v18;
	v22 =	vor.u32 v0, v20;
	[tilespmem:s21+$0xFFFFFFD0] =	vst v11;
	v14 =	vld.idx.msk [tilespmem:v14+s15+$0x0], $0xffff  }
0xf7: {  	s25 =	sor.u32 s3, s23;
	v23 =	vor.u32 v19, v13;
	v11 =	vmov s0;
	v21 =	vadd.f32 v21, v15;
	v17 =	vld.idx.msk [tilespmem:v17+s15+$0x0], $0xffff  }
0xf8: {  	[tilespmem:s25+$0x0] =	vst v12;
	v12 =	vor.u32 v0, v13;
	v11 =	vand.u32 $0x1F, v11  }
0xf9: {  	v28 =	vor.u32 v19, v20;
	v25 =	vld.idx.msk [tilespmem:v8+s15+$0x0], $0xffff;
	v11 =	vbroadcast v11, $0x0;
	[tilespmem:s2+$0x10] =	vst v21  }
0xfa: {  	s20 =	simm.s32 $0x5;
	v21 =	vld.idx.msk [tilespmem:v9+s15+$0x0], $0xffff;
	v9 =	vor.u32 v3, v29  }
0xfb: {  	v8 =	vmov s20;
	v22 =	vld.idx.msk [tilespmem:v22+s15+$0x0], $0xffff;
	v26 =	vor.u32 v19, v11;
	v27 =	vadd.f32 v14, v10  }
0xfc: {  	v14 =	vand.u32 $0x1D, v8;
	v8 =	vld.idx.msk [tilespmem:v23+s12+$0x0], $0xffff;
	v17 =	vadd.f32 v17, v16;
	v23 =	vor.u32 v0, v11  }
0xfd: {  	v24 =	vor.u32 v3, v32;
	v14 =	vbroadcast v14, $0x0;
	[tilespmem:s8+$0x20] =	vst v27;
	v27 =	vld.idx.msk [tilespmem:v12+s15+$0x0], $0xffff  }
0xfe: {  	v30 =	vor.u32 v2, v36;
	[tilespmem:s21+$0xFFFFFFE0] =	vst v17;
	v12 =	vld.idx.msk [tilespmem:v28+s12+$0x0], $0xffff  }
0xff: {  	v17 =	vor.u32 v19, v14;
	v31 =	vld.idx.msk [tilespmem:v9+s15+$0x0], $0xffff  }
0x100: {  	s22 =	simm.s32 $0x200;
	v25 =	vadd.f32 v25, v18;
	v9 =	vld.idx.msk [tilespmem:v26+s12+$0x0], $0xffff;
	v26 =	vor.u32 v1, v13  }
0x101: {  	s3 =	sand.u32 $0xC00, s22;
	s23 =	simm.s32 $0x300;
	v48 =	vor.u32 v0, v14;
	v23 =	vld.idx.msk [tilespmem:v23+s15+$0x0], $0xffff  }
0x102: {  	s24 =	sand.u32 $0x300, s23;
	s20 =	sadd.s32 $0xCD00, s3;
	[tilespmem:s25+$0x10] =	vst v25;
	v24 =	vld.idx.msk [tilespmem:v24+s15+$0x0], $0xffff;
	v25 =	vadd.f32 v27, v8;
	v27 =	vor.u32 v4, v29  }
0x103: {  	v49 =	vor.u32 v3, v35;
	s7 =	sadd.s32 s24, s20;
	v30 =	vld.idx.msk [tilespmem:v30+s15+$0x0], $0xffff;
	v21 =	vadd.f32 v21, v15  }
0x104: {  	v50 =	vor.u32 v1, v11;
	v17 =	vld.idx.msk [tilespmem:v17+s12+$0x0], $0xffff;
	[tilespmem:s7+$0x0] =	vst v25;
	v25 =	vadd.f32 v31, v16  }
0x105: {  	s26 =	simm.s32 $0x380;
	[tilespmem:s2+$0x20] =	vst v21;
	v22 =	vadd.f32 v22, v12;
	v31 =	vor.u32 v1, v20;
	v26 =	vld.idx.msk [tilespmem:v26+s15+$0x0], $0xffff  }
0x106: {  	s11 =	simm.s32 $0xCF40;
	s3 =	sand.u32 $0x380, s26;
	v21 =	vor.u32 v3, v36;
	v33 =	vld.idx.msk [tilespmem:v48+s15+$0x0], $0xffff;
	v23 =	vadd.f32 v23, v9;
	[tilespmem:s21+$0xFFFFFFF0] =	vst v25  }
0x107: {  	v51 =	vor.u32 v4, v32;
	s3 =	sadd.s32 s3, s20;
	v24 =	vadd.f32 v24, v10;
	[tilespmem:s11+$0xFFFFFFC0] =	vst v22;
	v25 =	vld.idx.msk [tilespmem:v27+s15+$0x0], $0xffff  }
0x108: {  	v52 =	vor.u32 v2, v13;
	s0 =	simm.s32 $0xB;
	v27 =	vadd.f32 v30, v18;
	v30 =	vld.idx.msk [tilespmem:v49+s15+$0x0], $0xffff;
	[tilespmem:s3+$0x0] =	vst v23  }
0x109: {  	v53 =	vor.u32 v4, v36;
	s30 =	simm.s32 $0x8;
	v60 =	vmov s0;
	v28 =	vor.u32 v1, v14;
	[tilespmem:s8+$0x30] =	vst v24;
	v37 =	vld.idx.msk [tilespmem:v50+s15+$0x0], $0xffff  }
0x10a: {  	s31 =	simm.s32 $0x280;
	v22 =	vor.u32 v5, v29;
	v24 =	vmov s30;
	v23 =	vld.idx.msk [tilespmem:v31+s15+$0x0], $0xffff;
	[tilespmem:s25+$0x20] =	vst v27;
	v26 =	vadd.f32 v26, v8  }
0x10b: {  	s22 =	sand.u32 $0x280, s31;
	v24 =	vand.u32 $0x1C, v24;
	v33 =	vadd.f32 v33, v17;
	v31 =	vor.u32 v4, v35;
	v21 =	vld.idx.msk [tilespmem:v21+s15+$0x0], $0xffff  }
0x10c: {  	s23 =	sor.u32 s22, s20;
	v62 =	vor.u32 v2, v11;
	v38 =	vld.idx.msk [tilespmem:v51+s15+$0x0], $0xffff;
	[tilespmem:s7+$0x10] =	vst v26;
	v25 =	vadd.f32 v25, v16;
	v26 =	vbroadcast v24, $0x0  }
0x10d: {  	s24 =	simm.s32 $0xA;
	v40 =	vand.u32 $0x1F, v60;
	v27 =	vor.u32 v2, v20;
	[tilespmem:s23+$0x0] =	vst v33;
	v30 =	vadd.f32 v30, v15;
	v61 =	vld.idx.msk [tilespmem:v52+s15+$0x0], $0xffff  }
0x10e: {  	v63 =	vld.idx.msk [tilespmem:v28+s15+$0x0], $0xffff;
	v24 =	vmov s24;
	v37 =	vadd.f32 v37, v9;
	[tilespmem:s21+$0x0] =	vst v25;
	v28 =	vor.u32 v0, v26  }
0x10f: {  	v23 =	vadd.f32 v23, v12;
	v25 =	vand.u32 $0x1E, v24;
	v24 =	vbroadcast v40, $0x0;
	[tilespmem:s2+$0x30] =	vst v30;
	v40 =	vld.idx.msk [tilespmem:v22+s15+$0x0], $0xffff  }
0x110: {  	v30 =	vor.u32 v3, v13;
	v54 =	vld.idx.msk [tilespmem:v31+s15+$0x0], $0xffff;
	v21 =	vadd.f32 v21, v18;
	[tilespmem:s3+$0x10] =	vst v37  }
0x111: {  	s22 =	simm.s32 $0x9;
	v22 =	vbroadcast v25, $0x0;
	[tilespmem:s11+$0xFFFFFFD0] =	vst v23;
	v55 =	vor.u32 v19, v24;
	v34 =	vld.idx.msk [tilespmem:v62+s15+$0x0], $0xffff  }
0x112: {  	v23 =	vmov s22;
	v58 =	vor.u32 v0, v24;
	v56 =	vld.idx.msk [tilespmem:v27+s15+$0x0], $0xffff;
	[tilespmem:s25+$0x30] =	vst v21;
	v33 =	vadd.f32 v61, v8  }
0x113: {  	v38 =	vadd.f32 v38, v10;
	v23 =	vand.u32 $0x1D, v23;
	v57 =	vor.u32 v19, v22;
	v39 =	vld.idx.msk [tilespmem:v53+s15+$0x0], $0xffff  }
0x114: {  	v47 =	vor.u32 v6, v32;
	v60 =	vor.u32 v0, v22;
	v25 =	vbroadcast v23, $0x0;
	v46 =	vld.idx.msk [tilespmem:v28+s15+$0x0], $0xffff;
	[tilespmem:s7+$0x20] =	vst v33  }
0x115: {  	v59 =	vor.u32 v5, v35;
	v44 =	vor.u32 v3, v14;
	[tilespmem:s8+$0x40] =	vst v38;
	v51 =	vld.idx.msk [tilespmem:v30+s15+$0x0], $0xffff  }
0x116: {  	v38 =	vor.u32 v7, v36;
	v41 =	vadd.f32 v63, v17;
	v48 =	vor.u32 v19, v25;
	v23 =	vld.idx.msk [tilespmem:v55+s12+$0x0], $0xffff  }
0x117: {  	v31 =	vor.u32 v7, v29;
	v42 =	vadd.f32 v54, v15;
	v30 =	vor.u32 v2, v14;
	v53 =	vld.idx.msk [tilespmem:v58+s15+$0x0], $0xffff  }
0x118: {  	v37 =	vor.u32 v7, v35;
	v61 =	vor.u32 v19, v26;
	[tilespmem:s23+$0x10] =	vst v41;
	v21 =	vld.idx.msk [tilespmem:v57+s12+$0x0], $0xffff  }
0x119: {  	v63 =	vor.u32 v5, v36;
	v27 =	vor.u32 v7, v20;
	[tilespmem:s2+$0x40] =	vst v42;
	v50 =	vld.idx.msk [tilespmem:v60+s15+$0x0], $0xffff  }
0x11a: {  	v40 =	vadd.f32 v40, v16;
	v58 =	vor.u32 v3, v20;
	v55 =	vor.u32 v6, v29;
	v57 =	vld.idx.msk [tilespmem:v59+s15+$0x0], $0xffff  }
0x11b: {  	v62 =	vadd.f32 v56, v12;
	v56 =	vor.u32 v5, v32;
	v59 =	vadd.f32 v39, v18;
	v29 =	vld.idx.msk [tilespmem:v48+s12+$0x0], $0xffff  }
0x11c: {  	v28 =	vor.u32 v7, v26;
	v49 =	vor.u32 v0, v25;
	[tilespmem:s21+$0x10] =	vst v40;
	v41 =	vld.idx.msk [tilespmem:v30+s15+$0x0], $0xffff  }
0x11d: {  	v60 =	vadd.f32 v34, v9;
	[tilespmem:s25+$0x40] =	vst v59;
	v30 =	vld.idx.msk [tilespmem:v61+s12+$0x0], $0xffff;
	v61 =	vor.u32 v4, v13  }
0x11e: {  	s24 =	simm.s32 $0x400;
	v33 =	vor.u32 v1, v25;
	[tilespmem:s11+$0xFFFFFFE0] =	vst v62;
	v62 =	vor.u32 v1, v22;
	v40 =	vld.idx.msk [tilespmem:v63+s15+$0x0], $0xffff  }
0x11f: {  	s26 =	simm.s32 $0x500;
	s20 =	sand.u32 $0xC00, s24;
	v34 =	vor.u32 v7, v32;
	[tilespmem:s3+$0x20] =	vst v60;
	v51 =	vadd.f32 v51, v8;
	v54 =	vld.idx.msk [tilespmem:v58+s15+$0x0], $0xffff  }
0x120: {  	s30 =	sand.u32 $0x300, s26;
	s29 =	sadd.s32 $0xCD00, s20;
	v60 =	vor.u32 v6, v36;
	v42 =	vld.idx.msk [tilespmem:v56+s15+$0x0], $0xffff;
	v50 =	vadd.f32 v50, v21;
	v56 =	vor.u32 v6, v35  }
0x121: {  	s20 =	sadd.s32 s30, s29;
	v52 =	vld.idx.msk [tilespmem:v55+s15+$0x0], $0xffff;
	v45 =	vadd.f32 v57, v15;
	[tilespmem:s7+$0x30] =	vst v51;
	v57 =	vor.u32 v4, v20  }
0x122: {  	[tilespmem:s20+$0x0] =	vst v50;
	v63 =	vadd.f32 v41, v17;
	v32 =	vld.idx.msk [tilespmem:v61+s15+$0x0], $0xffff;
	v61 =	vor.u32 v3, v11  }
0x123: {  	[tilespmem:s2+$0x50] =	vst v45;
	v48 =	vadd.f32 v46, v30;
	v46 =	vld.idx.msk [tilespmem:v62+s15+$0x0], $0xffff;
	v62 =	vadd.f32 v40, v18  }
0x124: {  	v39 =	vor.u32 v1, v24;
	v36 =	vor.u32 v5, v20;
	v51 =	vld.idx.msk [tilespmem:v49+s15+$0x0], $0xffff;
	[tilespmem:s23+$0x20] =	vst v63  }
0x125: {  	v55 =	vadd.f32 v53, v23;
	v45 =	vld.idx.msk [tilespmem:v56+s15+$0x0], $0xffff;
	v63 =	vadd.f32 v54, v12;
	[tilespmem:s25+$0x50] =	vst v62  }
0x126: {  	s24 =	simm.s32 $0x580;
	v35 =	vor.u32 v4, v14;
	v49 =	vor.u32 v2, v26;
	v42 =	vadd.f32 v42, v10;
	v43 =	vld.idx.msk [tilespmem:v60+s15+$0x0], $0xffff  }
0x127: {  	s31 =	sand.u32 $0x380, s24;
	v40 =	vor.u32 v4, v11;
	v54 =	vor.u32 v1, v26;
	[tilespmem:s11+$0xFFFFFFF0] =	vst v63;
	v50 =	vld.idx.msk [tilespmem:v61+s15+$0x0], $0xffff  }
0x128: {  	s28 =	simm.s32 $0xD140;
	s26 =	simm.s32 $0xC;
	s22 =	sadd.s32 s31, s29;
	v41 =	vor.u32 v2, v22;
	[tilespmem:s8+$0x50] =	vst v42;
	v42 =	vor.u32 v3, v22;
	v53 =	vld.idx.msk [tilespmem:v57+s15+$0x0], $0xffff  }
.LBB2_5:
0x129: {  	v56 =	vmov s26;
	s30 =	sadd.s32 $0x1, s26;
	s31 =	sadd.s32 $0x2, s26;
	s0 =	sadd.s32 $0x3, s26;
	[tilespmem:s28+$0xFFFFFFC0] =	vst v48;
	v48 =	vadd.f32 v51, v29;
	v46 =	vadd.f32 v46, v21;
	v47 =	vld.idx.msk [tilespmem:v47+s15+$0x0], $0xffff  }
0x12a: {  	p0 =	slt.u32 s26, $0x1C;
	s26 =	sadd.s32 $0x4, s26;
	v52 =	vadd.f32 v52, v16;
	v51 =	vmov s30;
	v57 =	vmov s0;
	s0 =	sadd.s32 $0xFFFFFF00, s24;
	[tilespmem:s22+$0x0] =	vst v55;
	v55 =	vld.idx.msk [tilespmem:v44+s15+$0x0], $0xffff  }
0x12b: {  	v44 =	vand.u32 $0x1D, v51;
	v51 =	vmov s31;
	s0 =	sand.u32 $0x280, s0;
	[tilespmem:s20+$0x10] =	vst v46;
	v39 =	vld.idx.msk [tilespmem:v39+s15+$0x0], $0xffff;
	v46 =	vadd.f32 v45, v15  }
0x12c: {  	v45 =	vand.u32 $0x1F, v57;
	v44 =	vbroadcast v44, $0x0;
	v54 =	vld.idx.msk [tilespmem:v54+s15+$0x0], $0xffff;
	s29 =	sor.u32 s0, s29;
	[tilespmem:s21+$0x20] =	vst v52;
	v52 =	vadd.f32 v43, v18  }
0x12d: {  	v56 =	vand.u32 $0x1C, v56;
	v43 =	vand.u32 $0x1E, v51;
	v45 =	vbroadcast v45, $0x0;
	[tilespmem:s29+$0x0] =	vst v48;
	v51 =	vld.idx.msk [tilespmem:v41+s15+$0x0], $0xffff  }
0x12e: {  	v43 =	vbroadcast v43, $0x0;
	v53 =	vadd.f32 v53, v12;
	v48 =	vor.u32 v19, v44;
	v57 =	vld.idx.msk [tilespmem:v31+s15+$0x0], $0xffff;
	[tilespmem:s2+$0x60] =	vst v46  }
0x12f: {  	v41 =	vbroadcast v56, $0x0;
	v46 =	vor.u32 v0, v44;
	v56 =	vld.idx.msk [tilespmem:v33+s15+$0x0], $0xffff;
	[tilespmem:s25+$0x60] =	vst v52;
	v33 =	vadd.f32 v47, v10  }
0x130: {  	v50 =	vadd.f32 v50, v9;
	v31 =	vmov v27;
	v47 =	vadd.f32 v55, v17;
	[tilespmem:s11+$0x0] =	vst v53;
	v38 =	vld.idx.msk [tilespmem:v38+s15+$0x0], $0xffff  }
0x131: {  	v27 =	vmov v28;
	v52 =	vor.u32 v19, v43;
	v53 =	vor.u32 v2, v24;
	[tilespmem:s8+$0x60] =	vst v33;
	v33 =	vld.idx.msk [tilespmem:v37+s15+$0x0], $0xffff  }
0x132: {  	v55 =	vor.u32 v19, v45;
	v37 =	vor.u32 v0, v41;
	v28 =	vadd.f32 v54, v30;
	v36 =	vld.idx.msk [tilespmem:v36+s15+$0x0], $0xffff  }
0x133: {  	v39 =	vadd.f32 v39, v23;
	v54 =	vor.u32 v0, v45;
	[tilespmem:s3+$0x30] =	vst v50;
	v34 =	vld.idx.msk [tilespmem:v34+s15+$0x0], $0xffff  }
0x134: {  	v50 =	vadd.f32 v51, v21;
	v51 =	vadd.f32 v57, v16;
	v16 =	vmov v12;
	[tilespmem:s28+$0xFFFFFFD0] =	vst v28;
	v40 =	vld.idx.msk [tilespmem:v40+s15+$0x0], $0xffff  }
0x135: {  	v57 =	vor.u32 v0, v43;
	v12 =	vmov v30;
	v28 =	vor.u32 v7, v41;
	v49 =	vld.idx.msk [tilespmem:v49+s15+$0x0], $0xffff;
	[tilespmem:s22+$0x10] =	vst v39  }
0x136: {  	v38 =	vadd.f32 v38, v18;
	v18 =	vmov v17;
	v30 =	vld.idx.msk [tilespmem:v53+s15+$0x0], $0xffff;
	v53 =	vor.u32 v5, v11;
	[tilespmem:s21+$0x30] =	vst v51;
	s21 =	smov.u32 s11;
	s11 =	smov.u32 s28  }
0x137: {  	s24 =	sadd.s32 $0x200, s24;
	v17 =	vadd.f32 v33, v15;
	v15 =	vmov v9;
	v51 =	vld.idx.msk [tilespmem:v37+s15+$0x0], $0xffff;
	v37 =	vor.u32 v2, v25;
	[tilespmem:s23+$0x30] =	vst v47  }
0x138: {  	v32 =	vadd.f32 v32, v8;
	v33 =	vor.u32 v1, v44;
	v9 =	vmov v23;
	[tilespmem:s20+$0x20] =	vst v50;
	v35 =	vld.idx.msk [tilespmem:v35+s15+$0x0], $0xffff  }
0x139: {  	v47 =	vadd.f32 v56, v29;
	v34 =	vadd.f32 v34, v10;
	v10 =	vmov v8;
	v42 =	vld.idx.msk [tilespmem:v42+s15+$0x0], $0xffff;
	[tilespmem:s25+$0x70] =	vst v38;
	s25 =	smov.u32 s23;
	s23 =	smov.u32 s29  }
0x13a: {  	v8 =	vmov v21;
	v38 =	vor.u32 v19, v41;
	v40 =	vadd.f32 v40, v15;
	v23 =	vld.idx.msk [tilespmem:v55+s12+$0x0], $0xffff;
	[tilespmem:s2+$0x70] =	vst v17;
	s2 =	smov.u32 s3;
	s3 =	smov.u32 s22  }
0x13b: {  	v50 =	vor.u32 v5, v14;
	v49 =	vadd.f32 v49, v12;
	v17 =	vmov v29;
	v21 =	vld.idx.msk [tilespmem:v52+s12+$0x0], $0xffff;
	[tilespmem:s8+$0x70] =	vst v34;
	s8 =	smov.u32 s7;
	s7 =	smov.u32 s20  }
0x13c: {  	v39 =	vor.u32 v1, v45;
	v52 =	vadd.f32 v30, v9;
	v55 =	vld.idx.msk [tilespmem:v54+s15+$0x0], $0xffff;
	[tilespmem:s2+$0x40] =	vst v40  }
0x13d: {  	v29 =	vor.u32 v5, v13;
	[tilespmem:s28+$0xFFFFFFE0] =	vst v49;
	v40 =	vld.idx.msk [tilespmem:v53+s15+$0x0], $0xffff  }
0x13e: {  	v53 =	vor.u32 v3, v26;
	v34 =	vadd.f32 v35, v18;
	v49 =	vld.idx.msk [tilespmem:v57+s15+$0x0], $0xffff;
	[tilespmem:s23+$0x10] =	vst v47  }
0x13f: {  	v36 =	vadd.f32 v36, v16;
	v35 =	vld.idx.msk [tilespmem:v37+s15+$0x0], $0xffff;
	[tilespmem:s8+$0x40] =	vst v32  }
0x140: {  	v32 =	vor.u32 v4, v22;
	v30 =	vld.idx.msk [tilespmem:v38+s12+$0x0], $0xffff;
	[tilespmem:s25+$0x40] =	vst v34  }
0x141: {  	v37 =	vor.u32 v7, v11;
	v34 =	vor.u32 v7, v13;
	[tilespmem:s21+$0x10] =	vst v36;
	v36 =	vld.idx.msk [tilespmem:v50+s15+$0x0], $0xffff  }
0x142: {  	s0 =	sadd.s32 $0xFFFFFE80, s24;
	v42 =	vadd.f32 v42, v8;
	v38 =	vor.u32 v7, v14;
	v50 =	vor.u32 v1, v43;
	v54 =	vld.idx.msk [tilespmem:v29+s15+$0x0], $0xffff  }
0x143: {  	v20 =	vor.u32 v6, v20;
	s0 =	sand.u32 $0xC00, s0;
	s20 =	sadd.s32 $0xFFFFFF80, s24;
	v47 =	vor.u32 v6, v13;
	v13 =	vadd.f32 v40, v15;
	v53 =	vld.idx.msk [tilespmem:v53+s15+$0x0], $0xffff  }
0x144: {  	s29 =	sadd.s32 $0xCD00, s0;
	s22 =	sand.u32 $0x380, s24;
	s0 =	sand.u32 $0x300, s20;
	v40 =	vadd.f32 v49, v21;
	v29 =	vld.idx.msk [tilespmem:v48+s12+$0x0], $0xffff;
	[tilespmem:s7+$0x30] =	vst v42;
	v42 =	vor.u32 v6, v11;
	v11 =	vmov v24  }
0x145: {  	s22 =	sadd.s32 s22, s29;
	s20 =	sadd.s32 s0, s29;
	v49 =	vor.u32 v6, v14;
	v14 =	vmov v25;
	v35 =	vadd.f32 v35, v17;
	v32 =	vld.idx.msk [tilespmem:v32+s15+$0x0], $0xffff;
	[tilespmem:s3+$0x20] =	vst v52  }
0x146: {  	s28 =	sadd.s32 $0x200, s28;
	v25 =	vmov v44;
	v48 =	vadd.f32 v51, v30;
	v56 =	vor.u32 v3, v11;
	v51 =	vld.idx.msk [tilespmem:v46+s15+$0x0], $0xffff;
	[tilespmem:s20+$0x0] =	vst v40  }
0x147: {  	v57 =	vor.u32 v4, v26;
	v24 =	vmov v45;
	v36 =	vadd.f32 v36, v18;
	v46 =	vld.idx.msk [tilespmem:v50+s15+$0x0], $0xffff;
	[tilespmem:s23+$0x20] =	vst v35  }
.Ltmp3:
0x148: {  	v35 =	vor.u32 v4, v14;
	v54 =	vadd.f32 v54, v10;
	v52 =	vld.idx.msk [tilespmem:v20+s15+$0x0], $0xffff;
	[tilespmem:s2+$0x50] =	vst v13;
	v13 =	vmov v22;
	(pc) =	sbr.rel @p0 .LBB2_5-.Ltmp3, $4  }
0x149: {  	v44 =	vor.u32 v3, v14;
	v50 =	vadd.f32 v53, v12;
	v22 =	vmov v43;
	[tilespmem:s25+$0x50] =	vst v36;
	v45 =	vld.idx.msk [tilespmem:v42+s15+$0x0], $0xffff  }
0x14a: {  	v40 =	vor.u32 v4, v11;
	v20 =	vmov v26;
	v36 =	vor.u32 v5, v26;
	v43 =	vld.idx.msk [tilespmem:v49+s15+$0x0], $0xffff;
	[tilespmem:s8+$0x50] =	vst v54  }
0x14b: {  	v55 =	vadd.f32 v55, v23;
	v26 =	vmov v41;
	v54 =	vor.u32 v1, v41;
	[tilespmem:s11+$0xFFFFFFF0] =	vst v50;
	v50 =	vld.idx.msk [tilespmem:v56+s15+$0x0], $0xffff  }
0x14c: {  	v42 =	vor.u32 v3, v22;
	v49 =	vor.u32 v2, v26;
	v41 =	vor.u32 v2, v22;
	v53 =	vld.idx.msk [tilespmem:v57+s15+$0x0], $0xffff  }
0x14d: {  	_ = 	snop  }
0x14e: {  	s0 =	sadd.s32 $0xFFFFFF00, s24  }
0x14f: {  	v19 =	vadd.f32 v51, v29;
	s0 =	sand.u32 $0x280, s0  }
0x150: {  	[tilespmem:s28+$0xFFFFFFC0] =	vst v48;
	s24 =	sor.u32 s0, s29  }
0x151: {  	v48 =	vld.idx.msk [tilespmem:v54+s15+$0x0], $0xffff;
	[tilespmem:s24+$0x0] =	vst v19  }
0x152: {  	[tilespmem:s22+$0x0] =	vst v55;
	v19 =	vld.idx.msk [tilespmem:v33+s15+$0x0], $0xffff  }
0x153: {  	v57 =	vld.idx.msk [tilespmem:v39+s15+$0x0], $0xffff  }
0x154: {  	v58 =	vadd.f32 v46, v21  }
0x155: {  	v59 =	vadd.f32 v52, v16;
	v60 =	vor.u32 v2, v25  }
0x156: {  	v61 =	vor.u32 v2, v24;
	[tilespmem:s20+$0x10] =	vst v58;
	v48 =	vadd.f32 v48, v30  }
0x157: {  	v47 =	vld.idx.msk [tilespmem:v47+s15+$0x0], $0xffff;
	[tilespmem:s21+$0x20] =	vst v59;
	v19 =	vadd.f32 v19, v29  }
0x158: {  	v44 =	vld.idx.msk [tilespmem:v44+s15+$0x0], $0xffff;
	v33 =	vadd.f32 v57, v23;
	[tilespmem:s28+$0xFFFFFFD0] =	vst v48  }
0x159: {  	v45 =	vadd.f32 v45, v15;
	v62 =	vld.idx.msk [tilespmem:v49+s15+$0x0], $0xffff;
	[tilespmem:s24+$0x10] =	vst v19  }
0x15a: {  	[tilespmem:s22+$0x10] =	vst v33;
	v19 =	vadd.f32 v43, v18;
	v63 =	vld.idx.msk [tilespmem:v60+s15+$0x0], $0xffff  }
0x15b: {  	[tilespmem:s2+$0x60] =	vst v45;
	v51 =	vadd.f32 v50, v9;
	v39 =	vld.idx.msk [tilespmem:v61+s15+$0x0], $0xffff  }
0x15c: {  	v41 =	vld.idx.msk [tilespmem:v41+s15+$0x0], $0xffff;
	v49 =	vor.u32 v3, v26;
	[tilespmem:s25+$0x60] =	vst v19;
	v19 =	vadd.f32 v47, v10  }
0x15d: {  	v52 =	vor.u32 v3, v25;
	v31 =	vld.idx.msk [tilespmem:v31+s15+$0x0], $0xffff;
	[tilespmem:s3+$0x30] =	vst v51;
	v55 =	vadd.f32 v44, v17  }
0x15e: {  	v48 =	vadd.f32 v53, v12;
	v53 =	vor.u32 v3, v24;
	[tilespmem:s8+$0x60] =	vst v19;
	v19 =	vadd.f32 v62, v30  }
0x15f: {  	[tilespmem:s23+$0x30] =	vst v55;
	v38 =	vld.idx.msk [tilespmem:v38+s15+$0x0], $0xffff;
	v33 =	vadd.f32 v63, v29  }
0x160: {  	v37 =	vld.idx.msk [tilespmem:v37+s15+$0x0], $0xffff;
	v39 =	vadd.f32 v39, v23;
	[tilespmem:s28+$0xFFFFFFE0] =	vst v19  }
0x161: {  	v19 =	vadd.f32 v41, v21;
	v54 =	vld.idx.msk [tilespmem:v49+s15+$0x0], $0xffff;
	[tilespmem:s24+$0x20] =	vst v33  }
0x162: {  	v16 =	vadd.f32 v31, v16;
	[tilespmem:s22+$0x20] =	vst v39;
	v31 =	vld.idx.msk [tilespmem:v52+s15+$0x0], $0xffff  }
0x163: {  	[tilespmem:s20+$0x20] =	vst v19;
	v19 =	vld.idx.msk [tilespmem:v53+s15+$0x0], $0xffff  }
0x164: {  	v56 =	vor.u32 v4, v26;
	[tilespmem:s21+$0x30] =	vst v16;
	v16 =	vadd.f32 v38, v18;
	v18 =	vld.idx.msk [tilespmem:v42+s15+$0x0], $0xffff  }
0x165: {  	v57 =	vor.u32 v4, v25;
	v15 =	vadd.f32 v37, v15;
	[tilespmem:s11+$0x0] =	vst v48;
	v34 =	vld.idx.msk [tilespmem:v34+s15+$0x0], $0xffff  }
0x166: {  	v58 =	vor.u32 v4, v24;
	v35 =	vld.idx.msk [tilespmem:v35+s15+$0x0], $0xffff;
	[tilespmem:s25+$0x70] =	vst v16;
	v16 =	vadd.f32 v54, v30  }
0x167: {  	v59 =	vld.idx.msk [tilespmem:v40+s15+$0x0], $0xffff;
	[tilespmem:s2+$0x70] =	vst v15;
	v15 =	vor.u32 v4, v22;
	v31 =	vadd.f32 v31, v29  }
0x168: {  	[tilespmem:s28+$0xFFFFFFF0] =	vst v16;
	v16 =	vadd.f32 v19, v23  }
0x169: {  	v19 =	vor.u32 v5, v14;
	v18 =	vadd.f32 v18, v21;
	v38 =	vld.idx.msk [tilespmem:v56+s15+$0x0], $0xffff;
	[tilespmem:s24+$0x30] =	vst v31  }
0x16a: {  	v10 =	vadd.f32 v34, v10;
	v31 =	vor.u32 v5, v11;
	[tilespmem:s22+$0x30] =	vst v16;
	v16 =	vld.idx.msk [tilespmem:v57+s15+$0x0], $0xffff  }
0x16b: {  	v60 =	vor.u32 v5, v13;
	v61 =	vadd.f32 v35, v17;
	[tilespmem:s20+$0x30] =	vst v18;
	v18 =	vld.idx.msk [tilespmem:v58+s15+$0x0], $0xffff  }
0x16c: {  	v62 =	vadd.f32 v59, v9;
	[tilespmem:s8+$0x70] =	vst v10;
	v10 =	vld.idx.msk [tilespmem:v15+s15+$0x0], $0xffff;
	v15 =	vor.u32 v5, v26  }
0x16d: {  	v32 =	vadd.f32 v32, v8;
	v36 =	vld.idx.msk [tilespmem:v36+s15+$0x0], $0xffff;
	[tilespmem:s23+$0x40] =	vst v61;
	v63 =	vor.u32 v5, v25  }
0x16e: {  	[tilespmem:s3+$0x40] =	vst v62;
	v41 =	vor.u32 v5, v24;
	v19 =	vld.idx.msk [tilespmem:v19+s15+$0x0], $0xffff;
	v40 =	vadd.f32 v38, v30  }
0x16f: {  	[tilespmem:s7+$0x40] =	vst v32;
	v42 =	vor.u32 v5, v22;
	v31 =	vld.idx.msk [tilespmem:v31+s15+$0x0], $0xffff;
	v16 =	vadd.f32 v16, v29  }
0x170: {  	v20 =	vor.u32 v6, v20;
	v33 =	vld.idx.msk [tilespmem:v60+s15+$0x0], $0xffff;
	[tilespmem:s28+$0x0] =	vst v40;
	v18 =	vadd.f32 v18, v23  }
0x171: {  	v43 =	vor.u32 v6, v14;
	v10 =	vadd.f32 v10, v21;
	v15 =	vld.idx.msk [tilespmem:v15+s15+$0x0], $0xffff;
	[tilespmem:s24+$0x40] =	vst v16  }
0x172: {  	v44 =	vor.u32 v6, v11;
	v16 =	vadd.f32 v36, v12;
	[tilespmem:s22+$0x40] =	vst v18;
	v18 =	vld.idx.msk [tilespmem:v63+s15+$0x0], $0xffff  }
0x173: {  	v45 =	vor.u32 v6, v13;
	v19 =	vadd.f32 v19, v17;
	[tilespmem:s20+$0x40] =	vst v10;
	v37 =	vld.idx.msk [tilespmem:v41+s15+$0x0], $0xffff  }
0x174: {  	v26 =	vor.u32 v6, v26;
	[tilespmem:s11+$0x10] =	vst v16;
	v10 =	vadd.f32 v31, v9;
	v16 =	vld.idx.msk [tilespmem:v42+s15+$0x0], $0xffff  }
0x175: {  	v31 =	vadd.f32 v33, v8;
	[tilespmem:s23+$0x50] =	vst v19;
	v19 =	vor.u32 v6, v25;
	v20 =	vld.idx.msk [tilespmem:v20+s15+$0x0], $0xffff  }
0x176: {  	v46 =	vor.u32 v6, v24;
	[tilespmem:s3+$0x50] =	vst v10;
	v10 =	vld.idx.msk [tilespmem:v43+s15+$0x0], $0xffff;
	v15 =	vadd.f32 v15, v30  }
0x177: {  	[tilespmem:s7+$0x50] =	vst v31;
	v31 =	vor.u32 v6, v22;
	v47 =	vld.idx.msk [tilespmem:v44+s15+$0x0], $0xffff;
	v18 =	vadd.f32 v18, v29  }
0x178: {  	v34 =	vld.idx.msk [tilespmem:v45+s15+$0x0], $0xffff;
	[tilespmem:s28+$0x10] =	vst v15;
	v15 =	vadd.f32 v37, v23  }
0x179: {  	v14 =	vor.u32 v7, v14;
	v26 =	vld.idx.msk [tilespmem:v26+s15+$0x0], $0xffff;
	v16 =	vadd.f32 v16, v21;
	[tilespmem:s24+$0x50] =	vst v18  }
0x17a: {  	v11 =	vor.u32 v7, v11;
	v18 =	vadd.f32 v20, v12;
	[tilespmem:s22+$0x50] =	vst v15;
	v15 =	vld.idx.msk [tilespmem:v19+s15+$0x0], $0xffff  }
0x17b: {  	v13 =	vor.u32 v7, v13;
	v10 =	vadd.f32 v10, v17;
	v19 =	vld.idx.msk [tilespmem:v46+s15+$0x0], $0xffff;
	[tilespmem:s20+$0x50] =	vst v16  }
0x17c: {  	v16 =	vadd.f32 v47, v9;
	[tilespmem:s11+$0x20] =	vst v18;
	v18 =	vld.idx.msk [tilespmem:v31+s15+$0x0], $0xffff  }
0x17d: {  	v25 =	vor.u32 v7, v25;
	v20 =	vld.idx.msk [tilespmem:v27+s15+$0x0], $0xffff;
	[tilespmem:s23+$0x60] =	vst v10;
	v10 =	vadd.f32 v34, v8  }
0x17e: {  	[tilespmem:s3+$0x60] =	vst v16;
	v14 =	vld.idx.msk [tilespmem:v14+s15+$0x0], $0xffff;
	v16 =	vor.u32 v7, v24;
	v24 =	vadd.f32 v26, v30  }
0x17f: {  	[tilespmem:s7+$0x60] =	vst v10;
	v10 =	vld.idx.msk [tilespmem:v11+s15+$0x0], $0xffff;
	v11 =	vor.u32 v7, v22;
	v15 =	vadd.f32 v15, v29  }
0x180: {  	v13 =	vld.idx.msk [tilespmem:v13+s15+$0x0], $0xffff;
	v19 =	vadd.f32 v19, v23;
	[tilespmem:s28+$0x20] =	vst v24  }
0x181: {  	v22 =	vld.idx.msk [tilespmem:v28+s15+$0x0], $0xffff;
	[tilespmem:s24+$0x60] =	vst v15;
	v15 =	vadd.f32 v18, v21  }
0x182: {  	v12 =	vadd.f32 v20, v12;
	[tilespmem:s22+$0x60] =	vst v19;
	v18 =	vld.idx.msk [tilespmem:v25+s15+$0x0], $0xffff  }
0x183: {  	v14 =	vadd.f32 v14, v17;
	[tilespmem:s20+$0x60] =	vst v15;
	v15 =	vld.idx.msk [tilespmem:v16+s15+$0x0], $0xffff  }
0x184: {  	[tilespmem:s11+$0x30] =	vst v12;
	v9 =	vadd.f32 v10, v9;
	v10 =	vld.idx.msk [tilespmem:v11+s15+$0x0], $0xffff  }
0x185: {  	[tilespmem:s23+$0x70] =	vst v14;
	v8 =	vadd.f32 v13, v8  }
0x186: {  	s26 =	simm.s32 $0x0;
	[tilespmem:s3+$0x70] =	vst v9;
	v9 =	vadd.f32 v22, v30  }
0x187: {  	s30 =	simm.s32 $0x2;
	v11 =	vmov s26;
	[tilespmem:s7+$0x70] =	vst v8;
	v8 =	vadd.f32 v18, v29  }
0x188: {  	s31 =	sshll.u32 s6, $0x11;
	v12 =	vmov s30;
	v11 =	vand.u32 $0x1C, v11;
	[tilespmem:s28+$0x30] =	vst v9;
	v9 =	vadd.f32 v15, v23  }
0x189: {  	s6 =	sor.u32 $0x2, s18;
	s3 =	sor.u32 s4, s31;
	v29 =	vbroadcast v11, $0x0;
	[tilespmem:s24+$0x70] =	vst v8;
	v8 =	vadd.f32 v10, v21;
	v10 =	vand.u32 $0x1E, v12  }
0x18a: {  	s8 =	simm.s32 $0x3;
	s0 =	sshrl.u32 s3, $0x3;
	s7 =	sshll.u32 s6, $0x5;
	[tilespmem:s22+$0x70] =	vst v9;
	v32 =	vbroadcast v10, $0x0  }
0x18b: {  	s11 =	simm.s32 $0xCD00;
	s0 =	sadd.s32 s1, s0;
	v19 =	vmov s7;
	[tilespmem:s20+$0x70] =	vst v8;
	v8 =	vor.u32 v0, v29;
	s20 =	simm.s32 $0x3  }
0x18c: {  	v9 =	vmov s8;
	[hbm4b:s0+s9] =	stream.strided.scatter [tilespmem:s11], [sflag:$0x6], $0x1000, s10, s9, $0x38;
	v10 =	vor.u32 v19, v32;
	[tilespmem:$0xFD00] =	vst v63  }
0x18d: {  	v9 =	vand.u32 $0x1F, v9;
	v11 =	vor.u32 v0, v32;
	_ =	swait.ge [sflag:s20], $0x1000  }
0x18e: {  	v35 =	vbroadcast v9, $0x0;
	v9 =	vor.u32 v19, v29;
	[sflag:s20] =	ssyncset.done $0x0  }
0x18f: {  	[sflag:s20] =	ssyncadd.s32 $0xFFFFF000  }
0x190: {  	v12 =	vor.u32 v19, v35;
	v8 =	vld.idx.msk [tilespmem:v8+s17+$0x0], $0xffff  }
0x191: {  	v13 =	vor.u32 v0, v35;
	v10 =	vld.idx.msk [tilespmem:v10+s12+$0x0], $0xffff  }
0x192: {  	s21 =	simm.s32 $0x1;
	v11 =	vld.idx.msk [tilespmem:v11+s17+$0x0], $0xffff  }
0x193: {  	v14 =	vmov s21;
	v16 =	vld.idx.msk [tilespmem:v9+s12+$0x0], $0xffff  }
0x194: {  	v9 =	vand.u32 $0x1D, v14  }
0x195: {  	s22 =	simm.s32 $0x0;
	v36 =	vbroadcast v9, $0x0;
	v9 =	vor.u32 v1, v32;
	v15 =	vld.idx.msk [tilespmem:v12+s12+$0x0], $0xffff  }
0x196: {  	s23 =	simm.s32 $0x100;
	s0 =	sand.u32 $0xC00, s22;
	v12 =	vld.idx.msk [tilespmem:v13+s17+$0x0], $0xffff;
	v13 =	vor.u32 v1, v29  }
0x197: {  	s2 =	sand.u32 $0x300, s23;
	s0 =	sadd.s32 $0xDD00, s0;
	v14 =	vor.u32 v19, v36;
	v11 =	vadd.f32 v11, v10  }
0x198: {  	s8 =	sadd.s32 s2, s0;
	v17 =	vor.u32 v0, v36;
	v8 =	vadd.f32 v8, v16  }
0x199: {  	s21 =	simm.s32 $0xDD40;
	v20 =	vor.u32 v1, v35;
	[tilespmem:s8+$0x0] =	vst v11  }
0x19a: {  	s24 =	simm.s32 $0x180;
	[tilespmem:s21+$0xFFFFFFC0] =	vst v8;
	v9 =	vld.idx.msk [tilespmem:v9+s17+$0x0], $0xffff  }
0x19b: {  	s2 =	sand.u32 $0x380, s24;
	v8 =	vadd.f32 v12, v15;
	v11 =	vld.idx.msk [tilespmem:v13+s17+$0x0], $0xffff  }
0x19c: {  	s2 =	sadd.s32 s2, s0;
	v18 =	vld.idx.msk [tilespmem:v14+s12+$0x0], $0xffff  }
0x19d: {  	s25 =	simm.s32 $0x4;
	v12 =	vld.idx.msk [tilespmem:v17+s17+$0x0], $0xffff;
	v14 =	vor.u32 v2, v32;
	[tilespmem:s2+$0x0] =	vst v8  }
0x19e: {  	s26 =	simm.s32 $0x6;
	v17 =	vor.u32 v2, v29;
	v13 =	vmov s25;
	v8 =	vor.u32 v1, v36;
	v21 =	vld.idx.msk [tilespmem:v20+s17+$0x0], $0xffff  }
0x19f: {  	v13 =	vand.u32 $0x1C, v13;
	v20 =	vmov s26;
	v9 =	vadd.f32 v9, v10  }
0x1a0: {  	v22 =	vand.u32 $0x1E, v20;
	v20 =	vbroadcast v13, $0x0;
	v11 =	vadd.f32 v11, v16  }
0x1a1: {  	s30 =	simm.s32 $0x80;
	v13 =	vbroadcast v22, $0x0;
	[tilespmem:s8+$0x10] =	vst v9;
	v9 =	vor.u32 v2, v35  }
0x1a2: {  	s31 =	simm.s32 $0x7;
	s3 =	sand.u32 $0x280, s30;
	v12 =	vadd.f32 v12, v18;
	v22 =	vor.u32 v0, v20;
	[tilespmem:s21+$0xFFFFFFD0] =	vst v11;
	v14 =	vld.idx.msk [tilespmem:v14+s17+$0x0], $0xffff  }
0x1a3: {  	s25 =	sor.u32 s3, s0;
	v23 =	vor.u32 v19, v13;
	v11 =	vmov s31;
	v21 =	vadd.f32 v21, v15;
	v17 =	vld.idx.msk [tilespmem:v17+s17+$0x0], $0xffff  }
0x1a4: {  	[tilespmem:s25+$0x0] =	vst v12;
	v12 =	vor.u32 v0, v13;
	v11 =	vand.u32 $0x1F, v11  }
0x1a5: {  	v28 =	vor.u32 v19, v20;
	v25 =	vld.idx.msk [tilespmem:v8+s17+$0x0], $0xffff;
	v11 =	vbroadcast v11, $0x0;
	[tilespmem:s2+$0x10] =	vst v21  }
0x1a6: {  	s11 =	simm.s32 $0x5;
	v21 =	vld.idx.msk [tilespmem:v9+s17+$0x0], $0xffff;
	v9 =	vor.u32 v3, v29  }
0x1a7: {  	v8 =	vmov s11;
	v22 =	vld.idx.msk [tilespmem:v22+s17+$0x0], $0xffff;
	v26 =	vor.u32 v19, v11;
	v27 =	vadd.f32 v14, v10  }
0x1a8: {  	v14 =	vand.u32 $0x1D, v8;
	v8 =	vld.idx.msk [tilespmem:v23+s12+$0x0], $0xffff;
	v17 =	vadd.f32 v17, v16;
	v23 =	vor.u32 v0, v11  }
0x1a9: {  	v24 =	vor.u32 v3, v32;
	v14 =	vbroadcast v14, $0x0;
	[tilespmem:s8+$0x20] =	vst v27;
	v27 =	vld.idx.msk [tilespmem:v12+s17+$0x0], $0xffff  }
0x1aa: {  	v30 =	vor.u32 v2, v36;
	[tilespmem:s21+$0xFFFFFFE0] =	vst v17;
	v12 =	vld.idx.msk [tilespmem:v28+s12+$0x0], $0xffff  }
0x1ab: {  	v17 =	vor.u32 v19, v14;
	v31 =	vld.idx.msk [tilespmem:v9+s17+$0x0], $0xffff  }
0x1ac: {  	s20 =	simm.s32 $0x200;
	v25 =	vadd.f32 v25, v18;
	v9 =	vld.idx.msk [tilespmem:v26+s12+$0x0], $0xffff;
	v26 =	vor.u32 v1, v13  }
0x1ad: {  	s22 =	simm.s32 $0x300;
	s0 =	sand.u32 $0xC00, s20;
	v48 =	vor.u32 v0, v14;
	v23 =	vld.idx.msk [tilespmem:v23+s17+$0x0], $0xffff  }
0x1ae: {  	s3 =	sand.u32 $0x300, s22;
	s0 =	sadd.s32 $0xDD00, s0;
	[tilespmem:s25+$0x10] =	vst v25;
	v24 =	vld.idx.msk [tilespmem:v24+s17+$0x0], $0xffff;
	v25 =	vadd.f32 v27, v8;
	v27 =	vor.u32 v4, v29  }
0x1af: {  	v49 =	vor.u32 v3, v35;
	s7 =	sadd.s32 s3, s0;
	v30 =	vld.idx.msk [tilespmem:v30+s17+$0x0], $0xffff;
	v21 =	vadd.f32 v21, v15  }
0x1b0: {  	v50 =	vor.u32 v1, v11;
	v17 =	vld.idx.msk [tilespmem:v17+s12+$0x0], $0xffff;
	[tilespmem:s7+$0x0] =	vst v25;
	v25 =	vadd.f32 v31, v16  }
0x1b1: {  	s23 =	simm.s32 $0x380;
	[tilespmem:s2+$0x20] =	vst v21;
	v22 =	vadd.f32 v22, v12;
	v31 =	vor.u32 v1, v20;
	v26 =	vld.idx.msk [tilespmem:v26+s17+$0x0], $0xffff  }
0x1b2: {  	s3 =	sand.u32 $0x380, s23;
	s11 =	simm.s32 $0xDF40;
	v21 =	vor.u32 v3, v36;
	v33 =	vld.idx.msk [tilespmem:v48+s17+$0x0], $0xffff;
	v23 =	vadd.f32 v23, v9;
	[tilespmem:s21+$0xFFFFFFF0] =	vst v25  }
0x1b3: {  	v51 =	vor.u32 v4, v32;
	s3 =	sadd.s32 s3, s0;
	v24 =	vadd.f32 v24, v10;
	[tilespmem:s11+$0xFFFFFFC0] =	vst v22;
	v25 =	vld.idx.msk [tilespmem:v27+s17+$0x0], $0xffff  }
0x1b4: {  	s30 =	simm.s32 $0xB;
	v52 =	vor.u32 v2, v13;
	v27 =	vadd.f32 v30, v18;
	v30 =	vld.idx.msk [tilespmem:v49+s17+$0x0], $0xffff;
	[tilespmem:s3+$0x0] =	vst v23  }
0x1b5: {  	v60 =	vmov s30;
	s24 =	simm.s32 $0x8;
	v53 =	vor.u32 v4, v36;
	v28 =	vor.u32 v1, v14;
	[tilespmem:s8+$0x30] =	vst v24;
	v37 =	vld.idx.msk [tilespmem:v50+s17+$0x0], $0xffff  }
0x1b6: {  	s26 =	simm.s32 $0x280;
	v22 =	vor.u32 v5, v29;
	v24 =	vmov s24;
	v23 =	vld.idx.msk [tilespmem:v31+s17+$0x0], $0xffff;
	[tilespmem:s25+$0x20] =	vst v27;
	v26 =	vadd.f32 v26, v8  }
0x1b7: {  	s20 =	sand.u32 $0x280, s26;
	v24 =	vand.u32 $0x1C, v24;
	v33 =	vadd.f32 v33, v17;
	v31 =	vor.u32 v4, v35;
	v21 =	vld.idx.msk [tilespmem:v21+s17+$0x0], $0xffff  }
0x1b8: {  	s23 =	sor.u32 s20, s0;
	v62 =	vor.u32 v2, v11;
	v38 =	vld.idx.msk [tilespmem:v51+s17+$0x0], $0xffff;
	[tilespmem:s7+$0x10] =	vst v26;
	v25 =	vadd.f32 v25, v16;
	v26 =	vbroadcast v24, $0x0  }
0x1b9: {  	v40 =	vand.u32 $0x1F, v60;
	s31 =	simm.s32 $0xA;
	v27 =	vor.u32 v2, v20;
	[tilespmem:s23+$0x0] =	vst v33;
	v30 =	vadd.f32 v30, v15;
	v61 =	vld.idx.msk [tilespmem:v52+s17+$0x0], $0xffff  }
0x1ba: {  	v63 =	vld.idx.msk [tilespmem:v28+s17+$0x0], $0xffff;
	v24 =	vmov s31;
	v37 =	vadd.f32 v37, v9;
	[tilespmem:s21+$0x0] =	vst v25;
	v28 =	vor.u32 v0, v26  }
0x1bb: {  	v23 =	vadd.f32 v23, v12;
	v25 =	vand.u32 $0x1E, v24;
	v24 =	vbroadcast v40, $0x0;
	[tilespmem:s2+$0x30] =	vst v30;
	v40 =	vld.idx.msk [tilespmem:v22+s17+$0x0], $0xffff  }
0x1bc: {  	v30 =	vor.u32 v3, v13;
	v54 =	vld.idx.msk [tilespmem:v31+s17+$0x0], $0xffff;
	v21 =	vadd.f32 v21, v18;
	[tilespmem:s3+$0x10] =	vst v37  }
0x1bd: {  	s22 =	simm.s32 $0x9;
	v22 =	vbroadcast v25, $0x0;
	[tilespmem:s11+$0xFFFFFFD0] =	vst v23;
	v55 =	vor.u32 v19, v24;
	v34 =	vld.idx.msk [tilespmem:v62+s17+$0x0], $0xffff  }
0x1be: {  	v23 =	vmov s22;
	v58 =	vor.u32 v0, v24;
	v56 =	vld.idx.msk [tilespmem:v27+s17+$0x0], $0xffff;
	[tilespmem:s25+$0x30] =	vst v21;
	v33 =	vadd.f32 v61, v8  }
0x1bf: {  	v38 =	vadd.f32 v38, v10;
	v23 =	vand.u32 $0x1D, v23;
	v57 =	vor.u32 v19, v22;
	v39 =	vld.idx.msk [tilespmem:v53+s17+$0x0], $0xffff  }
0x1c0: {  	v47 =	vor.u32 v6, v32;
	v60 =	vor.u32 v0, v22;
	v25 =	vbroadcast v23, $0x0;
	v46 =	vld.idx.msk [tilespmem:v28+s17+$0x0], $0xffff;
	[tilespmem:s7+$0x20] =	vst v33  }
0x1c1: {  	v59 =	vor.u32 v5, v35;
	v44 =	vor.u32 v3, v14;
	[tilespmem:s8+$0x40] =	vst v38;
	v51 =	vld.idx.msk [tilespmem:v30+s17+$0x0], $0xffff  }
0x1c2: {  	v38 =	vor.u32 v7, v36;
	v41 =	vadd.f32 v63, v17;
	v48 =	vor.u32 v19, v25;
	v23 =	vld.idx.msk [tilespmem:v55+s12+$0x0], $0xffff  }
0x1c3: {  	v31 =	vor.u32 v7, v29;
	v42 =	vadd.f32 v54, v15;
	v30 =	vor.u32 v2, v14;
	v53 =	vld.idx.msk [tilespmem:v58+s17+$0x0], $0xffff  }
0x1c4: {  	v37 =	vor.u32 v7, v35;
	v61 =	vor.u32 v19, v26;
	[tilespmem:s23+$0x10] =	vst v41;
	v21 =	vld.idx.msk [tilespmem:v57+s12+$0x0], $0xffff  }
0x1c5: {  	v63 =	vor.u32 v5, v36;
	v27 =	vor.u32 v7, v20;
	[tilespmem:s2+$0x40] =	vst v42;
	v50 =	vld.idx.msk [tilespmem:v60+s17+$0x0], $0xffff  }
0x1c6: {  	v40 =	vadd.f32 v40, v16;
	v58 =	vor.u32 v3, v20;
	v55 =	vor.u32 v6, v29;
	v57 =	vld.idx.msk [tilespmem:v59+s17+$0x0], $0xffff  }
0x1c7: {  	v62 =	vadd.f32 v56, v12;
	v56 =	vor.u32 v5, v32;
	v59 =	vadd.f32 v39, v18;
	v29 =	vld.idx.msk [tilespmem:v48+s12+$0x0], $0xffff  }
0x1c8: {  	v28 =	vor.u32 v7, v26;
	v49 =	vor.u32 v0, v25;
	[tilespmem:s21+$0x10] =	vst v40;
	v41 =	vld.idx.msk [tilespmem:v30+s17+$0x0], $0xffff  }
0x1c9: {  	v60 =	vadd.f32 v34, v9;
	[tilespmem:s25+$0x40] =	vst v59;
	v30 =	vld.idx.msk [tilespmem:v61+s12+$0x0], $0xffff;
	v61 =	vor.u32 v4, v13  }
0x1ca: {  	s24 =	simm.s32 $0x400;
	v33 =	vor.u32 v1, v25;
	[tilespmem:s11+$0xFFFFFFE0] =	vst v62;
	v62 =	vor.u32 v1, v22;
	v40 =	vld.idx.msk [tilespmem:v63+s17+$0x0], $0xffff  }
0x1cb: {  	s26 =	simm.s32 $0x500;
	s0 =	sand.u32 $0xC00, s24;
	v34 =	vor.u32 v7, v32;
	[tilespmem:s3+$0x20] =	vst v60;
	v51 =	vadd.f32 v51, v8;
	v54 =	vld.idx.msk [tilespmem:v58+s17+$0x0], $0xffff  }
0x1cc: {  	s30 =	sand.u32 $0x300, s26;
	s29 =	sadd.s32 $0xDD00, s0;
	v60 =	vor.u32 v6, v36;
	v42 =	vld.idx.msk [tilespmem:v56+s17+$0x0], $0xffff;
	v50 =	vadd.f32 v50, v21;
	v56 =	vor.u32 v6, v35  }
0x1cd: {  	s20 =	sadd.s32 s30, s29;
	v52 =	vld.idx.msk [tilespmem:v55+s17+$0x0], $0xffff;
	v45 =	vadd.f32 v57, v15;
	[tilespmem:s7+$0x30] =	vst v51;
	v57 =	vor.u32 v4, v20  }
0x1ce: {  	[tilespmem:s20+$0x0] =	vst v50;
	v63 =	vadd.f32 v41, v17;
	v32 =	vld.idx.msk [tilespmem:v61+s17+$0x0], $0xffff;
	v61 =	vor.u32 v3, v11  }
0x1cf: {  	[tilespmem:s2+$0x50] =	vst v45;
	v48 =	vadd.f32 v46, v30;
	v46 =	vld.idx.msk [tilespmem:v62+s17+$0x0], $0xffff;
	v62 =	vadd.f32 v40, v18  }
0x1d0: {  	v39 =	vor.u32 v1, v24;
	v36 =	vor.u32 v5, v20;
	v51 =	vld.idx.msk [tilespmem:v49+s17+$0x0], $0xffff;
	[tilespmem:s23+$0x20] =	vst v63  }
0x1d1: {  	v55 =	vadd.f32 v53, v23;
	v45 =	vld.idx.msk [tilespmem:v56+s17+$0x0], $0xffff;
	v63 =	vadd.f32 v54, v12;
	[tilespmem:s25+$0x50] =	vst v62  }
0x1d2: {  	s24 =	simm.s32 $0x580;
	v35 =	vor.u32 v4, v14;
	v49 =	vor.u32 v2, v26;
	v42 =	vadd.f32 v42, v10;
	v43 =	vld.idx.msk [tilespmem:v60+s17+$0x0], $0xffff  }
0x1d3: {  	s31 =	sand.u32 $0x380, s24;
	v40 =	vor.u32 v4, v11;
	v54 =	vor.u32 v1, v26;
	[tilespmem:s11+$0xFFFFFFF0] =	vst v63;
	v50 =	vld.idx.msk [tilespmem:v61+s17+$0x0], $0xffff  }
0x1d4: {  	s28 =	simm.s32 $0xE140;
	s26 =	simm.s32 $0xC;
	s22 =	sadd.s32 s31, s29;
	v41 =	vor.u32 v2, v22;
	[tilespmem:s8+$0x50] =	vst v42;
	v42 =	vor.u32 v3, v22;
	v53 =	vld.idx.msk [tilespmem:v57+s17+$0x0], $0xffff  }
.LBB2_7:
0x1d5: {  	v56 =	vmov s26;
	s0 =	sadd.s32 $0x1, s26;
	s30 =	sadd.s32 $0x2, s26;
	s31 =	sadd.s32 $0x3, s26;
	[tilespmem:s28+$0xFFFFFFC0] =	vst v48;
	v48 =	vadd.f32 v51, v29;
	v46 =	vadd.f32 v46, v21;
	v47 =	vld.idx.msk [tilespmem:v47+s17+$0x0], $0xffff  }
0x1d6: {  	p0 =	slt.u32 s26, $0x1C;
	s26 =	sadd.s32 $0x4, s26;
	v52 =	vadd.f32 v52, v16;
	v51 =	vmov s0;
	v57 =	vmov s31;
	s0 =	sadd.s32 $0xFFFFFF00, s24;
	[tilespmem:s22+$0x0] =	vst v55;
	v55 =	vld.idx.msk [tilespmem:v44+s17+$0x0], $0xffff  }
0x1d7: {  	v44 =	vand.u32 $0x1D, v51;
	v51 =	vmov s30;
	s0 =	sand.u32 $0x280, s0;
	[tilespmem:s20+$0x10] =	vst v46;
	v39 =	vld.idx.msk [tilespmem:v39+s17+$0x0], $0xffff;
	v46 =	vadd.f32 v45, v15  }
0x1d8: {  	v45 =	vand.u32 $0x1F, v57;
	v44 =	vbroadcast v44, $0x0;
	v54 =	vld.idx.msk [tilespmem:v54+s17+$0x0], $0xffff;
	s29 =	sor.u32 s0, s29;
	[tilespmem:s21+$0x20] =	vst v52;
	v52 =	vadd.f32 v43, v18  }
0x1d9: {  	v56 =	vand.u32 $0x1C, v56;
	v43 =	vand.u32 $0x1E, v51;
	v45 =	vbroadcast v45, $0x0;
	[tilespmem:s29+$0x0] =	vst v48;
	v51 =	vld.idx.msk [tilespmem:v41+s17+$0x0], $0xffff  }
0x1da: {  	v43 =	vbroadcast v43, $0x0;
	v53 =	vadd.f32 v53, v12;
	v48 =	vor.u32 v19, v44;
	v57 =	vld.idx.msk [tilespmem:v31+s17+$0x0], $0xffff;
	[tilespmem:s2+$0x60] =	vst v46  }
0x1db: {  	v41 =	vbroadcast v56, $0x0;
	v46 =	vor.u32 v0, v44;
	v56 =	vld.idx.msk [tilespmem:v33+s17+$0x0], $0xffff;
	[tilespmem:s25+$0x60] =	vst v52;
	v33 =	vadd.f32 v47, v10  }
0x1dc: {  	v50 =	vadd.f32 v50, v9;
	v31 =	vmov v27;
	v47 =	vadd.f32 v55, v17;
	[tilespmem:s11+$0x0] =	vst v53;
	v38 =	vld.idx.msk [tilespmem:v38+s17+$0x0], $0xffff  }
0x1dd: {  	v27 =	vmov v28;
	v52 =	vor.u32 v19, v43;
	v53 =	vor.u32 v2, v24;
	[tilespmem:s8+$0x60] =	vst v33;
	v33 =	vld.idx.msk [tilespmem:v37+s17+$0x0], $0xffff  }
0x1de: {  	v55 =	vor.u32 v19, v45;
	v37 =	vor.u32 v0, v41;
	v28 =	vadd.f32 v54, v30;
	v36 =	vld.idx.msk [tilespmem:v36+s17+$0x0], $0xffff  }
0x1df: {  	v39 =	vadd.f32 v39, v23;
	v54 =	vor.u32 v0, v45;
	[tilespmem:s3+$0x30] =	vst v50;
	v34 =	vld.idx.msk [tilespmem:v34+s17+$0x0], $0xffff  }
0x1e0: {  	v50 =	vadd.f32 v51, v21;
	v51 =	vadd.f32 v57, v16;
	v16 =	vmov v12;
	[tilespmem:s28+$0xFFFFFFD0] =	vst v28;
	v40 =	vld.idx.msk [tilespmem:v40+s17+$0x0], $0xffff  }
0x1e1: {  	v57 =	vor.u32 v0, v43;
	v12 =	vmov v30;
	v28 =	vor.u32 v7, v41;
	v49 =	vld.idx.msk [tilespmem:v49+s17+$0x0], $0xffff;
	[tilespmem:s22+$0x10] =	vst v39  }
0x1e2: {  	v38 =	vadd.f32 v38, v18;
	v18 =	vmov v17;
	v30 =	vld.idx.msk [tilespmem:v53+s17+$0x0], $0xffff;
	v53 =	vor.u32 v5, v11;
	[tilespmem:s21+$0x30] =	vst v51;
	s21 =	smov.u32 s11;
	s11 =	smov.u32 s28  }
0x1e3: {  	s24 =	sadd.s32 $0x200, s24;
	v17 =	vadd.f32 v33, v15;
	v15 =	vmov v9;
	v51 =	vld.idx.msk [tilespmem:v37+s17+$0x0], $0xffff;
	v37 =	vor.u32 v2, v25;
	[tilespmem:s23+$0x30] =	vst v47  }
0x1e4: {  	v32 =	vadd.f32 v32, v8;
	v33 =	vor.u32 v1, v44;
	v9 =	vmov v23;
	[tilespmem:s20+$0x20] =	vst v50;
	v35 =	vld.idx.msk [tilespmem:v35+s17+$0x0], $0xffff  }
0x1e5: {  	v47 =	vadd.f32 v56, v29;
	v34 =	vadd.f32 v34, v10;
	v10 =	vmov v8;
	v42 =	vld.idx.msk [tilespmem:v42+s17+$0x0], $0xffff;
	[tilespmem:s25+$0x70] =	vst v38;
	s25 =	smov.u32 s23;
	s23 =	smov.u32 s29  }
0x1e6: {  	v8 =	vmov v21;
	v38 =	vor.u32 v19, v41;
	v40 =	vadd.f32 v40, v15;
	v23 =	vld.idx.msk [tilespmem:v55+s12+$0x0], $0xffff;
	[tilespmem:s2+$0x70] =	vst v17;
	s2 =	smov.u32 s3;
	s3 =	smov.u32 s22  }
0x1e7: {  	v50 =	vor.u32 v5, v14;
	v49 =	vadd.f32 v49, v12;
	v17 =	vmov v29;
	v21 =	vld.idx.msk [tilespmem:v52+s12+$0x0], $0xffff;
	[tilespmem:s8+$0x70] =	vst v34;
	s8 =	smov.u32 s7;
	s7 =	smov.u32 s20  }
0x1e8: {  	v39 =	vor.u32 v1, v45;
	v52 =	vadd.f32 v30, v9;
	v55 =	vld.idx.msk [tilespmem:v54+s17+$0x0], $0xffff;
	[tilespmem:s2+$0x40] =	vst v40  }
0x1e9: {  	v29 =	vor.u32 v5, v13;
	[tilespmem:s28+$0xFFFFFFE0] =	vst v49;
	v40 =	vld.idx.msk [tilespmem:v53+s17+$0x0], $0xffff  }
0x1ea: {  	v53 =	vor.u32 v3, v26;
	v34 =	vadd.f32 v35, v18;
	v49 =	vld.idx.msk [tilespmem:v57+s17+$0x0], $0xffff;
	[tilespmem:s23+$0x10] =	vst v47  }
0x1eb: {  	v36 =	vadd.f32 v36, v16;
	v35 =	vld.idx.msk [tilespmem:v37+s17+$0x0], $0xffff;
	[tilespmem:s8+$0x40] =	vst v32  }
0x1ec: {  	v32 =	vor.u32 v4, v22;
	v30 =	vld.idx.msk [tilespmem:v38+s12+$0x0], $0xffff;
	[tilespmem:s25+$0x40] =	vst v34  }
0x1ed: {  	v37 =	vor.u32 v7, v11;
	v34 =	vor.u32 v7, v13;
	[tilespmem:s21+$0x10] =	vst v36;
	v36 =	vld.idx.msk [tilespmem:v50+s17+$0x0], $0xffff  }
0x1ee: {  	s0 =	sadd.s32 $0xFFFFFE80, s24;
	v42 =	vadd.f32 v42, v8;
	v38 =	vor.u32 v7, v14;
	v50 =	vor.u32 v1, v43;
	v54 =	vld.idx.msk [tilespmem:v29+s17+$0x0], $0xffff  }
0x1ef: {  	v20 =	vor.u32 v6, v20;
	s0 =	sand.u32 $0xC00, s0;
	s20 =	sadd.s32 $0xFFFFFF80, s24;
	v47 =	vor.u32 v6, v13;
	v13 =	vadd.f32 v40, v15;
	v53 =	vld.idx.msk [tilespmem:v53+s17+$0x0], $0xffff  }
0x1f0: {  	s29 =	sadd.s32 $0xDD00, s0;
	s22 =	sand.u32 $0x380, s24;
	s0 =	sand.u32 $0x300, s20;
	v40 =	vadd.f32 v49, v21;
	v29 =	vld.idx.msk [tilespmem:v48+s12+$0x0], $0xffff;
	[tilespmem:s7+$0x30] =	vst v42;
	v42 =	vor.u32 v6, v11;
	v11 =	vmov v24  }
0x1f1: {  	s22 =	sadd.s32 s22, s29;
	s20 =	sadd.s32 s0, s29;
	v49 =	vor.u32 v6, v14;
	v14 =	vmov v25;
	v35 =	vadd.f32 v35, v17;
	v32 =	vld.idx.msk [tilespmem:v32+s17+$0x0], $0xffff;
	[tilespmem:s3+$0x20] =	vst v52  }
0x1f2: {  	s28 =	sadd.s32 $0x200, s28;
	v25 =	vmov v44;
	v48 =	vadd.f32 v51, v30;
	v56 =	vor.u32 v3, v11;
	v51 =	vld.idx.msk [tilespmem:v46+s17+$0x0], $0xffff;
	[tilespmem:s20+$0x0] =	vst v40  }
0x1f3: {  	v57 =	vor.u32 v4, v26;
	v24 =	vmov v45;
	v36 =	vadd.f32 v36, v18;
	v46 =	vld.idx.msk [tilespmem:v50+s17+$0x0], $0xffff;
	[tilespmem:s23+$0x20] =	vst v35  }
.Ltmp4:
0x1f4: {  	v35 =	vor.u32 v4, v14;
	v54 =	vadd.f32 v54, v10;
	v52 =	vld.idx.msk [tilespmem:v20+s17+$0x0], $0xffff;
	[tilespmem:s2+$0x50] =	vst v13;
	v13 =	vmov v22;
	(pc) =	sbr.rel @p0 .LBB2_7-.Ltmp4, $4  }
0x1f5: {  	v44 =	vor.u32 v3, v14;
	v50 =	vadd.f32 v53, v12;
	v22 =	vmov v43;
	[tilespmem:s25+$0x50] =	vst v36;
	v45 =	vld.idx.msk [tilespmem:v42+s17+$0x0], $0xffff  }
0x1f6: {  	v40 =	vor.u32 v4, v11;
	v20 =	vmov v26;
	v36 =	vor.u32 v5, v26;
	v43 =	vld.idx.msk [tilespmem:v49+s17+$0x0], $0xffff;
	[tilespmem:s8+$0x50] =	vst v54  }
0x1f7: {  	v55 =	vadd.f32 v55, v23;
	v26 =	vmov v41;
	v54 =	vor.u32 v1, v41;
	[tilespmem:s11+$0xFFFFFFF0] =	vst v50;
	v50 =	vld.idx.msk [tilespmem:v56+s17+$0x0], $0xffff  }
0x1f8: {  	v42 =	vor.u32 v3, v22;
	v49 =	vor.u32 v2, v26;
	v41 =	vor.u32 v2, v22;
	v53 =	vld.idx.msk [tilespmem:v57+s17+$0x0], $0xffff  }
0x1f9: {  	_ = 	snop  }
0x1fa: {  	s0 =	sadd.s32 $0xFFFFFF00, s24  }
0x1fb: {  	v19 =	vadd.f32 v51, v29;
	s0 =	sand.u32 $0x280, s0  }
0x1fc: {  	[tilespmem:s28+$0xFFFFFFC0] =	vst v48;
	s24 =	sor.u32 s0, s29  }
0x1fd: {  	v48 =	vld.idx.msk [tilespmem:v54+s17+$0x0], $0xffff;
	[tilespmem:s24+$0x0] =	vst v19  }
0x1fe: {  	[tilespmem:s22+$0x0] =	vst v55;
	v19 =	vld.idx.msk [tilespmem:v33+s17+$0x0], $0xffff  }
0x1ff: {  	v57 =	vld.idx.msk [tilespmem:v39+s17+$0x0], $0xffff  }
0x200: {  	v58 =	vadd.f32 v46, v21  }
0x201: {  	v59 =	vadd.f32 v52, v16;
	v60 =	vor.u32 v2, v25  }
0x202: {  	v61 =	vor.u32 v2, v24;
	[tilespmem:s20+$0x10] =	vst v58;
	v48 =	vadd.f32 v48, v30  }
0x203: {  	v47 =	vld.idx.msk [tilespmem:v47+s17+$0x0], $0xffff;
	[tilespmem:s21+$0x20] =	vst v59;
	v19 =	vadd.f32 v19, v29  }
0x204: {  	v44 =	vld.idx.msk [tilespmem:v44+s17+$0x0], $0xffff;
	v33 =	vadd.f32 v57, v23;
	[tilespmem:s28+$0xFFFFFFD0] =	vst v48  }
0x205: {  	v45 =	vadd.f32 v45, v15;
	v62 =	vld.idx.msk [tilespmem:v49+s17+$0x0], $0xffff;
	[tilespmem:s24+$0x10] =	vst v19  }
0x206: {  	[tilespmem:s22+$0x10] =	vst v33;
	v19 =	vadd.f32 v43, v18;
	v63 =	vld.idx.msk [tilespmem:v60+s17+$0x0], $0xffff  }
0x207: {  	[tilespmem:s2+$0x60] =	vst v45;
	v50 =	vadd.f32 v50, v9;
	v39 =	vld.idx.msk [tilespmem:v61+s17+$0x0], $0xffff  }
0x208: {  	v41 =	vld.idx.msk [tilespmem:v41+s17+$0x0], $0xffff;
	v49 =	vor.u32 v3, v26;
	[tilespmem:s25+$0x60] =	vst v19;
	v19 =	vadd.f32 v47, v10  }
0x209: {  	v51 =	vor.u32 v3, v25;
	v31 =	vld.idx.msk [tilespmem:v31+s17+$0x0], $0xffff;
	[tilespmem:s3+$0x30] =	vst v50;
	v54 =	vadd.f32 v44, v17  }
0x20a: {  	v52 =	vor.u32 v3, v24;
	[tilespmem:s8+$0x60] =	vst v19;
	v19 =	vadd.f32 v62, v30  }
0x20b: {  	[tilespmem:s23+$0x30] =	vst v54;
	v38 =	vld.idx.msk [tilespmem:v38+s17+$0x0], $0xffff;
	v33 =	vadd.f32 v63, v29  }
0x20c: {  	v37 =	vld.idx.msk [tilespmem:v37+s17+$0x0], $0xffff;
	v39 =	vadd.f32 v39, v23;
	[tilespmem:s28+$0xFFFFFFE0] =	vst v19  }
0x20d: {  	v48 =	vadd.f32 v53, v12;
	v19 =	vadd.f32 v41, v21;
	v53 =	vld.idx.msk [tilespmem:v49+s17+$0x0], $0xffff;
	[tilespmem:s24+$0x20] =	vst v33  }
0x20e: {  	v16 =	vadd.f32 v31, v16;
	[tilespmem:s22+$0x20] =	vst v39;
	v31 =	vld.idx.msk [tilespmem:v51+s17+$0x0], $0xffff  }
0x20f: {  	[tilespmem:s20+$0x20] =	vst v19;
	v19 =	vld.idx.msk [tilespmem:v52+s17+$0x0], $0xffff  }
0x210: {  	v55 =	vor.u32 v4, v26;
	[tilespmem:s21+$0x30] =	vst v16;
	v16 =	vadd.f32 v38, v18;
	v18 =	vld.idx.msk [tilespmem:v42+s17+$0x0], $0xffff  }
0x211: {  	v56 =	vor.u32 v4, v25;
	v15 =	vadd.f32 v37, v15;
	[tilespmem:s11+$0x0] =	vst v48;
	v34 =	vld.idx.msk [tilespmem:v34+s17+$0x0], $0xffff  }
0x212: {  	v57 =	vor.u32 v4, v24;
	v35 =	vld.idx.msk [tilespmem:v35+s17+$0x0], $0xffff;
	[tilespmem:s25+$0x70] =	vst v16;
	v16 =	vadd.f32 v53, v30  }
0x213: {  	v58 =	vld.idx.msk [tilespmem:v40+s17+$0x0], $0xffff;
	[tilespmem:s2+$0x70] =	vst v15;
	v15 =	vor.u32 v4, v22;
	v31 =	vadd.f32 v31, v29  }
0x214: {  	[tilespmem:s28+$0xFFFFFFF0] =	vst v16;
	v16 =	vadd.f32 v19, v23  }
0x215: {  	v19 =	vor.u32 v5, v14;
	v18 =	vadd.f32 v18, v21;
	v38 =	vld.idx.msk [tilespmem:v55+s17+$0x0], $0xffff;
	[tilespmem:s24+$0x30] =	vst v31  }
0x216: {  	v10 =	vadd.f32 v34, v10;
	v31 =	vor.u32 v5, v11;
	[tilespmem:s22+$0x30] =	vst v16;
	v16 =	vld.idx.msk [tilespmem:v56+s17+$0x0], $0xffff  }
0x217: {  	v59 =	vor.u32 v5, v13;
	v60 =	vadd.f32 v35, v17;
	[tilespmem:s20+$0x30] =	vst v18;
	v18 =	vld.idx.msk [tilespmem:v57+s17+$0x0], $0xffff  }
0x218: {  	v61 =	vadd.f32 v58, v9;
	[tilespmem:s8+$0x70] =	vst v10;
	v10 =	vld.idx.msk [tilespmem:v15+s17+$0x0], $0xffff;
	v15 =	vor.u32 v5, v26  }
0x219: {  	v32 =	vadd.f32 v32, v8;
	v36 =	vld.idx.msk [tilespmem:v36+s17+$0x0], $0xffff;
	[tilespmem:s23+$0x40] =	vst v60;
	v62 =	vor.u32 v5, v25  }
0x21a: {  	v40 =	vor.u32 v5, v24;
	[tilespmem:s3+$0x40] =	vst v61;
	v19 =	vld.idx.msk [tilespmem:v19+s17+$0x0], $0xffff;
	v63 =	vadd.f32 v38, v30  }
0x21b: {  	[tilespmem:s7+$0x40] =	vst v32;
	v41 =	vor.u32 v5, v22;
	v31 =	vld.idx.msk [tilespmem:v31+s17+$0x0], $0xffff;
	v16 =	vadd.f32 v16, v29  }
0x21c: {  	v20 =	vor.u32 v6, v20;
	v33 =	vld.idx.msk [tilespmem:v59+s17+$0x0], $0xffff;
	[tilespmem:s28+$0x0] =	vst v63;
	v18 =	vadd.f32 v18, v23  }
0x21d: {  	v42 =	vor.u32 v6, v14;
	v10 =	vadd.f32 v10, v21;
	v15 =	vld.idx.msk [tilespmem:v15+s17+$0x0], $0xffff;
	[tilespmem:s24+$0x40] =	vst v16  }
0x21e: {  	v43 =	vor.u32 v6, v11;
	v16 =	vadd.f32 v36, v12;
	[tilespmem:s22+$0x40] =	vst v18;
	v18 =	vld.idx.msk [tilespmem:v62+s17+$0x0], $0xffff  }
0x21f: {  	v44 =	vor.u32 v6, v13;
	v19 =	vadd.f32 v19, v17;
	[tilespmem:s20+$0x40] =	vst v10;
	v37 =	vld.idx.msk [tilespmem:v40+s17+$0x0], $0xffff  }
0x220: {  	v26 =	vor.u32 v6, v26;
	[tilespmem:s11+$0x10] =	vst v16;
	v10 =	vadd.f32 v31, v9;
	v16 =	vld.idx.msk [tilespmem:v41+s17+$0x0], $0xffff  }
0x221: {  	v31 =	vadd.f32 v33, v8;
	[tilespmem:s23+$0x50] =	vst v19;
	v19 =	vor.u32 v6, v25;
	v20 =	vld.idx.msk [tilespmem:v20+s17+$0x0], $0xffff  }
0x222: {  	v45 =	vor.u32 v6, v24;
	[tilespmem:s3+$0x50] =	vst v10;
	v10 =	vld.idx.msk [tilespmem:v42+s17+$0x0], $0xffff;
	v15 =	vadd.f32 v15, v30  }
0x223: {  	[tilespmem:s7+$0x50] =	vst v31;
	v31 =	vor.u32 v6, v22;
	v46 =	vld.idx.msk [tilespmem:v43+s17+$0x0], $0xffff;
	v18 =	vadd.f32 v18, v29  }
0x224: {  	v34 =	vld.idx.msk [tilespmem:v44+s17+$0x0], $0xffff;
	[tilespmem:s28+$0x10] =	vst v15;
	v15 =	vadd.f32 v37, v23  }
0x225: {  	v14 =	vor.u32 v7, v14;
	v26 =	vld.idx.msk [tilespmem:v26+s17+$0x0], $0xffff;
	v16 =	vadd.f32 v16, v21;
	[tilespmem:s24+$0x50] =	vst v18  }
0x226: {  	v11 =	vor.u32 v7, v11;
	v18 =	vadd.f32 v20, v12;
	[tilespmem:s22+$0x50] =	vst v15;
	v15 =	vld.idx.msk [tilespmem:v19+s17+$0x0], $0xffff  }
0x227: {  	v13 =	vor.u32 v7, v13;
	v10 =	vadd.f32 v10, v17;
	v19 =	vld.idx.msk [tilespmem:v45+s17+$0x0], $0xffff;
	[tilespmem:s20+$0x50] =	vst v16  }
0x228: {  	v16 =	vadd.f32 v46, v9;
	[tilespmem:s11+$0x20] =	vst v18;
	v18 =	vld.idx.msk [tilespmem:v31+s17+$0x0], $0xffff  }
0x229: {  	v25 =	vor.u32 v7, v25;
	v20 =	vld.idx.msk [tilespmem:v27+s17+$0x0], $0xffff;
	[tilespmem:s23+$0x60] =	vst v10;
	v10 =	vadd.f32 v34, v8  }
0x22a: {  	[tilespmem:s3+$0x60] =	vst v16;
	v14 =	vld.idx.msk [tilespmem:v14+s17+$0x0], $0xffff;
	v16 =	vor.u32 v7, v24;
	v24 =	vadd.f32 v26, v30  }
0x22b: {  	[tilespmem:s7+$0x60] =	vst v10;
	v10 =	vld.idx.msk [tilespmem:v11+s17+$0x0], $0xffff;
	v11 =	vor.u32 v7, v22;
	v15 =	vadd.f32 v15, v29  }
0x22c: {  	v13 =	vld.idx.msk [tilespmem:v13+s17+$0x0], $0xffff;
	v19 =	vadd.f32 v19, v23;
	[tilespmem:s28+$0x20] =	vst v24  }
0x22d: {  	v22 =	vld.idx.msk [tilespmem:v28+s17+$0x0], $0xffff;
	[tilespmem:s24+$0x60] =	vst v15;
	v15 =	vadd.f32 v18, v21  }
0x22e: {  	v12 =	vadd.f32 v20, v12;
	[tilespmem:s22+$0x60] =	vst v19;
	v18 =	vld.idx.msk [tilespmem:v25+s17+$0x0], $0xffff  }
0x22f: {  	v14 =	vadd.f32 v14, v17;
	[tilespmem:s20+$0x60] =	vst v15;
	v15 =	vld.idx.msk [tilespmem:v16+s17+$0x0], $0xffff  }
0x230: {  	[tilespmem:s11+$0x30] =	vst v12;
	v9 =	vadd.f32 v10, v9;
	v10 =	vld.idx.msk [tilespmem:v11+s17+$0x0], $0xffff  }
0x231: {  	[tilespmem:s23+$0x70] =	vst v14;
	v8 =	vadd.f32 v13, v8  }
0x232: {  	s26 =	simm.s32 $0x0;
	[tilespmem:s3+$0x70] =	vst v9;
	v9 =	vadd.f32 v22, v30  }
0x233: {  	s30 =	simm.s32 $0x2;
	v11 =	vmov s26;
	[tilespmem:s7+$0x70] =	vst v8;
	v8 =	vadd.f32 v18, v29  }
0x234: {  	s31 =	sshll.u32 s6, $0x11;
	v12 =	vmov s30;
	v11 =	vand.u32 $0x1C, v11;
	[tilespmem:s28+$0x30] =	vst v9;
	v9 =	vadd.f32 v15, v23  }
0x235: {  	s6 =	sor.u32 $0x3, s18;
	s3 =	sor.u32 s4, s31;
	v29 =	vbroadcast v11, $0x0;
	[tilespmem:s24+$0x70] =	vst v8;
	v8 =	vadd.f32 v10, v21;
	v10 =	vand.u32 $0x1E, v12  }
0x236: {  	s8 =	simm.s32 $0x3;
	s0 =	sshrl.u32 s3, $0x3;
	s7 =	sshll.u32 s6, $0x5;
	[tilespmem:s22+$0x70] =	vst v9;
	v32 =	vbroadcast v10, $0x0  }
0x237: {  	s11 =	simm.s32 $0xDD00;
	s0 =	sadd.s32 s1, s0;
	v19 =	vmov s7;
	[tilespmem:s20+$0x70] =	vst v8;
	v8 =	vor.u32 v0, v29;
	s20 =	simm.s32 $0x4  }
0x238: {  	v9 =	vmov s8;
	[hbm4b:s0+s9] =	stream.strided.scatter [tilespmem:s11], [sflag:$0x7], $0x1000, s10, s9, $0x38;
	v10 =	vor.u32 v19, v32;
	[tilespmem:$0xFD00] =	vst v63  }
0x239: {  	v9 =	vand.u32 $0x1F, v9;
	v11 =	vor.u32 v0, v32;
	_ =	swait.ge [sflag:s20], $0x1000  }
0x23a: {  	v35 =	vbroadcast v9, $0x0;
	v9 =	vor.u32 v19, v29;
	[sflag:s20] =	ssyncset.done $0x0  }
0x23b: {  	[sflag:s20] =	ssyncadd.s32 $0xFFFFF000  }
0x23c: {  	v12 =	vor.u32 v19, v35;
	v8 =	vld.idx.msk [tilespmem:v8+s19+$0x0], $0xffff  }
0x23d: {  	v13 =	vor.u32 v0, v35;
	v10 =	vld.idx.msk [tilespmem:v10+s12+$0x0], $0xffff  }
0x23e: {  	s21 =	simm.s32 $0x1;
	v11 =	vld.idx.msk [tilespmem:v11+s19+$0x0], $0xffff  }
0x23f: {  	v14 =	vmov s21;
	v16 =	vld.idx.msk [tilespmem:v9+s12+$0x0], $0xffff  }
0x240: {  	v9 =	vand.u32 $0x1D, v14  }
0x241: {  	s22 =	simm.s32 $0x0;
	v36 =	vbroadcast v9, $0x0;
	v9 =	vor.u32 v1, v32;
	v15 =	vld.idx.msk [tilespmem:v12+s12+$0x0], $0xffff  }
0x242: {  	s23 =	simm.s32 $0x100;
	s0 =	sand.u32 $0xC00, s22;
	v12 =	vld.idx.msk [tilespmem:v13+s19+$0x0], $0xffff;
	v13 =	vor.u32 v1, v29  }
0x243: {  	s2 =	sand.u32 $0x300, s23;
	s0 =	sadd.s32 $0xED00, s0;
	v14 =	vor.u32 v19, v36;
	v11 =	vadd.f32 v11, v10  }
0x244: {  	s8 =	sadd.s32 s2, s0;
	v17 =	vor.u32 v0, v36;
	v8 =	vadd.f32 v8, v16  }
0x245: {  	s21 =	simm.s32 $0xED40;
	v20 =	vor.u32 v1, v35;
	[tilespmem:s8+$0x0] =	vst v11  }
0x246: {  	s24 =	simm.s32 $0x180;
	[tilespmem:s21+$0xFFFFFFC0] =	vst v8;
	v9 =	vld.idx.msk [tilespmem:v9+s19+$0x0], $0xffff  }
0x247: {  	s2 =	sand.u32 $0x380, s24;
	v8 =	vadd.f32 v12, v15;
	v11 =	vld.idx.msk [tilespmem:v13+s19+$0x0], $0xffff  }
0x248: {  	s2 =	sadd.s32 s2, s0;
	v18 =	vld.idx.msk [tilespmem:v14+s12+$0x0], $0xffff  }
0x249: {  	s25 =	simm.s32 $0x4;
	v12 =	vld.idx.msk [tilespmem:v17+s19+$0x0], $0xffff;
	v14 =	vor.u32 v2, v32;
	[tilespmem:s2+$0x0] =	vst v8  }
0x24a: {  	s26 =	simm.s32 $0x6;
	v17 =	vor.u32 v2, v29;
	v13 =	vmov s25;
	v8 =	vor.u32 v1, v36;
	v21 =	vld.idx.msk [tilespmem:v20+s19+$0x0], $0xffff  }
0x24b: {  	v13 =	vand.u32 $0x1C, v13;
	v20 =	vmov s26;
	v9 =	vadd.f32 v9, v10  }
0x24c: {  	v22 =	vand.u32 $0x1E, v20;
	v20 =	vbroadcast v13, $0x0;
	v11 =	vadd.f32 v11, v16  }
0x24d: {  	s30 =	simm.s32 $0x80;
	v13 =	vbroadcast v22, $0x0;
	[tilespmem:s8+$0x10] =	vst v9;
	v9 =	vor.u32 v2, v35  }
0x24e: {  	s31 =	simm.s32 $0x7;
	s3 =	sand.u32 $0x280, s30;
	v12 =	vadd.f32 v12, v18;
	v22 =	vor.u32 v0, v20;
	[tilespmem:s21+$0xFFFFFFD0] =	vst v11;
	v14 =	vld.idx.msk [tilespmem:v14+s19+$0x0], $0xffff  }
0x24f: {  	s25 =	sor.u32 s3, s0;
	v23 =	vor.u32 v19, v13;
	v11 =	vmov s31;
	v21 =	vadd.f32 v21, v15;
	v17 =	vld.idx.msk [tilespmem:v17+s19+$0x0], $0xffff  }
0x250: {  	[tilespmem:s25+$0x0] =	vst v12;
	v12 =	vor.u32 v0, v13;
	v11 =	vand.u32 $0x1F, v11  }
0x251: {  	v28 =	vor.u32 v19, v20;
	v25 =	vld.idx.msk [tilespmem:v8+s19+$0x0], $0xffff;
	v11 =	vbroadcast v11, $0x0;
	[tilespmem:s2+$0x10] =	vst v21  }
0x252: {  	s11 =	simm.s32 $0x5;
	v21 =	vld.idx.msk [tilespmem:v9+s19+$0x0], $0xffff;
	v9 =	vor.u32 v3, v29  }
0x253: {  	v8 =	vmov s11;
	v22 =	vld.idx.msk [tilespmem:v22+s19+$0x0], $0xffff;
	v26 =	vor.u32 v19, v11;
	v27 =	vadd.f32 v14, v10  }
0x254: {  	v14 =	vand.u32 $0x1D, v8;
	v8 =	vld.idx.msk [tilespmem:v23+s12+$0x0], $0xffff;
	v17 =	vadd.f32 v17, v16;
	v23 =	vor.u32 v0, v11  }
0x255: {  	v24 =	vor.u32 v3, v32;
	v14 =	vbroadcast v14, $0x0;
	[tilespmem:s8+$0x20] =	vst v27;
	v27 =	vld.idx.msk [tilespmem:v12+s19+$0x0], $0xffff  }
0x256: {  	v30 =	vor.u32 v2, v36;
	[tilespmem:s21+$0xFFFFFFE0] =	vst v17;
	v12 =	vld.idx.msk [tilespmem:v28+s12+$0x0], $0xffff  }
0x257: {  	v17 =	vor.u32 v19, v14;
	v31 =	vld.idx.msk [tilespmem:v9+s19+$0x0], $0xffff  }
0x258: {  	s20 =	simm.s32 $0x200;
	v25 =	vadd.f32 v25, v18;
	v9 =	vld.idx.msk [tilespmem:v26+s12+$0x0], $0xffff;
	v26 =	vor.u32 v1, v13  }
0x259: {  	s22 =	simm.s32 $0x300;
	s0 =	sand.u32 $0xC00, s20;
	v47 =	vor.u32 v0, v14;
	v23 =	vld.idx.msk [tilespmem:v23+s19+$0x0], $0xffff  }
0x25a: {  	s3 =	sand.u32 $0x300, s22;
	s0 =	sadd.s32 $0xED00, s0;
	[tilespmem:s25+$0x10] =	vst v25;
	v24 =	vld.idx.msk [tilespmem:v24+s19+$0x0], $0xffff;
	v25 =	vadd.f32 v27, v8;
	v27 =	vor.u32 v4, v29  }
0x25b: {  	v48 =	vor.u32 v3, v35;
	s7 =	sadd.s32 s3, s0;
	v30 =	vld.idx.msk [tilespmem:v30+s19+$0x0], $0xffff;
	v21 =	vadd.f32 v21, v15  }
0x25c: {  	v49 =	vor.u32 v1, v11;
	v17 =	vld.idx.msk [tilespmem:v17+s12+$0x0], $0xffff;
	[tilespmem:s7+$0x0] =	vst v25;
	v25 =	vadd.f32 v31, v16  }
0x25d: {  	s23 =	simm.s32 $0x380;
	[tilespmem:s2+$0x20] =	vst v21;
	v22 =	vadd.f32 v22, v12;
	v31 =	vor.u32 v1, v20;
	v26 =	vld.idx.msk [tilespmem:v26+s19+$0x0], $0xffff  }
0x25e: {  	s3 =	sand.u32 $0x380, s23;
	s11 =	simm.s32 $0xEF40;
	v21 =	vor.u32 v3, v36;
	v33 =	vld.idx.msk [tilespmem:v47+s19+$0x0], $0xffff;
	v23 =	vadd.f32 v23, v9;
	[tilespmem:s21+$0xFFFFFFF0] =	vst v25  }
0x25f: {  	v50 =	vor.u32 v4, v32;
	s3 =	sadd.s32 s3, s0;
	v24 =	vadd.f32 v24, v10;
	[tilespmem:s11+$0xFFFFFFC0] =	vst v22;
	v25 =	vld.idx.msk [tilespmem:v27+s19+$0x0], $0xffff  }
0x260: {  	s30 =	simm.s32 $0xB;
	v51 =	vor.u32 v2, v13;
	v27 =	vadd.f32 v30, v18;
	v30 =	vld.idx.msk [tilespmem:v48+s19+$0x0], $0xffff;
	[tilespmem:s3+$0x0] =	vst v23  }
0x261: {  	v53 =	vmov s30;
	v52 =	vor.u32 v5, v29;
	s24 =	simm.s32 $0x8;
	v28 =	vor.u32 v1, v14;
	[tilespmem:s8+$0x30] =	vst v24;
	v37 =	vld.idx.msk [tilespmem:v49+s19+$0x0], $0xffff  }
0x262: {  	s26 =	simm.s32 $0x280;
	v55 =	vor.u32 v2, v11;
	v24 =	vmov s24;
	v23 =	vld.idx.msk [tilespmem:v31+s19+$0x0], $0xffff;
	[tilespmem:s25+$0x20] =	vst v27;
	v26 =	vadd.f32 v26, v8  }
0x263: {  	s20 =	sand.u32 $0x280, s26;
	v24 =	vand.u32 $0x1C, v24;
	v33 =	vadd.f32 v33, v17;
	v31 =	vor.u32 v4, v35;
	v54 =	vld.idx.msk [tilespmem:v21+s19+$0x0], $0xffff  }
0x264: {  	s23 =	sor.u32 s20, s0;
	v22 =	vor.u32 v4, v36;
	v38 =	vld.idx.msk [tilespmem:v50+s19+$0x0], $0xffff;
	[tilespmem:s7+$0x10] =	vst v26;
	v21 =	vadd.f32 v25, v16;
	v26 =	vbroadcast v24, $0x0  }
0x265: {  	v56 =	vand.u32 $0x1F, v53;
	s31 =	simm.s32 $0xA;
	v27 =	vor.u32 v2, v20;
	[tilespmem:s23+$0x0] =	vst v33;
	v30 =	vadd.f32 v30, v15;
	v25 =	vld.idx.msk [tilespmem:v51+s19+$0x0], $0xffff  }
0x266: {  	v40 =	vld.idx.msk [tilespmem:v28+s19+$0x0], $0xffff;
	v24 =	vmov s31;
	v37 =	vadd.f32 v37, v9;
	[tilespmem:s21+$0x0] =	vst v21;
	v28 =	vor.u32 v0, v26  }
0x267: {  	v23 =	vadd.f32 v23, v12;
	v21 =	vand.u32 $0x1E, v24;
	v24 =	vbroadcast v56, $0x0;
	[tilespmem:s2+$0x30] =	vst v30;
	v34 =	vld.idx.msk [tilespmem:v52+s19+$0x0], $0xffff  }
0x268: {  	v30 =	vor.u32 v3, v13;
	v57 =	vld.idx.msk [tilespmem:v31+s19+$0x0], $0xffff;
	v41 =	vadd.f32 v54, v18;
	[tilespmem:s3+$0x10] =	vst v37  }
0x269: {  	s22 =	simm.s32 $0x9;
	v21 =	vbroadcast v21, $0x0;
	[tilespmem:s11+$0xFFFFFFD0] =	vst v23;
	v61 =	vor.u32 v19, v24;
	v45 =	vld.idx.msk [tilespmem:v55+s19+$0x0], $0xffff  }
0x26a: {  	v23 =	vmov s22;
	v55 =	vor.u32 v0, v24;
	v62 =	vld.idx.msk [tilespmem:v27+s19+$0x0], $0xffff;
	[tilespmem:s25+$0x30] =	vst v41;
	v54 =	vadd.f32 v25, v8  }
0x26b: {  	v38 =	vadd.f32 v38, v10;
	v23 =	vand.u32 $0x1D, v23;
	v63 =	vor.u32 v19, v21;
	v59 =	vld.idx.msk [tilespmem:v22+s19+$0x0], $0xffff  }
0x26c: {  	v58 =	vor.u32 v5, v35;
	v60 =	vor.u32 v0, v21;
	v25 =	vbroadcast v23, $0x0;
	v48 =	vld.idx.msk [tilespmem:v28+s19+$0x0], $0xffff;
	[tilespmem:s7+$0x20] =	vst v54  }
0x26d: {  	v44 =	vor.u32 v3, v14;
	v47 =	vor.u32 v6, v32;
	[tilespmem:s8+$0x40] =	vst v38;
	v51 =	vld.idx.msk [tilespmem:v30+s19+$0x0], $0xffff  }
0x26e: {  	v38 =	vor.u32 v7, v36;
	v31 =	vor.u32 v7, v29;
	v49 =	vor.u32 v19, v25;
	v23 =	vld.idx.msk [tilespmem:v61+s12+$0x0], $0xffff  }
0x26f: {  	v37 =	vor.u32 v7, v35;
	v39 =	vadd.f32 v57, v15;
	v30 =	vor.u32 v2, v14;
	v53 =	vld.idx.msk [tilespmem:v55+s19+$0x0], $0xffff  }
0x270: {  	v40 =	vadd.f32 v40, v17;
	v27 =	vor.u32 v7, v20;
	v61 =	vor.u32 v19, v26;
	v22 =	vld.idx.msk [tilespmem:v63+s12+$0x0], $0xffff  }
0x271: {  	v57 =	vor.u32 v5, v36;
	v56 =	vadd.f32 v62, v12;
	[tilespmem:s2+$0x40] =	vst v39;
	v63 =	vld.idx.msk [tilespmem:v60+s19+$0x0], $0xffff  }
0x272: {  	[tilespmem:s23+$0x10] =	vst v40;
	v62 =	vor.u32 v5, v32;
	v41 =	vld.idx.msk [tilespmem:v58+s19+$0x0], $0xffff;
	v58 =	vor.u32 v3, v20  }
0x273: {  	v59 =	vadd.f32 v59, v18;
	[tilespmem:s11+$0xFFFFFFE0] =	vst v56;
	v56 =	vor.u32 v6, v29;
	v29 =	vld.idx.msk [tilespmem:v49+s12+$0x0], $0xffff  }
0x274: {  	v42 =	vor.u32 v3, v21;
	v50 =	vor.u32 v0, v25;
	v34 =	vadd.f32 v34, v16;
	v40 =	vld.idx.msk [tilespmem:v30+s19+$0x0], $0xffff  }
0x275: {  	v28 =	vor.u32 v7, v26;
	[tilespmem:s25+$0x40] =	vst v59;
	v30 =	vld.idx.msk [tilespmem:v61+s12+$0x0], $0xffff;
	v61 =	vor.u32 v4, v13  }
0x276: {  	s24 =	simm.s32 $0x400;
	v33 =	vor.u32 v1, v25;
	v60 =	vadd.f32 v45, v9;
	[tilespmem:s21+$0x10] =	vst v34;
	v43 =	vld.idx.msk [tilespmem:v57+s19+$0x0], $0xffff  }
0x277: {  	s26 =	simm.s32 $0x500;
	s0 =	sand.u32 $0xC00, s24;
	v34 =	vor.u32 v7, v32;
	v45 =	vor.u32 v1, v21;
	v51 =	vadd.f32 v51, v8;
	v54 =	vld.idx.msk [tilespmem:v62+s19+$0x0], $0xffff  }
0x278: {  	s30 =	sand.u32 $0x300, s26;
	s29 =	sadd.s32 $0xED00, s0;
	[tilespmem:s3+$0x20] =	vst v60;
	v49 =	vor.u32 v6, v35;
	v62 =	vadd.f32 v63, v22;
	v55 =	vld.idx.msk [tilespmem:v58+s19+$0x0], $0xffff  }
0x279: {  	s28 =	sadd.s32 s30, s29;
	v60 =	vor.u32 v6, v36;
	v41 =	vadd.f32 v41, v15;
	[tilespmem:s7+$0x30] =	vst v51;
	v51 =	vld.idx.msk [tilespmem:v50+s19+$0x0], $0xffff  }
0x27a: {  	[tilespmem:s28+$0x0] =	vst v62;
	v63 =	vadd.f32 v40, v17;
	v32 =	vld.idx.msk [tilespmem:v61+s19+$0x0], $0xffff;
	v61 =	vor.u32 v3, v11  }
0x27b: {  	v57 =	vor.u32 v4, v20;
	v52 =	vld.idx.msk [tilespmem:v56+s19+$0x0], $0xffff;
	[tilespmem:s2+$0x50] =	vst v41;
	v62 =	vadd.f32 v43, v18  }
0x27c: {  	v39 =	vor.u32 v1, v24;
	v46 =	vld.idx.msk [tilespmem:v45+s19+$0x0], $0xffff;
	v54 =	vadd.f32 v54, v10;
	[tilespmem:s23+$0x20] =	vst v63  }
0x27d: {  	v36 =	vor.u32 v5, v20;
	v45 =	vld.idx.msk [tilespmem:v49+s19+$0x0], $0xffff;
	v63 =	vadd.f32 v55, v12;
	[tilespmem:s25+$0x50] =	vst v62  }
0x27e: {  	s24 =	simm.s32 $0x580;
	v35 =	vor.u32 v4, v14;
	v41 =	vor.u32 v2, v21;
	v43 =	vld.idx.msk [tilespmem:v60+s19+$0x0], $0xffff;
	[tilespmem:s8+$0x50] =	vst v54  }
0x27f: {  	s31 =	sand.u32 $0x380, s24;
	v48 =	vadd.f32 v48, v30;
	v54 =	vor.u32 v1, v26;
	[tilespmem:s11+$0xFFFFFFF0] =	vst v63;
	v50 =	vld.idx.msk [tilespmem:v61+s19+$0x0], $0xffff  }
0x280: {  	s26 =	simm.s32 $0xC;
	s20 =	simm.s32 $0xF140;
	s22 =	sadd.s32 s31, s29;
	v40 =	vor.u32 v4, v11;
	v49 =	vor.u32 v2, v26;
	v55 =	vadd.f32 v53, v23;
	v53 =	vld.idx.msk [tilespmem:v57+s19+$0x0], $0xffff  }
.LBB2_9:
0x281: {  	v56 =	vmov s26;
	s0 =	sadd.s32 $0x1, s26;
	s30 =	sadd.s32 $0x2, s26;
	s31 =	sadd.s32 $0x3, s26;
	[tilespmem:s20+$0xFFFFFFC0] =	vst v48;
	v48 =	vadd.f32 v51, v29;
	v46 =	vadd.f32 v46, v22;
	v47 =	vld.idx.msk [tilespmem:v47+s19+$0x0], $0xffff  }
0x282: {  	p0 =	slt.u32 s26, $0x1C;
	s26 =	sadd.s32 $0x4, s26;
	v52 =	vadd.f32 v52, v16;
	v51 =	vmov s0;
	v57 =	vmov s31;
	s0 =	sadd.s32 $0xFFFFFF00, s24;
	[tilespmem:s22+$0x0] =	vst v55;
	v55 =	vld.idx.msk [tilespmem:v44+s19+$0x0], $0xffff  }
0x283: {  	v44 =	vand.u32 $0x1D, v51;
	v51 =	vmov s30;
	s0 =	sand.u32 $0x280, s0;
	[tilespmem:s28+$0x10] =	vst v46;
	v39 =	vld.idx.msk [tilespmem:v39+s19+$0x0], $0xffff;
	v46 =	vadd.f32 v45, v15  }
0x284: {  	v45 =	vand.u32 $0x1F, v57;
	v44 =	vbroadcast v44, $0x0;
	v54 =	vld.idx.msk [tilespmem:v54+s19+$0x0], $0xffff;
	s29 =	sor.u32 s0, s29;
	[tilespmem:s21+$0x20] =	vst v52;
	v52 =	vadd.f32 v43, v18  }
0x285: {  	v56 =	vand.u32 $0x1C, v56;
	v43 =	vand.u32 $0x1E, v51;
	v45 =	vbroadcast v45, $0x0;
	[tilespmem:s29+$0x0] =	vst v48;
	v51 =	vld.idx.msk [tilespmem:v41+s19+$0x0], $0xffff  }
0x286: {  	v43 =	vbroadcast v43, $0x0;
	v53 =	vadd.f32 v53, v12;
	v48 =	vor.u32 v19, v44;
	v57 =	vld.idx.msk [tilespmem:v31+s19+$0x0], $0xffff;
	[tilespmem:s2+$0x60] =	vst v46  }
0x287: {  	v41 =	vbroadcast v56, $0x0;
	v46 =	vor.u32 v0, v44;
	v56 =	vld.idx.msk [tilespmem:v33+s19+$0x0], $0xffff;
	[tilespmem:s25+$0x60] =	vst v52;
	v33 =	vadd.f32 v47, v10  }
0x288: {  	v50 =	vadd.f32 v50, v9;
	v31 =	vmov v27;
	v47 =	vadd.f32 v55, v17;
	[tilespmem:s11+$0x0] =	vst v53;
	v38 =	vld.idx.msk [tilespmem:v38+s19+$0x0], $0xffff  }
0x289: {  	v27 =	vmov v28;
	v52 =	vor.u32 v19, v43;
	v53 =	vor.u32 v2, v24;
	[tilespmem:s8+$0x60] =	vst v33;
	v33 =	vld.idx.msk [tilespmem:v37+s19+$0x0], $0xffff  }
0x28a: {  	v55 =	vor.u32 v19, v45;
	v37 =	vor.u32 v0, v41;
	v28 =	vadd.f32 v54, v30;
	v36 =	vld.idx.msk [tilespmem:v36+s19+$0x0], $0xffff  }
0x28b: {  	v39 =	vadd.f32 v39, v23;
	v54 =	vor.u32 v0, v45;
	[tilespmem:s3+$0x30] =	vst v50;
	v34 =	vld.idx.msk [tilespmem:v34+s19+$0x0], $0xffff  }
0x28c: {  	v50 =	vadd.f32 v51, v22;
	v51 =	vadd.f32 v57, v16;
	v16 =	vmov v12;
	[tilespmem:s20+$0xFFFFFFD0] =	vst v28;
	v40 =	vld.idx.msk [tilespmem:v40+s19+$0x0], $0xffff  }
0x28d: {  	v57 =	vor.u32 v0, v43;
	v12 =	vmov v30;
	v28 =	vor.u32 v7, v41;
	v49 =	vld.idx.msk [tilespmem:v49+s19+$0x0], $0xffff;
	[tilespmem:s22+$0x10] =	vst v39  }
0x28e: {  	v38 =	vadd.f32 v38, v18;
	v18 =	vmov v17;
	v30 =	vld.idx.msk [tilespmem:v53+s19+$0x0], $0xffff;
	v53 =	vor.u32 v5, v11;
	[tilespmem:s21+$0x30] =	vst v51;
	s21 =	smov.u32 s11;
	s11 =	smov.u32 s20  }
0x28f: {  	s24 =	sadd.s32 $0x200, s24;
	v17 =	vadd.f32 v33, v15;
	v15 =	vmov v9;
	v51 =	vld.idx.msk [tilespmem:v37+s19+$0x0], $0xffff;
	v37 =	vor.u32 v2, v25;
	[tilespmem:s23+$0x30] =	vst v47  }
0x290: {  	v32 =	vadd.f32 v32, v8;
	v33 =	vor.u32 v1, v44;
	v9 =	vmov v23;
	[tilespmem:s28+$0x20] =	vst v50;
	v35 =	vld.idx.msk [tilespmem:v35+s19+$0x0], $0xffff  }
0x291: {  	v47 =	vadd.f32 v56, v29;
	v34 =	vadd.f32 v34, v10;
	v10 =	vmov v8;
	v42 =	vld.idx.msk [tilespmem:v42+s19+$0x0], $0xffff;
	[tilespmem:s25+$0x70] =	vst v38;
	s25 =	smov.u32 s23;
	s23 =	smov.u32 s29  }
0x292: {  	v8 =	vmov v22;
	v38 =	vor.u32 v19, v41;
	v40 =	vadd.f32 v40, v15;
	v23 =	vld.idx.msk [tilespmem:v55+s12+$0x0], $0xffff;
	[tilespmem:s2+$0x70] =	vst v17;
	s2 =	smov.u32 s3;
	s3 =	smov.u32 s22  }
0x293: {  	v50 =	vor.u32 v5, v14;
	v49 =	vadd.f32 v49, v12;
	v17 =	vmov v29;
	v22 =	vld.idx.msk [tilespmem:v52+s12+$0x0], $0xffff;
	[tilespmem:s8+$0x70] =	vst v34;
	s8 =	smov.u32 s7;
	s7 =	smov.u32 s28  }
0x294: {  	v39 =	vor.u32 v1, v45;
	v52 =	vadd.f32 v30, v9;
	v55 =	vld.idx.msk [tilespmem:v54+s19+$0x0], $0xffff;
	[tilespmem:s2+$0x40] =	vst v40  }
0x295: {  	v29 =	vor.u32 v5, v13;
	[tilespmem:s20+$0xFFFFFFE0] =	vst v49;
	v40 =	vld.idx.msk [tilespmem:v53+s19+$0x0], $0xffff  }
0x296: {  	v53 =	vor.u32 v3, v26;
	v34 =	vadd.f32 v35, v18;
	v49 =	vld.idx.msk [tilespmem:v57+s19+$0x0], $0xffff;
	[tilespmem:s23+$0x10] =	vst v47  }
0x297: {  	v36 =	vadd.f32 v36, v16;
	v35 =	vld.idx.msk [tilespmem:v37+s19+$0x0], $0xffff;
	[tilespmem:s8+$0x40] =	vst v32  }
0x298: {  	v32 =	vor.u32 v4, v21;
	v30 =	vld.idx.msk [tilespmem:v38+s12+$0x0], $0xffff;
	[tilespmem:s25+$0x40] =	vst v34  }
0x299: {  	v37 =	vor.u32 v7, v11;
	v34 =	vor.u32 v7, v13;
	[tilespmem:s21+$0x10] =	vst v36;
	v36 =	vld.idx.msk [tilespmem:v50+s19+$0x0], $0xffff  }
0x29a: {  	s0 =	sadd.s32 $0xFFFFFE80, s24;
	v42 =	vadd.f32 v42, v8;
	v38 =	vor.u32 v7, v14;
	v50 =	vor.u32 v1, v43;
	v54 =	vld.idx.msk [tilespmem:v29+s19+$0x0], $0xffff  }
0x29b: {  	v20 =	vor.u32 v6, v20;
	s0 =	sand.u32 $0xC00, s0;
	s22 =	sadd.s32 $0xFFFFFF80, s24;
	v47 =	vor.u32 v6, v13;
	v13 =	vadd.f32 v40, v15;
	v53 =	vld.idx.msk [tilespmem:v53+s19+$0x0], $0xffff  }
0x29c: {  	s29 =	sadd.s32 $0xED00, s0;
	s0 =	sand.u32 $0x300, s22;
	s22 =	sand.u32 $0x380, s24;
	v40 =	vadd.f32 v49, v22;
	v29 =	vld.idx.msk [tilespmem:v48+s12+$0x0], $0xffff;
	[tilespmem:s7+$0x30] =	vst v42;
	v42 =	vor.u32 v6, v11;
	v11 =	vmov v24  }
0x29d: {  	s28 =	sadd.s32 s0, s29;
	s22 =	sadd.s32 s22, s29;
	v49 =	vor.u32 v6, v14;
	v14 =	vmov v25;
	v35 =	vadd.f32 v35, v17;
	v32 =	vld.idx.msk [tilespmem:v32+s19+$0x0], $0xffff;
	[tilespmem:s3+$0x20] =	vst v52  }
0x29e: {  	s20 =	sadd.s32 $0x200, s20;
	v25 =	vmov v44;
	v48 =	vadd.f32 v51, v30;
	v56 =	vor.u32 v3, v11;
	v51 =	vld.idx.msk [tilespmem:v46+s19+$0x0], $0xffff;
	[tilespmem:s28+$0x0] =	vst v40  }
0x29f: {  	v57 =	vor.u32 v4, v26;
	v24 =	vmov v45;
	v36 =	vadd.f32 v36, v18;
	v46 =	vld.idx.msk [tilespmem:v50+s19+$0x0], $0xffff;
	[tilespmem:s23+$0x20] =	vst v35  }
.Ltmp5:
0x2a0: {  	v35 =	vor.u32 v4, v14;
	v54 =	vadd.f32 v54, v10;
	v52 =	vld.idx.msk [tilespmem:v20+s19+$0x0], $0xffff;
	[tilespmem:s2+$0x50] =	vst v13;
	v13 =	vmov v21;
	(pc) =	sbr.rel @p0 .LBB2_9-.Ltmp5, $4  }
0x2a1: {  	v44 =	vor.u32 v3, v14;
	v50 =	vadd.f32 v53, v12;
	v21 =	vmov v43;
	[tilespmem:s25+$0x50] =	vst v36;
	v45 =	vld.idx.msk [tilespmem:v42+s19+$0x0], $0xffff  }
0x2a2: {  	v40 =	vor.u32 v4, v11;
	v20 =	vmov v26;
	v36 =	vor.u32 v5, v26;
	v43 =	vld.idx.msk [tilespmem:v49+s19+$0x0], $0xffff;
	[tilespmem:s8+$0x50] =	vst v54  }
0x2a3: {  	v55 =	vadd.f32 v55, v23;
	v26 =	vmov v41;
	v54 =	vor.u32 v1, v41;
	[tilespmem:s11+$0xFFFFFFF0] =	vst v50;
	v50 =	vld.idx.msk [tilespmem:v56+s19+$0x0], $0xffff  }
0x2a4: {  	v42 =	vor.u32 v3, v21;
	v49 =	vor.u32 v2, v26;
	v41 =	vor.u32 v2, v21;
	v53 =	vld.idx.msk [tilespmem:v57+s19+$0x0], $0xffff  }
0x2a5: {  	_ = 	snop  }
0x2a6: {  	s0 =	sadd.s32 $0xFFFFFF00, s24  }
0x2a7: {  	v19 =	vadd.f32 v51, v29;
	s0 =	sand.u32 $0x280, s0  }
0x2a8: {  	[tilespmem:s20+$0xFFFFFFC0] =	vst v48;
	s26 =	sor.u32 s0, s29  }
0x2a9: {  	v48 =	vld.idx.msk [tilespmem:v54+s19+$0x0], $0xffff;
	[tilespmem:s26+$0x0] =	vst v19  }
0x2aa: {  	[tilespmem:s22+$0x0] =	vst v55;
	v19 =	vld.idx.msk [tilespmem:v33+s19+$0x0], $0xffff  }
0x2ab: {  	v59 =	vld.idx.msk [tilespmem:v39+s19+$0x0], $0xffff  }
0x2ac: {  	v60 =	vadd.f32 v46, v22  }
0x2ad: {  	v61 =	vadd.f32 v52, v16;
	v62 =	vor.u32 v2, v25  }
0x2ae: {  	v63 =	vor.u32 v2, v24;
	[tilespmem:s28+$0x10] =	vst v60;
	v48 =	vadd.f32 v48, v30  }
0x2af: {  	[tilespmem:s21+$0x20] =	vst v61;
	v19 =	vadd.f32 v19, v29  }
0x2b0: {  	v47 =	vld.idx.msk [tilespmem:v47+s19+$0x0], $0xffff;
	v33 =	vadd.f32 v59, v23;
	[tilespmem:s20+$0xFFFFFFD0] =	vst v48  }
0x2b1: {  	v32 =	vadd.f32 v32, v8;
	v52 =	vld.idx.msk [tilespmem:v49+s19+$0x0], $0xffff;
	[tilespmem:s26+$0x10] =	vst v19  }
0x2b2: {  	v45 =	vadd.f32 v45, v15;
	[tilespmem:s22+$0x10] =	vst v33;
	v55 =	vld.idx.msk [tilespmem:v62+s19+$0x0], $0xffff  }
0x2b3: {  	v54 =	vadd.f32 v43, v18;
	[tilespmem:s7+$0x40] =	vst v32;
	v39 =	vld.idx.msk [tilespmem:v63+s19+$0x0], $0xffff  }
0x2b4: {  	v58 =	vor.u32 v3, v26;
	[tilespmem:s2+$0x60] =	vst v45;
	v41 =	vld.idx.msk [tilespmem:v41+s19+$0x0], $0xffff;
	v56 =	vadd.f32 v53, v12  }
0x2b5: {  	v44 =	vld.idx.msk [tilespmem:v44+s19+$0x0], $0xffff;
	v60 =	vor.u32 v3, v25;
	[tilespmem:s25+$0x60] =	vst v54;
	v57 =	vadd.f32 v47, v10  }
0x2b6: {  	v31 =	vld.idx.msk [tilespmem:v31+s19+$0x0], $0xffff;
	[tilespmem:s11+$0x0] =	vst v56;
	v62 =	vor.u32 v3, v24;
	v61 =	vadd.f32 v52, v30  }
0x2b7: {  	v38 =	vld.idx.msk [tilespmem:v38+s19+$0x0], $0xffff;
	[tilespmem:s8+$0x60] =	vst v57;
	v33 =	vadd.f32 v55, v29  }
0x2b8: {  	v34 =	vld.idx.msk [tilespmem:v34+s19+$0x0], $0xffff;
	v39 =	vadd.f32 v39, v23;
	[tilespmem:s20+$0xFFFFFFE0] =	vst v61  }
0x2b9: {  	v63 =	vadd.f32 v41, v22;
	v45 =	vld.idx.msk [tilespmem:v58+s19+$0x0], $0xffff;
	[tilespmem:s26+$0x20] =	vst v33  }
0x2ba: {  	v59 =	vadd.f32 v50, v9;
	[tilespmem:s22+$0x20] =	vst v39;
	v49 =	vld.idx.msk [tilespmem:v60+s19+$0x0], $0xffff  }
0x2bb: {  	v50 =	vadd.f32 v44, v17;
	[tilespmem:s28+$0x20] =	vst v63;
	v51 =	vld.idx.msk [tilespmem:v62+s19+$0x0], $0xffff  }
0x2bc: {  	v54 =	vor.u32 v4, v26;
	[tilespmem:s3+$0x30] =	vst v59;
	v48 =	vadd.f32 v31, v16;
	v53 =	vld.idx.msk [tilespmem:v42+s19+$0x0], $0xffff  }
0x2bd: {  	v56 =	vor.u32 v4, v25;
	[tilespmem:s23+$0x30] =	vst v50;
	v59 =	vld.idx.msk [tilespmem:v40+s19+$0x0], $0xffff;
	v40 =	vadd.f32 v34, v10  }
0x2be: {  	v35 =	vld.idx.msk [tilespmem:v35+s19+$0x0], $0xffff;
	[tilespmem:s21+$0x30] =	vst v48;
	v58 =	vor.u32 v4, v24;
	v57 =	vadd.f32 v45, v30  }
0x2bf: {  	v37 =	vld.idx.msk [tilespmem:v37+s19+$0x0], $0xffff;
	[tilespmem:s8+$0x70] =	vst v40;
	v60 =	vor.u32 v4, v21;
	v31 =	vadd.f32 v49, v29  }
0x2c0: {  	v52 =	vadd.f32 v38, v18;
	v61 =	vadd.f32 v51, v23;
	[tilespmem:s20+$0xFFFFFFF0] =	vst v57  }
0x2c1: {  	v62 =	vor.u32 v5, v14;
	v18 =	vadd.f32 v53, v22;
	v38 =	vld.idx.msk [tilespmem:v54+s19+$0x0], $0xffff;
	[tilespmem:s26+$0x30] =	vst v31  }
0x2c2: {  	v42 =	vor.u32 v5, v13;
	[tilespmem:s22+$0x30] =	vst v61;
	v41 =	vld.idx.msk [tilespmem:v56+s19+$0x0], $0xffff  }
0x2c3: {  	v63 =	vor.u32 v5, v11;
	v43 =	vadd.f32 v35, v17;
	[tilespmem:s28+$0x30] =	vst v18;
	v44 =	vld.idx.msk [tilespmem:v58+s19+$0x0], $0xffff  }
0x2c4: {  	v47 =	vor.u32 v5, v26;
	[tilespmem:s25+$0x70] =	vst v52;
	v55 =	vadd.f32 v37, v15;
	v46 =	vld.idx.msk [tilespmem:v60+s19+$0x0], $0xffff  }
0x2c5: {  	v36 =	vld.idx.msk [tilespmem:v36+s19+$0x0], $0xffff;
	v48 =	vor.u32 v5, v25;
	[tilespmem:s23+$0x40] =	vst v43;
	v45 =	vadd.f32 v59, v9  }
0x2c6: {  	v50 =	vor.u32 v5, v24;
	[tilespmem:s2+$0x70] =	vst v55;
	v19 =	vld.idx.msk [tilespmem:v62+s19+$0x0], $0xffff;
	v49 =	vadd.f32 v38, v30  }
0x2c7: {  	v33 =	vld.idx.msk [tilespmem:v42+s19+$0x0], $0xffff;
	v51 =	vor.u32 v5, v21;
	[tilespmem:s3+$0x40] =	vst v45;
	v16 =	vadd.f32 v41, v29  }
0x2c8: {  	v20 =	vor.u32 v6, v20;
	v31 =	vld.idx.msk [tilespmem:v63+s19+$0x0], $0xffff;
	v18 =	vadd.f32 v44, v23;
	[tilespmem:s20+$0x0] =	vst v49  }
0x2c9: {  	v52 =	vor.u32 v6, v14;
	v10 =	vadd.f32 v46, v22;
	v15 =	vld.idx.msk [tilespmem:v47+s19+$0x0], $0xffff;
	[tilespmem:s26+$0x40] =	vst v16  }
0x2ca: {  	v53 =	vadd.f32 v36, v12;
	v56 =	vor.u32 v6, v13;
	[tilespmem:s22+$0x40] =	vst v18;
	v55 =	vld.idx.msk [tilespmem:v48+s19+$0x0], $0xffff  }
0x2cb: {  	v54 =	vor.u32 v6, v11;
	v19 =	vadd.f32 v19, v17;
	[tilespmem:s28+$0x40] =	vst v10;
	v37 =	vld.idx.msk [tilespmem:v50+s19+$0x0], $0xffff  }
0x2cc: {  	[tilespmem:s11+$0x10] =	vst v53;
	v59 =	vor.u32 v6, v26;
	v60 =	vadd.f32 v33, v8;
	v58 =	vld.idx.msk [tilespmem:v51+s19+$0x0], $0xffff  }
0x2cd: {  	v20 =	vld.idx.msk [tilespmem:v20+s19+$0x0], $0xffff;
	v61 =	vor.u32 v6, v25;
	[tilespmem:s23+$0x50] =	vst v19;
	v57 =	vadd.f32 v31, v9  }
0x2ce: {  	v63 =	vor.u32 v6, v24;
	[tilespmem:s7+$0x50] =	vst v60;
	v62 =	vld.idx.msk [tilespmem:v52+s19+$0x0], $0xffff;
	v15 =	vadd.f32 v15, v30  }
0x2cf: {  	v38 =	vor.u32 v6, v21;
	v34 =	vld.idx.msk [tilespmem:v56+s19+$0x0], $0xffff;
	[tilespmem:s3+$0x50] =	vst v57;
	v18 =	vadd.f32 v55, v29  }
0x2d0: {  	v36 =	vld.idx.msk [tilespmem:v54+s19+$0x0], $0xffff;
	v39 =	vadd.f32 v37, v23;
	[tilespmem:s20+$0x10] =	vst v15  }
0x2d1: {  	v40 =	vor.u32 v7, v14;
	v16 =	vadd.f32 v58, v22;
	v26 =	vld.idx.msk [tilespmem:v59+s19+$0x0], $0xffff;
	[tilespmem:s26+$0x50] =	vst v18  }
0x2d2: {  	v42 =	vadd.f32 v20, v12;
	v44 =	vor.u32 v7, v13;
	[tilespmem:s22+$0x50] =	vst v39;
	v43 =	vld.idx.msk [tilespmem:v61+s19+$0x0], $0xffff  }
0x2d3: {  	v41 =	vor.u32 v7, v11;
	v10 =	vadd.f32 v62, v17;
	[tilespmem:s28+$0x50] =	vst v16;
	v45 =	vld.idx.msk [tilespmem:v63+s19+$0x0], $0xffff  }
0x2d4: {  	[tilespmem:s11+$0x20] =	vst v42;
	v49 =	vadd.f32 v34, v8;
	v47 =	vld.idx.msk [tilespmem:v38+s19+$0x0], $0xffff  }
0x2d5: {  	v50 =	vor.u32 v7, v25;
	v48 =	vld.idx.msk [tilespmem:v27+s19+$0x0], $0xffff;
	[tilespmem:s23+$0x60] =	vst v10;
	v46 =	vadd.f32 v36, v9  }
0x2d6: {  	v51 =	vor.u32 v7, v24;
	v14 =	vld.idx.msk [tilespmem:v40+s19+$0x0], $0xffff;
	[tilespmem:s7+$0x60] =	vst v49;
	v52 =	vadd.f32 v26, v30  }
0x2d7: {  	v54 =	vor.u32 v7, v21;
	v13 =	vld.idx.msk [tilespmem:v44+s19+$0x0], $0xffff;
	[tilespmem:s3+$0x60] =	vst v46;
	v15 =	vadd.f32 v43, v29  }
0x2d8: {  	v53 =	vld.idx.msk [tilespmem:v41+s19+$0x0], $0xffff;
	v19 =	vadd.f32 v45, v23;
	[tilespmem:s20+$0x20] =	vst v52  }
0x2d9: {  	v56 =	vadd.f32 v47, v22;
	v55 =	vld.idx.msk [tilespmem:v28+s19+$0x0], $0xffff;
	[tilespmem:s26+$0x60] =	vst v15  }
0x2da: {  	v57 =	vadd.f32 v48, v12;
	[tilespmem:s22+$0x60] =	vst v19;
	v58 =	vld.idx.msk [tilespmem:v50+s19+$0x0], $0xffff  }
0x2db: {  	v14 =	vadd.f32 v14, v17;
	[tilespmem:s28+$0x60] =	vst v56;
	v59 =	vld.idx.msk [tilespmem:v51+s19+$0x0], $0xffff  }
0x2dc: {  	[tilespmem:s11+$0x30] =	vst v57;
	v8 =	vadd.f32 v13, v8;
	v61 =	vld.idx.msk [tilespmem:v54+s19+$0x0], $0xffff  }
0x2dd: {  	[tilespmem:s23+$0x70] =	vst v14;
	v60 =	vadd.f32 v53, v9  }
0x2de: {  	[tilespmem:s7+$0x70] =	vst v8;
	v62 =	vadd.f32 v55, v30  }
0x2df: {  	[tilespmem:s3+$0x70] =	vst v60;
	v8 =	vadd.f32 v58, v29  }
0x2e0: {  	s29 =	sshll.u32 s6, $0x11;
	v63 =	vadd.f32 v59, v23;
	[tilespmem:s20+$0x30] =	vst v62  }
0x2e1: {  	s0 =	sor.u32 s4, s29;
	[tilespmem:s26+$0x70] =	vst v8;
	v8 =	vadd.f32 v61, v22  }
0x2e2: {  	s30 =	simm.s32 $0xED00;
	p0 =	seq.s32 s16, $0x31;
	s0 =	sshrl.u32 s0, $0x3;
	[tilespmem:s22+$0x70] =	vst v63  }
.Ltmp6:
0x2e3: {  	s31 =	simm.s32 $0x5;
	s0 =	sadd.s32 s1, s0;
	[tilespmem:s28+$0x70] =	vst v8;
	(pc) =	sbr.rel @p0 .LBB2_12-.Ltmp6, $4  }
0x2e4: {  	[hbm4b:s0+s9] =	stream.strided.scatter [tilespmem:s30], [sflag:$0x8], $0x1000, s10, s9, $0x38;
	[tilespmem:$0xFD00] =	vst v63  }
0x2e5: {  	_ =	swait.ge [sflag:s31], $0x1000  }
0x2e6: {  	[sflag:s31] =	ssyncset.done $0x0  }
0x2e7: {  	[sflag:s31] =	ssyncadd.s32 $0xFFFFF000  }
0x2e8: {  	s0 =	sshll.u32 s18, $0x7  }
0x2e9: {  	s2 =	sadd.s32 $0x200, s0  }
0x2ea: {  	s3 =	simm.s32 $0x6;
	s2 =	sand.u32 $0xFE00, s2  }
0x2eb: {  	[tilespmem:s14], [sflag:$0x1] =	stream.indirect.gather [hbm4b:s5+s13], $0x20, s2, s13, $0xb8;
	[tilespmem:$0xFD00] =	vst v63  }
0x2ec: {  	_ =	swait.ge [sflag:s3], $0x1000  }
0x2ed: {  	s28 =	sadd.s32 $0x280, s0;
	[sflag:s3] =	ssyncset.done $0x0  }
0x2ee: {  	s29 =	simm.s32 $0x7;
	s2 =	sand.u32 $0xFE80, s28;
	[sflag:s3] =	ssyncadd.s32 $0xFFFFF000  }
0x2ef: {  	[tilespmem:s15], [sflag:$0x2] =	stream.indirect.gather [hbm4b:s5+s13], $0x20, s2, s13, $0xb8;
	[tilespmem:$0xFD00] =	vst v63  }
0x2f0: {  	_ =	swait.ge [sflag:s29], $0x1000  }
0x2f1: {  	s30 =	sadd.s32 $0x300, s0;
	[sflag:s29] =	ssyncset.done $0x0  }
0x2f2: {  	s2 =	sand.u32 $0xFF00, s30;
	[sflag:s29] =	ssyncadd.s32 $0xFFFFF000  }
0x2f3: {  	[tilespmem:s17], [sflag:$0x3] =	stream.indirect.gather [hbm4b:s5+s13], $0x20, s2, s13, $0xb8;
	[tilespmem:$0xFD00] =	vst v63  }
.Ltmp7:
0x2f4: {  	s31 =	simm.s32 $0x8;
	(pc) =	sbr.rel .LBB2_2-.Ltmp7, $4  }
0x2f5: {  	_ =	swait.ge [sflag:s31], $0x1000  }
0x2f6: {  	s0 =	sadd.s32 $0x380, s0;
	[sflag:s31] =	ssyncset.done $0x0  }
0x2f7: {  	s16 =	sadd.s32 $0x1, s16;
	s0 =	sand.u32 $0xFF80, s0;
	[sflag:s31] =	ssyncadd.s32 $0xFFFFF000  }
0x2f8: {  	[tilespmem:s19], [sflag:$0x4] =	stream.indirect.gather [hbm4b:s5+s13], $0x20, s0, s13, $0xb8;
	[tilespmem:$0xFD00] =	vst v63  }
.LBB2_13:
0x2f9: {  	_ =	sfence.sel $0x180000  }
0x2fa: {  	[bflag:$0x0] =	sbarrier.arrive $0xFFFF  }
0x2fb: {  	_ =	strace $0x90000047  }
0x2fc: {  	s0 =	stileid.u32;
	[bflag:$0x2] =	sbarrier.arrive $0xFFFF  }
0x2fd: {  	p0 =	sne.s32 s0, $0x0;
	s0 =	rddreg [dreg:$0x3]  }
0x2fe: {  	s0 =	sadd.s32 @!p0 $0x100000, s0  }
0x2ff: {  	[sflag:s0] =	ssyncadd.tile.s32 @!p0 $0x1;
	_ =	shalt  }
.Lfunc_end2:
_tile_overlayer_lowered:
.L_overlay_start_2:
0x300: {  	(tag) =	ssettag $0x2  }
0x301: {  	s0 =	rddreg [dreg:$0x0];
	s2 =	stileid.u32  }
0x302: {  	s1 =	rddreg [dreg:$0x1];
	p0 =	sne.s32 s2, $0x0  }
0x303: {  	s3 =	rddreg [dreg:$0x2];
	[bflag:$0x3] =	sbarrier.arrive $0xFFFF;
	s2 =	simm.s32 @!p0 $0x1C09  }
0x304: {  	[timem:s3], [sflag:s2] =	dma.local @!p0 [hbm:s0], s1  }
0x305: {  	s0 =	simm.s32 @!p0 $0x9  }
0x306: {  	_ =	swait.ge @!p0 [sflag:s0], s1  }
0x307: {  	s1 =	ssub.s32 @!p0 $0x0, s1;
	[sflag:s0] =	ssyncset.done @!p0 $0x0  }
0x308: {  	[sflag:s0] =	ssyncadd.s32 @!p0 s1  }
0x309: {  	[bflag:$0x3] =	sbarrier.arrive $0xFFFF  }
0x30a: {  	_ =	shalt  }

</sc_bundles>
